<compile_context>
chip_gen: v7x
topology: tpu7x:2x2x1
jax: 0.10.2.dev20260603
libtpu: 0.0.44.dev20260713+nightly
codegen_flags: <defaults>
</compile_context>

<pallas_src>
import functools

import jax
import jax.numpy as jnp
from jax import lax
from jax.experimental import pallas as pl
from jax.experimental.pallas import tpu as pltpu
from jax.experimental.pallas import tpu_sc as plsc

_EPSILON = 1e-15
_CUTOFF = 5.0
_N_RBF = 16

_A = 64
_N = 100000
_NPAD = 100096
_T = 12500
_TPAD = 12544
_CAP = 16384
_WIN = 2048
_NWIN = _NPAD // _WIN

_WIN = 5888
_NWIN = 17
_WSTEPS = _WIN // 16

_HBITS = 14
_HSHIFT = 32 - _HBITS
_HBINS = 1 << _HBITS

_SBINS = 2048
_CSTEPS = _CAP // 16

_SUPER = 1792
_NSUPER = _TPAD // _SUPER

_PAD_DIST = 3.0e5


def _k1_body(nuc_ref, g_ref, out_ref):
    inv = 1.0 / _CUTOFF
    gx = g_ref[0:1, :] * inv
    gy = g_ref[1:2, :] * inv
    gz = g_ref[2:3, :] * inv
    nx = nuc_ref[:, 0:1] * inv
    ny = nuc_ref[:, 1:2] * inv
    nz = nuc_ref[:, 2:3] * inv
    dx = nx - gx
    dy = ny - gy
    dz = nz - gz
    out_ref[...] = jnp.sqrt(dx * dx + dy * dy + dz * dz)


def _dist_matrix(nuc_pad, g_t):
    cn = 2944
    grid = (_NPAD // cn,)
    return pl.pallas_call(
        _k1_body,
        grid=grid,
        in_specs=[
            pl.BlockSpec((_A, 8), lambda i: (0, 0)),
            pl.BlockSpec((8, cn), lambda i: (0, i)),
        ],
        out_specs=pl.BlockSpec((_A, cn), lambda i: (0, i)),
        out_shape=jax.ShapeDtypeStruct((_A, _NPAD), jnp.float32),
    )(nuc_pad, g_t)


def _sc_body(dist_hbm, gxh, gyh, gzh, nh, wh, dout, gxout, gyout, gzout,
             nout, wout, win, hist, shist, keya, idxa, keyb, idxb,
             idxchunk, stg, gsem):
    cid = lax.axis_index("c")
    sid = lax.axis_index("s")
    wid = sid * 2 + cid
    iota = lax.iota(jnp.int32, 16)
    zvec = iota * 0

    c0, _ = plsc.scan_count(zvec)
    bias = c0 - iota

    def process_atom(r, _):
        a = wid + 32 * r

        def zh(i, _):
            hist[pl.ds(i * 16, 16)] = zvec
            return 0
        lax.fori_loop(0, _HBINS // 16, zh, 0, unroll=8)

        def pa_win(w, _):
            pltpu.sync_copy(dist_hbm.at[a, pl.ds(w * _WIN, _WIN)], win)

            def pa_step(s, _):
                v = win[pl.ds(s * 16, 16)]
                key = plsc.bitcast(v, jnp.uint32)
                b = plsc.bitcast(key >> jnp.uint32(_HSHIFT), jnp.int32)
                cnt, lastm = plsc.scan_count(b)
                plsc.addupdate_scatter(hist, [b], cnt - bias + 1, mask=lastm)
                return 0
            lax.fori_loop(0, _WSTEPS, pa_step, 0, unroll=8)
            return 0
        lax.fori_loop(0, _NWIN, pa_win, 0)

        def th_step(i, carry):
            run, bstar = carry
            s = hist[pl.ds(i * 16, 16)]
            c = plsc.cumsum(s)
            tot = lax.reduce_max(c, (0,))
            incl = run + c
            hit = incl >= _T
            hitcnt = jnp.sum(hit.astype(jnp.int32))
            newb = i * 16 + (16 - hitcnt)
            bstar = jnp.where(bstar >= 0,
                              bstar,
                              jnp.where(hitcnt > 0, newb, -1))
            return run + tot, bstar
        _, bstar = lax.fori_loop(0, _HBINS // 16, th_step,
                                 (jnp.int32(0), jnp.int32(-1)), unroll=4)
        key_end = (bstar + 1).astype(jnp.uint32) << jnp.uint32(_HSHIFT)

        def pc_win(w, ptr):
            pltpu.sync_copy(dist_hbm.at[a, pl.ds(w * _WIN, _WIN)], win)

            def pc_step(s, ptr):
                v = win[pl.ds(s * 16, 16)]
                key = plsc.bitcast(v, jnp.uint32)
                sel = key < key_end
                pos = plsc.cumsum(sel.astype(jnp.int32))
                offs = ptr + pos - 1
                guard = jnp.logical_and(sel, offs < _CAP)
                plsc.store_scatter(keya, [offs], plsc.bitcast(key, jnp.int32),
                                   mask=guard)
                gidx = w * _WIN + s * 16 + iota
                plsc.store_scatter(idxa, [offs], gidx, mask=guard)
                return ptr + lax.reduce_max(pos, (0,))
            return lax.fori_loop(0, _WSTEPS, pc_step, ptr, unroll=8)
        mtot = lax.fori_loop(0, _NWIN, pc_win, jnp.int32(0))
        m = jnp.minimum(mtot, _CAP)

        def radix_pass(shift, nbits, src_k, src_v, dst_k, dst_v):
            dmask = jnp.uint32((1 << nbits) - 1)

            def zs(i, _):
                shist[pl.ds(i * 16, 16)] = zvec
                return 0
            lax.fori_loop(0, _SBINS // 16, zs, 0, unroll=8)

            def hstep(s, _):
                valid = s * 16 + iota < m
                key = plsc.bitcast(src_k[pl.ds(s * 16, 16)], jnp.uint32)
                dig = plsc.bitcast(
                    jnp.bitwise_and(key >> jnp.uint32(shift), dmask),
                    jnp.int32)
                cnt, lastm = plsc.scan_count(dig, mask=valid)
                plsc.addupdate_scatter(shist, [dig], cnt - bias + 1,
                                       mask=lastm)
                return 0
            lax.fori_loop(0, _CSTEPS, hstep, 0, unroll=8)

            def estep(i, run):
                s = shist[pl.ds(i * 16, 16)]
                c = plsc.cumsum(s)
                shist[pl.ds(i * 16, 16)] = run + c - s
                return run + lax.reduce_max(c, (0,))
            lax.fori_loop(0, _SBINS // 16, estep, jnp.int32(0), unroll=4)

            def pstep(s, _):
                valid = s * 16 + iota < m
                kk = src_k[pl.ds(s * 16, 16)]
                vv = src_v[pl.ds(s * 16, 16)]
                key = plsc.bitcast(kk, jnp.uint32)
                dig = plsc.bitcast(
                    jnp.bitwise_and(key >> jnp.uint32(shift), dmask),
                    jnp.int32)
                cnt, lastm = plsc.scan_count(dig, mask=valid)
                c0b = cnt - bias
                base = plsc.load_gather(shist, [dig])
                offs = base + c0b
                plsc.store_scatter(dst_k, [offs], kk, mask=valid)
                plsc.store_scatter(dst_v, [offs], vv, mask=valid)
                plsc.addupdate_scatter(shist, [dig], c0b + 1, mask=lastm)
                return 0
            lax.fori_loop(0, _CSTEPS, pstep, 0, unroll=4)

        radix_pass(0, 11, keya, idxa, keyb, idxb)
        radix_pass(11, 11, keyb, idxb, keya, idxa)
        radix_pass(22, 10, keya, idxa, keyb, idxb)

        def san(i, _):
            off = 12496 + i * 16
            keep = off + iota < _T
            kk = keyb[pl.ds(off, 16)]
            vv = idxb[pl.ds(off, 16)]
            big = plsc.bitcast(
                plsc.bitcast(zvec, jnp.float32) + 1.0e30, jnp.int32)
            keyb[pl.ds(off, 16)] = jnp.where(keep, kk, big)
            idxb[pl.ds(off, 16)] = jnp.where(keep, vv, zvec)
            return 0
        lax.fori_loop(0, 3, san, 0)

        pltpu.sync_copy(keyb.at[pl.ds(0, _TPAD)], dout.at[a])

        srcs = (gxh, gyh, gzh, nh, wh)
        outs = (gxout, gyout, gzout, nout, wout)

        def superchunk(sc, _):
            def chunk(c2, _):
                cbase = sc * _SUPER + c2 * 128
                for s8 in range(8):
                    idxchunk[pl.ds(s8 * 16, 16)] = idxb[pl.ds(cbase + s8 * 16,
                                                              16)]
                copies = [
                    pltpu.async_copy(
                        srcs[f].at[idxchunk],
                        stg.at[pl.ds(f * _SUPER + c2 * 128, 128)], gsem)
                    for f in range(5)
                ]
                for c in copies:
                    c.wait()
                return 0
            lax.fori_loop(0, 14, chunk, 0)
            for f in range(5):
                pltpu.sync_copy(
                    stg.at[pl.ds(f * _SUPER, _SUPER)],
                    outs[f].at[a, pl.ds(sc * _SUPER, _SUPER)])
            return 0
        lax.fori_loop(0, _NSUPER, superchunk, 0)
        return 0

    lax.fori_loop(0, _A // 32, process_atom, 0)


def _sc_select(dist, gxa, gya, gza, n_pad, w_pad):
    mesh = plsc.VectorSubcoreMesh(core_axis_name="c", subcore_axis_name="s")
    out_t = [jax.ShapeDtypeStruct((_A, _TPAD), jnp.int32)] + [
        jax.ShapeDtypeStruct((_A, _TPAD), jnp.float32) for _ in range(5)
    ]
    scratch = [
        pltpu.VMEM((_WIN,), jnp.float32),
        pltpu.VMEM((_HBINS,), jnp.int32),
        pltpu.VMEM((_SBINS,), jnp.int32),
        pltpu.VMEM((_CAP,), jnp.int32),
        pltpu.VMEM((_CAP,), jnp.int32),
        pltpu.VMEM((_CAP,), jnp.int32),
        pltpu.VMEM((_CAP,), jnp.int32),
        pltpu.VMEM((128,), jnp.int32),
        pltpu.VMEM((5 * _SUPER,), jnp.float32),
        pltpu.SemaphoreType.DMA,
    ]
    fn = pl.kernel(_sc_body, out_type=out_t, mesh=mesh,
                   scratch_types=scratch,
                   compiler_params=pltpu.CompilerParams(
                       needs_layout_passes=False))
    return fn(dist, gxa, gya, gza, n_pad, w_pad)


def _k2a_body(d_ref, mask_ref, sig_ref, out_ref):
    sig = sig_ref[0, 0]
    d = d_ref[...]
    claim = jnp.exp(-0.5 * d * d / (sig * sig)) * mask_ref[...]
    out_ref[...] = jnp.sum(claim, axis=0, keepdims=True)


def _claim_sum(d_s, mask_f, sigma):
    return pl.pallas_call(
        _k2a_body,
        grid=(1,),
        in_specs=[
            pl.BlockSpec((_A, _TPAD), lambda i: (0, 0)),
            pl.BlockSpec((_A, 1), lambda i: (0, 0)),
            pl.BlockSpec(memory_space=pltpu.SMEM),
        ],
        out_specs=pl.BlockSpec((1, _TPAD), lambda i: (0, 0)),
        out_shape=jax.ShapeDtypeStruct((1, _TPAD), jnp.float32),
    )(d_s, mask_f, sigma)


def _k2b_body(d_ref, gx_ref, gy_ref, gz_ref, n_ref, w_ref, dsum_ref,
              nuc_ref, mask_ref, sig_ref, out_ref):
    inv = 1.0 / _CUTOFF
    sig = sig_ref[0, 0]
    amask = mask_ref[0, 0, 0]
    nuc = nuc_ref[0]
    nx = nuc[:, 0:1] * inv
    ny = nuc[:, 1:2] * inv
    nz = nuc[:, 2:3] * inv

    d = d_ref[0]
    col = lax.broadcasted_iota(jnp.int32, (1, _TPAD), 1)
    live = col < _T

    dx = nx - gx_ref[0] * inv
    dy = ny - gy_ref[0] * inv
    dz = nz - gz_ref[0] * inv

    claim = jnp.exp(-0.5 * d * d / (sig * sig)) * amask
    share = claim / (dsum_ref[...] + _EPSILON)

    x2 = d * d
    x4 = x2 * x2
    x6 = x4 * x2
    x7 = x6 * d
    x8 = x7 * d
    one_m = 1.0 - d
    u = 1.0 - 28.0 * x6 * one_m * one_m - 8.0 * x7 * one_m - x8
    env = jnp.where(d < 1.0, u, 0.0)

    nw = n_ref[0] * w_ref[0]
    wrow = jnp.sqrt(2.0) * env * share * nw
    wrow = jnp.where(live, wrow, 0.0)

    pid = jnp.pi * d
    s1 = jnp.sin(pid)
    c1 = jnp.cos(pid)
    two_c1 = 2.0 * c1
    sins = [s1]
    coss = [c1]
    for _ in range(_N_RBF - 1):
        sk = sins[-1]
        ck = coss[-1]
        if len(sins) == 1:
            sins.append(two_c1 * sk)
            coss.append(two_c1 * ck - 1.0)
        else:
            sins.append(two_c1 * sk - sins[-2])
            coss.append(two_c1 * ck - coss[-2])
    basis = [jnp.full((1, _TPAD), 0.1, jnp.float32)] + sins + coss
    rmat = jnp.concatenate([b * wrow for b in basis], axis=0)

    dist_eps = d + _EPSILON
    ux = dx / dist_eps
    uy = dy / dist_eps
    uz = dz / dist_eps
    nn = jnp.sqrt(ux * ux + uy * uy + uz * uz)
    nn = jnp.where(nn == 0.0, 1.0, nn)
    ux = ux / nn
    uy = uy / nn
    uz = uz / nn
    s3 = jnp.sqrt(3.0)
    sh = jnp.concatenate([
        jnp.ones((1, _TPAD), jnp.float32),
        uy, uz, ux,
        s3 * ux * uy,
        s3 * uy * uz,
        0.5 * (3.0 * uz * uz - 1.0),
        s3 * uz * ux,
        0.5 * s3 * (ux * ux - uy * uy),
    ], axis=0)

    acc = lax.dot_general(rmat, sh, (((1,), (1,)), ((), ())),
                          preferred_element_type=jnp.float32)
    out_ref[...] = acc[None]


def _encode(d_s, gxs, gys, gzs, ns, ws, dsum, nuc, mask_f, sigma):
    row3 = lambda i: (i, 0, 0)
    big = pl.BlockSpec((1, 1, _TPAD), row3)
    return pl.pallas_call(
        _k2b_body,
        grid=(_A,),
        in_specs=[
            big, big, big, big, big, big,
            pl.BlockSpec((1, _TPAD), lambda i: (0, 0)),
            pl.BlockSpec((1, 1, 8), row3),
            pl.BlockSpec((1, 1, 1), row3, memory_space=pltpu.SMEM),
            pl.BlockSpec(memory_space=pltpu.SMEM),
        ],
        out_specs=pl.BlockSpec((1, 33, 9), lambda i: (i, 0, 0)),
        out_shape=jax.ShapeDtypeStruct((_A, 33, 9), jnp.float32),
    )(d_s[:, None], gxs[:, None], gys[:, None], gzs[:, None],
      ns[:, None], ws[:, None], dsum, nuc[:, None], mask_f[:, None], sigma)


def kernel(nuc_pos, atom_mask, grid_coords, weights, n, sigma):
    npad = _NPAD - _N
    gpad = jnp.concatenate(
        [grid_coords,
         jnp.full((npad, 3), 1.0e6, jnp.float32)], axis=0)
    g_t = jnp.concatenate(
        [gpad.T, jnp.zeros((5, _NPAD), jnp.float32)], axis=0)
    nuc_pad = jnp.concatenate(
        [nuc_pos, jnp.zeros((_A, 5), jnp.float32)], axis=1)
    npad_zeros = jnp.zeros((npad,), jnp.float32)
    n_pad = jnp.concatenate([n, npad_zeros])
    w_pad = jnp.concatenate([weights, npad_zeros])
    gxa = gpad[:, 0]
    gya = gpad[:, 1]
    gza = gpad[:, 2]

    dist = _dist_matrix(nuc_pad, g_t)

    d_bits, gxs, gys, gzs, ns, ws = _sc_select(dist, gxa, gya, gza,
                                               n_pad, w_pad)
    d_s = lax.bitcast_convert_type(d_bits, jnp.float32)

    mask_f = atom_mask.astype(jnp.float32)[:, None]
    sig2d = jnp.reshape(sigma.astype(jnp.float32), (1, 1))
    dsum = _claim_sum(d_s, mask_f, sig2d)

    return _encode(d_s, gxs, gys, gzs, ns, ws, dsum, nuc_pad, mask_f, sig2d)

# --- scband reference (transcript-rebuilt; emitter-appended) ---
"""Pipeline reference for scband-encoder-6055903887925 (READ-ONLY COPY).

The authoritative reference and input builder live on the scoring server;
editing this copy changes nothing except your own understanding.
"""

import jax, jax.numpy as jnp
import numpy as np

EPSILON = 1e-15
CUTOFF = 5.0
N_RBF = 16
QUAD_SCALE = 8

def poly_envelope_5_2(x):
    # e3nn.poly_envelope(5, 2): f(0)=1 with 5 zero derivatives at 0, f(1)=0 with 2 zero derivatives at 1.
    # Closed form via regularized incomplete beta: f(x) = 1 - I_x(6,3)
    u = 1.0 - 28.0 * x**6 * (1.0 - x)**2 - 8.0 * x**7 * (1.0 - x) - x**8
    return jnp.where(x < 1.0, u, 0.0)

def sin_cos_basis(r, n_rbf):
    r = r[..., None]
    ks = jnp.arange(1, n_rbf + 1, dtype=r.dtype)
    return jnp.sqrt(2.0) * jnp.concatenate([jnp.ones_like(r) * 0.1, jnp.sin(ks * jnp.pi * r), jnp.cos(ks * jnp.pi * r)], axis=-1)

def radial_embedding_basis(r, n_rbf):
    return sin_cos_basis(r, n_rbf) * poly_envelope_5_2(r)[..., None]

def spherical_harmonics_0e1o2e(vec):
    # e3nn.spherical_harmonics('0e+1o+2e', normalize=True, normalization='norm')
    norm = jnp.linalg.norm(vec, axis=-1, keepdims=True)
    u = vec / jnp.where(norm == 0.0, 1.0, norm)
    x = u[..., 0]; y = u[..., 1]; z = u[..., 2]
    sh0 = jnp.ones_like(x)[..., None]
    sh1 = jnp.stack([y, z, x], axis=-1)
    s3 = jnp.sqrt(3.0)
    sh2 = jnp.stack([s3 * x * y, s3 * y * z, 0.5 * (3.0 * z**2 - 1.0), s3 * z * x, 0.5 * s3 * (x**2 - y**2)], axis=-1)
    return jnp.concatenate([sh0, sh1, sh2], axis=-1)

def setup_inputs(seed: int = 0):
    key = jax.random.key(seed)
    k1, k2, k3, k4 = jax.random.split(key, 4)
    A, N = 64, 100000
    nuc_pos = jax.random.normal(k1, (A, 3), dtype=jnp.float32)
    atom_mask = jnp.ones((A,), dtype=bool)
    grid_coords = jax.random.normal(k2, (N, 3), dtype=jnp.float32)
    weights = jax.random.uniform(k3, (N,), dtype=jnp.float32)
    n = jax.random.uniform(k4, (N,), dtype=jnp.float32)
    sigma = jnp.ones((), dtype=jnp.float32)  # learned param 'partitioning_smoothness', init ones
    return {"nuc_pos": nuc_pos, "atom_mask": atom_mask, "grid_coords": grid_coords, "weights": weights, "n": n, "sigma": sigma}

def reference(nuc_pos, atom_mask, grid_coords, weights, n, sigma):
    grid_coords = grid_coords / CUTOFF
    nuc_pos = nuc_pos / CUTOFF
    diff = nuc_pos[:, None] - grid_coords[None]
    dist = jnp.linalg.norm(diff, axis=-1)
    truncated_idx = jnp.argsort(dist, axis=1)
    A, N = dist.shape
    T = QUAD_SCALE * N // A
    truncated_idx = truncated_idx[:, :min(N, T)]
    diff = jnp.take_along_axis(diff, truncated_idx[:, :, None], axis=1)
    dist = jnp.take_along_axis(dist, truncated_idx, axis=1)
    n_t = n[truncated_idx]
    w_t = weights[truncated_idx]
    rbf = radial_embedding_basis(dist, N_RBF)
    # Gaussian nuclei partitioning
    claim = jnp.exp(-0.5 * dist**2 / sigma**2)
    claim = claim * atom_mask[:, None]
    share = claim / (claim.sum(0, keepdims=True) + EPSILON)
    rbf = rbf * share[..., None]
    directions = diff / (dist[..., None] + EPSILON)
    sh = spherical_harmonics_0e1o2e(directions)
    node_feats = jnp.einsum('atr,ath,at,at->arh', rbf, sh, n_t, w_t)
    return node_feats

if __name__ == "__main__":
    import jax
    _d = setup_inputs()
    print(jax.jit(kernel)(*tuple(_d.values())))

</pallas_src>

<mosaic_0001>
#map = affine_map<(d0, d1) -> (0, 0)>
#map1 = affine_map<(d0, d1) -> (0)>
module attributes {stable_mosaic.version = 14 : i64} {
  func.func @_sc_body(%arg0: i32, %arg1: i32, %arg2: memref<64x100096xf32, #tpu.memory_space<hbm>>, %arg3: memref<100096xf32, #tpu.memory_space<hbm>>, %arg4: memref<100096xf32, #tpu.memory_space<hbm>>, %arg5: memref<100096xf32, #tpu.memory_space<hbm>>, %arg6: memref<100096xf32, #tpu.memory_space<hbm>>, %arg7: memref<100096xf32, #tpu.memory_space<hbm>>, %arg8: memref<64x12544xi32, #tpu.memory_space<hbm>>, %arg9: memref<64x12544xf32, #tpu.memory_space<hbm>>, %arg10: memref<64x12544xf32, #tpu.memory_space<hbm>>, %arg11: memref<64x12544xf32, #tpu.memory_space<hbm>>, %arg12: memref<64x12544xf32, #tpu.memory_space<hbm>>, %arg13: memref<64x12544xf32, #tpu.memory_space<hbm>>, %arg14: memref<5888xf32, #tpu.memory_space<vmem>>, %arg15: memref<16384xi32, #tpu.memory_space<vmem>>, %arg16: memref<2048xi32, #tpu.memory_space<vmem>>, %arg17: memref<16384xi32, #tpu.memory_space<vmem>>, %arg18: memref<16384xi32, #tpu.memory_space<vmem>>, %arg19: memref<16384xi32, #tpu.memory_space<vmem>>, %arg20: memref<16384xi32, #tpu.memory_space<vmem>>, %arg21: memref<128xi32, #tpu.memory_space<vmem>>, %arg22: memref<8960xf32, #tpu.memory_space<vmem>>, %arg23: memref<!tpu.dma_semaphore, #tpu.memory_space<semaphore_mem>>) attributes {dimension_semantics = [#tpu.dimension_semantics<core_parallel>, #tpu.dimension_semantics<subcore_parallel>], iteration_bounds = array<i64: 2, 16>, scalar_prefetch = 0 : i64, scratch_operands = 10 : i64, tpu.core_type = #tpu.core_type<sc_vector_subcore>, window_params = [{transform_indices = #map}, {transform_indices = #map1}, {transform_indices = #map1}, {transform_indices = #map1}, {transform_indices = #map1}, {transform_indices = #map1}, {transform_indices = #map}, {transform_indices = #map}, {transform_indices = #map}, {transform_indices = #map}, {transform_indices = #map}, {transform_indices = #map}]} {
    %mul3A = arith.constant 2 : i32
    %mul3A_0 = arith.muli %arg1, %mul3A : i32
    %add3A = arith.addi %mul3A_0, %arg0 : i32
    %iota3A = tpu.iota {dimensions = array<i32: 0>} : vector<16xi32>
    %mul3A_1 = arith.constant 0 : i32
    %mul3A_2 = vector.broadcast %mul3A_1 : i32 to vector<16xi32>
    %mul3A_3 = arith.muli %iota3A, %mul3A_2 : vector<16xi32>
    %broadcast_in_dim3A = arith.constant true
    %broadcast_in_dim3A_4 = vector.broadcast %broadcast_in_dim3A : i1 to vector<16xi1>
    %unique3A, %unique3A_5 = tpu.scan_count mask(%broadcast_in_dim3A_4 : vector<16xi1>) value(%mul3A_3 : vector<16xi32>) : vector<16xi1>, vector<16xi32>
    %sub3A = arith.subi %unique3A_5, %iota3A : vector<16xi32>
    %scan3A = arith.constant 0 : i32
    %scan3A_6 = arith.constant 0 : i32
    %scan3A_7 = arith.constant 2 : i32
    %scan3A_8 = arith.addi %scan3A_6, %scan3A_7 : i32
    %scan3A_9 = arith.constant 1 : i32
    %scan3A_10 = scf.for %scan3A_12 = %scan3A_6 to %scan3A_8 step %scan3A_9 iter_args(%scan3A_13 = %scan3A) -> (i32)  : i32 {
      %mul3A_14 = arith.constant 32 : i32
      %mul3A_15 = arith.muli %mul3A_14, %scan3A_12 : i32
      %add3A_16 = arith.addi %add3A, %mul3A_15 : i32
      %scan3A_17 = arith.constant 0 : i32
      %scan3A_18 = arith.constant 0 : i32
      %scan3A_19 = arith.constant 1024 : i32
      %scan3A_20 = arith.addi %scan3A_18, %scan3A_19 : i32
      %scan3A_21 = arith.constant 8 : i32
      %scan3A_22 = scf.for %scan3A_155 = %scan3A_18 to %scan3A_20 step %scan3A_21 iter_args(%scan3A_156 = %scan3A_17) -> (i32)  : i32 {
        %mul3A_157 = arith.constant 16 : i32
        %mul3A_158 = arith.muli %scan3A_155, %mul3A_157 : i32
        %swap3A = arith.index_cast %mul3A_158 : i32 to index
        %swap3A_159 = tpu.vector_load %arg15[%swap3A] {strides = array<i32>} : memref<16384xi32, #tpu.memory_space<vmem>>, vector<16xi32>,
        tpu.vector_store %arg15[%swap3A], %mul3A_3 {strides = array<i32>} : memref<16384xi32, #tpu.memory_space<vmem>>, vector<16xi32>,
        %scan3A_160 = arith.constant 0 : i32
        %scan3A_161 = arith.constant 1 : i32
        %scan3A_162 = arith.addi %scan3A_155, %scan3A_161 : i32
        %mul3A_163 = arith.constant 16 : i32
        %mul3A_164 = arith.muli %scan3A_162, %mul3A_163 : i32
        %swap3A_165 = arith.index_cast %mul3A_164 : i32 to index
        %swap3A_166 = tpu.vector_load %arg15[%swap3A_165] {strides = array<i32>} : memref<16384xi32, #tpu.memory_space<vmem>>, vector<16xi32>,
        tpu.vector_store %arg15[%swap3A_165], %mul3A_3 {strides = array<i32>} : memref<16384xi32, #tpu.memory_space<vmem>>, vector<16xi32>,
        %scan3A_167 = arith.constant 0 : i32
        %scan3A_168 = arith.constant 2 : i32
        %scan3A_169 = arith.addi %scan3A_155, %scan3A_168 : i32
        %mul3A_170 = arith.constant 16 : i32
        %mul3A_171 = arith.muli %scan3A_169, %mul3A_170 : i32
        %swap3A_172 = arith.index_cast %mul3A_171 : i32 to index
        %swap3A_173 = tpu.vector_load %arg15[%swap3A_172] {strides = array<i32>} : memref<16384xi32, #tpu.memory_space<vmem>>, vector<16xi32>,
        tpu.vector_store %arg15[%swap3A_172], %mul3A_3 {strides = array<i32>} : memref<16384xi32, #tpu.memory_space<vmem>>, vector<16xi32>,
        %scan3A_174 = arith.constant 0 : i32
        %scan3A_175 = arith.constant 3 : i32
        %scan3A_176 = arith.addi %scan3A_155, %scan3A_175 : i32
        %mul3A_177 = arith.constant 16 : i32
        %mul3A_178 = arith.muli %scan3A_176, %mul3A_177 : i32
        %swap3A_179 = arith.index_cast %mul3A_178 : i32 to index
        %swap3A_180 = tpu.vector_load %arg15[%swap3A_179] {strides = array<i32>} : memref<16384xi32, #tpu.memory_space<vmem>>, vector<16xi32>,
        tpu.vector_store %arg15[%swap3A_179], %mul3A_3 {strides = array<i32>} : memref<16384xi32, #tpu.memory_space<vmem>>, vector<16xi32>,
        %scan3A_181 = arith.constant 0 : i32
        %scan3A_182 = arith.constant 4 : i32
        %scan3A_183 = arith.addi %scan3A_155, %scan3A_182 : i32
        %mul3A_184 = arith.constant 16 : i32
        %mul3A_185 = arith.muli %scan3A_183, %mul3A_184 : i32
        %swap3A_186 = arith.index_cast %mul3A_185 : i32 to index
        %swap3A_187 = tpu.vector_load %arg15[%swap3A_186] {strides = array<i32>} : memref<16384xi32, #tpu.memory_space<vmem>>, vector<16xi32>,
        tpu.vector_store %arg15[%swap3A_186], %mul3A_3 {strides = array<i32>} : memref<16384xi32, #tpu.memory_space<vmem>>, vector<16xi32>,
        %scan3A_188 = arith.constant 0 : i32
        %scan3A_189 = arith.constant 5 : i32
        %scan3A_190 = arith.addi %scan3A_155, %scan3A_189 : i32
        %mul3A_191 = arith.constant 16 : i32
        %mul3A_192 = arith.muli %scan3A_190, %mul3A_191 : i32
        %swap3A_193 = arith.index_cast %mul3A_192 : i32 to index
        %swap3A_194 = tpu.vector_load %arg15[%swap3A_193] {strides = array<i32>} : memref<16384xi32, #tpu.memory_space<vmem>>, vector<16xi32>,
        tpu.vector_store %arg15[%swap3A_193], %mul3A_3 {strides = array<i32>} : memref<16384xi32, #tpu.memory_space<vmem>>, vector<16xi32>,
        %scan3A_195 = arith.constant 0 : i32
        %scan3A_196 = arith.constant 6 : i32
        %scan3A_197 = arith.addi %scan3A_155, %scan3A_196 : i32
        %mul3A_198 = arith.constant 16 : i32
        %mul3A_199 = arith.muli %scan3A_197, %mul3A_198 : i32
        %swap3A_200 = arith.index_cast %mul3A_199 : i32 to index
        %swap3A_201 = tpu.vector_load %arg15[%swap3A_200] {strides = array<i32>} : memref<16384xi32, #tpu.memory_space<vmem>>, vector<16xi32>,
        tpu.vector_store %arg15[%swap3A_200], %mul3A_3 {strides = array<i32>} : memref<16384xi32, #tpu.memory_space<vmem>>, vector<16xi32>,
        %scan3A_202 = arith.constant 0 : i32
        %scan3A_203 = arith.constant 7 : i32
        %scan3A_204 = arith.addi %scan3A_155, %scan3A_203 : i32
        %mul3A_205 = arith.constant 16 : i32
        %mul3A_206 = arith.muli %scan3A_204, %mul3A_205 : i32
        %swap3A_207 = arith.index_cast %mul3A_206 : i32 to index
        %swap3A_208 = tpu.vector_load %arg15[%swap3A_207] {strides = array<i32>} : memref<16384xi32, #tpu.memory_space<vmem>>, vector<16xi32>,
        tpu.vector_store %arg15[%swap3A_207], %mul3A_3 {strides = array<i32>} : memref<16384xi32, #tpu.memory_space<vmem>>, vector<16xi32>,
        %scan3A_209 = arith.constant 0 : i32
        scf.yield %scan3A_209 : i32
      }
      %scan3A_23 = arith.constant 1024 : i32
      %scan3A_24 = arith.constant 0 : i32
      %scan3A_25 = arith.constant 0 : i32
      %scan3A_26 = arith.constant 17 : i32
      %scan3A_27 = arith.addi %scan3A_25, %scan3A_26 : i32
      %scan3A_28 = arith.constant 1 : i32
      %scan3A_29 = scf.for %scan3A_155 = %scan3A_25 to %scan3A_27 step %scan3A_28 iter_args(%scan3A_156 = %scan3A_24) -> (i32)  : i32 {
        %mul3A_157 = arith.constant 5888 : i32
        %mul3A_158 = arith.muli %scan3A_155, %mul3A_157 : i32
        "tpu.region"() ({
          %run_scoped3A = tpu.sem_alloc : memref<!tpu.dma_semaphore, #tpu.memory_space<semaphore_mem>>
          %dma_start3A = tpu.memref_slice %arg2[%add3A_16, %mul3A_158] : memref<64x100096xf32, #tpu.memory_space<hbm>> -> memref<1x5888xf32, #tpu.memory_space<hbm>>
          %dma_start3A_167 = tpu.memref_squeeze %dma_start3A : memref<1x5888xf32, #tpu.memory_space<hbm>> -> memref<5888xf32, #tpu.memory_space<hbm>>
          %dma_start3A_168 = tpu.memref_slice %arg2[%add3A_16, %mul3A_158] : memref<64x100096xf32, #tpu.memory_space<hbm>> -> memref<1x5888xf32, #tpu.memory_space<hbm>>
          %dma_start3A_169 = tpu.memref_squeeze %dma_start3A_168 : memref<1x5888xf32, #tpu.memory_space<hbm>> -> memref<5888xf32, #tpu.memory_space<hbm>>
          tpu.enqueue_dma source(%dma_start3A_169 : memref<5888xf32, #tpu.memory_space<hbm>>) target(%arg14 : memref<5888xf32, #tpu.memory_space<vmem>>) target_semaphore(%run_scoped3A : memref<!tpu.dma_semaphore, #tpu.memory_space<semaphore_mem>>)
          %dma_wait3A = tpu.memref_slice %arg2[%add3A_16, %mul3A_158] : memref<64x100096xf32, #tpu.memory_space<hbm>> -> memref<1x5888xf32, #tpu.memory_space<hbm>>
          %dma_wait3A_170 = tpu.memref_squeeze %dma_wait3A : memref<1x5888xf32, #tpu.memory_space<hbm>> -> memref<5888xf32, #tpu.memory_space<hbm>>
          %dma_wait3A_171 = tpu.memref_slice %arg2[%add3A_16, %mul3A_158] : memref<64x100096xf32, #tpu.memory_space<hbm>> -> memref<1x5888xf32, #tpu.memory_space<hbm>>
          %dma_wait3A_172 = tpu.memref_squeeze %dma_wait3A_171 : memref<1x5888xf32, #tpu.memory_space<hbm>> -> memref<5888xf32, #tpu.memory_space<hbm>>
          tpu.wait_dma2 semaphore(%run_scoped3A : memref<!tpu.dma_semaphore, #tpu.memory_space<semaphore_mem>>) src(%dma_wait3A_172 : memref<5888xf32, #tpu.memory_space<hbm>>) dst(%arg14 : memref<5888xf32, #tpu.memory_space<vmem>>)
          tpu.yield
        }) : () -> ()
        %scan3A_159 = arith.constant 0 : i32
        %scan3A_160 = arith.constant 0 : i32
        %scan3A_161 = arith.constant 368 : i32
        %scan3A_162 = arith.addi %scan3A_160, %scan3A_161 : i32
        %scan3A_163 = arith.constant 8 : i32
        %scan3A_164 = scf.for %scan3A_167 = %scan3A_160 to %scan3A_162 step %scan3A_163 iter_args(%scan3A_168 = %scan3A_159) -> (i32)  : i32 {
          %mul3A_169 = arith.constant 16 : i32
          %mul3A_170 = arith.muli %scan3A_167, %mul3A_169 : i32
          %get3A = arith.index_cast %mul3A_170 : i32 to index
          %get3A_171 = tpu.vector_load %arg14[%get3A] {strides = array<i32>} : memref<5888xf32, #tpu.memory_space<vmem>>, vector<16xf32>,
          %bitcast3A = vector.bitcast %get3A_171 : vector<16xf32> to vector<16xi32>
          %shift_right_logical3A = arith.constant 18 : i32
          %shift_right_logical3A_172 = vector.broadcast %shift_right_logical3A : i32 to vector<16xi32>
          %shift_right_logical3A_173 = arith.shrui %bitcast3A, %shift_right_logical3A_172 : vector<16xi32>
          %bitcast3A_174 = vector.bitcast %shift_right_logical3A_173 : vector<16xi32> to vector<16xi32>
          %broadcast_in_dim3A_175 = arith.constant true
          %broadcast_in_dim3A_176 = vector.broadcast %broadcast_in_dim3A_175 : i1 to vector<16xi1>
          %unique3A_177, %unique3A_178 = tpu.scan_count mask(%broadcast_in_dim3A_176 : vector<16xi1>) value(%bitcast3A_174 : vector<16xi32>) : vector<16xi1>, vector<16xi32>
          %sub3A_179 = arith.subi %unique3A_178, %sub3A : vector<16xi32>
          %add3A_180 = arith.constant 1 : i32
          %add3A_181 = vector.broadcast %add3A_180 : i32 to vector<16xi32>
          %add3A_182 = arith.addi %sub3A_179, %add3A_181 : vector<16xi32>
          tpu.vector_store_idx %arg15[%bitcast3A_174], %add3A_182 masked %unique3A_177 {add = true} : memref<16384xi32, #tpu.memory_space<vmem>>[vector<16xi32>], vector<16xi32>, vector<16xi1>
          %scan3A_183 = arith.constant 0 : i32
          %scan3A_184 = arith.constant 1 : i32
          %scan3A_185 = arith.addi %scan3A_167, %scan3A_184 : i32
          %mul3A_186 = arith.constant 16 : i32
          %mul3A_187 = arith.muli %scan3A_185, %mul3A_186 : i32
          %get3A_188 = arith.index_cast %mul3A_187 : i32 to index
          %get3A_189 = tpu.vector_load %arg14[%get3A_188] {strides = array<i32>} : memref<5888xf32, #tpu.memory_space<vmem>>, vector<16xf32>,
          %bitcast3A_190 = vector.bitcast %get3A_189 : vector<16xf32> to vector<16xi32>
          %shift_right_logical3A_191 = arith.constant 18 : i32
          %shift_right_logical3A_192 = vector.broadcast %shift_right_logical3A_191 : i32 to vector<16xi32>
          %shift_right_logical3A_193 = arith.shrui %bitcast3A_190, %shift_right_logical3A_192 : vector<16xi32>
          %bitcast3A_194 = vector.bitcast %shift_right_logical3A_193 : vector<16xi32> to vector<16xi32>
          %broadcast_in_dim3A_195 = arith.constant true
          %broadcast_in_dim3A_196 = vector.broadcast %broadcast_in_dim3A_195 : i1 to vector<16xi1>
          %unique3A_197, %unique3A_198 = tpu.scan_count mask(%broadcast_in_dim3A_196 : vector<16xi1>) value(%bitcast3A_194 : vector<16xi32>) : vector<16xi1>, vector<16xi32>
          %sub3A_199 = arith.subi %unique3A_198, %sub3A : vector<16xi32>
          %add3A_200 = arith.constant 1 : i32
          %add3A_201 = vector.broadcast %add3A_200 : i32 to vector<16xi32>
          %add3A_202 = arith.addi %sub3A_199, %add3A_201 : vector<16xi32>
          tpu.vector_store_idx %arg15[%bitcast3A_194], %add3A_202 masked %unique3A_197 {add = true} : memref<16384xi32, #tpu.memory_space<vmem>>[vector<16xi32>], vector<16xi32>, vector<16xi1>
          %scan3A_203 = arith.constant 0 : i32
          %scan3A_204 = arith.constant 2 : i32
          %scan3A_205 = arith.addi %scan3A_167, %scan3A_204 : i32
          %mul3A_206 = arith.constant 16 : i32
          %mul3A_207 = arith.muli %scan3A_205, %mul3A_206 : i32
          %get3A_208 = arith.index_cast %mul3A_207 : i32 to index
          %get3A_209 = tpu.vector_load %arg14[%get3A_208] {strides = array<i32>} : memref<5888xf32, #tpu.memory_space<vmem>>, vector<16xf32>,
          %bitcast3A_210 = vector.bitcast %get3A_209 : vector<16xf32> to vector<16xi32>
          %shift_right_logical3A_211 = arith.constant 18 : i32
          %shift_right_logical3A_212 = vector.broadcast %shift_right_logical3A_211 : i32 to vector<16xi32>
          %shift_right_logical3A_213 = arith.shrui %bitcast3A_210, %shift_right_logical3A_212 : vector<16xi32>
          %bitcast3A_214 = vector.bitcast %shift_right_logical3A_213 : vector<16xi32> to vector<16xi32>
          %broadcast_in_dim3A_215 = arith.constant true
          %broadcast_in_dim3A_216 = vector.broadcast %broadcast_in_dim3A_215 : i1 to vector<16xi1>
          %unique3A_217, %unique3A_218 = tpu.scan_count mask(%broadcast_in_dim3A_216 : vector<16xi1>) value(%bitcast3A_214 : vector<16xi32>) : vector<16xi1>, vector<16xi32>
          %sub3A_219 = arith.subi %unique3A_218, %sub3A : vector<16xi32>
          %add3A_220 = arith.constant 1 : i32
          %add3A_221 = vector.broadcast %add3A_220 : i32 to vector<16xi32>
          %add3A_222 = arith.addi %sub3A_219, %add3A_221 : vector<16xi32>
          tpu.vector_store_idx %arg15[%bitcast3A_214], %add3A_222 masked %unique3A_217 {add = true} : memref<16384xi32, #tpu.memory_space<vmem>>[vector<16xi32>], vector<16xi32>, vector<16xi1>
          %scan3A_223 = arith.constant 0 : i32
          %scan3A_224 = arith.constant 3 : i32
          %scan3A_225 = arith.addi %scan3A_167, %scan3A_224 : i32
          %mul3A_226 = arith.constant 16 : i32
          %mul3A_227 = arith.muli %scan3A_225, %mul3A_226 : i32
          %get3A_228 = arith.index_cast %mul3A_227 : i32 to index
          %get3A_229 = tpu.vector_load %arg14[%get3A_228] {strides = array<i32>} : memref<5888xf32, #tpu.memory_space<vmem>>, vector<16xf32>,
          %bitcast3A_230 = vector.bitcast %get3A_229 : vector<16xf32> to vector<16xi32>
          %shift_right_logical3A_231 = arith.constant 18 : i32
          %shift_right_logical3A_232 = vector.broadcast %shift_right_logical3A_231 : i32 to vector<16xi32>
          %shift_right_logical3A_233 = arith.shrui %bitcast3A_230, %shift_right_logical3A_232 : vector<16xi32>
          %bitcast3A_234 = vector.bitcast %shift_right_logical3A_233 : vector<16xi32> to vector<16xi32>
          %broadcast_in_dim3A_235 = arith.constant true
          %broadcast_in_dim3A_236 = vector.broadcast %broadcast_in_dim3A_235 : i1 to vector<16xi1>
          %unique3A_237, %unique3A_238 = tpu.scan_count mask(%broadcast_in_dim3A_236 : vector<16xi1>) value(%bitcast3A_234 : vector<16xi32>) : vector<16xi1>, vector<16xi32>
          %sub3A_239 = arith.subi %unique3A_238, %sub3A : vector<16xi32>
          %add3A_240 = arith.constant 1 : i32
          %add3A_241 = vector.broadcast %add3A_240 : i32 to vector<16xi32>
          %add3A_242 = arith.addi %sub3A_239, %add3A_241 : vector<16xi32>
          tpu.vector_store_idx %arg15[%bitcast3A_234], %add3A_242 masked %unique3A_237 {add = true} : memref<16384xi32, #tpu.memory_space<vmem>>[vector<16xi32>], vector<16xi32>, vector<16xi1>
          %scan3A_243 = arith.constant 0 : i32
          %scan3A_244 = arith.constant 4 : i32
          %scan3A_245 = arith.addi %scan3A_167, %scan3A_244 : i32
          %mul3A_246 = arith.constant 16 : i32
          %mul3A_247 = arith.muli %scan3A_245, %mul3A_246 : i32
          %get3A_248 = arith.index_cast %mul3A_247 : i32 to index
          %get3A_249 = tpu.vector_load %arg14[%get3A_248] {strides = array<i32>} : memref<5888xf32, #tpu.memory_space<vmem>>, vector<16xf32>,
          %bitcast3A_250 = vector.bitcast %get3A_249 : vector<16xf32> to vector<16xi32>
          %shift_right_logical3A_251 = arith.constant 18 : i32
          %shift_right_logical3A_252 = vector.broadcast %shift_right_logical3A_251 : i32 to vector<16xi32>
          %shift_right_logical3A_253 = arith.shrui %bitcast3A_250, %shift_right_logical3A_252 : vector<16xi32>
          %bitcast3A_254 = vector.bitcast %shift_right_logical3A_253 : vector<16xi32> to vector<16xi32>
          %broadcast_in_dim3A_255 = arith.constant true
          %broadcast_in_dim3A_256 = vector.broadcast %broadcast_in_dim3A_255 : i1 to vector<16xi1>
          %unique3A_257, %unique3A_258 = tpu.scan_count mask(%broadcast_in_dim3A_256 : vector<16xi1>) value(%bitcast3A_254 : vector<16xi32>) : vector<16xi1>, vector<16xi32>
          %sub3A_259 = arith.subi %unique3A_258, %sub3A : vector<16xi32>
          %add3A_260 = arith.constant 1 : i32
          %add3A_261 = vector.broadcast %add3A_260 : i32 to vector<16xi32>
          %add3A_262 = arith.addi %sub3A_259, %add3A_261 : vector<16xi32>
          tpu.vector_store_idx %arg15[%bitcast3A_254], %add3A_262 masked %unique3A_257 {add = true} : memref<16384xi32, #tpu.memory_space<vmem>>[vector<16xi32>], vector<16xi32>, vector<16xi1>
          %scan3A_263 = arith.constant 0 : i32
          %scan3A_264 = arith.constant 5 : i32
          %scan3A_265 = arith.addi %scan3A_167, %scan3A_264 : i32
          %mul3A_266 = arith.constant 16 : i32
          %mul3A_267 = arith.muli %scan3A_265, %mul3A_266 : i32
          %get3A_268 = arith.index_cast %mul3A_267 : i32 to index
          %get3A_269 = tpu.vector_load %arg14[%get3A_268] {strides = array<i32>} : memref<5888xf32, #tpu.memory_space<vmem>>, vector<16xf32>,
          %bitcast3A_270 = vector.bitcast %get3A_269 : vector<16xf32> to vector<16xi32>
          %shift_right_logical3A_271 = arith.constant 18 : i32
          %shift_right_logical3A_272 = vector.broadcast %shift_right_logical3A_271 : i32 to vector<16xi32>
          %shift_right_logical3A_273 = arith.shrui %bitcast3A_270, %shift_right_logical3A_272 : vector<16xi32>
          %bitcast3A_274 = vector.bitcast %shift_right_logical3A_273 : vector<16xi32> to vector<16xi32>
          %broadcast_in_dim3A_275 = arith.constant true
          %broadcast_in_dim3A_276 = vector.broadcast %broadcast_in_dim3A_275 : i1 to vector<16xi1>
          %unique3A_277, %unique3A_278 = tpu.scan_count mask(%broadcast_in_dim3A_276 : vector<16xi1>) value(%bitcast3A_274 : vector<16xi32>) : vector<16xi1>, vector<16xi32>
          %sub3A_279 = arith.subi %unique3A_278, %sub3A : vector<16xi32>
          %add3A_280 = arith.constant 1 : i32
          %add3A_281 = vector.broadcast %add3A_280 : i32 to vector<16xi32>
          %add3A_282 = arith.addi %sub3A_279, %add3A_281 : vector<16xi32>
          tpu.vector_store_idx %arg15[%bitcast3A_274], %add3A_282 masked %unique3A_277 {add = true} : memref<16384xi32, #tpu.memory_space<vmem>>[vector<16xi32>], vector<16xi32>, vector<16xi1>
          %scan3A_283 = arith.constant 0 : i32
          %scan3A_284 = arith.constant 6 : i32
          %scan3A_285 = arith.addi %scan3A_167, %scan3A_284 : i32
          %mul3A_286 = arith.constant 16 : i32
          %mul3A_287 = arith.muli %scan3A_285, %mul3A_286 : i32
          %get3A_288 = arith.index_cast %mul3A_287 : i32 to index
          %get3A_289 = tpu.vector_load %arg14[%get3A_288] {strides = array<i32>} : memref<5888xf32, #tpu.memory_space<vmem>>, vector<16xf32>,
          %bitcast3A_290 = vector.bitcast %get3A_289 : vector<16xf32> to vector<16xi32>
          %shift_right_logical3A_291 = arith.constant 18 : i32
          %shift_right_logical3A_292 = vector.broadcast %shift_right_logical3A_291 : i32 to vector<16xi32>
          %shift_right_logical3A_293 = arith.shrui %bitcast3A_290, %shift_right_logical3A_292 : vector<16xi32>
          %bitcast3A_294 = vector.bitcast %shift_right_logical3A_293 : vector<16xi32> to vector<16xi32>
          %broadcast_in_dim3A_295 = arith.constant true
          %broadcast_in_dim3A_296 = vector.broadcast %broadcast_in_dim3A_295 : i1 to vector<16xi1>
          %unique3A_297, %unique3A_298 = tpu.scan_count mask(%broadcast_in_dim3A_296 : vector<16xi1>) value(%bitcast3A_294 : vector<16xi32>) : vector<16xi1>, vector<16xi32>
          %sub3A_299 = arith.subi %unique3A_298, %sub3A : vector<16xi32>
          %add3A_300 = arith.constant 1 : i32
          %add3A_301 = vector.broadcast %add3A_300 : i32 to vector<16xi32>
          %add3A_302 = arith.addi %sub3A_299, %add3A_301 : vector<16xi32>
          tpu.vector_store_idx %arg15[%bitcast3A_294], %add3A_302 masked %unique3A_297 {add = true} : memref<16384xi32, #tpu.memory_space<vmem>>[vector<16xi32>], vector<16xi32>, vector<16xi1>
          %scan3A_303 = arith.constant 0 : i32
          %scan3A_304 = arith.constant 7 : i32
          %scan3A_305 = arith.addi %scan3A_167, %scan3A_304 : i32
          %mul3A_306 = arith.constant 16 : i32
          %mul3A_307 = arith.muli %scan3A_305, %mul3A_306 : i32
          %get3A_308 = arith.index_cast %mul3A_307 : i32 to index
          %get3A_309 = tpu.vector_load %arg14[%get3A_308] {strides = array<i32>} : memref<5888xf32, #tpu.memory_space<vmem>>, vector<16xf32>,
          %bitcast3A_310 = vector.bitcast %get3A_309 : vector<16xf32> to vector<16xi32>
          %shift_right_logical3A_311 = arith.constant 18 : i32
          %shift_right_logical3A_312 = vector.broadcast %shift_right_logical3A_311 : i32 to vector<16xi32>
          %shift_right_logical3A_313 = arith.shrui %bitcast3A_310, %shift_right_logical3A_312 : vector<16xi32>
          %bitcast3A_314 = vector.bitcast %shift_right_logical3A_313 : vector<16xi32> to vector<16xi32>
          %broadcast_in_dim3A_315 = arith.constant true
          %broadcast_in_dim3A_316 = vector.broadcast %broadcast_in_dim3A_315 : i1 to vector<16xi1>
          %unique3A_317, %unique3A_318 = tpu.scan_count mask(%broadcast_in_dim3A_316 : vector<16xi1>) value(%bitcast3A_314 : vector<16xi32>) : vector<16xi1>, vector<16xi32>
          %sub3A_319 = arith.subi %unique3A_318, %sub3A : vector<16xi32>
          %add3A_320 = arith.constant 1 : i32
          %add3A_321 = vector.broadcast %add3A_320 : i32 to vector<16xi32>
          %add3A_322 = arith.addi %sub3A_319, %add3A_321 : vector<16xi32>
          tpu.vector_store_idx %arg15[%bitcast3A_314], %add3A_322 masked %unique3A_317 {add = true} : memref<16384xi32, #tpu.memory_space<vmem>>[vector<16xi32>], vector<16xi32>, vector<16xi1>
          %scan3A_323 = arith.constant 0 : i32
          scf.yield %scan3A_323 : i32
        }
        %scan3A_165 = arith.constant 368 : i32
        %scan3A_166 = arith.constant 0 : i32
        scf.yield %scan3A_166 : i32
      }
      %scan3A_30 = arith.constant 17 : i32
      %scan3A_31 = arith.constant 0 : i32
      %scan3A_32 = arith.constant -1 : i32
      %scan3A_33 = arith.constant 0 : i32
      %scan3A_34 = arith.constant 1024 : i32
      %scan3A_35 = arith.addi %scan3A_33, %scan3A_34 : i32
      %scan3A_36 = arith.constant 4 : i32
      %scan3A_37:2 = scf.for %scan3A_155 = %scan3A_33 to %scan3A_35 step %scan3A_36 iter_args(%scan3A_156 = %scan3A_31, %scan3A_157 = %scan3A_32) -> (i32, i32)  : i32 {
        %mul3A_158 = arith.constant 16 : i32
        %mul3A_159 = arith.muli %scan3A_155, %mul3A_158 : i32
        %get3A = arith.index_cast %mul3A_159 : i32 to index
        %get3A_160 = tpu.vector_load %arg15[%get3A] {strides = array<i32>} : memref<16384xi32, #tpu.memory_space<vmem>>, vector<16xi32>,
        %broadcast_in_dim3A_161 = arith.constant true
        %broadcast_in_dim3A_162 = vector.broadcast %broadcast_in_dim3A_161 : i1 to vector<16xi1>
        %masked_cumsum3A = tpu.scan <sum>, %get3A_160 masked %broadcast_in_dim3A_162 : vector<16xi32>, vector<16xi1> -> vector<16xi32>
        %reduce_max3A = arith.constant true
        %reduce_max3A_163 = vector.broadcast %reduce_max3A : i1 to vector<16xi1>
        %reduce_max3A_164 = arith.constant -2147483648 : i32
        %reduce_max3A_165 = vector.broadcast %reduce_max3A_164 : i32 to vector<16xi32>
        %reduce_max3A_166 = arith.xori %masked_cumsum3A, %reduce_max3A_165 : vector<16xi32>
        %reduce_max3A_167 = tpu.scan <max>, %reduce_max3A_166 masked %reduce_max3A_163 : vector<16xi32>, vector<16xi1> -> vector<16xi32>
        %reduce_max3A_168 = arith.xori %reduce_max3A_167, %reduce_max3A_165 : vector<16xi32>
        %reduce_max3A_169 = vector.extract %reduce_max3A_168[15] : i32 from vector<16xi32>
        %add3A_170 = vector.broadcast %scan3A_156 : i32 to vector<16xi32>
        %add3A_171 = arith.addi %add3A_170, %masked_cumsum3A : vector<16xi32>
        %ge3A = arith.constant 12500 : i32
        %ge3A_172 = vector.broadcast %ge3A : i32 to vector<16xi32>
        %ge3A_173 = arith.cmpi sge, %add3A_171, %ge3A_172 : vector<16xi32>
        %convert_element_type3A = arith.extui %ge3A_173 : vector<16xi1> to vector<16xi32>
        %reduce_sum3A = arith.constant true
        %reduce_sum3A_174 = vector.broadcast %reduce_sum3A : i1 to vector<16xi1>
        %reduce_sum3A_175 = tpu.scan <sum>, %convert_element_type3A masked %reduce_sum3A_174 : vector<16xi32>, vector<16xi1> -> vector<16xi32>
        %reduce_sum3A_176 = vector.extract %reduce_sum3A_175[15] : i32 from vector<16xi32>
        %mul3A_177 = arith.constant 16 : i32
        %mul3A_178 = arith.muli %scan3A_155, %mul3A_177 : i32
        %sub3A_179 = arith.constant 16 : i32
        %sub3A_180 = arith.subi %sub3A_179, %reduce_sum3A_176 : i32
        %add3A_181 = arith.addi %mul3A_178, %sub3A_180 : i32
        %ge3A_182 = arith.constant 0 : i32
        %ge3A_183 = arith.cmpi sge, %scan3A_157, %ge3A_182 : i32
        %gt3A = arith.constant 0 : i32
        %gt3A_184 = arith.cmpi sgt, %reduce_sum3A_176, %gt3A : i32
        %jit3A = arith.constant -1 : i32
        %select_n3A = arith.select %gt3A_184, %add3A_181, %jit3A : i32
        %select_n3A_185 = arith.select %ge3A_183, %scan3A_157, %select_n3A : i32
        %add3A_186 = arith.addi %scan3A_156, %reduce_max3A_169 : i32
        %scan3A_187 = arith.constant 1 : i32
        %scan3A_188 = arith.addi %scan3A_155, %scan3A_187 : i32
        %mul3A_189 = arith.constant 16 : i32
        %mul3A_190 = arith.muli %scan3A_188, %mul3A_189 : i32
        %get3A_191 = arith.index_cast %mul3A_190 : i32 to index
        %get3A_192 = tpu.vector_load %arg15[%get3A_191] {strides = array<i32>} : memref<16384xi32, #tpu.memory_space<vmem>>, vector<16xi32>,
        %broadcast_in_dim3A_193 = arith.constant true
        %broadcast_in_dim3A_194 = vector.broadcast %broadcast_in_dim3A_193 : i1 to vector<16xi1>
        %masked_cumsum3A_195 = tpu.scan <sum>, %get3A_192 masked %broadcast_in_dim3A_194 : vector<16xi32>, vector<16xi1> -> vector<16xi32>
        %reduce_max3A_196 = arith.constant true
        %reduce_max3A_197 = vector.broadcast %reduce_max3A_196 : i1 to vector<16xi1>
        %reduce_max3A_198 = arith.constant -2147483648 : i32
        %reduce_max3A_199 = vector.broadcast %reduce_max3A_198 : i32 to vector<16xi32>
        %reduce_max3A_200 = arith.xori %masked_cumsum3A_195, %reduce_max3A_199 : vector<16xi32>
        %reduce_max3A_201 = tpu.scan <max>, %reduce_max3A_200 masked %reduce_max3A_197 : vector<16xi32>, vector<16xi1> -> vector<16xi32>
        %reduce_max3A_202 = arith.xori %reduce_max3A_201, %reduce_max3A_199 : vector<16xi32>
        %reduce_max3A_203 = vector.extract %reduce_max3A_202[15] : i32 from vector<16xi32>
        %add3A_204 = vector.broadcast %add3A_186 : i32 to vector<16xi32>
        %add3A_205 = arith.addi %add3A_204, %masked_cumsum3A_195 : vector<16xi32>
        %ge3A_206 = arith.constant 12500 : i32
        %ge3A_207 = vector.broadcast %ge3A_206 : i32 to vector<16xi32>
        %ge3A_208 = arith.cmpi sge, %add3A_205, %ge3A_207 : vector<16xi32>
        %convert_element_type3A_209 = arith.extui %ge3A_208 : vector<16xi1> to vector<16xi32>
        %reduce_sum3A_210 = arith.constant true
        %reduce_sum3A_211 = vector.broadcast %reduce_sum3A_210 : i1 to vector<16xi1>
        %reduce_sum3A_212 = tpu.scan <sum>, %convert_element_type3A_209 masked %reduce_sum3A_211 : vector<16xi32>, vector<16xi1> -> vector<16xi32>
        %reduce_sum3A_213 = vector.extract %reduce_sum3A_212[15] : i32 from vector<16xi32>
        %mul3A_214 = arith.constant 16 : i32
        %mul3A_215 = arith.muli %scan3A_188, %mul3A_214 : i32
        %sub3A_216 = arith.constant 16 : i32
        %sub3A_217 = arith.subi %sub3A_216, %reduce_sum3A_213 : i32
        %add3A_218 = arith.addi %mul3A_215, %sub3A_217 : i32
        %ge3A_219 = arith.constant 0 : i32
        %ge3A_220 = arith.cmpi sge, %select_n3A_185, %ge3A_219 : i32
        %gt3A_221 = arith.constant 0 : i32
        %gt3A_222 = arith.cmpi sgt, %reduce_sum3A_213, %gt3A_221 : i32
        %jit3A_223 = arith.constant -1 : i32
        %select_n3A_224 = arith.select %gt3A_222, %add3A_218, %jit3A_223 : i32
        %select_n3A_225 = arith.select %ge3A_220, %select_n3A_185, %select_n3A_224 : i32
        %add3A_226 = arith.addi %add3A_186, %reduce_max3A_203 : i32
        %scan3A_227 = arith.constant 2 : i32
        %scan3A_228 = arith.addi %scan3A_155, %scan3A_227 : i32
        %mul3A_229 = arith.constant 16 : i32
        %mul3A_230 = arith.muli %scan3A_228, %mul3A_229 : i32
        %get3A_231 = arith.index_cast %mul3A_230 : i32 to index
        %get3A_232 = tpu.vector_load %arg15[%get3A_231] {strides = array<i32>} : memref<16384xi32, #tpu.memory_space<vmem>>, vector<16xi32>,
        %broadcast_in_dim3A_233 = arith.constant true
        %broadcast_in_dim3A_234 = vector.broadcast %broadcast_in_dim3A_233 : i1 to vector<16xi1>
        %masked_cumsum3A_235 = tpu.scan <sum>, %get3A_232 masked %broadcast_in_dim3A_234 : vector<16xi32>, vector<16xi1> -> vector<16xi32>
        %reduce_max3A_236 = arith.constant true
        %reduce_max3A_237 = vector.broadcast %reduce_max3A_236 : i1 to vector<16xi1>
        %reduce_max3A_238 = arith.constant -2147483648 : i32
        %reduce_max3A_239 = vector.broadcast %reduce_max3A_238 : i32 to vector<16xi32>
        %reduce_max3A_240 = arith.xori %masked_cumsum3A_235, %reduce_max3A_239 : vector<16xi32>
        %reduce_max3A_241 = tpu.scan <max>, %reduce_max3A_240 masked %reduce_max3A_237 : vector<16xi32>, vector<16xi1> -> vector<16xi32>
        %reduce_max3A_242 = arith.xori %reduce_max3A_241, %reduce_max3A_239 : vector<16xi32>
        %reduce_max3A_243 = vector.extract %reduce_max3A_242[15] : i32 from vector<16xi32>
        %add3A_244 = vector.broadcast %add3A_226 : i32 to vector<16xi32>
        %add3A_245 = arith.addi %add3A_244, %masked_cumsum3A_235 : vector<16xi32>
        %ge3A_246 = arith.constant 12500 : i32
        %ge3A_247 = vector.broadcast %ge3A_246 : i32 to vector<16xi32>
        %ge3A_248 = arith.cmpi sge, %add3A_245, %ge3A_247 : vector<16xi32>
        %convert_element_type3A_249 = arith.extui %ge3A_248 : vector<16xi1> to vector<16xi32>
        %reduce_sum3A_250 = arith.constant true
        %reduce_sum3A_251 = vector.broadcast %reduce_sum3A_250 : i1 to vector<16xi1>
        %reduce_sum3A_252 = tpu.scan <sum>, %convert_element_type3A_249 masked %reduce_sum3A_251 : vector<16xi32>, vector<16xi1> -> vector<16xi32>
        %reduce_sum3A_253 = vector.extract %reduce_sum3A_252[15] : i32 from vector<16xi32>
        %mul3A_254 = arith.constant 16 : i32
        %mul3A_255 = arith.muli %scan3A_228, %mul3A_254 : i32
        %sub3A_256 = arith.constant 16 : i32
        %sub3A_257 = arith.subi %sub3A_256, %reduce_sum3A_253 : i32
        %add3A_258 = arith.addi %mul3A_255, %sub3A_257 : i32
        %ge3A_259 = arith.constant 0 : i32
        %ge3A_260 = arith.cmpi sge, %select_n3A_225, %ge3A_259 : i32
        %gt3A_261 = arith.constant 0 : i32
        %gt3A_262 = arith.cmpi sgt, %reduce_sum3A_253, %gt3A_261 : i32
        %jit3A_263 = arith.constant -1 : i32
        %select_n3A_264 = arith.select %gt3A_262, %add3A_258, %jit3A_263 : i32
        %select_n3A_265 = arith.select %ge3A_260, %select_n3A_225, %select_n3A_264 : i32
        %add3A_266 = arith.addi %add3A_226, %reduce_max3A_243 : i32
        %scan3A_267 = arith.constant 3 : i32
        %scan3A_268 = arith.addi %scan3A_155, %scan3A_267 : i32
        %mul3A_269 = arith.constant 16 : i32
        %mul3A_270 = arith.muli %scan3A_268, %mul3A_269 : i32
        %get3A_271 = arith.index_cast %mul3A_270 : i32 to index
        %get3A_272 = tpu.vector_load %arg15[%get3A_271] {strides = array<i32>} : memref<16384xi32, #tpu.memory_space<vmem>>, vector<16xi32>,
        %broadcast_in_dim3A_273 = arith.constant true
        %broadcast_in_dim3A_274 = vector.broadcast %broadcast_in_dim3A_273 : i1 to vector<16xi1>
        %masked_cumsum3A_275 = tpu.scan <sum>, %get3A_272 masked %broadcast_in_dim3A_274 : vector<16xi32>, vector<16xi1> -> vector<16xi32>
        %reduce_max3A_276 = arith.constant true
        %reduce_max3A_277 = vector.broadcast %reduce_max3A_276 : i1 to vector<16xi1>
        %reduce_max3A_278 = arith.constant -2147483648 : i32
        %reduce_max3A_279 = vector.broadcast %reduce_max3A_278 : i32 to vector<16xi32>
        %reduce_max3A_280 = arith.xori %masked_cumsum3A_275, %reduce_max3A_279 : vector<16xi32>
        %reduce_max3A_281 = tpu.scan <max>, %reduce_max3A_280 masked %reduce_max3A_277 : vector<16xi32>, vector<16xi1> -> vector<16xi32>
        %reduce_max3A_282 = arith.xori %reduce_max3A_281, %reduce_max3A_279 : vector<16xi32>
        %reduce_max3A_283 = vector.extract %reduce_max3A_282[15] : i32 from vector<16xi32>
        %add3A_284 = vector.broadcast %add3A_266 : i32 to vector<16xi32>
        %add3A_285 = arith.addi %add3A_284, %masked_cumsum3A_275 : vector<16xi32>
        %ge3A_286 = arith.constant 12500 : i32
        %ge3A_287 = vector.broadcast %ge3A_286 : i32 to vector<16xi32>
        %ge3A_288 = arith.cmpi sge, %add3A_285, %ge3A_287 : vector<16xi32>
        %convert_element_type3A_289 = arith.extui %ge3A_288 : vector<16xi1> to vector<16xi32>
        %reduce_sum3A_290 = arith.constant true
        %reduce_sum3A_291 = vector.broadcast %reduce_sum3A_290 : i1 to vector<16xi1>
        %reduce_sum3A_292 = tpu.scan <sum>, %convert_element_type3A_289 masked %reduce_sum3A_291 : vector<16xi32>, vector<16xi1> -> vector<16xi32>
        %reduce_sum3A_293 = vector.extract %reduce_sum3A_292[15] : i32 from vector<16xi32>
        %mul3A_294 = arith.constant 16 : i32
        %mul3A_295 = arith.muli %scan3A_268, %mul3A_294 : i32
        %sub3A_296 = arith.constant 16 : i32
        %sub3A_297 = arith.subi %sub3A_296, %reduce_sum3A_293 : i32
        %add3A_298 = arith.addi %mul3A_295, %sub3A_297 : i32
        %ge3A_299 = arith.constant 0 : i32
        %ge3A_300 = arith.cmpi sge, %select_n3A_265, %ge3A_299 : i32
        %gt3A_301 = arith.constant 0 : i32
        %gt3A_302 = arith.cmpi sgt, %reduce_sum3A_293, %gt3A_301 : i32
        %jit3A_303 = arith.constant -1 : i32
        %select_n3A_304 = arith.select %gt3A_302, %add3A_298, %jit3A_303 : i32
        %select_n3A_305 = arith.select %ge3A_300, %select_n3A_265, %select_n3A_304 : i32
        %add3A_306 = arith.addi %add3A_266, %reduce_max3A_283 : i32
        scf.yield %add3A_306, %select_n3A_305 : i32, i32
      }
      %scan3A_38 = arith.constant 1024 : i32
      %add3A_39 = arith.constant 1 : i32
      %add3A_40 = arith.addi %scan3A_37#1, %add3A_39 : i32
      %shift_left3A = arith.constant 18 : i32
      %shift_left3A_41 = arith.shli %add3A_40, %shift_left3A : i32
      %scan3A_42 = arith.constant 0 : i32
      %scan3A_43 = arith.constant 0 : i32
      %scan3A_44 = arith.constant 17 : i32
      %scan3A_45 = arith.addi %scan3A_43, %scan3A_44 : i32
      %scan3A_46 = arith.constant 1 : i32
      %scan3A_47 = scf.for %scan3A_155 = %scan3A_43 to %scan3A_45 step %scan3A_46 iter_args(%scan3A_156 = %scan3A_42) -> (i32)  : i32 {
        %mul3A_157 = arith.constant 5888 : i32
        %mul3A_158 = arith.muli %scan3A_155, %mul3A_157 : i32
        "tpu.region"() ({
          %run_scoped3A = tpu.sem_alloc : memref<!tpu.dma_semaphore, #tpu.memory_space<semaphore_mem>>
          %dma_start3A = tpu.memref_slice %arg2[%add3A_16, %mul3A_158] : memref<64x100096xf32, #tpu.memory_space<hbm>> -> memref<1x5888xf32, #tpu.memory_space<hbm>>
          %dma_start3A_165 = tpu.memref_squeeze %dma_start3A : memref<1x5888xf32, #tpu.memory_space<hbm>> -> memref<5888xf32, #tpu.memory_space<hbm>>
          %dma_start3A_166 = tpu.memref_slice %arg2[%add3A_16, %mul3A_158] : memref<64x100096xf32, #tpu.memory_space<hbm>> -> memref<1x5888xf32, #tpu.memory_space<hbm>>
          %dma_start3A_167 = tpu.memref_squeeze %dma_start3A_166 : memref<1x5888xf32, #tpu.memory_space<hbm>> -> memref<5888xf32, #tpu.memory_space<hbm>>
          tpu.enqueue_dma source(%dma_start3A_167 : memref<5888xf32, #tpu.memory_space<hbm>>) target(%arg14 : memref<5888xf32, #tpu.memory_space<vmem>>) target_semaphore(%run_scoped3A : memref<!tpu.dma_semaphore, #tpu.memory_space<semaphore_mem>>)
          %dma_wait3A = tpu.memref_slice %arg2[%add3A_16, %mul3A_158] : memref<64x100096xf32, #tpu.memory_space<hbm>> -> memref<1x5888xf32, #tpu.memory_space<hbm>>
          %dma_wait3A_168 = tpu.memref_squeeze %dma_wait3A : memref<1x5888xf32, #tpu.memory_space<hbm>> -> memref<5888xf32, #tpu.memory_space<hbm>>
          %dma_wait3A_169 = tpu.memref_slice %arg2[%add3A_16, %mul3A_158] : memref<64x100096xf32, #tpu.memory_space<hbm>> -> memref<1x5888xf32, #tpu.memory_space<hbm>>
          %dma_wait3A_170 = tpu.memref_squeeze %dma_wait3A_169 : memref<1x5888xf32, #tpu.memory_space<hbm>> -> memref<5888xf32, #tpu.memory_space<hbm>>
          tpu.wait_dma2 semaphore(%run_scoped3A : memref<!tpu.dma_semaphore, #tpu.memory_space<semaphore_mem>>) src(%dma_wait3A_170 : memref<5888xf32, #tpu.memory_space<hbm>>) dst(%arg14 : memref<5888xf32, #tpu.memory_space<vmem>>)
          tpu.yield
        }) : () -> ()
        %scan3A_159 = arith.constant 0 : i32
        %scan3A_160 = arith.constant 368 : i32
        %scan3A_161 = arith.addi %scan3A_159, %scan3A_160 : i32
        %scan3A_162 = arith.constant 8 : i32
        %scan3A_163 = scf.for %scan3A_165 = %scan3A_159 to %scan3A_161 step %scan3A_162 iter_args(%scan3A_166 = %scan3A_156) -> (i32)  : i32 {
          %mul3A_167 = arith.constant 16 : i32
          %mul3A_168 = arith.muli %scan3A_165, %mul3A_167 : i32
          %get3A = arith.index_cast %mul3A_168 : i32 to index
          %get3A_169 = tpu.vector_load %arg14[%get3A] {strides = array<i32>} : memref<5888xf32, #tpu.memory_space<vmem>>, vector<16xf32>,
          %bitcast3A = vector.bitcast %get3A_169 : vector<16xf32> to vector<16xi32>
          %lt3A = vector.broadcast %shift_left3A_41 : i32 to vector<16xi32>
          %lt3A_170 = arith.cmpi ult, %bitcast3A, %lt3A : vector<16xi32>
          %convert_element_type3A = arith.extui %lt3A_170 : vector<16xi1> to vector<16xi32>
          %broadcast_in_dim3A_171 = arith.constant true
          %broadcast_in_dim3A_172 = vector.broadcast %broadcast_in_dim3A_171 : i1 to vector<16xi1>
          %masked_cumsum3A = tpu.scan <sum>, %convert_element_type3A masked %broadcast_in_dim3A_172 : vector<16xi32>, vector<16xi1> -> vector<16xi32>
          %add3A_173 = vector.broadcast %scan3A_166 : i32 to vector<16xi32>
          %add3A_174 = arith.addi %add3A_173, %masked_cumsum3A : vector<16xi32>
          %sub3A_175 = arith.constant 1 : i32
          %sub3A_176 = vector.broadcast %sub3A_175 : i32 to vector<16xi32>
          %sub3A_177 = arith.subi %add3A_174, %sub3A_176 : vector<16xi32>
          %lt3A_178 = arith.constant 16384 : i32
          %lt3A_179 = vector.broadcast %lt3A_178 : i32 to vector<16xi32>
          %lt3A_180 = arith.cmpi slt, %sub3A_177, %lt3A_179 : vector<16xi32>
          %and3A = arith.andi %lt3A_170, %lt3A_180 : vector<16xi1>
          %bitcast3A_181 = vector.bitcast %bitcast3A : vector<16xi32> to vector<16xi32>
          tpu.vector_store_idx %arg17[%sub3A_177], %bitcast3A_181 masked %and3A : memref<16384xi32, #tpu.memory_space<vmem>>[vector<16xi32>], vector<16xi32>, vector<16xi1>
          %mul3A_182 = arith.constant 5888 : i32
          %mul3A_183 = arith.muli %scan3A_155, %mul3A_182 : i32
          %mul3A_184 = arith.constant 16 : i32
          %mul3A_185 = arith.muli %scan3A_165, %mul3A_184 : i32
          %add3A_186 = arith.addi %mul3A_183, %mul3A_185 : i32
          %add3A_187 = vector.broadcast %add3A_186 : i32 to vector<16xi32>
          %add3A_188 = arith.addi %add3A_187, %iota3A : vector<16xi32>
          tpu.vector_store_idx %arg18[%sub3A_177], %add3A_188 masked %and3A : memref<16384xi32, #tpu.memory_space<vmem>>[vector<16xi32>], vector<16xi32>, vector<16xi1>
          %reduce_max3A = arith.constant true
          %reduce_max3A_189 = vector.broadcast %reduce_max3A : i1 to vector<16xi1>
          %reduce_max3A_190 = arith.constant -2147483648 : i32
          %reduce_max3A_191 = vector.broadcast %reduce_max3A_190 : i32 to vector<16xi32>
          %reduce_max3A_192 = arith.xori %masked_cumsum3A, %reduce_max3A_191 : vector<16xi32>
          %reduce_max3A_193 = tpu.scan <max>, %reduce_max3A_192 masked %reduce_max3A_189 : vector<16xi32>, vector<16xi1> -> vector<16xi32>
          %reduce_max3A_194 = arith.xori %reduce_max3A_193, %reduce_max3A_191 : vector<16xi32>
          %reduce_max3A_195 = vector.extract %reduce_max3A_194[15] : i32 from vector<16xi32>
          %add3A_196 = arith.addi %scan3A_166, %reduce_max3A_195 : i32
          %scan3A_197 = arith.constant 1 : i32
          %scan3A_198 = arith.addi %scan3A_165, %scan3A_197 : i32
          %mul3A_199 = arith.constant 16 : i32
          %mul3A_200 = arith.muli %scan3A_198, %mul3A_199 : i32
          %get3A_201 = arith.index_cast %mul3A_200 : i32 to index
          %get3A_202 = tpu.vector_load %arg14[%get3A_201] {strides = array<i32>} : memref<5888xf32, #tpu.memory_space<vmem>>, vector<16xf32>,
          %bitcast3A_203 = vector.bitcast %get3A_202 : vector<16xf32> to vector<16xi32>
          %lt3A_204 = vector.broadcast %shift_left3A_41 : i32 to vector<16xi32>
          %lt3A_205 = arith.cmpi ult, %bitcast3A_203, %lt3A_204 : vector<16xi32>
          %convert_element_type3A_206 = arith.extui %lt3A_205 : vector<16xi1> to vector<16xi32>
          %broadcast_in_dim3A_207 = arith.constant true
          %broadcast_in_dim3A_208 = vector.broadcast %broadcast_in_dim3A_207 : i1 to vector<16xi1>
          %masked_cumsum3A_209 = tpu.scan <sum>, %convert_element_type3A_206 masked %broadcast_in_dim3A_208 : vector<16xi32>, vector<16xi1> -> vector<16xi32>
          %add3A_210 = vector.broadcast %add3A_196 : i32 to vector<16xi32>
          %add3A_211 = arith.addi %add3A_210, %masked_cumsum3A_209 : vector<16xi32>
          %sub3A_212 = arith.constant 1 : i32
          %sub3A_213 = vector.broadcast %sub3A_212 : i32 to vector<16xi32>
          %sub3A_214 = arith.subi %add3A_211, %sub3A_213 : vector<16xi32>
          %lt3A_215 = arith.constant 16384 : i32
          %lt3A_216 = vector.broadcast %lt3A_215 : i32 to vector<16xi32>
          %lt3A_217 = arith.cmpi slt, %sub3A_214, %lt3A_216 : vector<16xi32>
          %and3A_218 = arith.andi %lt3A_205, %lt3A_217 : vector<16xi1>
          %bitcast3A_219 = vector.bitcast %bitcast3A_203 : vector<16xi32> to vector<16xi32>
          tpu.vector_store_idx %arg17[%sub3A_214], %bitcast3A_219 masked %and3A_218 : memref<16384xi32, #tpu.memory_space<vmem>>[vector<16xi32>], vector<16xi32>, vector<16xi1>
          %mul3A_220 = arith.constant 5888 : i32
          %mul3A_221 = arith.muli %scan3A_155, %mul3A_220 : i32
          %mul3A_222 = arith.constant 16 : i32
          %mul3A_223 = arith.muli %scan3A_198, %mul3A_222 : i32
          %add3A_224 = arith.addi %mul3A_221, %mul3A_223 : i32
          %add3A_225 = vector.broadcast %add3A_224 : i32 to vector<16xi32>
          %add3A_226 = arith.addi %add3A_225, %iota3A : vector<16xi32>
          tpu.vector_store_idx %arg18[%sub3A_214], %add3A_226 masked %and3A_218 : memref<16384xi32, #tpu.memory_space<vmem>>[vector<16xi32>], vector<16xi32>, vector<16xi1>
          %reduce_max3A_227 = arith.constant true
          %reduce_max3A_228 = vector.broadcast %reduce_max3A_227 : i1 to vector<16xi1>
          %reduce_max3A_229 = arith.constant -2147483648 : i32
          %reduce_max3A_230 = vector.broadcast %reduce_max3A_229 : i32 to vector<16xi32>
          %reduce_max3A_231 = arith.xori %masked_cumsum3A_209, %reduce_max3A_230 : vector<16xi32>
          %reduce_max3A_232 = tpu.scan <max>, %reduce_max3A_231 masked %reduce_max3A_228 : vector<16xi32>, vector<16xi1> -> vector<16xi32>
          %reduce_max3A_233 = arith.xori %reduce_max3A_232, %reduce_max3A_230 : vector<16xi32>
          %reduce_max3A_234 = vector.extract %reduce_max3A_233[15] : i32 from vector<16xi32>
          %add3A_235 = arith.addi %add3A_196, %reduce_max3A_234 : i32
          %scan3A_236 = arith.constant 2 : i32
          %scan3A_237 = arith.addi %scan3A_165, %scan3A_236 : i32
          %mul3A_238 = arith.constant 16 : i32
          %mul3A_239 = arith.muli %scan3A_237, %mul3A_238 : i32
          %get3A_240 = arith.index_cast %mul3A_239 : i32 to index
          %get3A_241 = tpu.vector_load %arg14[%get3A_240] {strides = array<i32>} : memref<5888xf32, #tpu.memory_space<vmem>>, vector<16xf32>,
          %bitcast3A_242 = vector.bitcast %get3A_241 : vector<16xf32> to vector<16xi32>
          %lt3A_243 = vector.broadcast %shift_left3A_41 : i32 to vector<16xi32>
          %lt3A_244 = arith.cmpi ult, %bitcast3A_242, %lt3A_243 : vector<16xi32>
          %convert_element_type3A_245 = arith.extui %lt3A_244 : vector<16xi1> to vector<16xi32>
          %broadcast_in_dim3A_246 = arith.constant true
          %broadcast_in_dim3A_247 = vector.broadcast %broadcast_in_dim3A_246 : i1 to vector<16xi1>
          %masked_cumsum3A_248 = tpu.scan <sum>, %convert_element_type3A_245 masked %broadcast_in_dim3A_247 : vector<16xi32>, vector<16xi1> -> vector<16xi32>
          %add3A_249 = vector.broadcast %add3A_235 : i32 to vector<16xi32>
          %add3A_250 = arith.addi %add3A_249, %masked_cumsum3A_248 : vector<16xi32>
          %sub3A_251 = arith.constant 1 : i32
          %sub3A_252 = vector.broadcast %sub3A_251 : i32 to vector<16xi32>
          %sub3A_253 = arith.subi %add3A_250, %sub3A_252 : vector<16xi32>
          %lt3A_254 = arith.constant 16384 : i32
          %lt3A_255 = vector.broadcast %lt3A_254 : i32 to vector<16xi32>
          %lt3A_256 = arith.cmpi slt, %sub3A_253, %lt3A_255 : vector<16xi32>
          %and3A_257 = arith.andi %lt3A_244, %lt3A_256 : vector<16xi1>
          %bitcast3A_258 = vector.bitcast %bitcast3A_242 : vector<16xi32> to vector<16xi32>
          tpu.vector_store_idx %arg17[%sub3A_253], %bitcast3A_258 masked %and3A_257 : memref<16384xi32, #tpu.memory_space<vmem>>[vector<16xi32>], vector<16xi32>, vector<16xi1>
          %mul3A_259 = arith.constant 5888 : i32
          %mul3A_260 = arith.muli %scan3A_155, %mul3A_259 : i32
          %mul3A_261 = arith.constant 16 : i32
          %mul3A_262 = arith.muli %scan3A_237, %mul3A_261 : i32
          %add3A_263 = arith.addi %mul3A_260, %mul3A_262 : i32
          %add3A_264 = vector.broadcast %add3A_263 : i32 to vector<16xi32>
          %add3A_265 = arith.addi %add3A_264, %iota3A : vector<16xi32>
          tpu.vector_store_idx %arg18[%sub3A_253], %add3A_265 masked %and3A_257 : memref<16384xi32, #tpu.memory_space<vmem>>[vector<16xi32>], vector<16xi32>, vector<16xi1>
          %reduce_max3A_266 = arith.constant true
          %reduce_max3A_267 = vector.broadcast %reduce_max3A_266 : i1 to vector<16xi1>
          %reduce_max3A_268 = arith.constant -2147483648 : i32
          %reduce_max3A_269 = vector.broadcast %reduce_max3A_268 : i32 to vector<16xi32>
          %reduce_max3A_270 = arith.xori %masked_cumsum3A_248, %reduce_max3A_269 : vector<16xi32>
          %reduce_max3A_271 = tpu.scan <max>, %reduce_max3A_270 masked %reduce_max3A_267 : vector<16xi32>, vector<16xi1> -> vector<16xi32>
          %reduce_max3A_272 = arith.xori %reduce_max3A_271, %reduce_max3A_269 : vector<16xi32>
          %reduce_max3A_273 = vector.extract %reduce_max3A_272[15] : i32 from vector<16xi32>
          %add3A_274 = arith.addi %add3A_235, %reduce_max3A_273 : i32
          %scan3A_275 = arith.constant 3 : i32
          %scan3A_276 = arith.addi %scan3A_165, %scan3A_275 : i32
          %mul3A_277 = arith.constant 16 : i32
          %mul3A_278 = arith.muli %scan3A_276, %mul3A_277 : i32
          %get3A_279 = arith.index_cast %mul3A_278 : i32 to index
          %get3A_280 = tpu.vector_load %arg14[%get3A_279] {strides = array<i32>} : memref<5888xf32, #tpu.memory_space<vmem>>, vector<16xf32>,
          %bitcast3A_281 = vector.bitcast %get3A_280 : vector<16xf32> to vector<16xi32>
          %lt3A_282 = vector.broadcast %shift_left3A_41 : i32 to vector<16xi32>
          %lt3A_283 = arith.cmpi ult, %bitcast3A_281, %lt3A_282 : vector<16xi32>
          %convert_element_type3A_284 = arith.extui %lt3A_283 : vector<16xi1> to vector<16xi32>
          %broadcast_in_dim3A_285 = arith.constant true
          %broadcast_in_dim3A_286 = vector.broadcast %broadcast_in_dim3A_285 : i1 to vector<16xi1>
          %masked_cumsum3A_287 = tpu.scan <sum>, %convert_element_type3A_284 masked %broadcast_in_dim3A_286 : vector<16xi32>, vector<16xi1> -> vector<16xi32>
          %add3A_288 = vector.broadcast %add3A_274 : i32 to vector<16xi32>
          %add3A_289 = arith.addi %add3A_288, %masked_cumsum3A_287 : vector<16xi32>
          %sub3A_290 = arith.constant 1 : i32
          %sub3A_291 = vector.broadcast %sub3A_290 : i32 to vector<16xi32>
          %sub3A_292 = arith.subi %add3A_289, %sub3A_291 : vector<16xi32>
          %lt3A_293 = arith.constant 16384 : i32
          %lt3A_294 = vector.broadcast %lt3A_293 : i32 to vector<16xi32>
          %lt3A_295 = arith.cmpi slt, %sub3A_292, %lt3A_294 : vector<16xi32>
          %and3A_296 = arith.andi %lt3A_283, %lt3A_295 : vector<16xi1>
          %bitcast3A_297 = vector.bitcast %bitcast3A_281 : vector<16xi32> to vector<16xi32>
          tpu.vector_store_idx %arg17[%sub3A_292], %bitcast3A_297 masked %and3A_296 : memref<16384xi32, #tpu.memory_space<vmem>>[vector<16xi32>], vector<16xi32>, vector<16xi1>
          %mul3A_298 = arith.constant 5888 : i32
          %mul3A_299 = arith.muli %scan3A_155, %mul3A_298 : i32
          %mul3A_300 = arith.constant 16 : i32
          %mul3A_301 = arith.muli %scan3A_276, %mul3A_300 : i32
          %add3A_302 = arith.addi %mul3A_299, %mul3A_301 : i32
          %add3A_303 = vector.broadcast %add3A_302 : i32 to vector<16xi32>
          %add3A_304 = arith.addi %add3A_303, %iota3A : vector<16xi32>
          tpu.vector_store_idx %arg18[%sub3A_292], %add3A_304 masked %and3A_296 : memref<16384xi32, #tpu.memory_space<vmem>>[vector<16xi32>], vector<16xi32>, vector<16xi1>
          %reduce_max3A_305 = arith.constant true
          %reduce_max3A_306 = vector.broadcast %reduce_max3A_305 : i1 to vector<16xi1>
          %reduce_max3A_307 = arith.constant -2147483648 : i32
          %reduce_max3A_308 = vector.broadcast %reduce_max3A_307 : i32 to vector<16xi32>
          %reduce_max3A_309 = arith.xori %masked_cumsum3A_287, %reduce_max3A_308 : vector<16xi32>
          %reduce_max3A_310 = tpu.scan <max>, %reduce_max3A_309 masked %reduce_max3A_306 : vector<16xi32>, vector<16xi1> -> vector<16xi32>
          %reduce_max3A_311 = arith.xori %reduce_max3A_310, %reduce_max3A_308 : vector<16xi32>
          %reduce_max3A_312 = vector.extract %reduce_max3A_311[15] : i32 from vector<16xi32>
          %add3A_313 = arith.addi %add3A_274, %reduce_max3A_312 : i32
          %scan3A_314 = arith.constant 4 : i32
          %scan3A_315 = arith.addi %scan3A_165, %scan3A_314 : i32
          %mul3A_316 = arith.constant 16 : i32
          %mul3A_317 = arith.muli %scan3A_315, %mul3A_316 : i32
          %get3A_318 = arith.index_cast %mul3A_317 : i32 to index
          %get3A_319 = tpu.vector_load %arg14[%get3A_318] {strides = array<i32>} : memref<5888xf32, #tpu.memory_space<vmem>>, vector<16xf32>,
          %bitcast3A_320 = vector.bitcast %get3A_319 : vector<16xf32> to vector<16xi32>
          %lt3A_321 = vector.broadcast %shift_left3A_41 : i32 to vector<16xi32>
          %lt3A_322 = arith.cmpi ult, %bitcast3A_320, %lt3A_321 : vector<16xi32>
          %convert_element_type3A_323 = arith.extui %lt3A_322 : vector<16xi1> to vector<16xi32>
          %broadcast_in_dim3A_324 = arith.constant true
          %broadcast_in_dim3A_325 = vector.broadcast %broadcast_in_dim3A_324 : i1 to vector<16xi1>
          %masked_cumsum3A_326 = tpu.scan <sum>, %convert_element_type3A_323 masked %broadcast_in_dim3A_325 : vector<16xi32>, vector<16xi1> -> vector<16xi32>
          %add3A_327 = vector.broadcast %add3A_313 : i32 to vector<16xi32>
          %add3A_328 = arith.addi %add3A_327, %masked_cumsum3A_326 : vector<16xi32>
          %sub3A_329 = arith.constant 1 : i32
          %sub3A_330 = vector.broadcast %sub3A_329 : i32 to vector<16xi32>
          %sub3A_331 = arith.subi %add3A_328, %sub3A_330 : vector<16xi32>
          %lt3A_332 = arith.constant 16384 : i32
          %lt3A_333 = vector.broadcast %lt3A_332 : i32 to vector<16xi32>
          %lt3A_334 = arith.cmpi slt, %sub3A_331, %lt3A_333 : vector<16xi32>
          %and3A_335 = arith.andi %lt3A_322, %lt3A_334 : vector<16xi1>
          %bitcast3A_336 = vector.bitcast %bitcast3A_320 : vector<16xi32> to vector<16xi32>
          tpu.vector_store_idx %arg17[%sub3A_331], %bitcast3A_336 masked %and3A_335 : memref<16384xi32, #tpu.memory_space<vmem>>[vector<16xi32>], vector<16xi32>, vector<16xi1>
          %mul3A_337 = arith.constant 5888 : i32
          %mul3A_338 = arith.muli %scan3A_155, %mul3A_337 : i32
          %mul3A_339 = arith.constant 16 : i32
          %mul3A_340 = arith.muli %scan3A_315, %mul3A_339 : i32
          %add3A_341 = arith.addi %mul3A_338, %mul3A_340 : i32
          %add3A_342 = vector.broadcast %add3A_341 : i32 to vector<16xi32>
          %add3A_343 = arith.addi %add3A_342, %iota3A : vector<16xi32>
          tpu.vector_store_idx %arg18[%sub3A_331], %add3A_343 masked %and3A_335 : memref<16384xi32, #tpu.memory_space<vmem>>[vector<16xi32>], vector<16xi32>, vector<16xi1>
          %reduce_max3A_344 = arith.constant true
          %reduce_max3A_345 = vector.broadcast %reduce_max3A_344 : i1 to vector<16xi1>
          %reduce_max3A_346 = arith.constant -2147483648 : i32
          %reduce_max3A_347 = vector.broadcast %reduce_max3A_346 : i32 to vector<16xi32>
          %reduce_max3A_348 = arith.xori %masked_cumsum3A_326, %reduce_max3A_347 : vector<16xi32>
          %reduce_max3A_349 = tpu.scan <max>, %reduce_max3A_348 masked %reduce_max3A_345 : vector<16xi32>, vector<16xi1> -> vector<16xi32>
          %reduce_max3A_350 = arith.xori %reduce_max3A_349, %reduce_max3A_347 : vector<16xi32>
          %reduce_max3A_351 = vector.extract %reduce_max3A_350[15] : i32 from vector<16xi32>
          %add3A_352 = arith.addi %add3A_313, %reduce_max3A_351 : i32
          %scan3A_353 = arith.constant 5 : i32
          %scan3A_354 = arith.addi %scan3A_165, %scan3A_353 : i32
          %mul3A_355 = arith.constant 16 : i32
          %mul3A_356 = arith.muli %scan3A_354, %mul3A_355 : i32
          %get3A_357 = arith.index_cast %mul3A_356 : i32 to index
          %get3A_358 = tpu.vector_load %arg14[%get3A_357] {strides = array<i32>} : memref<5888xf32, #tpu.memory_space<vmem>>, vector<16xf32>,
          %bitcast3A_359 = vector.bitcast %get3A_358 : vector<16xf32> to vector<16xi32>
          %lt3A_360 = vector.broadcast %shift_left3A_41 : i32 to vector<16xi32>
          %lt3A_361 = arith.cmpi ult, %bitcast3A_359, %lt3A_360 : vector<16xi32>
          %convert_element_type3A_362 = arith.extui %lt3A_361 : vector<16xi1> to vector<16xi32>
          %broadcast_in_dim3A_363 = arith.constant true
          %broadcast_in_dim3A_364 = vector.broadcast %broadcast_in_dim3A_363 : i1 to vector<16xi1>
          %masked_cumsum3A_365 = tpu.scan <sum>, %convert_element_type3A_362 masked %broadcast_in_dim3A_364 : vector<16xi32>, vector<16xi1> -> vector<16xi32>
          %add3A_366 = vector.broadcast %add3A_352 : i32 to vector<16xi32>
          %add3A_367 = arith.addi %add3A_366, %masked_cumsum3A_365 : vector<16xi32>
          %sub3A_368 = arith.constant 1 : i32
          %sub3A_369 = vector.broadcast %sub3A_368 : i32 to vector<16xi32>
          %sub3A_370 = arith.subi %add3A_367, %sub3A_369 : vector<16xi32>
          %lt3A_371 = arith.constant 16384 : i32
          %lt3A_372 = vector.broadcast %lt3A_371 : i32 to vector<16xi32>
          %lt3A_373 = arith.cmpi slt, %sub3A_370, %lt3A_372 : vector<16xi32>
          %and3A_374 = arith.andi %lt3A_361, %lt3A_373 : vector<16xi1>
          %bitcast3A_375 = vector.bitcast %bitcast3A_359 : vector<16xi32> to vector<16xi32>
          tpu.vector_store_idx %arg17[%sub3A_370], %bitcast3A_375 masked %and3A_374 : memref<16384xi32, #tpu.memory_space<vmem>>[vector<16xi32>], vector<16xi32>, vector<16xi1>
          %mul3A_376 = arith.constant 5888 : i32
          %mul3A_377 = arith.muli %scan3A_155, %mul3A_376 : i32
          %mul3A_378 = arith.constant 16 : i32
          %mul3A_379 = arith.muli %scan3A_354, %mul3A_378 : i32
          %add3A_380 = arith.addi %mul3A_377, %mul3A_379 : i32
          %add3A_381 = vector.broadcast %add3A_380 : i32 to vector<16xi32>
          %add3A_382 = arith.addi %add3A_381, %iota3A : vector<16xi32>
          tpu.vector_store_idx %arg18[%sub3A_370], %add3A_382 masked %and3A_374 : memref<16384xi32, #tpu.memory_space<vmem>>[vector<16xi32>], vector<16xi32>, vector<16xi1>
          %reduce_max3A_383 = arith.constant true
          %reduce_max3A_384 = vector.broadcast %reduce_max3A_383 : i1 to vector<16xi1>
          %reduce_max3A_385 = arith.constant -2147483648 : i32
          %reduce_max3A_386 = vector.broadcast %reduce_max3A_385 : i32 to vector<16xi32>
          %reduce_max3A_387 = arith.xori %masked_cumsum3A_365, %reduce_max3A_386 : vector<16xi32>
          %reduce_max3A_388 = tpu.scan <max>, %reduce_max3A_387 masked %reduce_max3A_384 : vector<16xi32>, vector<16xi1> -> vector<16xi32>
          %reduce_max3A_389 = arith.xori %reduce_max3A_388, %reduce_max3A_386 : vector<16xi32>
          %reduce_max3A_390 = vector.extract %reduce_max3A_389[15] : i32 from vector<16xi32>
          %add3A_391 = arith.addi %add3A_352, %reduce_max3A_390 : i32
          %scan3A_392 = arith.constant 6 : i32
          %scan3A_393 = arith.addi %scan3A_165, %scan3A_392 : i32
          %mul3A_394 = arith.constant 16 : i32
          %mul3A_395 = arith.muli %scan3A_393, %mul3A_394 : i32
          %get3A_396 = arith.index_cast %mul3A_395 : i32 to index
          %get3A_397 = tpu.vector_load %arg14[%get3A_396] {strides = array<i32>} : memref<5888xf32, #tpu.memory_space<vmem>>, vector<16xf32>,
          %bitcast3A_398 = vector.bitcast %get3A_397 : vector<16xf32> to vector<16xi32>
          %lt3A_399 = vector.broadcast %shift_left3A_41 : i32 to vector<16xi32>
          %lt3A_400 = arith.cmpi ult, %bitcast3A_398, %lt3A_399 : vector<16xi32>
          %convert_element_type3A_401 = arith.extui %lt3A_400 : vector<16xi1> to vector<16xi32>
          %broadcast_in_dim3A_402 = arith.constant true
          %broadcast_in_dim3A_403 = vector.broadcast %broadcast_in_dim3A_402 : i1 to vector<16xi1>
          %masked_cumsum3A_404 = tpu.scan <sum>, %convert_element_type3A_401 masked %broadcast_in_dim3A_403 : vector<16xi32>, vector<16xi1> -> vector<16xi32>
          %add3A_405 = vector.broadcast %add3A_391 : i32 to vector<16xi32>
          %add3A_406 = arith.addi %add3A_405, %masked_cumsum3A_404 : vector<16xi32>
          %sub3A_407 = arith.constant 1 : i32
          %sub3A_408 = vector.broadcast %sub3A_407 : i32 to vector<16xi32>
          %sub3A_409 = arith.subi %add3A_406, %sub3A_408 : vector<16xi32>
          %lt3A_410 = arith.constant 16384 : i32
          %lt3A_411 = vector.broadcast %lt3A_410 : i32 to vector<16xi32>
          %lt3A_412 = arith.cmpi slt, %sub3A_409, %lt3A_411 : vector<16xi32>
          %and3A_413 = arith.andi %lt3A_400, %lt3A_412 : vector<16xi1>
          %bitcast3A_414 = vector.bitcast %bitcast3A_398 : vector<16xi32> to vector<16xi32>
          tpu.vector_store_idx %arg17[%sub3A_409], %bitcast3A_414 masked %and3A_413 : memref<16384xi32, #tpu.memory_space<vmem>>[vector<16xi32>], vector<16xi32>, vector<16xi1>
          %mul3A_415 = arith.constant 5888 : i32
          %mul3A_416 = arith.muli %scan3A_155, %mul3A_415 : i32
          %mul3A_417 = arith.constant 16 : i32
          %mul3A_418 = arith.muli %scan3A_393, %mul3A_417 : i32
          %add3A_419 = arith.addi %mul3A_416, %mul3A_418 : i32
          %add3A_420 = vector.broadcast %add3A_419 : i32 to vector<16xi32>
          %add3A_421 = arith.addi %add3A_420, %iota3A : vector<16xi32>
          tpu.vector_store_idx %arg18[%sub3A_409], %add3A_421 masked %and3A_413 : memref<16384xi32, #tpu.memory_space<vmem>>[vector<16xi32>], vector<16xi32>, vector<16xi1>
          %reduce_max3A_422 = arith.constant true
          %reduce_max3A_423 = vector.broadcast %reduce_max3A_422 : i1 to vector<16xi1>
          %reduce_max3A_424 = arith.constant -2147483648 : i32
          %reduce_max3A_425 = vector.broadcast %reduce_max3A_424 : i32 to vector<16xi32>
          %reduce_max3A_426 = arith.xori %masked_cumsum3A_404, %reduce_max3A_425 : vector<16xi32>
          %reduce_max3A_427 = tpu.scan <max>, %reduce_max3A_426 masked %reduce_max3A_423 : vector<16xi32>, vector<16xi1> -> vector<16xi32>
          %reduce_max3A_428 = arith.xori %reduce_max3A_427, %reduce_max3A_425 : vector<16xi32>
          %reduce_max3A_429 = vector.extract %reduce_max3A_428[15] : i32 from vector<16xi32>
          %add3A_430 = arith.addi %add3A_391, %reduce_max3A_429 : i32
          %scan3A_431 = arith.constant 7 : i32
          %scan3A_432 = arith.addi %scan3A_165, %scan3A_431 : i32
          %mul3A_433 = arith.constant 16 : i32
          %mul3A_434 = arith.muli %scan3A_432, %mul3A_433 : i32
          %get3A_435 = arith.index_cast %mul3A_434 : i32 to index
          %get3A_436 = tpu.vector_load %arg14[%get3A_435] {strides = array<i32>} : memref<5888xf32, #tpu.memory_space<vmem>>, vector<16xf32>,
          %bitcast3A_437 = vector.bitcast %get3A_436 : vector<16xf32> to vector<16xi32>
          %lt3A_438 = vector.broadcast %shift_left3A_41 : i32 to vector<16xi32>
          %lt3A_439 = arith.cmpi ult, %bitcast3A_437, %lt3A_438 : vector<16xi32>
          %convert_element_type3A_440 = arith.extui %lt3A_439 : vector<16xi1> to vector<16xi32>
          %broadcast_in_dim3A_441 = arith.constant true
          %broadcast_in_dim3A_442 = vector.broadcast %broadcast_in_dim3A_441 : i1 to vector<16xi1>
          %masked_cumsum3A_443 = tpu.scan <sum>, %convert_element_type3A_440 masked %broadcast_in_dim3A_442 : vector<16xi32>, vector<16xi1> -> vector<16xi32>
          %add3A_444 = vector.broadcast %add3A_430 : i32 to vector<16xi32>
          %add3A_445 = arith.addi %add3A_444, %masked_cumsum3A_443 : vector<16xi32>
          %sub3A_446 = arith.constant 1 : i32
          %sub3A_447 = vector.broadcast %sub3A_446 : i32 to vector<16xi32>
          %sub3A_448 = arith.subi %add3A_445, %sub3A_447 : vector<16xi32>
          %lt3A_449 = arith.constant 16384 : i32
          %lt3A_450 = vector.broadcast %lt3A_449 : i32 to vector<16xi32>
          %lt3A_451 = arith.cmpi slt, %sub3A_448, %lt3A_450 : vector<16xi32>
          %and3A_452 = arith.andi %lt3A_439, %lt3A_451 : vector<16xi1>
          %bitcast3A_453 = vector.bitcast %bitcast3A_437 : vector<16xi32> to vector<16xi32>
          tpu.vector_store_idx %arg17[%sub3A_448], %bitcast3A_453 masked %and3A_452 : memref<16384xi32, #tpu.memory_space<vmem>>[vector<16xi32>], vector<16xi32>, vector<16xi1>
          %mul3A_454 = arith.constant 5888 : i32
          %mul3A_455 = arith.muli %scan3A_155, %mul3A_454 : i32
          %mul3A_456 = arith.constant 16 : i32
          %mul3A_457 = arith.muli %scan3A_432, %mul3A_456 : i32
          %add3A_458 = arith.addi %mul3A_455, %mul3A_457 : i32
          %add3A_459 = vector.broadcast %add3A_458 : i32 to vector<16xi32>
          %add3A_460 = arith.addi %add3A_459, %iota3A : vector<16xi32>
          tpu.vector_store_idx %arg18[%sub3A_448], %add3A_460 masked %and3A_452 : memref<16384xi32, #tpu.memory_space<vmem>>[vector<16xi32>], vector<16xi32>, vector<16xi1>
          %reduce_max3A_461 = arith.constant true
          %reduce_max3A_462 = vector.broadcast %reduce_max3A_461 : i1 to vector<16xi1>
          %reduce_max3A_463 = arith.constant -2147483648 : i32
          %reduce_max3A_464 = vector.broadcast %reduce_max3A_463 : i32 to vector<16xi32>
          %reduce_max3A_465 = arith.xori %masked_cumsum3A_443, %reduce_max3A_464 : vector<16xi32>
          %reduce_max3A_466 = tpu.scan <max>, %reduce_max3A_465 masked %reduce_max3A_462 : vector<16xi32>, vector<16xi1> -> vector<16xi32>
          %reduce_max3A_467 = arith.xori %reduce_max3A_466, %reduce_max3A_464 : vector<16xi32>
          %reduce_max3A_468 = vector.extract %reduce_max3A_467[15] : i32 from vector<16xi32>
          %add3A_469 = arith.addi %add3A_430, %reduce_max3A_468 : i32
          scf.yield %add3A_469 : i32
        }
        %scan3A_164 = arith.constant 368 : i32
        scf.yield %scan3A_163 : i32
      }
      %scan3A_48 = arith.constant 17 : i32
      %min3A = arith.constant 16384 : i32
      %min3A_49 = arith.minsi %scan3A_47, %min3A : i32
      %scan3A_50 = arith.constant 0 : i32
      %scan3A_51 = arith.constant 0 : i32
      %scan3A_52 = arith.constant 128 : i32
      %scan3A_53 = arith.addi %scan3A_51, %scan3A_52 : i32
      %scan3A_54 = arith.constant 8 : i32
      %scan3A_55 = scf.for %scan3A_155 = %scan3A_51 to %scan3A_53 step %scan3A_54 iter_args(%scan3A_156 = %scan3A_50) -> (i32)  : i32 {
        %mul3A_157 = arith.constant 16 : i32
        %mul3A_158 = arith.muli %scan3A_155, %mul3A_157 : i32
        %swap3A = arith.index_cast %mul3A_158 : i32 to index
        %swap3A_159 = tpu.vector_load %arg16[%swap3A] {strides = array<i32>} : memref<2048xi32, #tpu.memory_space<vmem>>, vector<16xi32>,
        tpu.vector_store %arg16[%swap3A], %mul3A_3 {strides = array<i32>} : memref<2048xi32, #tpu.memory_space<vmem>>, vector<16xi32>,
        %scan3A_160 = arith.constant 0 : i32
        %scan3A_161 = arith.constant 1 : i32
        %scan3A_162 = arith.addi %scan3A_155, %scan3A_161 : i32
        %mul3A_163 = arith.constant 16 : i32
        %mul3A_164 = arith.muli %scan3A_162, %mul3A_163 : i32
        %swap3A_165 = arith.index_cast %mul3A_164 : i32 to index
        %swap3A_166 = tpu.vector_load %arg16[%swap3A_165] {strides = array<i32>} : memref<2048xi32, #tpu.memory_space<vmem>>, vector<16xi32>,
        tpu.vector_store %arg16[%swap3A_165], %mul3A_3 {strides = array<i32>} : memref<2048xi32, #tpu.memory_space<vmem>>, vector<16xi32>,
        %scan3A_167 = arith.constant 0 : i32
        %scan3A_168 = arith.constant 2 : i32
        %scan3A_169 = arith.addi %scan3A_155, %scan3A_168 : i32
        %mul3A_170 = arith.constant 16 : i32
        %mul3A_171 = arith.muli %scan3A_169, %mul3A_170 : i32
        %swap3A_172 = arith.index_cast %mul3A_171 : i32 to index
        %swap3A_173 = tpu.vector_load %arg16[%swap3A_172] {strides = array<i32>} : memref<2048xi32, #tpu.memory_space<vmem>>, vector<16xi32>,
        tpu.vector_store %arg16[%swap3A_172], %mul3A_3 {strides = array<i32>} : memref<2048xi32, #tpu.memory_space<vmem>>, vector<16xi32>,
        %scan3A_174 = arith.constant 0 : i32
        %scan3A_175 = arith.constant 3 : i32
        %scan3A_176 = arith.addi %scan3A_155, %scan3A_175 : i32
        %mul3A_177 = arith.constant 16 : i32
        %mul3A_178 = arith.muli %scan3A_176, %mul3A_177 : i32
        %swap3A_179 = arith.index_cast %mul3A_178 : i32 to index
        %swap3A_180 = tpu.vector_load %arg16[%swap3A_179] {strides = array<i32>} : memref<2048xi32, #tpu.memory_space<vmem>>, vector<16xi32>,
        tpu.vector_store %arg16[%swap3A_179], %mul3A_3 {strides = array<i32>} : memref<2048xi32, #tpu.memory_space<vmem>>, vector<16xi32>,
        %scan3A_181 = arith.constant 0 : i32
        %scan3A_182 = arith.constant 4 : i32
        %scan3A_183 = arith.addi %scan3A_155, %scan3A_182 : i32
        %mul3A_184 = arith.constant 16 : i32
        %mul3A_185 = arith.muli %scan3A_183, %mul3A_184 : i32
        %swap3A_186 = arith.index_cast %mul3A_185 : i32 to index
        %swap3A_187 = tpu.vector_load %arg16[%swap3A_186] {strides = array<i32>} : memref<2048xi32, #tpu.memory_space<vmem>>, vector<16xi32>,
        tpu.vector_store %arg16[%swap3A_186], %mul3A_3 {strides = array<i32>} : memref<2048xi32, #tpu.memory_space<vmem>>, vector<16xi32>,
        %scan3A_188 = arith.constant 0 : i32
        %scan3A_189 = arith.constant 5 : i32
        %scan3A_190 = arith.addi %scan3A_155, %scan3A_189 : i32
        %mul3A_191 = arith.constant 16 : i32
        %mul3A_192 = arith.muli %scan3A_190, %mul3A_191 : i32
        %swap3A_193 = arith.index_cast %mul3A_192 : i32 to index
        %swap3A_194 = tpu.vector_load %arg16[%swap3A_193] {strides = array<i32>} : memref<2048xi32, #tpu.memory_space<vmem>>, vector<16xi32>,
        tpu.vector_store %arg16[%swap3A_193], %mul3A_3 {strides = array<i32>} : memref<2048xi32, #tpu.memory_space<vmem>>, vector<16xi32>,
        %scan3A_195 = arith.constant 0 : i32
        %scan3A_196 = arith.constant 6 : i32
        %scan3A_197 = arith.addi %scan3A_155, %scan3A_196 : i32
        %mul3A_198 = arith.constant 16 : i32
        %mul3A_199 = arith.muli %scan3A_197, %mul3A_198 : i32
        %swap3A_200 = arith.index_cast %mul3A_199 : i32 to index
        %swap3A_201 = tpu.vector_load %arg16[%swap3A_200] {strides = array<i32>} : memref<2048xi32, #tpu.memory_space<vmem>>, vector<16xi32>,
        tpu.vector_store %arg16[%swap3A_200], %mul3A_3 {strides = array<i32>} : memref<2048xi32, #tpu.memory_space<vmem>>, vector<16xi32>,
        %scan3A_202 = arith.constant 0 : i32
        %scan3A_203 = arith.constant 7 : i32
        %scan3A_204 = arith.addi %scan3A_155, %scan3A_203 : i32
        %mul3A_205 = arith.constant 16 : i32
        %mul3A_206 = arith.muli %scan3A_204, %mul3A_205 : i32
        %swap3A_207 = arith.index_cast %mul3A_206 : i32 to index
        %swap3A_208 = tpu.vector_load %arg16[%swap3A_207] {strides = array<i32>} : memref<2048xi32, #tpu.memory_space<vmem>>, vector<16xi32>,
        tpu.vector_store %arg16[%swap3A_207], %mul3A_3 {strides = array<i32>} : memref<2048xi32, #tpu.memory_space<vmem>>, vector<16xi32>,
        %scan3A_209 = arith.constant 0 : i32
        scf.yield %scan3A_209 : i32
      }
      %scan3A_56 = arith.constant 128 : i32
      %scan3A_57 = arith.constant 2047 : i32
      %scan3A_58 = arith.constant 0 : i32
      %scan3A_59 = arith.constant 0 : i32
      %scan3A_60 = arith.constant 1024 : i32
      %scan3A_61 = arith.addi %scan3A_59, %scan3A_60 : i32
      %scan3A_62 = arith.constant 8 : i32
      %scan3A_63 = scf.for %scan3A_155 = %scan3A_59 to %scan3A_61 step %scan3A_62 iter_args(%scan3A_156 = %scan3A_58) -> (i32)  : i32 {
        %mul3A_157 = arith.constant 16 : i32
        %mul3A_158 = arith.muli %scan3A_155, %mul3A_157 : i32
        %add3A_159 = vector.broadcast %mul3A_158 : i32 to vector<16xi32>
        %add3A_160 = arith.addi %add3A_159, %iota3A : vector<16xi32>
        %lt3A = vector.broadcast %min3A_49 : i32 to vector<16xi32>
        %lt3A_161 = arith.cmpi slt, %add3A_160, %lt3A : vector<16xi32>
        %mul3A_162 = arith.constant 16 : i32
        %mul3A_163 = arith.muli %scan3A_155, %mul3A_162 : i32
        %get3A = arith.index_cast %mul3A_163 : i32 to index
        %get3A_164 = tpu.vector_load %arg17[%get3A] {strides = array<i32>} : memref<16384xi32, #tpu.memory_space<vmem>>, vector<16xi32>,
        %bitcast3A = vector.bitcast %get3A_164 : vector<16xi32> to vector<16xi32>
        %shift_right_logical3A = arith.constant 0 : i32
        %shift_right_logical3A_165 = vector.broadcast %shift_right_logical3A : i32 to vector<16xi32>
        %shift_right_logical3A_166 = arith.shrui %bitcast3A, %shift_right_logical3A_165 : vector<16xi32>
        %and3A = vector.broadcast %scan3A_57 : i32 to vector<16xi32>
        %and3A_167 = arith.andi %shift_right_logical3A_166, %and3A : vector<16xi32>
        %bitcast3A_168 = vector.bitcast %and3A_167 : vector<16xi32> to vector<16xi32>
        %unique3A_169, %unique3A_170 = tpu.scan_count mask(%lt3A_161 : vector<16xi1>) value(%bitcast3A_168 : vector<16xi32>) : vector<16xi1>, vector<16xi32>
        %sub3A_171 = arith.subi %unique3A_170, %sub3A : vector<16xi32>
        %add3A_172 = arith.constant 1 : i32
        %add3A_173 = vector.broadcast %add3A_172 : i32 to vector<16xi32>
        %add3A_174 = arith.addi %sub3A_171, %add3A_173 : vector<16xi32>
        tpu.vector_store_idx %arg16[%bitcast3A_168], %add3A_174 masked %unique3A_169 {add = true} : memref<2048xi32, #tpu.memory_space<vmem>>[vector<16xi32>], vector<16xi32>, vector<16xi1>
        %scan3A_175 = arith.constant 0 : i32
        %scan3A_176 = arith.constant 1 : i32
        %scan3A_177 = arith.addi %scan3A_155, %scan3A_176 : i32
        %mul3A_178 = arith.constant 16 : i32
        %mul3A_179 = arith.muli %scan3A_177, %mul3A_178 : i32
        %add3A_180 = vector.broadcast %mul3A_179 : i32 to vector<16xi32>
        %add3A_181 = arith.addi %add3A_180, %iota3A : vector<16xi32>
        %lt3A_182 = vector.broadcast %min3A_49 : i32 to vector<16xi32>
        %lt3A_183 = arith.cmpi slt, %add3A_181, %lt3A_182 : vector<16xi32>
        %mul3A_184 = arith.constant 16 : i32
        %mul3A_185 = arith.muli %scan3A_177, %mul3A_184 : i32
        %get3A_186 = arith.index_cast %mul3A_185 : i32 to index
        %get3A_187 = tpu.vector_load %arg17[%get3A_186] {strides = array<i32>} : memref<16384xi32, #tpu.memory_space<vmem>>, vector<16xi32>,
        %bitcast3A_188 = vector.bitcast %get3A_187 : vector<16xi32> to vector<16xi32>
        %shift_right_logical3A_189 = arith.constant 0 : i32
        %shift_right_logical3A_190 = vector.broadcast %shift_right_logical3A_189 : i32 to vector<16xi32>
        %shift_right_logical3A_191 = arith.shrui %bitcast3A_188, %shift_right_logical3A_190 : vector<16xi32>
        %and3A_192 = vector.broadcast %scan3A_57 : i32 to vector<16xi32>
        %and3A_193 = arith.andi %shift_right_logical3A_191, %and3A_192 : vector<16xi32>
        %bitcast3A_194 = vector.bitcast %and3A_193 : vector<16xi32> to vector<16xi32>
        %unique3A_195, %unique3A_196 = tpu.scan_count mask(%lt3A_183 : vector<16xi1>) value(%bitcast3A_194 : vector<16xi32>) : vector<16xi1>, vector<16xi32>
        %sub3A_197 = arith.subi %unique3A_196, %sub3A : vector<16xi32>
        %add3A_198 = arith.constant 1 : i32
        %add3A_199 = vector.broadcast %add3A_198 : i32 to vector<16xi32>
        %add3A_200 = arith.addi %sub3A_197, %add3A_199 : vector<16xi32>
        tpu.vector_store_idx %arg16[%bitcast3A_194], %add3A_200 masked %unique3A_195 {add = true} : memref<2048xi32, #tpu.memory_space<vmem>>[vector<16xi32>], vector<16xi32>, vector<16xi1>
        %scan3A_201 = arith.constant 0 : i32
        %scan3A_202 = arith.constant 2 : i32
        %scan3A_203 = arith.addi %scan3A_155, %scan3A_202 : i32
        %mul3A_204 = arith.constant 16 : i32
        %mul3A_205 = arith.muli %scan3A_203, %mul3A_204 : i32
        %add3A_206 = vector.broadcast %mul3A_205 : i32 to vector<16xi32>
        %add3A_207 = arith.addi %add3A_206, %iota3A : vector<16xi32>
        %lt3A_208 = vector.broadcast %min3A_49 : i32 to vector<16xi32>
        %lt3A_209 = arith.cmpi slt, %add3A_207, %lt3A_208 : vector<16xi32>
        %mul3A_210 = arith.constant 16 : i32
        %mul3A_211 = arith.muli %scan3A_203, %mul3A_210 : i32
        %get3A_212 = arith.index_cast %mul3A_211 : i32 to index
        %get3A_213 = tpu.vector_load %arg17[%get3A_212] {strides = array<i32>} : memref<16384xi32, #tpu.memory_space<vmem>>, vector<16xi32>,
        %bitcast3A_214 = vector.bitcast %get3A_213 : vector<16xi32> to vector<16xi32>
        %shift_right_logical3A_215 = arith.constant 0 : i32
        %shift_right_logical3A_216 = vector.broadcast %shift_right_logical3A_215 : i32 to vector<16xi32>
        %shift_right_logical3A_217 = arith.shrui %bitcast3A_214, %shift_right_logical3A_216 : vector<16xi32>
        %and3A_218 = vector.broadcast %scan3A_57 : i32 to vector<16xi32>
        %and3A_219 = arith.andi %shift_right_logical3A_217, %and3A_218 : vector<16xi32>
        %bitcast3A_220 = vector.bitcast %and3A_219 : vector<16xi32> to vector<16xi32>
        %unique3A_221, %unique3A_222 = tpu.scan_count mask(%lt3A_209 : vector<16xi1>) value(%bitcast3A_220 : vector<16xi32>) : vector<16xi1>, vector<16xi32>
        %sub3A_223 = arith.subi %unique3A_222, %sub3A : vector<16xi32>
        %add3A_224 = arith.constant 1 : i32
        %add3A_225 = vector.broadcast %add3A_224 : i32 to vector<16xi32>
        %add3A_226 = arith.addi %sub3A_223, %add3A_225 : vector<16xi32>
        tpu.vector_store_idx %arg16[%bitcast3A_220], %add3A_226 masked %unique3A_221 {add = true} : memref<2048xi32, #tpu.memory_space<vmem>>[vector<16xi32>], vector<16xi32>, vector<16xi1>
        %scan3A_227 = arith.constant 0 : i32
        %scan3A_228 = arith.constant 3 : i32
        %scan3A_229 = arith.addi %scan3A_155, %scan3A_228 : i32
        %mul3A_230 = arith.constant 16 : i32
        %mul3A_231 = arith.muli %scan3A_229, %mul3A_230 : i32
        %add3A_232 = vector.broadcast %mul3A_231 : i32 to vector<16xi32>
        %add3A_233 = arith.addi %add3A_232, %iota3A : vector<16xi32>
        %lt3A_234 = vector.broadcast %min3A_49 : i32 to vector<16xi32>
        %lt3A_235 = arith.cmpi slt, %add3A_233, %lt3A_234 : vector<16xi32>
        %mul3A_236 = arith.constant 16 : i32
        %mul3A_237 = arith.muli %scan3A_229, %mul3A_236 : i32
        %get3A_238 = arith.index_cast %mul3A_237 : i32 to index
        %get3A_239 = tpu.vector_load %arg17[%get3A_238] {strides = array<i32>} : memref<16384xi32, #tpu.memory_space<vmem>>, vector<16xi32>,
        %bitcast3A_240 = vector.bitcast %get3A_239 : vector<16xi32> to vector<16xi32>
        %shift_right_logical3A_241 = arith.constant 0 : i32
        %shift_right_logical3A_242 = vector.broadcast %shift_right_logical3A_241 : i32 to vector<16xi32>
        %shift_right_logical3A_243 = arith.shrui %bitcast3A_240, %shift_right_logical3A_242 : vector<16xi32>
        %and3A_244 = vector.broadcast %scan3A_57 : i32 to vector<16xi32>
        %and3A_245 = arith.andi %shift_right_logical3A_243, %and3A_244 : vector<16xi32>
        %bitcast3A_246 = vector.bitcast %and3A_245 : vector<16xi32> to vector<16xi32>
        %unique3A_247, %unique3A_248 = tpu.scan_count mask(%lt3A_235 : vector<16xi1>) value(%bitcast3A_246 : vector<16xi32>) : vector<16xi1>, vector<16xi32>
        %sub3A_249 = arith.subi %unique3A_248, %sub3A : vector<16xi32>
        %add3A_250 = arith.constant 1 : i32
        %add3A_251 = vector.broadcast %add3A_250 : i32 to vector<16xi32>
        %add3A_252 = arith.addi %sub3A_249, %add3A_251 : vector<16xi32>
        tpu.vector_store_idx %arg16[%bitcast3A_246], %add3A_252 masked %unique3A_247 {add = true} : memref<2048xi32, #tpu.memory_space<vmem>>[vector<16xi32>], vector<16xi32>, vector<16xi1>
        %scan3A_253 = arith.constant 0 : i32
        %scan3A_254 = arith.constant 4 : i32
        %scan3A_255 = arith.addi %scan3A_155, %scan3A_254 : i32
        %mul3A_256 = arith.constant 16 : i32
        %mul3A_257 = arith.muli %scan3A_255, %mul3A_256 : i32
        %add3A_258 = vector.broadcast %mul3A_257 : i32 to vector<16xi32>
        %add3A_259 = arith.addi %add3A_258, %iota3A : vector<16xi32>
        %lt3A_260 = vector.broadcast %min3A_49 : i32 to vector<16xi32>
        %lt3A_261 = arith.cmpi slt, %add3A_259, %lt3A_260 : vector<16xi32>
        %mul3A_262 = arith.constant 16 : i32
        %mul3A_263 = arith.muli %scan3A_255, %mul3A_262 : i32
        %get3A_264 = arith.index_cast %mul3A_263 : i32 to index
        %get3A_265 = tpu.vector_load %arg17[%get3A_264] {strides = array<i32>} : memref<16384xi32, #tpu.memory_space<vmem>>, vector<16xi32>,
        %bitcast3A_266 = vector.bitcast %get3A_265 : vector<16xi32> to vector<16xi32>
        %shift_right_logical3A_267 = arith.constant 0 : i32
        %shift_right_logical3A_268 = vector.broadcast %shift_right_logical3A_267 : i32 to vector<16xi32>
        %shift_right_logical3A_269 = arith.shrui %bitcast3A_266, %shift_right_logical3A_268 : vector<16xi32>
        %and3A_270 = vector.broadcast %scan3A_57 : i32 to vector<16xi32>
        %and3A_271 = arith.andi %shift_right_logical3A_269, %and3A_270 : vector<16xi32>
        %bitcast3A_272 = vector.bitcast %and3A_271 : vector<16xi32> to vector<16xi32>
        %unique3A_273, %unique3A_274 = tpu.scan_count mask(%lt3A_261 : vector<16xi1>) value(%bitcast3A_272 : vector<16xi32>) : vector<16xi1>, vector<16xi32>
        %sub3A_275 = arith.subi %unique3A_274, %sub3A : vector<16xi32>
        %add3A_276 = arith.constant 1 : i32
        %add3A_277 = vector.broadcast %add3A_276 : i32 to vector<16xi32>
        %add3A_278 = arith.addi %sub3A_275, %add3A_277 : vector<16xi32>
        tpu.vector_store_idx %arg16[%bitcast3A_272], %add3A_278 masked %unique3A_273 {add = true} : memref<2048xi32, #tpu.memory_space<vmem>>[vector<16xi32>], vector<16xi32>, vector<16xi1>
        %scan3A_279 = arith.constant 0 : i32
        %scan3A_280 = arith.constant 5 : i32
        %scan3A_281 = arith.addi %scan3A_155, %scan3A_280 : i32
        %mul3A_282 = arith.constant 16 : i32
        %mul3A_283 = arith.muli %scan3A_281, %mul3A_282 : i32
        %add3A_284 = vector.broadcast %mul3A_283 : i32 to vector<16xi32>
        %add3A_285 = arith.addi %add3A_284, %iota3A : vector<16xi32>
        %lt3A_286 = vector.broadcast %min3A_49 : i32 to vector<16xi32>
        %lt3A_287 = arith.cmpi slt, %add3A_285, %lt3A_286 : vector<16xi32>
        %mul3A_288 = arith.constant 16 : i32
        %mul3A_289 = arith.muli %scan3A_281, %mul3A_288 : i32
        %get3A_290 = arith.index_cast %mul3A_289 : i32 to index
        %get3A_291 = tpu.vector_load %arg17[%get3A_290] {strides = array<i32>} : memref<16384xi32, #tpu.memory_space<vmem>>, vector<16xi32>,
        %bitcast3A_292 = vector.bitcast %get3A_291 : vector<16xi32> to vector<16xi32>
        %shift_right_logical3A_293 = arith.constant 0 : i32
        %shift_right_logical3A_294 = vector.broadcast %shift_right_logical3A_293 : i32 to vector<16xi32>
        %shift_right_logical3A_295 = arith.shrui %bitcast3A_292, %shift_right_logical3A_294 : vector<16xi32>
        %and3A_296 = vector.broadcast %scan3A_57 : i32 to vector<16xi32>
        %and3A_297 = arith.andi %shift_right_logical3A_295, %and3A_296 : vector<16xi32>
        %bitcast3A_298 = vector.bitcast %and3A_297 : vector<16xi32> to vector<16xi32>
        %unique3A_299, %unique3A_300 = tpu.scan_count mask(%lt3A_287 : vector<16xi1>) value(%bitcast3A_298 : vector<16xi32>) : vector<16xi1>, vector<16xi32>
        %sub3A_301 = arith.subi %unique3A_300, %sub3A : vector<16xi32>
        %add3A_302 = arith.constant 1 : i32
        %add3A_303 = vector.broadcast %add3A_302 : i32 to vector<16xi32>
        %add3A_304 = arith.addi %sub3A_301, %add3A_303 : vector<16xi32>
        tpu.vector_store_idx %arg16[%bitcast3A_298], %add3A_304 masked %unique3A_299 {add = true} : memref<2048xi32, #tpu.memory_space<vmem>>[vector<16xi32>], vector<16xi32>, vector<16xi1>
        %scan3A_305 = arith.constant 0 : i32
        %scan3A_306 = arith.constant 6 : i32
        %scan3A_307 = arith.addi %scan3A_155, %scan3A_306 : i32
        %mul3A_308 = arith.constant 16 : i32
        %mul3A_309 = arith.muli %scan3A_307, %mul3A_308 : i32
        %add3A_310 = vector.broadcast %mul3A_309 : i32 to vector<16xi32>
        %add3A_311 = arith.addi %add3A_310, %iota3A : vector<16xi32>
        %lt3A_312 = vector.broadcast %min3A_49 : i32 to vector<16xi32>
        %lt3A_313 = arith.cmpi slt, %add3A_311, %lt3A_312 : vector<16xi32>
        %mul3A_314 = arith.constant 16 : i32
        %mul3A_315 = arith.muli %scan3A_307, %mul3A_314 : i32
        %get3A_316 = arith.index_cast %mul3A_315 : i32 to index
        %get3A_317 = tpu.vector_load %arg17[%get3A_316] {strides = array<i32>} : memref<16384xi32, #tpu.memory_space<vmem>>, vector<16xi32>,
        %bitcast3A_318 = vector.bitcast %get3A_317 : vector<16xi32> to vector<16xi32>
        %shift_right_logical3A_319 = arith.constant 0 : i32
        %shift_right_logical3A_320 = vector.broadcast %shift_right_logical3A_319 : i32 to vector<16xi32>
        %shift_right_logical3A_321 = arith.shrui %bitcast3A_318, %shift_right_logical3A_320 : vector<16xi32>
        %and3A_322 = vector.broadcast %scan3A_57 : i32 to vector<16xi32>
        %and3A_323 = arith.andi %shift_right_logical3A_321, %and3A_322 : vector<16xi32>
        %bitcast3A_324 = vector.bitcast %and3A_323 : vector<16xi32> to vector<16xi32>
        %unique3A_325, %unique3A_326 = tpu.scan_count mask(%lt3A_313 : vector<16xi1>) value(%bitcast3A_324 : vector<16xi32>) : vector<16xi1>, vector<16xi32>
        %sub3A_327 = arith.subi %unique3A_326, %sub3A : vector<16xi32>
        %add3A_328 = arith.constant 1 : i32
        %add3A_329 = vector.broadcast %add3A_328 : i32 to vector<16xi32>
        %add3A_330 = arith.addi %sub3A_327, %add3A_329 : vector<16xi32>
        tpu.vector_store_idx %arg16[%bitcast3A_324], %add3A_330 masked %unique3A_325 {add = true} : memref<2048xi32, #tpu.memory_space<vmem>>[vector<16xi32>], vector<16xi32>, vector<16xi1>
        %scan3A_331 = arith.constant 0 : i32
        %scan3A_332 = arith.constant 7 : i32
        %scan3A_333 = arith.addi %scan3A_155, %scan3A_332 : i32
        %mul3A_334 = arith.constant 16 : i32
        %mul3A_335 = arith.muli %scan3A_333, %mul3A_334 : i32
        %add3A_336 = vector.broadcast %mul3A_335 : i32 to vector<16xi32>
        %add3A_337 = arith.addi %add3A_336, %iota3A : vector<16xi32>
        %lt3A_338 = vector.broadcast %min3A_49 : i32 to vector<16xi32>
        %lt3A_339 = arith.cmpi slt, %add3A_337, %lt3A_338 : vector<16xi32>
        %mul3A_340 = arith.constant 16 : i32
        %mul3A_341 = arith.muli %scan3A_333, %mul3A_340 : i32
        %get3A_342 = arith.index_cast %mul3A_341 : i32 to index
        %get3A_343 = tpu.vector_load %arg17[%get3A_342] {strides = array<i32>} : memref<16384xi32, #tpu.memory_space<vmem>>, vector<16xi32>,
        %bitcast3A_344 = vector.bitcast %get3A_343 : vector<16xi32> to vector<16xi32>
        %shift_right_logical3A_345 = arith.constant 0 : i32
        %shift_right_logical3A_346 = vector.broadcast %shift_right_logical3A_345 : i32 to vector<16xi32>
        %shift_right_logical3A_347 = arith.shrui %bitcast3A_344, %shift_right_logical3A_346 : vector<16xi32>
        %and3A_348 = vector.broadcast %scan3A_57 : i32 to vector<16xi32>
        %and3A_349 = arith.andi %shift_right_logical3A_347, %and3A_348 : vector<16xi32>
        %bitcast3A_350 = vector.bitcast %and3A_349 : vector<16xi32> to vector<16xi32>
        %unique3A_351, %unique3A_352 = tpu.scan_count mask(%lt3A_339 : vector<16xi1>) value(%bitcast3A_350 : vector<16xi32>) : vector<16xi1>, vector<16xi32>
        %sub3A_353 = arith.subi %unique3A_352, %sub3A : vector<16xi32>
        %add3A_354 = arith.constant 1 : i32
        %add3A_355 = vector.broadcast %add3A_354 : i32 to vector<16xi32>
        %add3A_356 = arith.addi %sub3A_353, %add3A_355 : vector<16xi32>
        tpu.vector_store_idx %arg16[%bitcast3A_350], %add3A_356 masked %unique3A_351 {add = true} : memref<2048xi32, #tpu.memory_space<vmem>>[vector<16xi32>], vector<16xi32>, vector<16xi1>
        %scan3A_357 = arith.constant 0 : i32
        scf.yield %scan3A_357 : i32
      }
      %scan3A_64 = arith.constant 1024 : i32
      %scan3A_65 = arith.constant 0 : i32
      %scan3A_66 = arith.constant 0 : i32
      %scan3A_67 = arith.constant 128 : i32
      %scan3A_68 = arith.addi %scan3A_66, %scan3A_67 : i32
      %scan3A_69 = arith.constant 4 : i32
      %scan3A_70 = scf.for %scan3A_155 = %scan3A_66 to %scan3A_68 step %scan3A_69 iter_args(%scan3A_156 = %scan3A_65) -> (i32)  : i32 {
        %mul3A_157 = arith.constant 16 : i32
        %mul3A_158 = arith.muli %scan3A_155, %mul3A_157 : i32
        %get3A = arith.index_cast %mul3A_158 : i32 to index
        %get3A_159 = tpu.vector_load %arg16[%get3A] {strides = array<i32>} : memref<2048xi32, #tpu.memory_space<vmem>>, vector<16xi32>,
        %broadcast_in_dim3A_160 = arith.constant true
        %broadcast_in_dim3A_161 = vector.broadcast %broadcast_in_dim3A_160 : i1 to vector<16xi1>
        %masked_cumsum3A = tpu.scan <sum>, %get3A_159 masked %broadcast_in_dim3A_161 : vector<16xi32>, vector<16xi1> -> vector<16xi32>
        %add3A_162 = vector.broadcast %scan3A_156 : i32 to vector<16xi32>
        %add3A_163 = arith.addi %add3A_162, %masked_cumsum3A : vector<16xi32>
        %sub3A_164 = arith.subi %add3A_163, %get3A_159 : vector<16xi32>
        %mul3A_165 = arith.constant 16 : i32
        %mul3A_166 = arith.muli %scan3A_155, %mul3A_165 : i32
        %swap3A = arith.index_cast %mul3A_166 : i32 to index
        %swap3A_167 = tpu.vector_load %arg16[%swap3A] {strides = array<i32>} : memref<2048xi32, #tpu.memory_space<vmem>>, vector<16xi32>,
        tpu.vector_store %arg16[%swap3A], %sub3A_164 {strides = array<i32>} : memref<2048xi32, #tpu.memory_space<vmem>>, vector<16xi32>,
        %reduce_max3A = arith.constant true
        %reduce_max3A_168 = vector.broadcast %reduce_max3A : i1 to vector<16xi1>
        %reduce_max3A_169 = arith.constant -2147483648 : i32
        %reduce_max3A_170 = vector.broadcast %reduce_max3A_169 : i32 to vector<16xi32>
        %reduce_max3A_171 = arith.xori %masked_cumsum3A, %reduce_max3A_170 : vector<16xi32>
        %reduce_max3A_172 = tpu.scan <max>, %reduce_max3A_171 masked %reduce_max3A_168 : vector<16xi32>, vector<16xi1> -> vector<16xi32>
        %reduce_max3A_173 = arith.xori %reduce_max3A_172, %reduce_max3A_170 : vector<16xi32>
        %reduce_max3A_174 = vector.extract %reduce_max3A_173[15] : i32 from vector<16xi32>
        %add3A_175 = arith.addi %scan3A_156, %reduce_max3A_174 : i32
        %scan3A_176 = arith.constant 1 : i32
        %scan3A_177 = arith.addi %scan3A_155, %scan3A_176 : i32
        %mul3A_178 = arith.constant 16 : i32
        %mul3A_179 = arith.muli %scan3A_177, %mul3A_178 : i32
        %get3A_180 = arith.index_cast %mul3A_179 : i32 to index
        %get3A_181 = tpu.vector_load %arg16[%get3A_180] {strides = array<i32>} : memref<2048xi32, #tpu.memory_space<vmem>>, vector<16xi32>,
        %broadcast_in_dim3A_182 = arith.constant true
        %broadcast_in_dim3A_183 = vector.broadcast %broadcast_in_dim3A_182 : i1 to vector<16xi1>
        %masked_cumsum3A_184 = tpu.scan <sum>, %get3A_181 masked %broadcast_in_dim3A_183 : vector<16xi32>, vector<16xi1> -> vector<16xi32>
        %add3A_185 = vector.broadcast %add3A_175 : i32 to vector<16xi32>
        %add3A_186 = arith.addi %add3A_185, %masked_cumsum3A_184 : vector<16xi32>
        %sub3A_187 = arith.subi %add3A_186, %get3A_181 : vector<16xi32>
        %mul3A_188 = arith.constant 16 : i32
        %mul3A_189 = arith.muli %scan3A_177, %mul3A_188 : i32
        %swap3A_190 = arith.index_cast %mul3A_189 : i32 to index
        %swap3A_191 = tpu.vector_load %arg16[%swap3A_190] {strides = array<i32>} : memref<2048xi32, #tpu.memory_space<vmem>>, vector<16xi32>,
        tpu.vector_store %arg16[%swap3A_190], %sub3A_187 {strides = array<i32>} : memref<2048xi32, #tpu.memory_space<vmem>>, vector<16xi32>,
        %reduce_max3A_192 = arith.constant true
        %reduce_max3A_193 = vector.broadcast %reduce_max3A_192 : i1 to vector<16xi1>
        %reduce_max3A_194 = arith.constant -2147483648 : i32
        %reduce_max3A_195 = vector.broadcast %reduce_max3A_194 : i32 to vector<16xi32>
        %reduce_max3A_196 = arith.xori %masked_cumsum3A_184, %reduce_max3A_195 : vector<16xi32>
        %reduce_max3A_197 = tpu.scan <max>, %reduce_max3A_196 masked %reduce_max3A_193 : vector<16xi32>, vector<16xi1> -> vector<16xi32>
        %reduce_max3A_198 = arith.xori %reduce_max3A_197, %reduce_max3A_195 : vector<16xi32>
        %reduce_max3A_199 = vector.extract %reduce_max3A_198[15] : i32 from vector<16xi32>
        %add3A_200 = arith.addi %add3A_175, %reduce_max3A_199 : i32
        %scan3A_201 = arith.constant 2 : i32
        %scan3A_202 = arith.addi %scan3A_155, %scan3A_201 : i32
        %mul3A_203 = arith.constant 16 : i32
        %mul3A_204 = arith.muli %scan3A_202, %mul3A_203 : i32
        %get3A_205 = arith.index_cast %mul3A_204 : i32 to index
        %get3A_206 = tpu.vector_load %arg16[%get3A_205] {strides = array<i32>} : memref<2048xi32, #tpu.memory_space<vmem>>, vector<16xi32>,
        %broadcast_in_dim3A_207 = arith.constant true
        %broadcast_in_dim3A_208 = vector.broadcast %broadcast_in_dim3A_207 : i1 to vector<16xi1>
        %masked_cumsum3A_209 = tpu.scan <sum>, %get3A_206 masked %broadcast_in_dim3A_208 : vector<16xi32>, vector<16xi1> -> vector<16xi32>
        %add3A_210 = vector.broadcast %add3A_200 : i32 to vector<16xi32>
        %add3A_211 = arith.addi %add3A_210, %masked_cumsum3A_209 : vector<16xi32>
        %sub3A_212 = arith.subi %add3A_211, %get3A_206 : vector<16xi32>
        %mul3A_213 = arith.constant 16 : i32
        %mul3A_214 = arith.muli %scan3A_202, %mul3A_213 : i32
        %swap3A_215 = arith.index_cast %mul3A_214 : i32 to index
        %swap3A_216 = tpu.vector_load %arg16[%swap3A_215] {strides = array<i32>} : memref<2048xi32, #tpu.memory_space<vmem>>, vector<16xi32>,
        tpu.vector_store %arg16[%swap3A_215], %sub3A_212 {strides = array<i32>} : memref<2048xi32, #tpu.memory_space<vmem>>, vector<16xi32>,
        %reduce_max3A_217 = arith.constant true
        %reduce_max3A_218 = vector.broadcast %reduce_max3A_217 : i1 to vector<16xi1>
        %reduce_max3A_219 = arith.constant -2147483648 : i32
        %reduce_max3A_220 = vector.broadcast %reduce_max3A_219 : i32 to vector<16xi32>
        %reduce_max3A_221 = arith.xori %masked_cumsum3A_209, %reduce_max3A_220 : vector<16xi32>
        %reduce_max3A_222 = tpu.scan <max>, %reduce_max3A_221 masked %reduce_max3A_218 : vector<16xi32>, vector<16xi1> -> vector<16xi32>
        %reduce_max3A_223 = arith.xori %reduce_max3A_222, %reduce_max3A_220 : vector<16xi32>
        %reduce_max3A_224 = vector.extract %reduce_max3A_223[15] : i32 from vector<16xi32>
        %add3A_225 = arith.addi %add3A_200, %reduce_max3A_224 : i32
        %scan3A_226 = arith.constant 3 : i32
        %scan3A_227 = arith.addi %scan3A_155, %scan3A_226 : i32
        %mul3A_228 = arith.constant 16 : i32
        %mul3A_229 = arith.muli %scan3A_227, %mul3A_228 : i32
        %get3A_230 = arith.index_cast %mul3A_229 : i32 to index
        %get3A_231 = tpu.vector_load %arg16[%get3A_230] {strides = array<i32>} : memref<2048xi32, #tpu.memory_space<vmem>>, vector<16xi32>,
        %broadcast_in_dim3A_232 = arith.constant true
        %broadcast_in_dim3A_233 = vector.broadcast %broadcast_in_dim3A_232 : i1 to vector<16xi1>
        %masked_cumsum3A_234 = tpu.scan <sum>, %get3A_231 masked %broadcast_in_dim3A_233 : vector<16xi32>, vector<16xi1> -> vector<16xi32>
        %add3A_235 = vector.broadcast %add3A_225 : i32 to vector<16xi32>
        %add3A_236 = arith.addi %add3A_235, %masked_cumsum3A_234 : vector<16xi32>
        %sub3A_237 = arith.subi %add3A_236, %get3A_231 : vector<16xi32>
        %mul3A_238 = arith.constant 16 : i32
        %mul3A_239 = arith.muli %scan3A_227, %mul3A_238 : i32
        %swap3A_240 = arith.index_cast %mul3A_239 : i32 to index
        %swap3A_241 = tpu.vector_load %arg16[%swap3A_240] {strides = array<i32>} : memref<2048xi32, #tpu.memory_space<vmem>>, vector<16xi32>,
        tpu.vector_store %arg16[%swap3A_240], %sub3A_237 {strides = array<i32>} : memref<2048xi32, #tpu.memory_space<vmem>>, vector<16xi32>,
        %reduce_max3A_242 = arith.constant true
        %reduce_max3A_243 = vector.broadcast %reduce_max3A_242 : i1 to vector<16xi1>
        %reduce_max3A_244 = arith.constant -2147483648 : i32
        %reduce_max3A_245 = vector.broadcast %reduce_max3A_244 : i32 to vector<16xi32>
        %reduce_max3A_246 = arith.xori %masked_cumsum3A_234, %reduce_max3A_245 : vector<16xi32>
        %reduce_max3A_247 = tpu.scan <max>, %reduce_max3A_246 masked %reduce_max3A_243 : vector<16xi32>, vector<16xi1> -> vector<16xi32>
        %reduce_max3A_248 = arith.xori %reduce_max3A_247, %reduce_max3A_245 : vector<16xi32>
        %reduce_max3A_249 = vector.extract %reduce_max3A_248[15] : i32 from vector<16xi32>
        %add3A_250 = arith.addi %add3A_225, %reduce_max3A_249 : i32
        scf.yield %add3A_250 : i32
      }
      %scan3A_71 = arith.constant 128 : i32
      %scan3A_72 = arith.constant 2047 : i32
      %scan3A_73 = arith.constant 0 : i32
      %scan3A_74 = arith.constant 0 : i32
      %scan3A_75 = arith.constant 1024 : i32
      %scan3A_76 = arith.addi %scan3A_74, %scan3A_75 : i32
      %scan3A_77 = arith.constant 4 : i32
      %scan3A_78 = scf.for %scan3A_155 = %scan3A_74 to %scan3A_76 step %scan3A_77 iter_args(%scan3A_156 = %scan3A_73) -> (i32)  : i32 {
        %mul3A_157 = arith.constant 16 : i32
        %mul3A_158 = arith.muli %scan3A_155, %mul3A_157 : i32
        %add3A_159 = vector.broadcast %mul3A_158 : i32 to vector<16xi32>
        %add3A_160 = arith.addi %add3A_159, %iota3A : vector<16xi32>
        %lt3A = vector.broadcast %min3A_49 : i32 to vector<16xi32>
        %lt3A_161 = arith.cmpi slt, %add3A_160, %lt3A : vector<16xi32>
        %mul3A_162 = arith.constant 16 : i32
        %mul3A_163 = arith.muli %scan3A_155, %mul3A_162 : i32
        %get3A = arith.index_cast %mul3A_163 : i32 to index
        %get3A_164 = tpu.vector_load %arg17[%get3A] {strides = array<i32>} : memref<16384xi32, #tpu.memory_space<vmem>>, vector<16xi32>,
        %mul3A_165 = arith.constant 16 : i32
        %mul3A_166 = arith.muli %scan3A_155, %mul3A_165 : i32
        %get3A_167 = arith.index_cast %mul3A_166 : i32 to index
        %get3A_168 = tpu.vector_load %arg18[%get3A_167] {strides = array<i32>} : memref<16384xi32, #tpu.memory_space<vmem>>, vector<16xi32>,
        %bitcast3A = vector.bitcast %get3A_164 : vector<16xi32> to vector<16xi32>
        %shift_right_logical3A = arith.constant 0 : i32
        %shift_right_logical3A_169 = vector.broadcast %shift_right_logical3A : i32 to vector<16xi32>
        %shift_right_logical3A_170 = arith.shrui %bitcast3A, %shift_right_logical3A_169 : vector<16xi32>
        %and3A = vector.broadcast %scan3A_72 : i32 to vector<16xi32>
        %and3A_171 = arith.andi %shift_right_logical3A_170, %and3A : vector<16xi32>
        %bitcast3A_172 = vector.bitcast %and3A_171 : vector<16xi32> to vector<16xi32>
        %unique3A_173, %unique3A_174 = tpu.scan_count mask(%lt3A_161 : vector<16xi1>) value(%bitcast3A_172 : vector<16xi32>) : vector<16xi1>, vector<16xi32>
        %sub3A_175 = arith.subi %unique3A_174, %sub3A : vector<16xi32>
        %gather3A = tpu.vector_load_idx %arg16[%bitcast3A_172] : memref<2048xi32, #tpu.memory_space<vmem>>[vector<16xi32>], vector<16xi32>,
        %add3A_176 = arith.addi %gather3A, %sub3A_175 : vector<16xi32>
        tpu.vector_store_idx %arg19[%add3A_176], %get3A_164 masked %lt3A_161 : memref<16384xi32, #tpu.memory_space<vmem>>[vector<16xi32>], vector<16xi32>, vector<16xi1>
        tpu.vector_store_idx %arg20[%add3A_176], %get3A_168 masked %lt3A_161 : memref<16384xi32, #tpu.memory_space<vmem>>[vector<16xi32>], vector<16xi32>, vector<16xi1>
        %add3A_177 = arith.constant 1 : i32
        %add3A_178 = vector.broadcast %add3A_177 : i32 to vector<16xi32>
        %add3A_179 = arith.addi %sub3A_175, %add3A_178 : vector<16xi32>
        tpu.vector_store_idx %arg16[%bitcast3A_172], %add3A_179 masked %unique3A_173 {add = true} : memref<2048xi32, #tpu.memory_space<vmem>>[vector<16xi32>], vector<16xi32>, vector<16xi1>
        %scan3A_180 = arith.constant 0 : i32
        %scan3A_181 = arith.constant 1 : i32
        %scan3A_182 = arith.addi %scan3A_155, %scan3A_181 : i32
        %mul3A_183 = arith.constant 16 : i32
        %mul3A_184 = arith.muli %scan3A_182, %mul3A_183 : i32
        %add3A_185 = vector.broadcast %mul3A_184 : i32 to vector<16xi32>
        %add3A_186 = arith.addi %add3A_185, %iota3A : vector<16xi32>
        %lt3A_187 = vector.broadcast %min3A_49 : i32 to vector<16xi32>
        %lt3A_188 = arith.cmpi slt, %add3A_186, %lt3A_187 : vector<16xi32>
        %mul3A_189 = arith.constant 16 : i32
        %mul3A_190 = arith.muli %scan3A_182, %mul3A_189 : i32
        %get3A_191 = arith.index_cast %mul3A_190 : i32 to index
        %get3A_192 = tpu.vector_load %arg17[%get3A_191] {strides = array<i32>} : memref<16384xi32, #tpu.memory_space<vmem>>, vector<16xi32>,
        %mul3A_193 = arith.constant 16 : i32
        %mul3A_194 = arith.muli %scan3A_182, %mul3A_193 : i32
        %get3A_195 = arith.index_cast %mul3A_194 : i32 to index
        %get3A_196 = tpu.vector_load %arg18[%get3A_195] {strides = array<i32>} : memref<16384xi32, #tpu.memory_space<vmem>>, vector<16xi32>,
        %bitcast3A_197 = vector.bitcast %get3A_192 : vector<16xi32> to vector<16xi32>
        %shift_right_logical3A_198 = arith.constant 0 : i32
        %shift_right_logical3A_199 = vector.broadcast %shift_right_logical3A_198 : i32 to vector<16xi32>
        %shift_right_logical3A_200 = arith.shrui %bitcast3A_197, %shift_right_logical3A_199 : vector<16xi32>
        %and3A_201 = vector.broadcast %scan3A_72 : i32 to vector<16xi32>
        %and3A_202 = arith.andi %shift_right_logical3A_200, %and3A_201 : vector<16xi32>
        %bitcast3A_203 = vector.bitcast %and3A_202 : vector<16xi32> to vector<16xi32>
        %unique3A_204, %unique3A_205 = tpu.scan_count mask(%lt3A_188 : vector<16xi1>) value(%bitcast3A_203 : vector<16xi32>) : vector<16xi1>, vector<16xi32>
        %sub3A_206 = arith.subi %unique3A_205, %sub3A : vector<16xi32>
        %gather3A_207 = tpu.vector_load_idx %arg16[%bitcast3A_203] : memref<2048xi32, #tpu.memory_space<vmem>>[vector<16xi32>], vector<16xi32>,
        %add3A_208 = arith.addi %gather3A_207, %sub3A_206 : vector<16xi32>
        tpu.vector_store_idx %arg19[%add3A_208], %get3A_192 masked %lt3A_188 : memref<16384xi32, #tpu.memory_space<vmem>>[vector<16xi32>], vector<16xi32>, vector<16xi1>
        tpu.vector_store_idx %arg20[%add3A_208], %get3A_196 masked %lt3A_188 : memref<16384xi32, #tpu.memory_space<vmem>>[vector<16xi32>], vector<16xi32>, vector<16xi1>
        %add3A_209 = arith.constant 1 : i32
        %add3A_210 = vector.broadcast %add3A_209 : i32 to vector<16xi32>
        %add3A_211 = arith.addi %sub3A_206, %add3A_210 : vector<16xi32>
        tpu.vector_store_idx %arg16[%bitcast3A_203], %add3A_211 masked %unique3A_204 {add = true} : memref<2048xi32, #tpu.memory_space<vmem>>[vector<16xi32>], vector<16xi32>, vector<16xi1>
        %scan3A_212 = arith.constant 0 : i32
        %scan3A_213 = arith.constant 2 : i32
        %scan3A_214 = arith.addi %scan3A_155, %scan3A_213 : i32
        %mul3A_215 = arith.constant 16 : i32
        %mul3A_216 = arith.muli %scan3A_214, %mul3A_215 : i32
        %add3A_217 = vector.broadcast %mul3A_216 : i32 to vector<16xi32>
        %add3A_218 = arith.addi %add3A_217, %iota3A : vector<16xi32>
        %lt3A_219 = vector.broadcast %min3A_49 : i32 to vector<16xi32>
        %lt3A_220 = arith.cmpi slt, %add3A_218, %lt3A_219 : vector<16xi32>
        %mul3A_221 = arith.constant 16 : i32
        %mul3A_222 = arith.muli %scan3A_214, %mul3A_221 : i32
        %get3A_223 = arith.index_cast %mul3A_222 : i32 to index
        %get3A_224 = tpu.vector_load %arg17[%get3A_223] {strides = array<i32>} : memref<16384xi32, #tpu.memory_space<vmem>>, vector<16xi32>,
        %mul3A_225 = arith.constant 16 : i32
        %mul3A_226 = arith.muli %scan3A_214, %mul3A_225 : i32
        %get3A_227 = arith.index_cast %mul3A_226 : i32 to index
        %get3A_228 = tpu.vector_load %arg18[%get3A_227] {strides = array<i32>} : memref<16384xi32, #tpu.memory_space<vmem>>, vector<16xi32>,
        %bitcast3A_229 = vector.bitcast %get3A_224 : vector<16xi32> to vector<16xi32>
        %shift_right_logical3A_230 = arith.constant 0 : i32
        %shift_right_logical3A_231 = vector.broadcast %shift_right_logical3A_230 : i32 to vector<16xi32>
        %shift_right_logical3A_232 = arith.shrui %bitcast3A_229, %shift_right_logical3A_231 : vector<16xi32>
        %and3A_233 = vector.broadcast %scan3A_72 : i32 to vector<16xi32>
        %and3A_234 = arith.andi %shift_right_logical3A_232, %and3A_233 : vector<16xi32>
        %bitcast3A_235 = vector.bitcast %and3A_234 : vector<16xi32> to vector<16xi32>
        %unique3A_236, %unique3A_237 = tpu.scan_count mask(%lt3A_220 : vector<16xi1>) value(%bitcast3A_235 : vector<16xi32>) : vector<16xi1>, vector<16xi32>
        %sub3A_238 = arith.subi %unique3A_237, %sub3A : vector<16xi32>
        %gather3A_239 = tpu.vector_load_idx %arg16[%bitcast3A_235] : memref<2048xi32, #tpu.memory_space<vmem>>[vector<16xi32>], vector<16xi32>,
        %add3A_240 = arith.addi %gather3A_239, %sub3A_238 : vector<16xi32>
        tpu.vector_store_idx %arg19[%add3A_240], %get3A_224 masked %lt3A_220 : memref<16384xi32, #tpu.memory_space<vmem>>[vector<16xi32>], vector<16xi32>, vector<16xi1>
        tpu.vector_store_idx %arg20[%add3A_240], %get3A_228 masked %lt3A_220 : memref<16384xi32, #tpu.memory_space<vmem>>[vector<16xi32>], vector<16xi32>, vector<16xi1>
        %add3A_241 = arith.constant 1 : i32
        %add3A_242 = vector.broadcast %add3A_241 : i32 to vector<16xi32>
        %add3A_243 = arith.addi %sub3A_238, %add3A_242 : vector<16xi32>
        tpu.vector_store_idx %arg16[%bitcast3A_235], %add3A_243 masked %unique3A_236 {add = true} : memref<2048xi32, #tpu.memory_space<vmem>>[vector<16xi32>], vector<16xi32>, vector<16xi1>
        %scan3A_244 = arith.constant 0 : i32
        %scan3A_245 = arith.constant 3 : i32
        %scan3A_246 = arith.addi %scan3A_155, %scan3A_245 : i32
        %mul3A_247 = arith.constant 16 : i32
        %mul3A_248 = arith.muli %scan3A_246, %mul3A_247 : i32
        %add3A_249 = vector.broadcast %mul3A_248 : i32 to vector<16xi32>
        %add3A_250 = arith.addi %add3A_249, %iota3A : vector<16xi32>
        %lt3A_251 = vector.broadcast %min3A_49 : i32 to vector<16xi32>
        %lt3A_252 = arith.cmpi slt, %add3A_250, %lt3A_251 : vector<16xi32>
        %mul3A_253 = arith.constant 16 : i32
        %mul3A_254 = arith.muli %scan3A_246, %mul3A_253 : i32
        %get3A_255 = arith.index_cast %mul3A_254 : i32 to index
        %get3A_256 = tpu.vector_load %arg17[%get3A_255] {strides = array<i32>} : memref<16384xi32, #tpu.memory_space<vmem>>, vector<16xi32>,
        %mul3A_257 = arith.constant 16 : i32
        %mul3A_258 = arith.muli %scan3A_246, %mul3A_257 : i32
        %get3A_259 = arith.index_cast %mul3A_258 : i32 to index
        %get3A_260 = tpu.vector_load %arg18[%get3A_259] {strides = array<i32>} : memref<16384xi32, #tpu.memory_space<vmem>>, vector<16xi32>,
        %bitcast3A_261 = vector.bitcast %get3A_256 : vector<16xi32> to vector<16xi32>
        %shift_right_logical3A_262 = arith.constant 0 : i32
        %shift_right_logical3A_263 = vector.broadcast %shift_right_logical3A_262 : i32 to vector<16xi32>
        %shift_right_logical3A_264 = arith.shrui %bitcast3A_261, %shift_right_logical3A_263 : vector<16xi32>
        %and3A_265 = vector.broadcast %scan3A_72 : i32 to vector<16xi32>
        %and3A_266 = arith.andi %shift_right_logical3A_264, %and3A_265 : vector<16xi32>
        %bitcast3A_267 = vector.bitcast %and3A_266 : vector<16xi32> to vector<16xi32>
        %unique3A_268, %unique3A_269 = tpu.scan_count mask(%lt3A_252 : vector<16xi1>) value(%bitcast3A_267 : vector<16xi32>) : vector<16xi1>, vector<16xi32>
        %sub3A_270 = arith.subi %unique3A_269, %sub3A : vector<16xi32>
        %gather3A_271 = tpu.vector_load_idx %arg16[%bitcast3A_267] : memref<2048xi32, #tpu.memory_space<vmem>>[vector<16xi32>], vector<16xi32>,
        %add3A_272 = arith.addi %gather3A_271, %sub3A_270 : vector<16xi32>
        tpu.vector_store_idx %arg19[%add3A_272], %get3A_256 masked %lt3A_252 : memref<16384xi32, #tpu.memory_space<vmem>>[vector<16xi32>], vector<16xi32>, vector<16xi1>
        tpu.vector_store_idx %arg20[%add3A_272], %get3A_260 masked %lt3A_252 : memref<16384xi32, #tpu.memory_space<vmem>>[vector<16xi32>], vector<16xi32>, vector<16xi1>
        %add3A_273 = arith.constant 1 : i32
        %add3A_274 = vector.broadcast %add3A_273 : i32 to vector<16xi32>
        %add3A_275 = arith.addi %sub3A_270, %add3A_274 : vector<16xi32>
        tpu.vector_store_idx %arg16[%bitcast3A_267], %add3A_275 masked %unique3A_268 {add = true} : memref<2048xi32, #tpu.memory_space<vmem>>[vector<16xi32>], vector<16xi32>, vector<16xi1>
        %scan3A_276 = arith.constant 0 : i32
        scf.yield %scan3A_276 : i32
      }
      %scan3A_79 = arith.constant 1024 : i32
      %scan3A_80 = arith.constant 0 : i32
      %scan3A_81 = arith.constant 0 : i32
      %scan3A_82 = arith.constant 128 : i32
      %scan3A_83 = arith.addi %scan3A_81, %scan3A_82 : i32
      %scan3A_84 = arith.constant 8 : i32
      %scan3A_85 = scf.for %scan3A_155 = %scan3A_81 to %scan3A_83 step %scan3A_84 iter_args(%scan3A_156 = %scan3A_80) -> (i32)  : i32 {
        %mul3A_157 = arith.constant 16 : i32
        %mul3A_158 = arith.muli %scan3A_155, %mul3A_157 : i32
        %swap3A = arith.index_cast %mul3A_158 : i32 to index
        %swap3A_159 = tpu.vector_load %arg16[%swap3A] {strides = array<i32>} : memref<2048xi32, #tpu.memory_space<vmem>>, vector<16xi32>,
        tpu.vector_store %arg16[%swap3A], %mul3A_3 {strides = array<i32>} : memref<2048xi32, #tpu.memory_space<vmem>>, vector<16xi32>,
        %scan3A_160 = arith.constant 0 : i32
        %scan3A_161 = arith.constant 1 : i32
        %scan3A_162 = arith.addi %scan3A_155, %scan3A_161 : i32
        %mul3A_163 = arith.constant 16 : i32
        %mul3A_164 = arith.muli %scan3A_162, %mul3A_163 : i32
        %swap3A_165 = arith.index_cast %mul3A_164 : i32 to index
        %swap3A_166 = tpu.vector_load %arg16[%swap3A_165] {strides = array<i32>} : memref<2048xi32, #tpu.memory_space<vmem>>, vector<16xi32>,
        tpu.vector_store %arg16[%swap3A_165], %mul3A_3 {strides = array<i32>} : memref<2048xi32, #tpu.memory_space<vmem>>, vector<16xi32>,
        %scan3A_167 = arith.constant 0 : i32
        %scan3A_168 = arith.constant 2 : i32
        %scan3A_169 = arith.addi %scan3A_155, %scan3A_168 : i32
        %mul3A_170 = arith.constant 16 : i32
        %mul3A_171 = arith.muli %scan3A_169, %mul3A_170 : i32
        %swap3A_172 = arith.index_cast %mul3A_171 : i32 to index
        %swap3A_173 = tpu.vector_load %arg16[%swap3A_172] {strides = array<i32>} : memref<2048xi32, #tpu.memory_space<vmem>>, vector<16xi32>,
        tpu.vector_store %arg16[%swap3A_172], %mul3A_3 {strides = array<i32>} : memref<2048xi32, #tpu.memory_space<vmem>>, vector<16xi32>,
        %scan3A_174 = arith.constant 0 : i32
        %scan3A_175 = arith.constant 3 : i32
        %scan3A_176 = arith.addi %scan3A_155, %scan3A_175 : i32
        %mul3A_177 = arith.constant 16 : i32
        %mul3A_178 = arith.muli %scan3A_176, %mul3A_177 : i32
        %swap3A_179 = arith.index_cast %mul3A_178 : i32 to index
        %swap3A_180 = tpu.vector_load %arg16[%swap3A_179] {strides = array<i32>} : memref<2048xi32, #tpu.memory_space<vmem>>, vector<16xi32>,
        tpu.vector_store %arg16[%swap3A_179], %mul3A_3 {strides = array<i32>} : memref<2048xi32, #tpu.memory_space<vmem>>, vector<16xi32>,
        %scan3A_181 = arith.constant 0 : i32
        %scan3A_182 = arith.constant 4 : i32
        %scan3A_183 = arith.addi %scan3A_155, %scan3A_182 : i32
        %mul3A_184 = arith.constant 16 : i32
        %mul3A_185 = arith.muli %scan3A_183, %mul3A_184 : i32
        %swap3A_186 = arith.index_cast %mul3A_185 : i32 to index
        %swap3A_187 = tpu.vector_load %arg16[%swap3A_186] {strides = array<i32>} : memref<2048xi32, #tpu.memory_space<vmem>>, vector<16xi32>,
        tpu.vector_store %arg16[%swap3A_186], %mul3A_3 {strides = array<i32>} : memref<2048xi32, #tpu.memory_space<vmem>>, vector<16xi32>,
        %scan3A_188 = arith.constant 0 : i32
        %scan3A_189 = arith.constant 5 : i32
        %scan3A_190 = arith.addi %scan3A_155, %scan3A_189 : i32
        %mul3A_191 = arith.constant 16 : i32
        %mul3A_192 = arith.muli %scan3A_190, %mul3A_191 : i32
        %swap3A_193 = arith.index_cast %mul3A_192 : i32 to index
        %swap3A_194 = tpu.vector_load %arg16[%swap3A_193] {strides = array<i32>} : memref<2048xi32, #tpu.memory_space<vmem>>, vector<16xi32>,
        tpu.vector_store %arg16[%swap3A_193], %mul3A_3 {strides = array<i32>} : memref<2048xi32, #tpu.memory_space<vmem>>, vector<16xi32>,
        %scan3A_195 = arith.constant 0 : i32
        %scan3A_196 = arith.constant 6 : i32
        %scan3A_197 = arith.addi %scan3A_155, %scan3A_196 : i32
        %mul3A_198 = arith.constant 16 : i32
        %mul3A_199 = arith.muli %scan3A_197, %mul3A_198 : i32
        %swap3A_200 = arith.index_cast %mul3A_199 : i32 to index
        %swap3A_201 = tpu.vector_load %arg16[%swap3A_200] {strides = array<i32>} : memref<2048xi32, #tpu.memory_space<vmem>>, vector<16xi32>,
        tpu.vector_store %arg16[%swap3A_200], %mul3A_3 {strides = array<i32>} : memref<2048xi32, #tpu.memory_space<vmem>>, vector<16xi32>,
        %scan3A_202 = arith.constant 0 : i32
        %scan3A_203 = arith.constant 7 : i32
        %scan3A_204 = arith.addi %scan3A_155, %scan3A_203 : i32
        %mul3A_205 = arith.constant 16 : i32
        %mul3A_206 = arith.muli %scan3A_204, %mul3A_205 : i32
        %swap3A_207 = arith.index_cast %mul3A_206 : i32 to index
        %swap3A_208 = tpu.vector_load %arg16[%swap3A_207] {strides = array<i32>} : memref<2048xi32, #tpu.memory_space<vmem>>, vector<16xi32>,
        tpu.vector_store %arg16[%swap3A_207], %mul3A_3 {strides = array<i32>} : memref<2048xi32, #tpu.memory_space<vmem>>, vector<16xi32>,
        %scan3A_209 = arith.constant 0 : i32
        scf.yield %scan3A_209 : i32
      }
      %scan3A_86 = arith.constant 128 : i32
      %scan3A_87 = arith.constant 2047 : i32
      %scan3A_88 = arith.constant 0 : i32
      %scan3A_89 = arith.constant 0 : i32
      %scan3A_90 = arith.constant 1024 : i32
      %scan3A_91 = arith.addi %scan3A_89, %scan3A_90 : i32
      %scan3A_92 = arith.constant 8 : i32
      %scan3A_93 = scf.for %scan3A_155 = %scan3A_89 to %scan3A_91 step %scan3A_92 iter_args(%scan3A_156 = %scan3A_88) -> (i32)  : i32 {
        %mul3A_157 = arith.constant 16 : i32
        %mul3A_158 = arith.muli %scan3A_155, %mul3A_157 : i32
        %add3A_159 = vector.broadcast %mul3A_158 : i32 to vector<16xi32>
        %add3A_160 = arith.addi %add3A_159, %iota3A : vector<16xi32>
        %lt3A = vector.broadcast %min3A_49 : i32 to vector<16xi32>
        %lt3A_161 = arith.cmpi slt, %add3A_160, %lt3A : vector<16xi32>
        %mul3A_162 = arith.constant 16 : i32
        %mul3A_163 = arith.muli %scan3A_155, %mul3A_162 : i32
        %get3A = arith.index_cast %mul3A_163 : i32 to index
        %get3A_164 = tpu.vector_load %arg19[%get3A] {strides = array<i32>} : memref<16384xi32, #tpu.memory_space<vmem>>, vector<16xi32>,
        %bitcast3A = vector.bitcast %get3A_164 : vector<16xi32> to vector<16xi32>
        %shift_right_logical3A = arith.constant 11 : i32
        %shift_right_logical3A_165 = vector.broadcast %shift_right_logical3A : i32 to vector<16xi32>
        %shift_right_logical3A_166 = arith.shrui %bitcast3A, %shift_right_logical3A_165 : vector<16xi32>
        %and3A = vector.broadcast %scan3A_87 : i32 to vector<16xi32>
        %and3A_167 = arith.andi %shift_right_logical3A_166, %and3A : vector<16xi32>
        %bitcast3A_168 = vector.bitcast %and3A_167 : vector<16xi32> to vector<16xi32>
        %unique3A_169, %unique3A_170 = tpu.scan_count mask(%lt3A_161 : vector<16xi1>) value(%bitcast3A_168 : vector<16xi32>) : vector<16xi1>, vector<16xi32>
        %sub3A_171 = arith.subi %unique3A_170, %sub3A : vector<16xi32>
        %add3A_172 = arith.constant 1 : i32
        %add3A_173 = vector.broadcast %add3A_172 : i32 to vector<16xi32>
        %add3A_174 = arith.addi %sub3A_171, %add3A_173 : vector<16xi32>
        tpu.vector_store_idx %arg16[%bitcast3A_168], %add3A_174 masked %unique3A_169 {add = true} : memref<2048xi32, #tpu.memory_space<vmem>>[vector<16xi32>], vector<16xi32>, vector<16xi1>
        %scan3A_175 = arith.constant 0 : i32
        %scan3A_176 = arith.constant 1 : i32
        %scan3A_177 = arith.addi %scan3A_155, %scan3A_176 : i32
        %mul3A_178 = arith.constant 16 : i32
        %mul3A_179 = arith.muli %scan3A_177, %mul3A_178 : i32
        %add3A_180 = vector.broadcast %mul3A_179 : i32 to vector<16xi32>
        %add3A_181 = arith.addi %add3A_180, %iota3A : vector<16xi32>
        %lt3A_182 = vector.broadcast %min3A_49 : i32 to vector<16xi32>
        %lt3A_183 = arith.cmpi slt, %add3A_181, %lt3A_182 : vector<16xi32>
        %mul3A_184 = arith.constant 16 : i32
        %mul3A_185 = arith.muli %scan3A_177, %mul3A_184 : i32
        %get3A_186 = arith.index_cast %mul3A_185 : i32 to index
        %get3A_187 = tpu.vector_load %arg19[%get3A_186] {strides = array<i32>} : memref<16384xi32, #tpu.memory_space<vmem>>, vector<16xi32>,
        %bitcast3A_188 = vector.bitcast %get3A_187 : vector<16xi32> to vector<16xi32>
        %shift_right_logical3A_189 = arith.constant 11 : i32
        %shift_right_logical3A_190 = vector.broadcast %shift_right_logical3A_189 : i32 to vector<16xi32>
        %shift_right_logical3A_191 = arith.shrui %bitcast3A_188, %shift_right_logical3A_190 : vector<16xi32>
        %and3A_192 = vector.broadcast %scan3A_87 : i32 to vector<16xi32>
        %and3A_193 = arith.andi %shift_right_logical3A_191, %and3A_192 : vector<16xi32>
        %bitcast3A_194 = vector.bitcast %and3A_193 : vector<16xi32> to vector<16xi32>
        %unique3A_195, %unique3A_196 = tpu.scan_count mask(%lt3A_183 : vector<16xi1>) value(%bitcast3A_194 : vector<16xi32>) : vector<16xi1>, vector<16xi32>
        %sub3A_197 = arith.subi %unique3A_196, %sub3A : vector<16xi32>
        %add3A_198 = arith.constant 1 : i32
        %add3A_199 = vector.broadcast %add3A_198 : i32 to vector<16xi32>
        %add3A_200 = arith.addi %sub3A_197, %add3A_199 : vector<16xi32>
        tpu.vector_store_idx %arg16[%bitcast3A_194], %add3A_200 masked %unique3A_195 {add = true} : memref<2048xi32, #tpu.memory_space<vmem>>[vector<16xi32>], vector<16xi32>, vector<16xi1>
        %scan3A_201 = arith.constant 0 : i32
        %scan3A_202 = arith.constant 2 : i32
        %scan3A_203 = arith.addi %scan3A_155, %scan3A_202 : i32
        %mul3A_204 = arith.constant 16 : i32
        %mul3A_205 = arith.muli %scan3A_203, %mul3A_204 : i32
        %add3A_206 = vector.broadcast %mul3A_205 : i32 to vector<16xi32>
        %add3A_207 = arith.addi %add3A_206, %iota3A : vector<16xi32>
        %lt3A_208 = vector.broadcast %min3A_49 : i32 to vector<16xi32>
        %lt3A_209 = arith.cmpi slt, %add3A_207, %lt3A_208 : vector<16xi32>
        %mul3A_210 = arith.constant 16 : i32
        %mul3A_211 = arith.muli %scan3A_203, %mul3A_210 : i32
        %get3A_212 = arith.index_cast %mul3A_211 : i32 to index
        %get3A_213 = tpu.vector_load %arg19[%get3A_212] {strides = array<i32>} : memref<16384xi32, #tpu.memory_space<vmem>>, vector<16xi32>,
        %bitcast3A_214 = vector.bitcast %get3A_213 : vector<16xi32> to vector<16xi32>
        %shift_right_logical3A_215 = arith.constant 11 : i32
        %shift_right_logical3A_216 = vector.broadcast %shift_right_logical3A_215 : i32 to vector<16xi32>
        %shift_right_logical3A_217 = arith.shrui %bitcast3A_214, %shift_right_logical3A_216 : vector<16xi32>
        %and3A_218 = vector.broadcast %scan3A_87 : i32 to vector<16xi32>
        %and3A_219 = arith.andi %shift_right_logical3A_217, %and3A_218 : vector<16xi32>
        %bitcast3A_220 = vector.bitcast %and3A_219 : vector<16xi32> to vector<16xi32>
        %unique3A_221, %unique3A_222 = tpu.scan_count mask(%lt3A_209 : vector<16xi1>) value(%bitcast3A_220 : vector<16xi32>) : vector<16xi1>, vector<16xi32>
        %sub3A_223 = arith.subi %unique3A_222, %sub3A : vector<16xi32>
        %add3A_224 = arith.constant 1 : i32
        %add3A_225 = vector.broadcast %add3A_224 : i32 to vector<16xi32>
        %add3A_226 = arith.addi %sub3A_223, %add3A_225 : vector<16xi32>
        tpu.vector_store_idx %arg16[%bitcast3A_220], %add3A_226 masked %unique3A_221 {add = true} : memref<2048xi32, #tpu.memory_space<vmem>>[vector<16xi32>], vector<16xi32>, vector<16xi1>
        %scan3A_227 = arith.constant 0 : i32
        %scan3A_228 = arith.constant 3 : i32
        %scan3A_229 = arith.addi %scan3A_155, %scan3A_228 : i32
        %mul3A_230 = arith.constant 16 : i32
        %mul3A_231 = arith.muli %scan3A_229, %mul3A_230 : i32
        %add3A_232 = vector.broadcast %mul3A_231 : i32 to vector<16xi32>
        %add3A_233 = arith.addi %add3A_232, %iota3A : vector<16xi32>
        %lt3A_234 = vector.broadcast %min3A_49 : i32 to vector<16xi32>
        %lt3A_235 = arith.cmpi slt, %add3A_233, %lt3A_234 : vector<16xi32>
        %mul3A_236 = arith.constant 16 : i32
        %mul3A_237 = arith.muli %scan3A_229, %mul3A_236 : i32
        %get3A_238 = arith.index_cast %mul3A_237 : i32 to index
        %get3A_239 = tpu.vector_load %arg19[%get3A_238] {strides = array<i32>} : memref<16384xi32, #tpu.memory_space<vmem>>, vector<16xi32>,
        %bitcast3A_240 = vector.bitcast %get3A_239 : vector<16xi32> to vector<16xi32>
        %shift_right_logical3A_241 = arith.constant 11 : i32
        %shift_right_logical3A_242 = vector.broadcast %shift_right_logical3A_241 : i32 to vector<16xi32>
        %shift_right_logical3A_243 = arith.shrui %bitcast3A_240, %shift_right_logical3A_242 : vector<16xi32>
        %and3A_244 = vector.broadcast %scan3A_87 : i32 to vector<16xi32>
        %and3A_245 = arith.andi %shift_right_logical3A_243, %and3A_244 : vector<16xi32>
        %bitcast3A_246 = vector.bitcast %and3A_245 : vector<16xi32> to vector<16xi32>
        %unique3A_247, %unique3A_248 = tpu.scan_count mask(%lt3A_235 : vector<16xi1>) value(%bitcast3A_246 : vector<16xi32>) : vector<16xi1>, vector<16xi32>
        %sub3A_249 = arith.subi %unique3A_248, %sub3A : vector<16xi32>
        %add3A_250 = arith.constant 1 : i32
        %add3A_251 = vector.broadcast %add3A_250 : i32 to vector<16xi32>
        %add3A_252 = arith.addi %sub3A_249, %add3A_251 : vector<16xi32>
        tpu.vector_store_idx %arg16[%bitcast3A_246], %add3A_252 masked %unique3A_247 {add = true} : memref<2048xi32, #tpu.memory_space<vmem>>[vector<16xi32>], vector<16xi32>, vector<16xi1>
        %scan3A_253 = arith.constant 0 : i32
        %scan3A_254 = arith.constant 4 : i32
        %scan3A_255 = arith.addi %scan3A_155, %scan3A_254 : i32
        %mul3A_256 = arith.constant 16 : i32
        %mul3A_257 = arith.muli %scan3A_255, %mul3A_256 : i32
        %add3A_258 = vector.broadcast %mul3A_257 : i32 to vector<16xi32>
        %add3A_259 = arith.addi %add3A_258, %iota3A : vector<16xi32>
        %lt3A_260 = vector.broadcast %min3A_49 : i32 to vector<16xi32>
        %lt3A_261 = arith.cmpi slt, %add3A_259, %lt3A_260 : vector<16xi32>
        %mul3A_262 = arith.constant 16 : i32
        %mul3A_263 = arith.muli %scan3A_255, %mul3A_262 : i32
        %get3A_264 = arith.index_cast %mul3A_263 : i32 to index
        %get3A_265 = tpu.vector_load %arg19[%get3A_264] {strides = array<i32>} : memref<16384xi32, #tpu.memory_space<vmem>>, vector<16xi32>,
        %bitcast3A_266 = vector.bitcast %get3A_265 : vector<16xi32> to vector<16xi32>
        %shift_right_logical3A_267 = arith.constant 11 : i32
        %shift_right_logical3A_268 = vector.broadcast %shift_right_logical3A_267 : i32 to vector<16xi32>
        %shift_right_logical3A_269 = arith.shrui %bitcast3A_266, %shift_right_logical3A_268 : vector<16xi32>
        %and3A_270 = vector.broadcast %scan3A_87 : i32 to vector<16xi32>
        %and3A_271 = arith.andi %shift_right_logical3A_269, %and3A_270 : vector<16xi32>
        %bitcast3A_272 = vector.bitcast %and3A_271 : vector<16xi32> to vector<16xi32>
        %unique3A_273, %unique3A_274 = tpu.scan_count mask(%lt3A_261 : vector<16xi1>) value(%bitcast3A_272 : vector<16xi32>) : vector<16xi1>, vector<16xi32>
        %sub3A_275 = arith.subi %unique3A_274, %sub3A : vector<16xi32>
        %add3A_276 = arith.constant 1 : i32
        %add3A_277 = vector.broadcast %add3A_276 : i32 to vector<16xi32>
        %add3A_278 = arith.addi %sub3A_275, %add3A_277 : vector<16xi32>
        tpu.vector_store_idx %arg16[%bitcast3A_272], %add3A_278 masked %unique3A_273 {add = true} : memref<2048xi32, #tpu.memory_space<vmem>>[vector<16xi32>], vector<16xi32>, vector<16xi1>
        %scan3A_279 = arith.constant 0 : i32
        %scan3A_280 = arith.constant 5 : i32
        %scan3A_281 = arith.addi %scan3A_155, %scan3A_280 : i32
        %mul3A_282 = arith.constant 16 : i32
        %mul3A_283 = arith.muli %scan3A_281, %mul3A_282 : i32
        %add3A_284 = vector.broadcast %mul3A_283 : i32 to vector<16xi32>
        %add3A_285 = arith.addi %add3A_284, %iota3A : vector<16xi32>
        %lt3A_286 = vector.broadcast %min3A_49 : i32 to vector<16xi32>
        %lt3A_287 = arith.cmpi slt, %add3A_285, %lt3A_286 : vector<16xi32>
        %mul3A_288 = arith.constant 16 : i32
        %mul3A_289 = arith.muli %scan3A_281, %mul3A_288 : i32
        %get3A_290 = arith.index_cast %mul3A_289 : i32 to index
        %get3A_291 = tpu.vector_load %arg19[%get3A_290] {strides = array<i32>} : memref<16384xi32, #tpu.memory_space<vmem>>, vector<16xi32>,
        %bitcast3A_292 = vector.bitcast %get3A_291 : vector<16xi32> to vector<16xi32>
        %shift_right_logical3A_293 = arith.constant 11 : i32
        %shift_right_logical3A_294 = vector.broadcast %shift_right_logical3A_293 : i32 to vector<16xi32>
        %shift_right_logical3A_295 = arith.shrui %bitcast3A_292, %shift_right_logical3A_294 : vector<16xi32>
        %and3A_296 = vector.broadcast %scan3A_87 : i32 to vector<16xi32>
        %and3A_297 = arith.andi %shift_right_logical3A_295, %and3A_296 : vector<16xi32>
        %bitcast3A_298 = vector.bitcast %and3A_297 : vector<16xi32> to vector<16xi32>
        %unique3A_299, %unique3A_300 = tpu.scan_count mask(%lt3A_287 : vector<16xi1>) value(%bitcast3A_298 : vector<16xi32>) : vector<16xi1>, vector<16xi32>
        %sub3A_301 = arith.subi %unique3A_300, %sub3A : vector<16xi32>
        %add3A_302 = arith.constant 1 : i32
        %add3A_303 = vector.broadcast %add3A_302 : i32 to vector<16xi32>
        %add3A_304 = arith.addi %sub3A_301, %add3A_303 : vector<16xi32>
        tpu.vector_store_idx %arg16[%bitcast3A_298], %add3A_304 masked %unique3A_299 {add = true} : memref<2048xi32, #tpu.memory_space<vmem>>[vector<16xi32>], vector<16xi32>, vector<16xi1>
        %scan3A_305 = arith.constant 0 : i32
        %scan3A_306 = arith.constant 6 : i32
        %scan3A_307 = arith.addi %scan3A_155, %scan3A_306 : i32
        %mul3A_308 = arith.constant 16 : i32
        %mul3A_309 = arith.muli %scan3A_307, %mul3A_308 : i32
        %add3A_310 = vector.broadcast %mul3A_309 : i32 to vector<16xi32>
        %add3A_311 = arith.addi %add3A_310, %iota3A : vector<16xi32>
        %lt3A_312 = vector.broadcast %min3A_49 : i32 to vector<16xi32>
        %lt3A_313 = arith.cmpi slt, %add3A_311, %lt3A_312 : vector<16xi32>
        %mul3A_314 = arith.constant 16 : i32
        %mul3A_315 = arith.muli %scan3A_307, %mul3A_314 : i32
        %get3A_316 = arith.index_cast %mul3A_315 : i32 to index
        %get3A_317 = tpu.vector_load %arg19[%get3A_316] {strides = array<i32>} : memref<16384xi32, #tpu.memory_space<vmem>>, vector<16xi32>,
        %bitcast3A_318 = vector.bitcast %get3A_317 : vector<16xi32> to vector<16xi32>
        %shift_right_logical3A_319 = arith.constant 11 : i32
        %shift_right_logical3A_320 = vector.broadcast %shift_right_logical3A_319 : i32 to vector<16xi32>
        %shift_right_logical3A_321 = arith.shrui %bitcast3A_318, %shift_right_logical3A_320 : vector<16xi32>
        %and3A_322 = vector.broadcast %scan3A_87 : i32 to vector<16xi32>
        %and3A_323 = arith.andi %shift_right_logical3A_321, %and3A_322 : vector<16xi32>
        %bitcast3A_324 = vector.bitcast %and3A_323 : vector<16xi32> to vector<16xi32>
        %unique3A_325, %unique3A_326 = tpu.scan_count mask(%lt3A_313 : vector<16xi1>) value(%bitcast3A_324 : vector<16xi32>) : vector<16xi1>, vector<16xi32>
        %sub3A_327 = arith.subi %unique3A_326, %sub3A : vector<16xi32>
        %add3A_328 = arith.constant 1 : i32
        %add3A_329 = vector.broadcast %add3A_328 : i32 to vector<16xi32>
        %add3A_330 = arith.addi %sub3A_327, %add3A_329 : vector<16xi32>
        tpu.vector_store_idx %arg16[%bitcast3A_324], %add3A_330 masked %unique3A_325 {add = true} : memref<2048xi32, #tpu.memory_space<vmem>>[vector<16xi32>], vector<16xi32>, vector<16xi1>
        %scan3A_331 = arith.constant 0 : i32
        %scan3A_332 = arith.constant 7 : i32
        %scan3A_333 = arith.addi %scan3A_155, %scan3A_332 : i32
        %mul3A_334 = arith.constant 16 : i32
        %mul3A_335 = arith.muli %scan3A_333, %mul3A_334 : i32
        %add3A_336 = vector.broadcast %mul3A_335 : i32 to vector<16xi32>
        %add3A_337 = arith.addi %add3A_336, %iota3A : vector<16xi32>
        %lt3A_338 = vector.broadcast %min3A_49 : i32 to vector<16xi32>
        %lt3A_339 = arith.cmpi slt, %add3A_337, %lt3A_338 : vector<16xi32>
        %mul3A_340 = arith.constant 16 : i32
        %mul3A_341 = arith.muli %scan3A_333, %mul3A_340 : i32
        %get3A_342 = arith.index_cast %mul3A_341 : i32 to index
        %get3A_343 = tpu.vector_load %arg19[%get3A_342] {strides = array<i32>} : memref<16384xi32, #tpu.memory_space<vmem>>, vector<16xi32>,
        %bitcast3A_344 = vector.bitcast %get3A_343 : vector<16xi32> to vector<16xi32>
        %shift_right_logical3A_345 = arith.constant 11 : i32
        %shift_right_logical3A_346 = vector.broadcast %shift_right_logical3A_345 : i32 to vector<16xi32>
        %shift_right_logical3A_347 = arith.shrui %bitcast3A_344, %shift_right_logical3A_346 : vector<16xi32>
        %and3A_348 = vector.broadcast %scan3A_87 : i32 to vector<16xi32>
        %and3A_349 = arith.andi %shift_right_logical3A_347, %and3A_348 : vector<16xi32>
        %bitcast3A_350 = vector.bitcast %and3A_349 : vector<16xi32> to vector<16xi32>
        %unique3A_351, %unique3A_352 = tpu.scan_count mask(%lt3A_339 : vector<16xi1>) value(%bitcast3A_350 : vector<16xi32>) : vector<16xi1>, vector<16xi32>
        %sub3A_353 = arith.subi %unique3A_352, %sub3A : vector<16xi32>
        %add3A_354 = arith.constant 1 : i32
        %add3A_355 = vector.broadcast %add3A_354 : i32 to vector<16xi32>
        %add3A_356 = arith.addi %sub3A_353, %add3A_355 : vector<16xi32>
        tpu.vector_store_idx %arg16[%bitcast3A_350], %add3A_356 masked %unique3A_351 {add = true} : memref<2048xi32, #tpu.memory_space<vmem>>[vector<16xi32>], vector<16xi32>, vector<16xi1>
        %scan3A_357 = arith.constant 0 : i32
        scf.yield %scan3A_357 : i32
      }
      %scan3A_94 = arith.constant 1024 : i32
      %scan3A_95 = arith.constant 0 : i32
      %scan3A_96 = arith.constant 0 : i32
      %scan3A_97 = arith.constant 128 : i32
      %scan3A_98 = arith.addi %scan3A_96, %scan3A_97 : i32
      %scan3A_99 = arith.constant 4 : i32
      %scan3A_100 = scf.for %scan3A_155 = %scan3A_96 to %scan3A_98 step %scan3A_99 iter_args(%scan3A_156 = %scan3A_95) -> (i32)  : i32 {
        %mul3A_157 = arith.constant 16 : i32
        %mul3A_158 = arith.muli %scan3A_155, %mul3A_157 : i32
        %get3A = arith.index_cast %mul3A_158 : i32 to index
        %get3A_159 = tpu.vector_load %arg16[%get3A] {strides = array<i32>} : memref<2048xi32, #tpu.memory_space<vmem>>, vector<16xi32>,
        %broadcast_in_dim3A_160 = arith.constant true
        %broadcast_in_dim3A_161 = vector.broadcast %broadcast_in_dim3A_160 : i1 to vector<16xi1>
        %masked_cumsum3A = tpu.scan <sum>, %get3A_159 masked %broadcast_in_dim3A_161 : vector<16xi32>, vector<16xi1> -> vector<16xi32>
        %add3A_162 = vector.broadcast %scan3A_156 : i32 to vector<16xi32>
        %add3A_163 = arith.addi %add3A_162, %masked_cumsum3A : vector<16xi32>
        %sub3A_164 = arith.subi %add3A_163, %get3A_159 : vector<16xi32>
        %mul3A_165 = arith.constant 16 : i32
        %mul3A_166 = arith.muli %scan3A_155, %mul3A_165 : i32
        %swap3A = arith.index_cast %mul3A_166 : i32 to index
        %swap3A_167 = tpu.vector_load %arg16[%swap3A] {strides = array<i32>} : memref<2048xi32, #tpu.memory_space<vmem>>, vector<16xi32>,
        tpu.vector_store %arg16[%swap3A], %sub3A_164 {strides = array<i32>} : memref<2048xi32, #tpu.memory_space<vmem>>, vector<16xi32>,
        %reduce_max3A = arith.constant true
        %reduce_max3A_168 = vector.broadcast %reduce_max3A : i1 to vector<16xi1>
        %reduce_max3A_169 = arith.constant -2147483648 : i32
        %reduce_max3A_170 = vector.broadcast %reduce_max3A_169 : i32 to vector<16xi32>
        %reduce_max3A_171 = arith.xori %masked_cumsum3A, %reduce_max3A_170 : vector<16xi32>
        %reduce_max3A_172 = tpu.scan <max>, %reduce_max3A_171 masked %reduce_max3A_168 : vector<16xi32>, vector<16xi1> -> vector<16xi32>
        %reduce_max3A_173 = arith.xori %reduce_max3A_172, %reduce_max3A_170 : vector<16xi32>
        %reduce_max3A_174 = vector.extract %reduce_max3A_173[15] : i32 from vector<16xi32>
        %add3A_175 = arith.addi %scan3A_156, %reduce_max3A_174 : i32
        %scan3A_176 = arith.constant 1 : i32
        %scan3A_177 = arith.addi %scan3A_155, %scan3A_176 : i32
        %mul3A_178 = arith.constant 16 : i32
        %mul3A_179 = arith.muli %scan3A_177, %mul3A_178 : i32
        %get3A_180 = arith.index_cast %mul3A_179 : i32 to index
        %get3A_181 = tpu.vector_load %arg16[%get3A_180] {strides = array<i32>} : memref<2048xi32, #tpu.memory_space<vmem>>, vector<16xi32>,
        %broadcast_in_dim3A_182 = arith.constant true
        %broadcast_in_dim3A_183 = vector.broadcast %broadcast_in_dim3A_182 : i1 to vector<16xi1>
        %masked_cumsum3A_184 = tpu.scan <sum>, %get3A_181 masked %broadcast_in_dim3A_183 : vector<16xi32>, vector<16xi1> -> vector<16xi32>
        %add3A_185 = vector.broadcast %add3A_175 : i32 to vector<16xi32>
        %add3A_186 = arith.addi %add3A_185, %masked_cumsum3A_184 : vector<16xi32>
        %sub3A_187 = arith.subi %add3A_186, %get3A_181 : vector<16xi32>
        %mul3A_188 = arith.constant 16 : i32
        %mul3A_189 = arith.muli %scan3A_177, %mul3A_188 : i32
        %swap3A_190 = arith.index_cast %mul3A_189 : i32 to index
        %swap3A_191 = tpu.vector_load %arg16[%swap3A_190] {strides = array<i32>} : memref<2048xi32, #tpu.memory_space<vmem>>, vector<16xi32>,
        tpu.vector_store %arg16[%swap3A_190], %sub3A_187 {strides = array<i32>} : memref<2048xi32, #tpu.memory_space<vmem>>, vector<16xi32>,
        %reduce_max3A_192 = arith.constant true
        %reduce_max3A_193 = vector.broadcast %reduce_max3A_192 : i1 to vector<16xi1>
        %reduce_max3A_194 = arith.constant -2147483648 : i32
        %reduce_max3A_195 = vector.broadcast %reduce_max3A_194 : i32 to vector<16xi32>
        %reduce_max3A_196 = arith.xori %masked_cumsum3A_184, %reduce_max3A_195 : vector<16xi32>
        %reduce_max3A_197 = tpu.scan <max>, %reduce_max3A_196 masked %reduce_max3A_193 : vector<16xi32>, vector<16xi1> -> vector<16xi32>
        %reduce_max3A_198 = arith.xori %reduce_max3A_197, %reduce_max3A_195 : vector<16xi32>
        %reduce_max3A_199 = vector.extract %reduce_max3A_198[15] : i32 from vector<16xi32>
        %add3A_200 = arith.addi %add3A_175, %reduce_max3A_199 : i32
        %scan3A_201 = arith.constant 2 : i32
        %scan3A_202 = arith.addi %scan3A_155, %scan3A_201 : i32
        %mul3A_203 = arith.constant 16 : i32
        %mul3A_204 = arith.muli %scan3A_202, %mul3A_203 : i32
        %get3A_205 = arith.index_cast %mul3A_204 : i32 to index
        %get3A_206 = tpu.vector_load %arg16[%get3A_205] {strides = array<i32>} : memref<2048xi32, #tpu.memory_space<vmem>>, vector<16xi32>,
        %broadcast_in_dim3A_207 = arith.constant true
        %broadcast_in_dim3A_208 = vector.broadcast %broadcast_in_dim3A_207 : i1 to vector<16xi1>
        %masked_cumsum3A_209 = tpu.scan <sum>, %get3A_206 masked %broadcast_in_dim3A_208 : vector<16xi32>, vector<16xi1> -> vector<16xi32>
        %add3A_210 = vector.broadcast %add3A_200 : i32 to vector<16xi32>
        %add3A_211 = arith.addi %add3A_210, %masked_cumsum3A_209 : vector<16xi32>
        %sub3A_212 = arith.subi %add3A_211, %get3A_206 : vector<16xi32>
        %mul3A_213 = arith.constant 16 : i32
        %mul3A_214 = arith.muli %scan3A_202, %mul3A_213 : i32
        %swap3A_215 = arith.index_cast %mul3A_214 : i32 to index
        %swap3A_216 = tpu.vector_load %arg16[%swap3A_215] {strides = array<i32>} : memref<2048xi32, #tpu.memory_space<vmem>>, vector<16xi32>,
        tpu.vector_store %arg16[%swap3A_215], %sub3A_212 {strides = array<i32>} : memref<2048xi32, #tpu.memory_space<vmem>>, vector<16xi32>,
        %reduce_max3A_217 = arith.constant true
        %reduce_max3A_218 = vector.broadcast %reduce_max3A_217 : i1 to vector<16xi1>
        %reduce_max3A_219 = arith.constant -2147483648 : i32
        %reduce_max3A_220 = vector.broadcast %reduce_max3A_219 : i32 to vector<16xi32>
        %reduce_max3A_221 = arith.xori %masked_cumsum3A_209, %reduce_max3A_220 : vector<16xi32>
        %reduce_max3A_222 = tpu.scan <max>, %reduce_max3A_221 masked %reduce_max3A_218 : vector<16xi32>, vector<16xi1> -> vector<16xi32>
        %reduce_max3A_223 = arith.xori %reduce_max3A_222, %reduce_max3A_220 : vector<16xi32>
        %reduce_max3A_224 = vector.extract %reduce_max3A_223[15] : i32 from vector<16xi32>
        %add3A_225 = arith.addi %add3A_200, %reduce_max3A_224 : i32
        %scan3A_226 = arith.constant 3 : i32
        %scan3A_227 = arith.addi %scan3A_155, %scan3A_226 : i32
        %mul3A_228 = arith.constant 16 : i32
        %mul3A_229 = arith.muli %scan3A_227, %mul3A_228 : i32
        %get3A_230 = arith.index_cast %mul3A_229 : i32 to index
        %get3A_231 = tpu.vector_load %arg16[%get3A_230] {strides = array<i32>} : memref<2048xi32, #tpu.memory_space<vmem>>, vector<16xi32>,
        %broadcast_in_dim3A_232 = arith.constant true
        %broadcast_in_dim3A_233 = vector.broadcast %broadcast_in_dim3A_232 : i1 to vector<16xi1>
        %masked_cumsum3A_234 = tpu.scan <sum>, %get3A_231 masked %broadcast_in_dim3A_233 : vector<16xi32>, vector<16xi1> -> vector<16xi32>
        %add3A_235 = vector.broadcast %add3A_225 : i32 to vector<16xi32>
        %add3A_236 = arith.addi %add3A_235, %masked_cumsum3A_234 : vector<16xi32>
        %sub3A_237 = arith.subi %add3A_236, %get3A_231 : vector<16xi32>
        %mul3A_238 = arith.constant 16 : i32
        %mul3A_239 = arith.muli %scan3A_227, %mul3A_238 : i32
        %swap3A_240 = arith.index_cast %mul3A_239 : i32 to index
        %swap3A_241 = tpu.vector_load %arg16[%swap3A_240] {strides = array<i32>} : memref<2048xi32, #tpu.memory_space<vmem>>, vector<16xi32>,
        tpu.vector_store %arg16[%swap3A_240], %sub3A_237 {strides = array<i32>} : memref<2048xi32, #tpu.memory_space<vmem>>, vector<16xi32>,
        %reduce_max3A_242 = arith.constant true
        %reduce_max3A_243 = vector.broadcast %reduce_max3A_242 : i1 to vector<16xi1>
        %reduce_max3A_244 = arith.constant -2147483648 : i32
        %reduce_max3A_245 = vector.broadcast %reduce_max3A_244 : i32 to vector<16xi32>
        %reduce_max3A_246 = arith.xori %masked_cumsum3A_234, %reduce_max3A_245 : vector<16xi32>
        %reduce_max3A_247 = tpu.scan <max>, %reduce_max3A_246 masked %reduce_max3A_243 : vector<16xi32>, vector<16xi1> -> vector<16xi32>
        %reduce_max3A_248 = arith.xori %reduce_max3A_247, %reduce_max3A_245 : vector<16xi32>
        %reduce_max3A_249 = vector.extract %reduce_max3A_248[15] : i32 from vector<16xi32>
        %add3A_250 = arith.addi %add3A_225, %reduce_max3A_249 : i32
        scf.yield %add3A_250 : i32
      }
      %scan3A_101 = arith.constant 128 : i32
      %scan3A_102 = arith.constant 2047 : i32
      %scan3A_103 = arith.constant 0 : i32
      %scan3A_104 = arith.constant 0 : i32
      %scan3A_105 = arith.constant 1024 : i32
      %scan3A_106 = arith.addi %scan3A_104, %scan3A_105 : i32
      %scan3A_107 = arith.constant 4 : i32
      %scan3A_108 = scf.for %scan3A_155 = %scan3A_104 to %scan3A_106 step %scan3A_107 iter_args(%scan3A_156 = %scan3A_103) -> (i32)  : i32 {
        %mul3A_157 = arith.constant 16 : i32
        %mul3A_158 = arith.muli %scan3A_155, %mul3A_157 : i32
        %add3A_159 = vector.broadcast %mul3A_158 : i32 to vector<16xi32>
        %add3A_160 = arith.addi %add3A_159, %iota3A : vector<16xi32>
        %lt3A = vector.broadcast %min3A_49 : i32 to vector<16xi32>
        %lt3A_161 = arith.cmpi slt, %add3A_160, %lt3A : vector<16xi32>
        %mul3A_162 = arith.constant 16 : i32
        %mul3A_163 = arith.muli %scan3A_155, %mul3A_162 : i32
        %get3A = arith.index_cast %mul3A_163 : i32 to index
        %get3A_164 = tpu.vector_load %arg19[%get3A] {strides = array<i32>} : memref<16384xi32, #tpu.memory_space<vmem>>, vector<16xi32>,
        %mul3A_165 = arith.constant 16 : i32
        %mul3A_166 = arith.muli %scan3A_155, %mul3A_165 : i32
        %get3A_167 = arith.index_cast %mul3A_166 : i32 to index
        %get3A_168 = tpu.vector_load %arg20[%get3A_167] {strides = array<i32>} : memref<16384xi32, #tpu.memory_space<vmem>>, vector<16xi32>,
        %bitcast3A = vector.bitcast %get3A_164 : vector<16xi32> to vector<16xi32>
        %shift_right_logical3A = arith.constant 11 : i32
        %shift_right_logical3A_169 = vector.broadcast %shift_right_logical3A : i32 to vector<16xi32>
        %shift_right_logical3A_170 = arith.shrui %bitcast3A, %shift_right_logical3A_169 : vector<16xi32>
        %and3A = vector.broadcast %scan3A_102 : i32 to vector<16xi32>
        %and3A_171 = arith.andi %shift_right_logical3A_170, %and3A : vector<16xi32>
        %bitcast3A_172 = vector.bitcast %and3A_171 : vector<16xi32> to vector<16xi32>
        %unique3A_173, %unique3A_174 = tpu.scan_count mask(%lt3A_161 : vector<16xi1>) value(%bitcast3A_172 : vector<16xi32>) : vector<16xi1>, vector<16xi32>
        %sub3A_175 = arith.subi %unique3A_174, %sub3A : vector<16xi32>
        %gather3A = tpu.vector_load_idx %arg16[%bitcast3A_172] : memref<2048xi32, #tpu.memory_space<vmem>>[vector<16xi32>], vector<16xi32>,
        %add3A_176 = arith.addi %gather3A, %sub3A_175 : vector<16xi32>
        tpu.vector_store_idx %arg17[%add3A_176], %get3A_164 masked %lt3A_161 : memref<16384xi32, #tpu.memory_space<vmem>>[vector<16xi32>], vector<16xi32>, vector<16xi1>
        tpu.vector_store_idx %arg18[%add3A_176], %get3A_168 masked %lt3A_161 : memref<16384xi32, #tpu.memory_space<vmem>>[vector<16xi32>], vector<16xi32>, vector<16xi1>
        %add3A_177 = arith.constant 1 : i32
        %add3A_178 = vector.broadcast %add3A_177 : i32 to vector<16xi32>
        %add3A_179 = arith.addi %sub3A_175, %add3A_178 : vector<16xi32>
        tpu.vector_store_idx %arg16[%bitcast3A_172], %add3A_179 masked %unique3A_173 {add = true} : memref<2048xi32, #tpu.memory_space<vmem>>[vector<16xi32>], vector<16xi32>, vector<16xi1>
        %scan3A_180 = arith.constant 0 : i32
        %scan3A_181 = arith.constant 1 : i32
        %scan3A_182 = arith.addi %scan3A_155, %scan3A_181 : i32
        %mul3A_183 = arith.constant 16 : i32
        %mul3A_184 = arith.muli %scan3A_182, %mul3A_183 : i32
        %add3A_185 = vector.broadcast %mul3A_184 : i32 to vector<16xi32>
        %add3A_186 = arith.addi %add3A_185, %iota3A : vector<16xi32>
        %lt3A_187 = vector.broadcast %min3A_49 : i32 to vector<16xi32>
        %lt3A_188 = arith.cmpi slt, %add3A_186, %lt3A_187 : vector<16xi32>
        %mul3A_189 = arith.constant 16 : i32
        %mul3A_190 = arith.muli %scan3A_182, %mul3A_189 : i32
        %get3A_191 = arith.index_cast %mul3A_190 : i32 to index
        %get3A_192 = tpu.vector_load %arg19[%get3A_191] {strides = array<i32>} : memref<16384xi32, #tpu.memory_space<vmem>>, vector<16xi32>,
        %mul3A_193 = arith.constant 16 : i32
        %mul3A_194 = arith.muli %scan3A_182, %mul3A_193 : i32
        %get3A_195 = arith.index_cast %mul3A_194 : i32 to index
        %get3A_196 = tpu.vector_load %arg20[%get3A_195] {strides = array<i32>} : memref<16384xi32, #tpu.memory_space<vmem>>, vector<16xi32>,
        %bitcast3A_197 = vector.bitcast %get3A_192 : vector<16xi32> to vector<16xi32>
        %shift_right_logical3A_198 = arith.constant 11 : i32
        %shift_right_logical3A_199 = vector.broadcast %shift_right_logical3A_198 : i32 to vector<16xi32>
        %shift_right_logical3A_200 = arith.shrui %bitcast3A_197, %shift_right_logical3A_199 : vector<16xi32>
        %and3A_201 = vector.broadcast %scan3A_102 : i32 to vector<16xi32>
        %and3A_202 = arith.andi %shift_right_logical3A_200, %and3A_201 : vector<16xi32>
        %bitcast3A_203 = vector.bitcast %and3A_202 : vector<16xi32> to vector<16xi32>
        %unique3A_204, %unique3A_205 = tpu.scan_count mask(%lt3A_188 : vector<16xi1>) value(%bitcast3A_203 : vector<16xi32>) : vector<16xi1>, vector<16xi32>
        %sub3A_206 = arith.subi %unique3A_205, %sub3A : vector<16xi32>
        %gather3A_207 = tpu.vector_load_idx %arg16[%bitcast3A_203] : memref<2048xi32, #tpu.memory_space<vmem>>[vector<16xi32>], vector<16xi32>,
        %add3A_208 = arith.addi %gather3A_207, %sub3A_206 : vector<16xi32>
        tpu.vector_store_idx %arg17[%add3A_208], %get3A_192 masked %lt3A_188 : memref<16384xi32, #tpu.memory_space<vmem>>[vector<16xi32>], vector<16xi32>, vector<16xi1>
        tpu.vector_store_idx %arg18[%add3A_208], %get3A_196 masked %lt3A_188 : memref<16384xi32, #tpu.memory_space<vmem>>[vector<16xi32>], vector<16xi32>, vector<16xi1>
        %add3A_209 = arith.constant 1 : i32
        %add3A_210 = vector.broadcast %add3A_209 : i32 to vector<16xi32>
        %add3A_211 = arith.addi %sub3A_206, %add3A_210 : vector<16xi32>
        tpu.vector_store_idx %arg16[%bitcast3A_203], %add3A_211 masked %unique3A_204 {add = true} : memref<2048xi32, #tpu.memory_space<vmem>>[vector<16xi32>], vector<16xi32>, vector<16xi1>
        %scan3A_212 = arith.constant 0 : i32
        %scan3A_213 = arith.constant 2 : i32
        %scan3A_214 = arith.addi %scan3A_155, %scan3A_213 : i32
        %mul3A_215 = arith.constant 16 : i32
        %mul3A_216 = arith.muli %scan3A_214, %mul3A_215 : i32
        %add3A_217 = vector.broadcast %mul3A_216 : i32 to vector<16xi32>
        %add3A_218 = arith.addi %add3A_217, %iota3A : vector<16xi32>
        %lt3A_219 = vector.broadcast %min3A_49 : i32 to vector<16xi32>
        %lt3A_220 = arith.cmpi slt, %add3A_218, %lt3A_219 : vector<16xi32>
        %mul3A_221 = arith.constant 16 : i32
        %mul3A_222 = arith.muli %scan3A_214, %mul3A_221 : i32
        %get3A_223 = arith.index_cast %mul3A_222 : i32 to index
        %get3A_224 = tpu.vector_load %arg19[%get3A_223] {strides = array<i32>} : memref<16384xi32, #tpu.memory_space<vmem>>, vector<16xi32>,
        %mul3A_225 = arith.constant 16 : i32
        %mul3A_226 = arith.muli %scan3A_214, %mul3A_225 : i32
        %get3A_227 = arith.index_cast %mul3A_226 : i32 to index
        %get3A_228 = tpu.vector_load %arg20[%get3A_227] {strides = array<i32>} : memref<16384xi32, #tpu.memory_space<vmem>>, vector<16xi32>,
        %bitcast3A_229 = vector.bitcast %get3A_224 : vector<16xi32> to vector<16xi32>
        %shift_right_logical3A_230 = arith.constant 11 : i32
        %shift_right_logical3A_231 = vector.broadcast %shift_right_logical3A_230 : i32 to vector<16xi32>
        %shift_right_logical3A_232 = arith.shrui %bitcast3A_229, %shift_right_logical3A_231 : vector<16xi32>
        %and3A_233 = vector.broadcast %scan3A_102 : i32 to vector<16xi32>
        %and3A_234 = arith.andi %shift_right_logical3A_232, %and3A_233 : vector<16xi32>
        %bitcast3A_235 = vector.bitcast %and3A_234 : vector<16xi32> to vector<16xi32>
        %unique3A_236, %unique3A_237 = tpu.scan_count mask(%lt3A_220 : vector<16xi1>) value(%bitcast3A_235 : vector<16xi32>) : vector<16xi1>, vector<16xi32>
        %sub3A_238 = arith.subi %unique3A_237, %sub3A : vector<16xi32>
        %gather3A_239 = tpu.vector_load_idx %arg16[%bitcast3A_235] : memref<2048xi32, #tpu.memory_space<vmem>>[vector<16xi32>], vector<16xi32>,
        %add3A_240 = arith.addi %gather3A_239, %sub3A_238 : vector<16xi32>
        tpu.vector_store_idx %arg17[%add3A_240], %get3A_224 masked %lt3A_220 : memref<16384xi32, #tpu.memory_space<vmem>>[vector<16xi32>], vector<16xi32>, vector<16xi1>
        tpu.vector_store_idx %arg18[%add3A_240], %get3A_228 masked %lt3A_220 : memref<16384xi32, #tpu.memory_space<vmem>>[vector<16xi32>], vector<16xi32>, vector<16xi1>
        %add3A_241 = arith.constant 1 : i32
        %add3A_242 = vector.broadcast %add3A_241 : i32 to vector<16xi32>
        %add3A_243 = arith.addi %sub3A_238, %add3A_242 : vector<16xi32>
        tpu.vector_store_idx %arg16[%bitcast3A_235], %add3A_243 masked %unique3A_236 {add = true} : memref<2048xi32, #tpu.memory_space<vmem>>[vector<16xi32>], vector<16xi32>, vector<16xi1>
        %scan3A_244 = arith.constant 0 : i32
        %scan3A_245 = arith.constant 3 : i32
        %scan3A_246 = arith.addi %scan3A_155, %scan3A_245 : i32
        %mul3A_247 = arith.constant 16 : i32
        %mul3A_248 = arith.muli %scan3A_246, %mul3A_247 : i32
        %add3A_249 = vector.broadcast %mul3A_248 : i32 to vector<16xi32>
        %add3A_250 = arith.addi %add3A_249, %iota3A : vector<16xi32>
        %lt3A_251 = vector.broadcast %min3A_49 : i32 to vector<16xi32>
        %lt3A_252 = arith.cmpi slt, %add3A_250, %lt3A_251 : vector<16xi32>
        %mul3A_253 = arith.constant 16 : i32
        %mul3A_254 = arith.muli %scan3A_246, %mul3A_253 : i32
        %get3A_255 = arith.index_cast %mul3A_254 : i32 to index
        %get3A_256 = tpu.vector_load %arg19[%get3A_255] {strides = array<i32>} : memref<16384xi32, #tpu.memory_space<vmem>>, vector<16xi32>,
        %mul3A_257 = arith.constant 16 : i32
        %mul3A_258 = arith.muli %scan3A_246, %mul3A_257 : i32
        %get3A_259 = arith.index_cast %mul3A_258 : i32 to index
        %get3A_260 = tpu.vector_load %arg20[%get3A_259] {strides = array<i32>} : memref<16384xi32, #tpu.memory_space<vmem>>, vector<16xi32>,
        %bitcast3A_261 = vector.bitcast %get3A_256 : vector<16xi32> to vector<16xi32>
        %shift_right_logical3A_262 = arith.constant 11 : i32
        %shift_right_logical3A_263 = vector.broadcast %shift_right_logical3A_262 : i32 to vector<16xi32>
        %shift_right_logical3A_264 = arith.shrui %bitcast3A_261, %shift_right_logical3A_263 : vector<16xi32>
        %and3A_265 = vector.broadcast %scan3A_102 : i32 to vector<16xi32>
        %and3A_266 = arith.andi %shift_right_logical3A_264, %and3A_265 : vector<16xi32>
        %bitcast3A_267 = vector.bitcast %and3A_266 : vector<16xi32> to vector<16xi32>
        %unique3A_268, %unique3A_269 = tpu.scan_count mask(%lt3A_252 : vector<16xi1>) value(%bitcast3A_267 : vector<16xi32>) : vector<16xi1>, vector<16xi32>
        %sub3A_270 = arith.subi %unique3A_269, %sub3A : vector<16xi32>
        %gather3A_271 = tpu.vector_load_idx %arg16[%bitcast3A_267] : memref<2048xi32, #tpu.memory_space<vmem>>[vector<16xi32>], vector<16xi32>,
        %add3A_272 = arith.addi %gather3A_271, %sub3A_270 : vector<16xi32>
        tpu.vector_store_idx %arg17[%add3A_272], %get3A_256 masked %lt3A_252 : memref<16384xi32, #tpu.memory_space<vmem>>[vector<16xi32>], vector<16xi32>, vector<16xi1>
        tpu.vector_store_idx %arg18[%add3A_272], %get3A_260 masked %lt3A_252 : memref<16384xi32, #tpu.memory_space<vmem>>[vector<16xi32>], vector<16xi32>, vector<16xi1>
        %add3A_273 = arith.constant 1 : i32
        %add3A_274 = vector.broadcast %add3A_273 : i32 to vector<16xi32>
        %add3A_275 = arith.addi %sub3A_270, %add3A_274 : vector<16xi32>
        tpu.vector_store_idx %arg16[%bitcast3A_267], %add3A_275 masked %unique3A_268 {add = true} : memref<2048xi32, #tpu.memory_space<vmem>>[vector<16xi32>], vector<16xi32>, vector<16xi1>
        %scan3A_276 = arith.constant 0 : i32
        scf.yield %scan3A_276 : i32
      }
      %scan3A_109 = arith.constant 1024 : i32
      %scan3A_110 = arith.constant 0 : i32
      %scan3A_111 = arith.constant 0 : i32
      %scan3A_112 = arith.constant 128 : i32
      %scan3A_113 = arith.addi %scan3A_111, %scan3A_112 : i32
      %scan3A_114 = arith.constant 8 : i32
      %scan3A_115 = scf.for %scan3A_155 = %scan3A_111 to %scan3A_113 step %scan3A_114 iter_args(%scan3A_156 = %scan3A_110) -> (i32)  : i32 {
        %mul3A_157 = arith.constant 16 : i32
        %mul3A_158 = arith.muli %scan3A_155, %mul3A_157 : i32
        %swap3A = arith.index_cast %mul3A_158 : i32 to index
        %swap3A_159 = tpu.vector_load %arg16[%swap3A] {strides = array<i32>} : memref<2048xi32, #tpu.memory_space<vmem>>, vector<16xi32>,
        tpu.vector_store %arg16[%swap3A], %mul3A_3 {strides = array<i32>} : memref<2048xi32, #tpu.memory_space<vmem>>, vector<16xi32>,
        %scan3A_160 = arith.constant 0 : i32
        %scan3A_161 = arith.constant 1 : i32
        %scan3A_162 = arith.addi %scan3A_155, %scan3A_161 : i32
        %mul3A_163 = arith.constant 16 : i32
        %mul3A_164 = arith.muli %scan3A_162, %mul3A_163 : i32
        %swap3A_165 = arith.index_cast %mul3A_164 : i32 to index
        %swap3A_166 = tpu.vector_load %arg16[%swap3A_165] {strides = array<i32>} : memref<2048xi32, #tpu.memory_space<vmem>>, vector<16xi32>,
        tpu.vector_store %arg16[%swap3A_165], %mul3A_3 {strides = array<i32>} : memref<2048xi32, #tpu.memory_space<vmem>>, vector<16xi32>,
        %scan3A_167 = arith.constant 0 : i32
        %scan3A_168 = arith.constant 2 : i32
        %scan3A_169 = arith.addi %scan3A_155, %scan3A_168 : i32
        %mul3A_170 = arith.constant 16 : i32
        %mul3A_171 = arith.muli %scan3A_169, %mul3A_170 : i32
        %swap3A_172 = arith.index_cast %mul3A_171 : i32 to index
        %swap3A_173 = tpu.vector_load %arg16[%swap3A_172] {strides = array<i32>} : memref<2048xi32, #tpu.memory_space<vmem>>, vector<16xi32>,
        tpu.vector_store %arg16[%swap3A_172], %mul3A_3 {strides = array<i32>} : memref<2048xi32, #tpu.memory_space<vmem>>, vector<16xi32>,
        %scan3A_174 = arith.constant 0 : i32
        %scan3A_175 = arith.constant 3 : i32
        %scan3A_176 = arith.addi %scan3A_155, %scan3A_175 : i32
        %mul3A_177 = arith.constant 16 : i32
        %mul3A_178 = arith.muli %scan3A_176, %mul3A_177 : i32
        %swap3A_179 = arith.index_cast %mul3A_178 : i32 to index
        %swap3A_180 = tpu.vector_load %arg16[%swap3A_179] {strides = array<i32>} : memref<2048xi32, #tpu.memory_space<vmem>>, vector<16xi32>,
        tpu.vector_store %arg16[%swap3A_179], %mul3A_3 {strides = array<i32>} : memref<2048xi32, #tpu.memory_space<vmem>>, vector<16xi32>,
        %scan3A_181 = arith.constant 0 : i32
        %scan3A_182 = arith.constant 4 : i32
        %scan3A_183 = arith.addi %scan3A_155, %scan3A_182 : i32
        %mul3A_184 = arith.constant 16 : i32
        %mul3A_185 = arith.muli %scan3A_183, %mul3A_184 : i32
        %swap3A_186 = arith.index_cast %mul3A_185 : i32 to index
        %swap3A_187 = tpu.vector_load %arg16[%swap3A_186] {strides = array<i32>} : memref<2048xi32, #tpu.memory_space<vmem>>, vector<16xi32>,
        tpu.vector_store %arg16[%swap3A_186], %mul3A_3 {strides = array<i32>} : memref<2048xi32, #tpu.memory_space<vmem>>, vector<16xi32>,
        %scan3A_188 = arith.constant 0 : i32
        %scan3A_189 = arith.constant 5 : i32
        %scan3A_190 = arith.addi %scan3A_155, %scan3A_189 : i32
        %mul3A_191 = arith.constant 16 : i32
        %mul3A_192 = arith.muli %scan3A_190, %mul3A_191 : i32
        %swap3A_193 = arith.index_cast %mul3A_192 : i32 to index
        %swap3A_194 = tpu.vector_load %arg16[%swap3A_193] {strides = array<i32>} : memref<2048xi32, #tpu.memory_space<vmem>>, vector<16xi32>,
        tpu.vector_store %arg16[%swap3A_193], %mul3A_3 {strides = array<i32>} : memref<2048xi32, #tpu.memory_space<vmem>>, vector<16xi32>,
        %scan3A_195 = arith.constant 0 : i32
        %scan3A_196 = arith.constant 6 : i32
        %scan3A_197 = arith.addi %scan3A_155, %scan3A_196 : i32
        %mul3A_198 = arith.constant 16 : i32
        %mul3A_199 = arith.muli %scan3A_197, %mul3A_198 : i32
        %swap3A_200 = arith.index_cast %mul3A_199 : i32 to index
        %swap3A_201 = tpu.vector_load %arg16[%swap3A_200] {strides = array<i32>} : memref<2048xi32, #tpu.memory_space<vmem>>, vector<16xi32>,
        tpu.vector_store %arg16[%swap3A_200], %mul3A_3 {strides = array<i32>} : memref<2048xi32, #tpu.memory_space<vmem>>, vector<16xi32>,
        %scan3A_202 = arith.constant 0 : i32
        %scan3A_203 = arith.constant 7 : i32
        %scan3A_204 = arith.addi %scan3A_155, %scan3A_203 : i32
        %mul3A_205 = arith.constant 16 : i32
        %mul3A_206 = arith.muli %scan3A_204, %mul3A_205 : i32
        %swap3A_207 = arith.index_cast %mul3A_206 : i32 to index
        %swap3A_208 = tpu.vector_load %arg16[%swap3A_207] {strides = array<i32>} : memref<2048xi32, #tpu.memory_space<vmem>>, vector<16xi32>,
        tpu.vector_store %arg16[%swap3A_207], %mul3A_3 {strides = array<i32>} : memref<2048xi32, #tpu.memory_space<vmem>>, vector<16xi32>,
        %scan3A_209 = arith.constant 0 : i32
        scf.yield %scan3A_209 : i32
      }
      %scan3A_116 = arith.constant 128 : i32
      %scan3A_117 = arith.constant 1023 : i32
      %scan3A_118 = arith.constant 0 : i32
      %scan3A_119 = arith.constant 0 : i32
      %scan3A_120 = arith.constant 1024 : i32
      %scan3A_121 = arith.addi %scan3A_119, %scan3A_120 : i32
      %scan3A_122 = arith.constant 8 : i32
      %scan3A_123 = scf.for %scan3A_155 = %scan3A_119 to %scan3A_121 step %scan3A_122 iter_args(%scan3A_156 = %scan3A_118) -> (i32)  : i32 {
        %mul3A_157 = arith.constant 16 : i32
        %mul3A_158 = arith.muli %scan3A_155, %mul3A_157 : i32
        %add3A_159 = vector.broadcast %mul3A_158 : i32 to vector<16xi32>
        %add3A_160 = arith.addi %add3A_159, %iota3A : vector<16xi32>
        %lt3A = vector.broadcast %min3A_49 : i32 to vector<16xi32>
        %lt3A_161 = arith.cmpi slt, %add3A_160, %lt3A : vector<16xi32>
        %mul3A_162 = arith.constant 16 : i32
        %mul3A_163 = arith.muli %scan3A_155, %mul3A_162 : i32
        %get3A = arith.index_cast %mul3A_163 : i32 to index
        %get3A_164 = tpu.vector_load %arg17[%get3A] {strides = array<i32>} : memref<16384xi32, #tpu.memory_space<vmem>>, vector<16xi32>,
        %bitcast3A = vector.bitcast %get3A_164 : vector<16xi32> to vector<16xi32>
        %shift_right_logical3A = arith.constant 22 : i32
        %shift_right_logical3A_165 = vector.broadcast %shift_right_logical3A : i32 to vector<16xi32>
        %shift_right_logical3A_166 = arith.shrui %bitcast3A, %shift_right_logical3A_165 : vector<16xi32>
        %and3A = vector.broadcast %scan3A_117 : i32 to vector<16xi32>
        %and3A_167 = arith.andi %shift_right_logical3A_166, %and3A : vector<16xi32>
        %bitcast3A_168 = vector.bitcast %and3A_167 : vector<16xi32> to vector<16xi32>
        %unique3A_169, %unique3A_170 = tpu.scan_count mask(%lt3A_161 : vector<16xi1>) value(%bitcast3A_168 : vector<16xi32>) : vector<16xi1>, vector<16xi32>
        %sub3A_171 = arith.subi %unique3A_170, %sub3A : vector<16xi32>
        %add3A_172 = arith.constant 1 : i32
        %add3A_173 = vector.broadcast %add3A_172 : i32 to vector<16xi32>
        %add3A_174 = arith.addi %sub3A_171, %add3A_173 : vector<16xi32>
        tpu.vector_store_idx %arg16[%bitcast3A_168], %add3A_174 masked %unique3A_169 {add = true} : memref<2048xi32, #tpu.memory_space<vmem>>[vector<16xi32>], vector<16xi32>, vector<16xi1>
        %scan3A_175 = arith.constant 0 : i32
        %scan3A_176 = arith.constant 1 : i32
        %scan3A_177 = arith.addi %scan3A_155, %scan3A_176 : i32
        %mul3A_178 = arith.constant 16 : i32
        %mul3A_179 = arith.muli %scan3A_177, %mul3A_178 : i32
        %add3A_180 = vector.broadcast %mul3A_179 : i32 to vector<16xi32>
        %add3A_181 = arith.addi %add3A_180, %iota3A : vector<16xi32>
        %lt3A_182 = vector.broadcast %min3A_49 : i32 to vector<16xi32>
        %lt3A_183 = arith.cmpi slt, %add3A_181, %lt3A_182 : vector<16xi32>
        %mul3A_184 = arith.constant 16 : i32
        %mul3A_185 = arith.muli %scan3A_177, %mul3A_184 : i32
        %get3A_186 = arith.index_cast %mul3A_185 : i32 to index
        %get3A_187 = tpu.vector_load %arg17[%get3A_186] {strides = array<i32>} : memref<16384xi32, #tpu.memory_space<vmem>>, vector<16xi32>,
        %bitcast3A_188 = vector.bitcast %get3A_187 : vector<16xi32> to vector<16xi32>
        %shift_right_logical3A_189 = arith.constant 22 : i32
        %shift_right_logical3A_190 = vector.broadcast %shift_right_logical3A_189 : i32 to vector<16xi32>
        %shift_right_logical3A_191 = arith.shrui %bitcast3A_188, %shift_right_logical3A_190 : vector<16xi32>
        %and3A_192 = vector.broadcast %scan3A_117 : i32 to vector<16xi32>
        %and3A_193 = arith.andi %shift_right_logical3A_191, %and3A_192 : vector<16xi32>
        %bitcast3A_194 = vector.bitcast %and3A_193 : vector<16xi32> to vector<16xi32>
        %unique3A_195, %unique3A_196 = tpu.scan_count mask(%lt3A_183 : vector<16xi1>) value(%bitcast3A_194 : vector<16xi32>) : vector<16xi1>, vector<16xi32>
        %sub3A_197 = arith.subi %unique3A_196, %sub3A : vector<16xi32>
        %add3A_198 = arith.constant 1 : i32
        %add3A_199 = vector.broadcast %add3A_198 : i32 to vector<16xi32>
        %add3A_200 = arith.addi %sub3A_197, %add3A_199 : vector<16xi32>
        tpu.vector_store_idx %arg16[%bitcast3A_194], %add3A_200 masked %unique3A_195 {add = true} : memref<2048xi32, #tpu.memory_space<vmem>>[vector<16xi32>], vector<16xi32>, vector<16xi1>
        %scan3A_201 = arith.constant 0 : i32
        %scan3A_202 = arith.constant 2 : i32
        %scan3A_203 = arith.addi %scan3A_155, %scan3A_202 : i32
        %mul3A_204 = arith.constant 16 : i32
        %mul3A_205 = arith.muli %scan3A_203, %mul3A_204 : i32
        %add3A_206 = vector.broadcast %mul3A_205 : i32 to vector<16xi32>
        %add3A_207 = arith.addi %add3A_206, %iota3A : vector<16xi32>
        %lt3A_208 = vector.broadcast %min3A_49 : i32 to vector<16xi32>
        %lt3A_209 = arith.cmpi slt, %add3A_207, %lt3A_208 : vector<16xi32>
        %mul3A_210 = arith.constant 16 : i32
        %mul3A_211 = arith.muli %scan3A_203, %mul3A_210 : i32
        %get3A_212 = arith.index_cast %mul3A_211 : i32 to index
        %get3A_213 = tpu.vector_load %arg17[%get3A_212] {strides = array<i32>} : memref<16384xi32, #tpu.memory_space<vmem>>, vector<16xi32>,
        %bitcast3A_214 = vector.bitcast %get3A_213 : vector<16xi32> to vector<16xi32>
        %shift_right_logical3A_215 = arith.constant 22 : i32
        %shift_right_logical3A_216 = vector.broadcast %shift_right_logical3A_215 : i32 to vector<16xi32>
        %shift_right_logical3A_217 = arith.shrui %bitcast3A_214, %shift_right_logical3A_216 : vector<16xi32>
        %and3A_218 = vector.broadcast %scan3A_117 : i32 to vector<16xi32>
        %and3A_219 = arith.andi %shift_right_logical3A_217, %and3A_218 : vector<16xi32>
        %bitcast3A_220 = vector.bitcast %and3A_219 : vector<16xi32> to vector<16xi32>
        %unique3A_221, %unique3A_222 = tpu.scan_count mask(%lt3A_209 : vector<16xi1>) value(%bitcast3A_220 : vector<16xi32>) : vector<16xi1>, vector<16xi32>
        %sub3A_223 = arith.subi %unique3A_222, %sub3A : vector<16xi32>
        %add3A_224 = arith.constant 1 : i32
        %add3A_225 = vector.broadcast %add3A_224 : i32 to vector<16xi32>
        %add3A_226 = arith.addi %sub3A_223, %add3A_225 : vector<16xi32>
        tpu.vector_store_idx %arg16[%bitcast3A_220], %add3A_226 masked %unique3A_221 {add = true} : memref<2048xi32, #tpu.memory_space<vmem>>[vector<16xi32>], vector<16xi32>, vector<16xi1>
        %scan3A_227 = arith.constant 0 : i32
        %scan3A_228 = arith.constant 3 : i32
        %scan3A_229 = arith.addi %scan3A_155, %scan3A_228 : i32
        %mul3A_230 = arith.constant 16 : i32
        %mul3A_231 = arith.muli %scan3A_229, %mul3A_230 : i32
        %add3A_232 = vector.broadcast %mul3A_231 : i32 to vector<16xi32>
        %add3A_233 = arith.addi %add3A_232, %iota3A : vector<16xi32>
        %lt3A_234 = vector.broadcast %min3A_49 : i32 to vector<16xi32>
        %lt3A_235 = arith.cmpi slt, %add3A_233, %lt3A_234 : vector<16xi32>
        %mul3A_236 = arith.constant 16 : i32
        %mul3A_237 = arith.muli %scan3A_229, %mul3A_236 : i32
        %get3A_238 = arith.index_cast %mul3A_237 : i32 to index
        %get3A_239 = tpu.vector_load %arg17[%get3A_238] {strides = array<i32>} : memref<16384xi32, #tpu.memory_space<vmem>>, vector<16xi32>,
        %bitcast3A_240 = vector.bitcast %get3A_239 : vector<16xi32> to vector<16xi32>
        %shift_right_logical3A_241 = arith.constant 22 : i32
        %shift_right_logical3A_242 = vector.broadcast %shift_right_logical3A_241 : i32 to vector<16xi32>
        %shift_right_logical3A_243 = arith.shrui %bitcast3A_240, %shift_right_logical3A_242 : vector<16xi32>
        %and3A_244 = vector.broadcast %scan3A_117 : i32 to vector<16xi32>
        %and3A_245 = arith.andi %shift_right_logical3A_243, %and3A_244 : vector<16xi32>
        %bitcast3A_246 = vector.bitcast %and3A_245 : vector<16xi32> to vector<16xi32>
        %unique3A_247, %unique3A_248 = tpu.scan_count mask(%lt3A_235 : vector<16xi1>) value(%bitcast3A_246 : vector<16xi32>) : vector<16xi1>, vector<16xi32>
        %sub3A_249 = arith.subi %unique3A_248, %sub3A : vector<16xi32>
        %add3A_250 = arith.constant 1 : i32
        %add3A_251 = vector.broadcast %add3A_250 : i32 to vector<16xi32>
        %add3A_252 = arith.addi %sub3A_249, %add3A_251 : vector<16xi32>
        tpu.vector_store_idx %arg16[%bitcast3A_246], %add3A_252 masked %unique3A_247 {add = true} : memref<2048xi32, #tpu.memory_space<vmem>>[vector<16xi32>], vector<16xi32>, vector<16xi1>
        %scan3A_253 = arith.constant 0 : i32
        %scan3A_254 = arith.constant 4 : i32
        %scan3A_255 = arith.addi %scan3A_155, %scan3A_254 : i32
        %mul3A_256 = arith.constant 16 : i32
        %mul3A_257 = arith.muli %scan3A_255, %mul3A_256 : i32
        %add3A_258 = vector.broadcast %mul3A_257 : i32 to vector<16xi32>
        %add3A_259 = arith.addi %add3A_258, %iota3A : vector<16xi32>
        %lt3A_260 = vector.broadcast %min3A_49 : i32 to vector<16xi32>
        %lt3A_261 = arith.cmpi slt, %add3A_259, %lt3A_260 : vector<16xi32>
        %mul3A_262 = arith.constant 16 : i32
        %mul3A_263 = arith.muli %scan3A_255, %mul3A_262 : i32
        %get3A_264 = arith.index_cast %mul3A_263 : i32 to index
        %get3A_265 = tpu.vector_load %arg17[%get3A_264] {strides = array<i32>} : memref<16384xi32, #tpu.memory_space<vmem>>, vector<16xi32>,
        %bitcast3A_266 = vector.bitcast %get3A_265 : vector<16xi32> to vector<16xi32>
        %shift_right_logical3A_267 = arith.constant 22 : i32
        %shift_right_logical3A_268 = vector.broadcast %shift_right_logical3A_267 : i32 to vector<16xi32>
        %shift_right_logical3A_269 = arith.shrui %bitcast3A_266, %shift_right_logical3A_268 : vector<16xi32>
        %and3A_270 = vector.broadcast %scan3A_117 : i32 to vector<16xi32>
        %and3A_271 = arith.andi %shift_right_logical3A_269, %and3A_270 : vector<16xi32>
        %bitcast3A_272 = vector.bitcast %and3A_271 : vector<16xi32> to vector<16xi32>
        %unique3A_273, %unique3A_274 = tpu.scan_count mask(%lt3A_261 : vector<16xi1>) value(%bitcast3A_272 : vector<16xi32>) : vector<16xi1>, vector<16xi32>
        %sub3A_275 = arith.subi %unique3A_274, %sub3A : vector<16xi32>
        %add3A_276 = arith.constant 1 : i32
        %add3A_277 = vector.broadcast %add3A_276 : i32 to vector<16xi32>
        %add3A_278 = arith.addi %sub3A_275, %add3A_277 : vector<16xi32>
        tpu.vector_store_idx %arg16[%bitcast3A_272], %add3A_278 masked %unique3A_273 {add = true} : memref<2048xi32, #tpu.memory_space<vmem>>[vector<16xi32>], vector<16xi32>, vector<16xi1>
        %scan3A_279 = arith.constant 0 : i32
        %scan3A_280 = arith.constant 5 : i32
        %scan3A_281 = arith.addi %scan3A_155, %scan3A_280 : i32
        %mul3A_282 = arith.constant 16 : i32
        %mul3A_283 = arith.muli %scan3A_281, %mul3A_282 : i32
        %add3A_284 = vector.broadcast %mul3A_283 : i32 to vector<16xi32>
        %add3A_285 = arith.addi %add3A_284, %iota3A : vector<16xi32>
        %lt3A_286 = vector.broadcast %min3A_49 : i32 to vector<16xi32>
        %lt3A_287 = arith.cmpi slt, %add3A_285, %lt3A_286 : vector<16xi32>
        %mul3A_288 = arith.constant 16 : i32
        %mul3A_289 = arith.muli %scan3A_281, %mul3A_288 : i32
        %get3A_290 = arith.index_cast %mul3A_289 : i32 to index
        %get3A_291 = tpu.vector_load %arg17[%get3A_290] {strides = array<i32>} : memref<16384xi32, #tpu.memory_space<vmem>>, vector<16xi32>,
        %bitcast3A_292 = vector.bitcast %get3A_291 : vector<16xi32> to vector<16xi32>
        %shift_right_logical3A_293 = arith.constant 22 : i32
        %shift_right_logical3A_294 = vector.broadcast %shift_right_logical3A_293 : i32 to vector<16xi32>
        %shift_right_logical3A_295 = arith.shrui %bitcast3A_292, %shift_right_logical3A_294 : vector<16xi32>
        %and3A_296 = vector.broadcast %scan3A_117 : i32 to vector<16xi32>
        %and3A_297 = arith.andi %shift_right_logical3A_295, %and3A_296 : vector<16xi32>
        %bitcast3A_298 = vector.bitcast %and3A_297 : vector<16xi32> to vector<16xi32>
        %unique3A_299, %unique3A_300 = tpu.scan_count mask(%lt3A_287 : vector<16xi1>) value(%bitcast3A_298 : vector<16xi32>) : vector<16xi1>, vector<16xi32>
        %sub3A_301 = arith.subi %unique3A_300, %sub3A : vector<16xi32>
        %add3A_302 = arith.constant 1 : i32
        %add3A_303 = vector.broadcast %add3A_302 : i32 to vector<16xi32>
        %add3A_304 = arith.addi %sub3A_301, %add3A_303 : vector<16xi32>
        tpu.vector_store_idx %arg16[%bitcast3A_298], %add3A_304 masked %unique3A_299 {add = true} : memref<2048xi32, #tpu.memory_space<vmem>>[vector<16xi32>], vector<16xi32>, vector<16xi1>
        %scan3A_305 = arith.constant 0 : i32
        %scan3A_306 = arith.constant 6 : i32
        %scan3A_307 = arith.addi %scan3A_155, %scan3A_306 : i32
        %mul3A_308 = arith.constant 16 : i32
        %mul3A_309 = arith.muli %scan3A_307, %mul3A_308 : i32
        %add3A_310 = vector.broadcast %mul3A_309 : i32 to vector<16xi32>
        %add3A_311 = arith.addi %add3A_310, %iota3A : vector<16xi32>
        %lt3A_312 = vector.broadcast %min3A_49 : i32 to vector<16xi32>
        %lt3A_313 = arith.cmpi slt, %add3A_311, %lt3A_312 : vector<16xi32>
        %mul3A_314 = arith.constant 16 : i32
        %mul3A_315 = arith.muli %scan3A_307, %mul3A_314 : i32
        %get3A_316 = arith.index_cast %mul3A_315 : i32 to index
        %get3A_317 = tpu.vector_load %arg17[%get3A_316] {strides = array<i32>} : memref<16384xi32, #tpu.memory_space<vmem>>, vector<16xi32>,
        %bitcast3A_318 = vector.bitcast %get3A_317 : vector<16xi32> to vector<16xi32>
        %shift_right_logical3A_319 = arith.constant 22 : i32
        %shift_right_logical3A_320 = vector.broadcast %shift_right_logical3A_319 : i32 to vector<16xi32>
        %shift_right_logical3A_321 = arith.shrui %bitcast3A_318, %shift_right_logical3A_320 : vector<16xi32>
        %and3A_322 = vector.broadcast %scan3A_117 : i32 to vector<16xi32>
        %and3A_323 = arith.andi %shift_right_logical3A_321, %and3A_322 : vector<16xi32>
        %bitcast3A_324 = vector.bitcast %and3A_323 : vector<16xi32> to vector<16xi32>
        %unique3A_325, %unique3A_326 = tpu.scan_count mask(%lt3A_313 : vector<16xi1>) value(%bitcast3A_324 : vector<16xi32>) : vector<16xi1>, vector<16xi32>
        %sub3A_327 = arith.subi %unique3A_326, %sub3A : vector<16xi32>
        %add3A_328 = arith.constant 1 : i32
        %add3A_329 = vector.broadcast %add3A_328 : i32 to vector<16xi32>
        %add3A_330 = arith.addi %sub3A_327, %add3A_329 : vector<16xi32>
        tpu.vector_store_idx %arg16[%bitcast3A_324], %add3A_330 masked %unique3A_325 {add = true} : memref<2048xi32, #tpu.memory_space<vmem>>[vector<16xi32>], vector<16xi32>, vector<16xi1>
        %scan3A_331 = arith.constant 0 : i32
        %scan3A_332 = arith.constant 7 : i32
        %scan3A_333 = arith.addi %scan3A_155, %scan3A_332 : i32
        %mul3A_334 = arith.constant 16 : i32
        %mul3A_335 = arith.muli %scan3A_333, %mul3A_334 : i32
        %add3A_336 = vector.broadcast %mul3A_335 : i32 to vector<16xi32>
        %add3A_337 = arith.addi %add3A_336, %iota3A : vector<16xi32>
        %lt3A_338 = vector.broadcast %min3A_49 : i32 to vector<16xi32>
        %lt3A_339 = arith.cmpi slt, %add3A_337, %lt3A_338 : vector<16xi32>
        %mul3A_340 = arith.constant 16 : i32
        %mul3A_341 = arith.muli %scan3A_333, %mul3A_340 : i32
        %get3A_342 = arith.index_cast %mul3A_341 : i32 to index
        %get3A_343 = tpu.vector_load %arg17[%get3A_342] {strides = array<i32>} : memref<16384xi32, #tpu.memory_space<vmem>>, vector<16xi32>,
        %bitcast3A_344 = vector.bitcast %get3A_343 : vector<16xi32> to vector<16xi32>
        %shift_right_logical3A_345 = arith.constant 22 : i32
        %shift_right_logical3A_346 = vector.broadcast %shift_right_logical3A_345 : i32 to vector<16xi32>
        %shift_right_logical3A_347 = arith.shrui %bitcast3A_344, %shift_right_logical3A_346 : vector<16xi32>
        %and3A_348 = vector.broadcast %scan3A_117 : i32 to vector<16xi32>
        %and3A_349 = arith.andi %shift_right_logical3A_347, %and3A_348 : vector<16xi32>
        %bitcast3A_350 = vector.bitcast %and3A_349 : vector<16xi32> to vector<16xi32>
        %unique3A_351, %unique3A_352 = tpu.scan_count mask(%lt3A_339 : vector<16xi1>) value(%bitcast3A_350 : vector<16xi32>) : vector<16xi1>, vector<16xi32>
        %sub3A_353 = arith.subi %unique3A_352, %sub3A : vector<16xi32>
        %add3A_354 = arith.constant 1 : i32
        %add3A_355 = vector.broadcast %add3A_354 : i32 to vector<16xi32>
        %add3A_356 = arith.addi %sub3A_353, %add3A_355 : vector<16xi32>
        tpu.vector_store_idx %arg16[%bitcast3A_350], %add3A_356 masked %unique3A_351 {add = true} : memref<2048xi32, #tpu.memory_space<vmem>>[vector<16xi32>], vector<16xi32>, vector<16xi1>
        %scan3A_357 = arith.constant 0 : i32
        scf.yield %scan3A_357 : i32
      }
      %scan3A_124 = arith.constant 1024 : i32
      %scan3A_125 = arith.constant 0 : i32
      %scan3A_126 = arith.constant 0 : i32
      %scan3A_127 = arith.constant 128 : i32
      %scan3A_128 = arith.addi %scan3A_126, %scan3A_127 : i32
      %scan3A_129 = arith.constant 4 : i32
      %scan3A_130 = scf.for %scan3A_155 = %scan3A_126 to %scan3A_128 step %scan3A_129 iter_args(%scan3A_156 = %scan3A_125) -> (i32)  : i32 {
        %mul3A_157 = arith.constant 16 : i32
        %mul3A_158 = arith.muli %scan3A_155, %mul3A_157 : i32
        %get3A = arith.index_cast %mul3A_158 : i32 to index
        %get3A_159 = tpu.vector_load %arg16[%get3A] {strides = array<i32>} : memref<2048xi32, #tpu.memory_space<vmem>>, vector<16xi32>,
        %broadcast_in_dim3A_160 = arith.constant true
        %broadcast_in_dim3A_161 = vector.broadcast %broadcast_in_dim3A_160 : i1 to vector<16xi1>
        %masked_cumsum3A = tpu.scan <sum>, %get3A_159 masked %broadcast_in_dim3A_161 : vector<16xi32>, vector<16xi1> -> vector<16xi32>
        %add3A_162 = vector.broadcast %scan3A_156 : i32 to vector<16xi32>
        %add3A_163 = arith.addi %add3A_162, %masked_cumsum3A : vector<16xi32>
        %sub3A_164 = arith.subi %add3A_163, %get3A_159 : vector<16xi32>
        %mul3A_165 = arith.constant 16 : i32
        %mul3A_166 = arith.muli %scan3A_155, %mul3A_165 : i32
        %swap3A = arith.index_cast %mul3A_166 : i32 to index
        %swap3A_167 = tpu.vector_load %arg16[%swap3A] {strides = array<i32>} : memref<2048xi32, #tpu.memory_space<vmem>>, vector<16xi32>,
        tpu.vector_store %arg16[%swap3A], %sub3A_164 {strides = array<i32>} : memref<2048xi32, #tpu.memory_space<vmem>>, vector<16xi32>,
        %reduce_max3A = arith.constant true
        %reduce_max3A_168 = vector.broadcast %reduce_max3A : i1 to vector<16xi1>
        %reduce_max3A_169 = arith.constant -2147483648 : i32
        %reduce_max3A_170 = vector.broadcast %reduce_max3A_169 : i32 to vector<16xi32>
        %reduce_max3A_171 = arith.xori %masked_cumsum3A, %reduce_max3A_170 : vector<16xi32>
        %reduce_max3A_172 = tpu.scan <max>, %reduce_max3A_171 masked %reduce_max3A_168 : vector<16xi32>, vector<16xi1> -> vector<16xi32>
        %reduce_max3A_173 = arith.xori %reduce_max3A_172, %reduce_max3A_170 : vector<16xi32>
        %reduce_max3A_174 = vector.extract %reduce_max3A_173[15] : i32 from vector<16xi32>
        %add3A_175 = arith.addi %scan3A_156, %reduce_max3A_174 : i32
        %scan3A_176 = arith.constant 1 : i32
        %scan3A_177 = arith.addi %scan3A_155, %scan3A_176 : i32
        %mul3A_178 = arith.constant 16 : i32
        %mul3A_179 = arith.muli %scan3A_177, %mul3A_178 : i32
        %get3A_180 = arith.index_cast %mul3A_179 : i32 to index
        %get3A_181 = tpu.vector_load %arg16[%get3A_180] {strides = array<i32>} : memref<2048xi32, #tpu.memory_space<vmem>>, vector<16xi32>,
        %broadcast_in_dim3A_182 = arith.constant true
        %broadcast_in_dim3A_183 = vector.broadcast %broadcast_in_dim3A_182 : i1 to vector<16xi1>
        %masked_cumsum3A_184 = tpu.scan <sum>, %get3A_181 masked %broadcast_in_dim3A_183 : vector<16xi32>, vector<16xi1> -> vector<16xi32>
        %add3A_185 = vector.broadcast %add3A_175 : i32 to vector<16xi32>
        %add3A_186 = arith.addi %add3A_185, %masked_cumsum3A_184 : vector<16xi32>
        %sub3A_187 = arith.subi %add3A_186, %get3A_181 : vector<16xi32>
        %mul3A_188 = arith.constant 16 : i32
        %mul3A_189 = arith.muli %scan3A_177, %mul3A_188 : i32
        %swap3A_190 = arith.index_cast %mul3A_189 : i32 to index
        %swap3A_191 = tpu.vector_load %arg16[%swap3A_190] {strides = array<i32>} : memref<2048xi32, #tpu.memory_space<vmem>>, vector<16xi32>,
        tpu.vector_store %arg16[%swap3A_190], %sub3A_187 {strides = array<i32>} : memref<2048xi32, #tpu.memory_space<vmem>>, vector<16xi32>,
        %reduce_max3A_192 = arith.constant true
        %reduce_max3A_193 = vector.broadcast %reduce_max3A_192 : i1 to vector<16xi1>
        %reduce_max3A_194 = arith.constant -2147483648 : i32
        %reduce_max3A_195 = vector.broadcast %reduce_max3A_194 : i32 to vector<16xi32>
        %reduce_max3A_196 = arith.xori %masked_cumsum3A_184, %reduce_max3A_195 : vector<16xi32>
        %reduce_max3A_197 = tpu.scan <max>, %reduce_max3A_196 masked %reduce_max3A_193 : vector<16xi32>, vector<16xi1> -> vector<16xi32>
        %reduce_max3A_198 = arith.xori %reduce_max3A_197, %reduce_max3A_195 : vector<16xi32>
        %reduce_max3A_199 = vector.extract %reduce_max3A_198[15] : i32 from vector<16xi32>
        %add3A_200 = arith.addi %add3A_175, %reduce_max3A_199 : i32
        %scan3A_201 = arith.constant 2 : i32
        %scan3A_202 = arith.addi %scan3A_155, %scan3A_201 : i32
        %mul3A_203 = arith.constant 16 : i32
        %mul3A_204 = arith.muli %scan3A_202, %mul3A_203 : i32
        %get3A_205 = arith.index_cast %mul3A_204 : i32 to index
        %get3A_206 = tpu.vector_load %arg16[%get3A_205] {strides = array<i32>} : memref<2048xi32, #tpu.memory_space<vmem>>, vector<16xi32>,
        %broadcast_in_dim3A_207 = arith.constant true
        %broadcast_in_dim3A_208 = vector.broadcast %broadcast_in_dim3A_207 : i1 to vector<16xi1>
        %masked_cumsum3A_209 = tpu.scan <sum>, %get3A_206 masked %broadcast_in_dim3A_208 : vector<16xi32>, vector<16xi1> -> vector<16xi32>
        %add3A_210 = vector.broadcast %add3A_200 : i32 to vector<16xi32>
        %add3A_211 = arith.addi %add3A_210, %masked_cumsum3A_209 : vector<16xi32>
        %sub3A_212 = arith.subi %add3A_211, %get3A_206 : vector<16xi32>
        %mul3A_213 = arith.constant 16 : i32
        %mul3A_214 = arith.muli %scan3A_202, %mul3A_213 : i32
        %swap3A_215 = arith.index_cast %mul3A_214 : i32 to index
        %swap3A_216 = tpu.vector_load %arg16[%swap3A_215] {strides = array<i32>} : memref<2048xi32, #tpu.memory_space<vmem>>, vector<16xi32>,
        tpu.vector_store %arg16[%swap3A_215], %sub3A_212 {strides = array<i32>} : memref<2048xi32, #tpu.memory_space<vmem>>, vector<16xi32>,
        %reduce_max3A_217 = arith.constant true
        %reduce_max3A_218 = vector.broadcast %reduce_max3A_217 : i1 to vector<16xi1>
        %reduce_max3A_219 = arith.constant -2147483648 : i32
        %reduce_max3A_220 = vector.broadcast %reduce_max3A_219 : i32 to vector<16xi32>
        %reduce_max3A_221 = arith.xori %masked_cumsum3A_209, %reduce_max3A_220 : vector<16xi32>
        %reduce_max3A_222 = tpu.scan <max>, %reduce_max3A_221 masked %reduce_max3A_218 : vector<16xi32>, vector<16xi1> -> vector<16xi32>
        %reduce_max3A_223 = arith.xori %reduce_max3A_222, %reduce_max3A_220 : vector<16xi32>
        %reduce_max3A_224 = vector.extract %reduce_max3A_223[15] : i32 from vector<16xi32>
        %add3A_225 = arith.addi %add3A_200, %reduce_max3A_224 : i32
        %scan3A_226 = arith.constant 3 : i32
        %scan3A_227 = arith.addi %scan3A_155, %scan3A_226 : i32
        %mul3A_228 = arith.constant 16 : i32
        %mul3A_229 = arith.muli %scan3A_227, %mul3A_228 : i32
        %get3A_230 = arith.index_cast %mul3A_229 : i32 to index
        %get3A_231 = tpu.vector_load %arg16[%get3A_230] {strides = array<i32>} : memref<2048xi32, #tpu.memory_space<vmem>>, vector<16xi32>,
        %broadcast_in_dim3A_232 = arith.constant true
        %broadcast_in_dim3A_233 = vector.broadcast %broadcast_in_dim3A_232 : i1 to vector<16xi1>
        %masked_cumsum3A_234 = tpu.scan <sum>, %get3A_231 masked %broadcast_in_dim3A_233 : vector<16xi32>, vector<16xi1> -> vector<16xi32>
        %add3A_235 = vector.broadcast %add3A_225 : i32 to vector<16xi32>
        %add3A_236 = arith.addi %add3A_235, %masked_cumsum3A_234 : vector<16xi32>
        %sub3A_237 = arith.subi %add3A_236, %get3A_231 : vector<16xi32>
        %mul3A_238 = arith.constant 16 : i32
        %mul3A_239 = arith.muli %scan3A_227, %mul3A_238 : i32
        %swap3A_240 = arith.index_cast %mul3A_239 : i32 to index
        %swap3A_241 = tpu.vector_load %arg16[%swap3A_240] {strides = array<i32>} : memref<2048xi32, #tpu.memory_space<vmem>>, vector<16xi32>,
        tpu.vector_store %arg16[%swap3A_240], %sub3A_237 {strides = array<i32>} : memref<2048xi32, #tpu.memory_space<vmem>>, vector<16xi32>,
        %reduce_max3A_242 = arith.constant true
        %reduce_max3A_243 = vector.broadcast %reduce_max3A_242 : i1 to vector<16xi1>
        %reduce_max3A_244 = arith.constant -2147483648 : i32
        %reduce_max3A_245 = vector.broadcast %reduce_max3A_244 : i32 to vector<16xi32>
        %reduce_max3A_246 = arith.xori %masked_cumsum3A_234, %reduce_max3A_245 : vector<16xi32>
        %reduce_max3A_247 = tpu.scan <max>, %reduce_max3A_246 masked %reduce_max3A_243 : vector<16xi32>, vector<16xi1> -> vector<16xi32>
        %reduce_max3A_248 = arith.xori %reduce_max3A_247, %reduce_max3A_245 : vector<16xi32>
        %reduce_max3A_249 = vector.extract %reduce_max3A_248[15] : i32 from vector<16xi32>
        %add3A_250 = arith.addi %add3A_225, %reduce_max3A_249 : i32
        scf.yield %add3A_250 : i32
      }
      %scan3A_131 = arith.constant 128 : i32
      %scan3A_132 = arith.constant 1023 : i32
      %scan3A_133 = arith.constant 0 : i32
      %scan3A_134 = arith.constant 0 : i32
      %scan3A_135 = arith.constant 1024 : i32
      %scan3A_136 = arith.addi %scan3A_134, %scan3A_135 : i32
      %scan3A_137 = arith.constant 4 : i32
      %scan3A_138 = scf.for %scan3A_155 = %scan3A_134 to %scan3A_136 step %scan3A_137 iter_args(%scan3A_156 = %scan3A_133) -> (i32)  : i32 {
        %mul3A_157 = arith.constant 16 : i32
        %mul3A_158 = arith.muli %scan3A_155, %mul3A_157 : i32
        %add3A_159 = vector.broadcast %mul3A_158 : i32 to vector<16xi32>
        %add3A_160 = arith.addi %add3A_159, %iota3A : vector<16xi32>
        %lt3A = vector.broadcast %min3A_49 : i32 to vector<16xi32>
        %lt3A_161 = arith.cmpi slt, %add3A_160, %lt3A : vector<16xi32>
        %mul3A_162 = arith.constant 16 : i32
        %mul3A_163 = arith.muli %scan3A_155, %mul3A_162 : i32
        %get3A = arith.index_cast %mul3A_163 : i32 to index
        %get3A_164 = tpu.vector_load %arg17[%get3A] {strides = array<i32>} : memref<16384xi32, #tpu.memory_space<vmem>>, vector<16xi32>,
        %mul3A_165 = arith.constant 16 : i32
        %mul3A_166 = arith.muli %scan3A_155, %mul3A_165 : i32
        %get3A_167 = arith.index_cast %mul3A_166 : i32 to index
        %get3A_168 = tpu.vector_load %arg18[%get3A_167] {strides = array<i32>} : memref<16384xi32, #tpu.memory_space<vmem>>, vector<16xi32>,
        %bitcast3A = vector.bitcast %get3A_164 : vector<16xi32> to vector<16xi32>
        %shift_right_logical3A = arith.constant 22 : i32
        %shift_right_logical3A_169 = vector.broadcast %shift_right_logical3A : i32 to vector<16xi32>
        %shift_right_logical3A_170 = arith.shrui %bitcast3A, %shift_right_logical3A_169 : vector<16xi32>
        %and3A = vector.broadcast %scan3A_132 : i32 to vector<16xi32>
        %and3A_171 = arith.andi %shift_right_logical3A_170, %and3A : vector<16xi32>
        %bitcast3A_172 = vector.bitcast %and3A_171 : vector<16xi32> to vector<16xi32>
        %unique3A_173, %unique3A_174 = tpu.scan_count mask(%lt3A_161 : vector<16xi1>) value(%bitcast3A_172 : vector<16xi32>) : vector<16xi1>, vector<16xi32>
        %sub3A_175 = arith.subi %unique3A_174, %sub3A : vector<16xi32>
        %gather3A = tpu.vector_load_idx %arg16[%bitcast3A_172] : memref<2048xi32, #tpu.memory_space<vmem>>[vector<16xi32>], vector<16xi32>,
        %add3A_176 = arith.addi %gather3A, %sub3A_175 : vector<16xi32>
        tpu.vector_store_idx %arg19[%add3A_176], %get3A_164 masked %lt3A_161 : memref<16384xi32, #tpu.memory_space<vmem>>[vector<16xi32>], vector<16xi32>, vector<16xi1>
        tpu.vector_store_idx %arg20[%add3A_176], %get3A_168 masked %lt3A_161 : memref<16384xi32, #tpu.memory_space<vmem>>[vector<16xi32>], vector<16xi32>, vector<16xi1>
        %add3A_177 = arith.constant 1 : i32
        %add3A_178 = vector.broadcast %add3A_177 : i32 to vector<16xi32>
        %add3A_179 = arith.addi %sub3A_175, %add3A_178 : vector<16xi32>
        tpu.vector_store_idx %arg16[%bitcast3A_172], %add3A_179 masked %unique3A_173 {add = true} : memref<2048xi32, #tpu.memory_space<vmem>>[vector<16xi32>], vector<16xi32>, vector<16xi1>
        %scan3A_180 = arith.constant 0 : i32
        %scan3A_181 = arith.constant 1 : i32
        %scan3A_182 = arith.addi %scan3A_155, %scan3A_181 : i32
        %mul3A_183 = arith.constant 16 : i32
        %mul3A_184 = arith.muli %scan3A_182, %mul3A_183 : i32
        %add3A_185 = vector.broadcast %mul3A_184 : i32 to vector<16xi32>
        %add3A_186 = arith.addi %add3A_185, %iota3A : vector<16xi32>
        %lt3A_187 = vector.broadcast %min3A_49 : i32 to vector<16xi32>
        %lt3A_188 = arith.cmpi slt, %add3A_186, %lt3A_187 : vector<16xi32>
        %mul3A_189 = arith.constant 16 : i32
        %mul3A_190 = arith.muli %scan3A_182, %mul3A_189 : i32
        %get3A_191 = arith.index_cast %mul3A_190 : i32 to index
        %get3A_192 = tpu.vector_load %arg17[%get3A_191] {strides = array<i32>} : memref<16384xi32, #tpu.memory_space<vmem>>, vector<16xi32>,
        %mul3A_193 = arith.constant 16 : i32
        %mul3A_194 = arith.muli %scan3A_182, %mul3A_193 : i32
        %get3A_195 = arith.index_cast %mul3A_194 : i32 to index
        %get3A_196 = tpu.vector_load %arg18[%get3A_195] {strides = array<i32>} : memref<16384xi32, #tpu.memory_space<vmem>>, vector<16xi32>,
        %bitcast3A_197 = vector.bitcast %get3A_192 : vector<16xi32> to vector<16xi32>
        %shift_right_logical3A_198 = arith.constant 22 : i32
        %shift_right_logical3A_199 = vector.broadcast %shift_right_logical3A_198 : i32 to vector<16xi32>
        %shift_right_logical3A_200 = arith.shrui %bitcast3A_197, %shift_right_logical3A_199 : vector<16xi32>
        %and3A_201 = vector.broadcast %scan3A_132 : i32 to vector<16xi32>
        %and3A_202 = arith.andi %shift_right_logical3A_200, %and3A_201 : vector<16xi32>
        %bitcast3A_203 = vector.bitcast %and3A_202 : vector<16xi32> to vector<16xi32>
        %unique3A_204, %unique3A_205 = tpu.scan_count mask(%lt3A_188 : vector<16xi1>) value(%bitcast3A_203 : vector<16xi32>) : vector<16xi1>, vector<16xi32>
        %sub3A_206 = arith.subi %unique3A_205, %sub3A : vector<16xi32>
        %gather3A_207 = tpu.vector_load_idx %arg16[%bitcast3A_203] : memref<2048xi32, #tpu.memory_space<vmem>>[vector<16xi32>], vector<16xi32>,
        %add3A_208 = arith.addi %gather3A_207, %sub3A_206 : vector<16xi32>
        tpu.vector_store_idx %arg19[%add3A_208], %get3A_192 masked %lt3A_188 : memref<16384xi32, #tpu.memory_space<vmem>>[vector<16xi32>], vector<16xi32>, vector<16xi1>
        tpu.vector_store_idx %arg20[%add3A_208], %get3A_196 masked %lt3A_188 : memref<16384xi32, #tpu.memory_space<vmem>>[vector<16xi32>], vector<16xi32>, vector<16xi1>
        %add3A_209 = arith.constant 1 : i32
        %add3A_210 = vector.broadcast %add3A_209 : i32 to vector<16xi32>
        %add3A_211 = arith.addi %sub3A_206, %add3A_210 : vector<16xi32>
        tpu.vector_store_idx %arg16[%bitcast3A_203], %add3A_211 masked %unique3A_204 {add = true} : memref<2048xi32, #tpu.memory_space<vmem>>[vector<16xi32>], vector<16xi32>, vector<16xi1>
        %scan3A_212 = arith.constant 0 : i32
        %scan3A_213 = arith.constant 2 : i32
        %scan3A_214 = arith.addi %scan3A_155, %scan3A_213 : i32
        %mul3A_215 = arith.constant 16 : i32
        %mul3A_216 = arith.muli %scan3A_214, %mul3A_215 : i32
        %add3A_217 = vector.broadcast %mul3A_216 : i32 to vector<16xi32>
        %add3A_218 = arith.addi %add3A_217, %iota3A : vector<16xi32>
        %lt3A_219 = vector.broadcast %min3A_49 : i32 to vector<16xi32>
        %lt3A_220 = arith.cmpi slt, %add3A_218, %lt3A_219 : vector<16xi32>
        %mul3A_221 = arith.constant 16 : i32
        %mul3A_222 = arith.muli %scan3A_214, %mul3A_221 : i32
        %get3A_223 = arith.index_cast %mul3A_222 : i32 to index
        %get3A_224 = tpu.vector_load %arg17[%get3A_223] {strides = array<i32>} : memref<16384xi32, #tpu.memory_space<vmem>>, vector<16xi32>,
        %mul3A_225 = arith.constant 16 : i32
        %mul3A_226 = arith.muli %scan3A_214, %mul3A_225 : i32
        %get3A_227 = arith.index_cast %mul3A_226 : i32 to index
        %get3A_228 = tpu.vector_load %arg18[%get3A_227] {strides = array<i32>} : memref<16384xi32, #tpu.memory_space<vmem>>, vector<16xi32>,
        %bitcast3A_229 = vector.bitcast %get3A_224 : vector<16xi32> to vector<16xi32>
        %shift_right_logical3A_230 = arith.constant 22 : i32
        %shift_right_logical3A_231 = vector.broadcast %shift_right_logical3A_230 : i32 to vector<16xi32>
        %shift_right_logical3A_232 = arith.shrui %bitcast3A_229, %shift_right_logical3A_231 : vector<16xi32>
        %and3A_233 = vector.broadcast %scan3A_132 : i32 to vector<16xi32>
        %and3A_234 = arith.andi %shift_right_logical3A_232, %and3A_233 : vector<16xi32>
        %bitcast3A_235 = vector.bitcast %and3A_234 : vector<16xi32> to vector<16xi32>
        %unique3A_236, %unique3A_237 = tpu.scan_count mask(%lt3A_220 : vector<16xi1>) value(%bitcast3A_235 : vector<16xi32>) : vector<16xi1>, vector<16xi32>
        %sub3A_238 = arith.subi %unique3A_237, %sub3A : vector<16xi32>
        %gather3A_239 = tpu.vector_load_idx %arg16[%bitcast3A_235] : memref<2048xi32, #tpu.memory_space<vmem>>[vector<16xi32>], vector<16xi32>,
        %add3A_240 = arith.addi %gather3A_239, %sub3A_238 : vector<16xi32>
        tpu.vector_store_idx %arg19[%add3A_240], %get3A_224 masked %lt3A_220 : memref<16384xi32, #tpu.memory_space<vmem>>[vector<16xi32>], vector<16xi32>, vector<16xi1>
        tpu.vector_store_idx %arg20[%add3A_240], %get3A_228 masked %lt3A_220 : memref<16384xi32, #tpu.memory_space<vmem>>[vector<16xi32>], vector<16xi32>, vector<16xi1>
        %add3A_241 = arith.constant 1 : i32
        %add3A_242 = vector.broadcast %add3A_241 : i32 to vector<16xi32>
        %add3A_243 = arith.addi %sub3A_238, %add3A_242 : vector<16xi32>
        tpu.vector_store_idx %arg16[%bitcast3A_235], %add3A_243 masked %unique3A_236 {add = true} : memref<2048xi32, #tpu.memory_space<vmem>>[vector<16xi32>], vector<16xi32>, vector<16xi1>
        %scan3A_244 = arith.constant 0 : i32
        %scan3A_245 = arith.constant 3 : i32
        %scan3A_246 = arith.addi %scan3A_155, %scan3A_245 : i32
        %mul3A_247 = arith.constant 16 : i32
        %mul3A_248 = arith.muli %scan3A_246, %mul3A_247 : i32
        %add3A_249 = vector.broadcast %mul3A_248 : i32 to vector<16xi32>
        %add3A_250 = arith.addi %add3A_249, %iota3A : vector<16xi32>
        %lt3A_251 = vector.broadcast %min3A_49 : i32 to vector<16xi32>
        %lt3A_252 = arith.cmpi slt, %add3A_250, %lt3A_251 : vector<16xi32>
        %mul3A_253 = arith.constant 16 : i32
        %mul3A_254 = arith.muli %scan3A_246, %mul3A_253 : i32
        %get3A_255 = arith.index_cast %mul3A_254 : i32 to index
        %get3A_256 = tpu.vector_load %arg17[%get3A_255] {strides = array<i32>} : memref<16384xi32, #tpu.memory_space<vmem>>, vector<16xi32>,
        %mul3A_257 = arith.constant 16 : i32
        %mul3A_258 = arith.muli %scan3A_246, %mul3A_257 : i32
        %get3A_259 = arith.index_cast %mul3A_258 : i32 to index
        %get3A_260 = tpu.vector_load %arg18[%get3A_259] {strides = array<i32>} : memref<16384xi32, #tpu.memory_space<vmem>>, vector<16xi32>,
        %bitcast3A_261 = vector.bitcast %get3A_256 : vector<16xi32> to vector<16xi32>
        %shift_right_logical3A_262 = arith.constant 22 : i32
        %shift_right_logical3A_263 = vector.broadcast %shift_right_logical3A_262 : i32 to vector<16xi32>
        %shift_right_logical3A_264 = arith.shrui %bitcast3A_261, %shift_right_logical3A_263 : vector<16xi32>
        %and3A_265 = vector.broadcast %scan3A_132 : i32 to vector<16xi32>
        %and3A_266 = arith.andi %shift_right_logical3A_264, %and3A_265 : vector<16xi32>
        %bitcast3A_267 = vector.bitcast %and3A_266 : vector<16xi32> to vector<16xi32>
        %unique3A_268, %unique3A_269 = tpu.scan_count mask(%lt3A_252 : vector<16xi1>) value(%bitcast3A_267 : vector<16xi32>) : vector<16xi1>, vector<16xi32>
        %sub3A_270 = arith.subi %unique3A_269, %sub3A : vector<16xi32>
        %gather3A_271 = tpu.vector_load_idx %arg16[%bitcast3A_267] : memref<2048xi32, #tpu.memory_space<vmem>>[vector<16xi32>], vector<16xi32>,
        %add3A_272 = arith.addi %gather3A_271, %sub3A_270 : vector<16xi32>
        tpu.vector_store_idx %arg19[%add3A_272], %get3A_256 masked %lt3A_252 : memref<16384xi32, #tpu.memory_space<vmem>>[vector<16xi32>], vector<16xi32>, vector<16xi1>
        tpu.vector_store_idx %arg20[%add3A_272], %get3A_260 masked %lt3A_252 : memref<16384xi32, #tpu.memory_space<vmem>>[vector<16xi32>], vector<16xi32>, vector<16xi1>
        %add3A_273 = arith.constant 1 : i32
        %add3A_274 = vector.broadcast %add3A_273 : i32 to vector<16xi32>
        %add3A_275 = arith.addi %sub3A_270, %add3A_274 : vector<16xi32>
        tpu.vector_store_idx %arg16[%bitcast3A_267], %add3A_275 masked %unique3A_268 {add = true} : memref<2048xi32, #tpu.memory_space<vmem>>[vector<16xi32>], vector<16xi32>, vector<16xi1>
        %scan3A_276 = arith.constant 0 : i32
        scf.yield %scan3A_276 : i32
      }
      %scan3A_139 = arith.constant 1024 : i32
      %scan3A_140 = arith.constant 0 : i32
      %scan3A_141 = arith.constant 0 : i32
      %scan3A_142 = arith.constant 3 : i32
      %scan3A_143 = arith.addi %scan3A_141, %scan3A_142 : i32
      %scan3A_144 = arith.constant 1 : i32
      %scan3A_145 = scf.for %scan3A_155 = %scan3A_141 to %scan3A_143 step %scan3A_144 iter_args(%scan3A_156 = %scan3A_140) -> (i32)  : i32 {
        %mul3A_157 = arith.constant 16 : i32
        %mul3A_158 = arith.muli %scan3A_155, %mul3A_157 : i32
        %add3A_159 = arith.constant 12496 : i32
        %add3A_160 = arith.addi %add3A_159, %mul3A_158 : i32
        %add3A_161 = vector.broadcast %add3A_160 : i32 to vector<16xi32>
        %add3A_162 = arith.addi %add3A_161, %iota3A : vector<16xi32>
        %lt3A = arith.constant 12500 : i32
        %lt3A_163 = vector.broadcast %lt3A : i32 to vector<16xi32>
        %lt3A_164 = arith.cmpi slt, %add3A_162, %lt3A_163 : vector<16xi32>
        %get3A = arith.index_cast %add3A_160 : i32 to index
        %get3A_165 = tpu.vector_load %arg19[%get3A] {strides = array<i32>} : memref<16384xi32, #tpu.memory_space<vmem>>, vector<16xi32>,
        %get3A_166 = arith.index_cast %add3A_160 : i32 to index
        %get3A_167 = tpu.vector_load %arg20[%get3A_166] {strides = array<i32>} : memref<16384xi32, #tpu.memory_space<vmem>>, vector<16xi32>,
        %bitcast3A = vector.bitcast %mul3A_3 : vector<16xi32> to vector<16xf32>
        %add3A_168 = arith.constant 1.000000e+30 : f32
        %add3A_169 = vector.broadcast %add3A_168 : f32 to vector<16xf32>
        %add3A_170 = arith.addf %bitcast3A, %add3A_169 : vector<16xf32>
        %bitcast3A_171 = vector.bitcast %add3A_170 : vector<16xf32> to vector<16xi32>
        %select_n3A = arith.select %lt3A_164, %get3A_165, %bitcast3A_171 : vector<16xi1>, vector<16xi32>
        %swap3A = arith.index_cast %add3A_160 : i32 to index
        %swap3A_172 = tpu.vector_load %arg19[%swap3A] {strides = array<i32>} : memref<16384xi32, #tpu.memory_space<vmem>>, vector<16xi32>,
        tpu.vector_store %arg19[%swap3A], %select_n3A {strides = array<i32>} : memref<16384xi32, #tpu.memory_space<vmem>>, vector<16xi32>,
        %select_n3A_173 = arith.select %lt3A_164, %get3A_167, %mul3A_3 : vector<16xi1>, vector<16xi32>
        %swap3A_174 = arith.index_cast %add3A_160 : i32 to index
        %swap3A_175 = tpu.vector_load %arg20[%swap3A_174] {strides = array<i32>} : memref<16384xi32, #tpu.memory_space<vmem>>, vector<16xi32>,
        tpu.vector_store %arg20[%swap3A_174], %select_n3A_173 {strides = array<i32>} : memref<16384xi32, #tpu.memory_space<vmem>>, vector<16xi32>,
        %scan3A_176 = arith.constant 0 : i32
        scf.yield %scan3A_176 : i32
      }
      %scan3A_146 = arith.constant 3 : i32
      "tpu.region"() ({
        %run_scoped3A = tpu.sem_alloc : memref<!tpu.dma_semaphore, #tpu.memory_space<semaphore_mem>>
        %dma_start3A = arith.constant 0 : i32
        %dma_start3A_155 = tpu.memref_slice %arg19[%dma_start3A] : memref<16384xi32, #tpu.memory_space<vmem>> -> memref<12544xi32, #tpu.memory_space<vmem>>
        %dma_start3A_156 = arith.constant 0 : i32
        %dma_start3A_157 = tpu.memref_slice %arg8[%add3A_16, %dma_start3A_156] : memref<64x12544xi32, #tpu.memory_space<hbm>> -> memref<1x12544xi32, #tpu.memory_space<hbm>>
        %dma_start3A_158 = tpu.memref_squeeze %dma_start3A_157 : memref<1x12544xi32, #tpu.memory_space<hbm>> -> memref<12544xi32, #tpu.memory_space<hbm>>
        %dma_start3A_159 = arith.constant 0 : i32
        %dma_start3A_160 = tpu.memref_slice %arg8[%add3A_16, %dma_start3A_159] : memref<64x12544xi32, #tpu.memory_space<hbm>> -> memref<1x12544xi32, #tpu.memory_space<hbm>>
        %dma_start3A_161 = tpu.memref_squeeze %dma_start3A_160 : memref<1x12544xi32, #tpu.memory_space<hbm>> -> memref<12544xi32, #tpu.memory_space<hbm>>
        %dma_start3A_162 = arith.constant 0 : i32
        %dma_start3A_163 = tpu.memref_slice %arg19[%dma_start3A_162] : memref<16384xi32, #tpu.memory_space<vmem>> -> memref<12544xi32, #tpu.memory_space<vmem>>
        tpu.enqueue_dma source(%dma_start3A_163 : memref<12544xi32, #tpu.memory_space<vmem>>) target(%dma_start3A_161 : memref<12544xi32, #tpu.memory_space<hbm>>) target_semaphore(%run_scoped3A : memref<!tpu.dma_semaphore, #tpu.memory_space<semaphore_mem>>)
        %dma_wait3A = arith.constant 0 : i32
        %dma_wait3A_164 = tpu.memref_slice %arg19[%dma_wait3A] : memref<16384xi32, #tpu.memory_space<vmem>> -> memref<12544xi32, #tpu.memory_space<vmem>>
        %dma_wait3A_165 = arith.constant 0 : i32
        %dma_wait3A_166 = tpu.memref_slice %arg8[%add3A_16, %dma_wait3A_165] : memref<64x12544xi32, #tpu.memory_space<hbm>> -> memref<1x12544xi32, #tpu.memory_space<hbm>>
        %dma_wait3A_167 = tpu.memref_squeeze %dma_wait3A_166 : memref<1x12544xi32, #tpu.memory_space<hbm>> -> memref<12544xi32, #tpu.memory_space<hbm>>
        %dma_wait3A_168 = arith.constant 0 : i32
        %dma_wait3A_169 = tpu.memref_slice %arg8[%add3A_16, %dma_wait3A_168] : memref<64x12544xi32, #tpu.memory_space<hbm>> -> memref<1x12544xi32, #tpu.memory_space<hbm>>
        %dma_wait3A_170 = tpu.memref_squeeze %dma_wait3A_169 : memref<1x12544xi32, #tpu.memory_space<hbm>> -> memref<12544xi32, #tpu.memory_space<hbm>>
        %dma_wait3A_171 = arith.constant 0 : i32
        %dma_wait3A_172 = tpu.memref_slice %arg19[%dma_wait3A_171] : memref<16384xi32, #tpu.memory_space<vmem>> -> memref<12544xi32, #tpu.memory_space<vmem>>
        tpu.wait_dma2 semaphore(%run_scoped3A : memref<!tpu.dma_semaphore, #tpu.memory_space<semaphore_mem>>) src(%dma_wait3A_172 : memref<12544xi32, #tpu.memory_space<vmem>>) dst(%dma_wait3A_170 : memref<12544xi32, #tpu.memory_space<hbm>>)
        tpu.yield
      }) : () -> ()
      %scan3A_147 = arith.constant 0 : i32
      %scan3A_148 = arith.constant 0 : i32
      %scan3A_149 = arith.constant 7 : i32
      %scan3A_150 = arith.addi %scan3A_148, %scan3A_149 : i32
      %scan3A_151 = arith.constant 1 : i32
      %scan3A_152 = scf.for %scan3A_155 = %scan3A_148 to %scan3A_150 step %scan3A_151 iter_args(%scan3A_156 = %scan3A_147) -> (i32)  : i32 {
        %scan3A_157 = arith.constant 0 : i32
        %scan3A_158 = arith.constant 0 : i32
        %scan3A_159 = arith.constant 14 : i32
        %scan3A_160 = arith.addi %scan3A_158, %scan3A_159 : i32
        %scan3A_161 = arith.constant 1 : i32
        %scan3A_162 = scf.for %scan3A_175 = %scan3A_158 to %scan3A_160 step %scan3A_161 iter_args(%scan3A_176 = %scan3A_157) -> (i32)  : i32 {
          %mul3A_177 = arith.constant 1792 : i32
          %mul3A_178 = arith.muli %scan3A_155, %mul3A_177 : i32
          %mul3A_179 = arith.constant 128 : i32
          %mul3A_180 = arith.muli %scan3A_175, %mul3A_179 : i32
          %add3A_181 = arith.addi %mul3A_178, %mul3A_180 : i32
          %add3A_182 = arith.constant 0 : i32
          %add3A_183 = arith.addi %add3A_181, %add3A_182 : i32
          %get3A = arith.index_cast %add3A_183 : i32 to index
          %get3A_184 = tpu.vector_load %arg20[%get3A] {strides = array<i32>} : memref<16384xi32, #tpu.memory_space<vmem>>, vector<16xi32>,
          %swap3A = arith.constant 0 : index
          %swap3A_185 = tpu.vector_load %arg21[%swap3A] {strides = array<i32>} : memref<128xi32, #tpu.memory_space<vmem>>, vector<16xi32>,
          tpu.vector_store %arg21[%swap3A], %get3A_184 {strides = array<i32>} : memref<128xi32, #tpu.memory_space<vmem>>, vector<16xi32>,
          %add3A_186 = arith.constant 16 : i32
          %add3A_187 = arith.addi %add3A_181, %add3A_186 : i32
          %get3A_188 = arith.index_cast %add3A_187 : i32 to index
          %get3A_189 = tpu.vector_load %arg20[%get3A_188] {strides = array<i32>} : memref<16384xi32, #tpu.memory_space<vmem>>, vector<16xi32>,
          %swap3A_190 = arith.constant 16 : index
          %swap3A_191 = tpu.vector_load %arg21[%swap3A_190] {strides = array<i32>} : memref<128xi32, #tpu.memory_space<vmem>>, vector<16xi32>,
          tpu.vector_store %arg21[%swap3A_190], %get3A_189 {strides = array<i32>} : memref<128xi32, #tpu.memory_space<vmem>>, vector<16xi32>,
          %add3A_192 = arith.constant 32 : i32
          %add3A_193 = arith.addi %add3A_181, %add3A_192 : i32
          %get3A_194 = arith.index_cast %add3A_193 : i32 to index
          %get3A_195 = tpu.vector_load %arg20[%get3A_194] {strides = array<i32>} : memref<16384xi32, #tpu.memory_space<vmem>>, vector<16xi32>,
          %swap3A_196 = arith.constant 32 : index
          %swap3A_197 = tpu.vector_load %arg21[%swap3A_196] {strides = array<i32>} : memref<128xi32, #tpu.memory_space<vmem>>, vector<16xi32>,
          tpu.vector_store %arg21[%swap3A_196], %get3A_195 {strides = array<i32>} : memref<128xi32, #tpu.memory_space<vmem>>, vector<16xi32>,
          %add3A_198 = arith.constant 48 : i32
          %add3A_199 = arith.addi %add3A_181, %add3A_198 : i32
          %get3A_200 = arith.index_cast %add3A_199 : i32 to index
          %get3A_201 = tpu.vector_load %arg20[%get3A_200] {strides = array<i32>} : memref<16384xi32, #tpu.memory_space<vmem>>, vector<16xi32>,
          %swap3A_202 = arith.constant 48 : index
          %swap3A_203 = tpu.vector_load %arg21[%swap3A_202] {strides = array<i32>} : memref<128xi32, #tpu.memory_space<vmem>>, vector<16xi32>,
          tpu.vector_store %arg21[%swap3A_202], %get3A_201 {strides = array<i32>} : memref<128xi32, #tpu.memory_space<vmem>>, vector<16xi32>,
          %add3A_204 = arith.constant 64 : i32
          %add3A_205 = arith.addi %add3A_181, %add3A_204 : i32
          %get3A_206 = arith.index_cast %add3A_205 : i32 to index
          %get3A_207 = tpu.vector_load %arg20[%get3A_206] {strides = array<i32>} : memref<16384xi32, #tpu.memory_space<vmem>>, vector<16xi32>,
          %swap3A_208 = arith.constant 64 : index
          %swap3A_209 = tpu.vector_load %arg21[%swap3A_208] {strides = array<i32>} : memref<128xi32, #tpu.memory_space<vmem>>, vector<16xi32>,
          tpu.vector_store %arg21[%swap3A_208], %get3A_207 {strides = array<i32>} : memref<128xi32, #tpu.memory_space<vmem>>, vector<16xi32>,
          %add3A_210 = arith.constant 80 : i32
          %add3A_211 = arith.addi %add3A_181, %add3A_210 : i32
          %get3A_212 = arith.index_cast %add3A_211 : i32 to index
          %get3A_213 = tpu.vector_load %arg20[%get3A_212] {strides = array<i32>} : memref<16384xi32, #tpu.memory_space<vmem>>, vector<16xi32>,
          %swap3A_214 = arith.constant 80 : index
          %swap3A_215 = tpu.vector_load %arg21[%swap3A_214] {strides = array<i32>} : memref<128xi32, #tpu.memory_space<vmem>>, vector<16xi32>,
          tpu.vector_store %arg21[%swap3A_214], %get3A_213 {strides = array<i32>} : memref<128xi32, #tpu.memory_space<vmem>>, vector<16xi32>,
          %add3A_216 = arith.constant 96 : i32
          %add3A_217 = arith.addi %add3A_181, %add3A_216 : i32
          %get3A_218 = arith.index_cast %add3A_217 : i32 to index
          %get3A_219 = tpu.vector_load %arg20[%get3A_218] {strides = array<i32>} : memref<16384xi32, #tpu.memory_space<vmem>>, vector<16xi32>,
          %swap3A_220 = arith.constant 96 : index
          %swap3A_221 = tpu.vector_load %arg21[%swap3A_220] {strides = array<i32>} : memref<128xi32, #tpu.memory_space<vmem>>, vector<16xi32>,
          tpu.vector_store %arg21[%swap3A_220], %get3A_219 {strides = array<i32>} : memref<128xi32, #tpu.memory_space<vmem>>, vector<16xi32>,
          %add3A_222 = arith.constant 112 : i32
          %add3A_223 = arith.addi %add3A_181, %add3A_222 : i32
          %get3A_224 = arith.index_cast %add3A_223 : i32 to index
          %get3A_225 = tpu.vector_load %arg20[%get3A_224] {strides = array<i32>} : memref<16384xi32, #tpu.memory_space<vmem>>, vector<16xi32>,
          %swap3A_226 = arith.constant 112 : index
          %swap3A_227 = tpu.vector_load %arg21[%swap3A_226] {strides = array<i32>} : memref<128xi32, #tpu.memory_space<vmem>>, vector<16xi32>,
          tpu.vector_store %arg21[%swap3A_226], %get3A_225 {strides = array<i32>} : memref<128xi32, #tpu.memory_space<vmem>>, vector<16xi32>,
          %mul3A_228 = arith.constant 128 : i32
          %mul3A_229 = arith.muli %scan3A_175, %mul3A_228 : i32
          %add3A_230 = arith.constant 0 : i32
          %add3A_231 = arith.addi %add3A_230, %mul3A_229 : i32
          %dma_start3A = tpu.memref_slice %arg22[%add3A_231] : memref<8960xf32, #tpu.memory_space<vmem>> -> memref<128xf32, #tpu.memory_space<vmem>>
          %dma_start3A_232 = arith.constant 0 : i32
          %dma_start3A_233 = tpu.memref_slice %arg3[%dma_start3A_232] : memref<100096xf32, #tpu.memory_space<hbm>> -> memref<100096xf32, #tpu.memory_space<hbm>>
          tpu.enqueue_indirect_dma source(%dma_start3A_233 : memref<100096xf32, #tpu.memory_space<hbm>>) target(%dma_start3A : memref<128xf32, #tpu.memory_space<vmem>>) offsets(%arg21 : memref<128xi32, #tpu.memory_space<vmem>>) semaphore(%arg23 : memref<!tpu.dma_semaphore, #tpu.memory_space<semaphore_mem>>)
          %mul3A_234 = arith.constant 128 : i32
          %mul3A_235 = arith.muli %scan3A_175, %mul3A_234 : i32
          %add3A_236 = arith.constant 1792 : i32
          %add3A_237 = arith.addi %add3A_236, %mul3A_235 : i32
          %dma_start3A_238 = tpu.memref_slice %arg22[%add3A_237] : memref<8960xf32, #tpu.memory_space<vmem>> -> memref<128xf32, #tpu.memory_space<vmem>>
          %dma_start3A_239 = arith.constant 0 : i32
          %dma_start3A_240 = tpu.memref_slice %arg4[%dma_start3A_239] : memref<100096xf32, #tpu.memory_space<hbm>> -> memref<100096xf32, #tpu.memory_space<hbm>>
          tpu.enqueue_indirect_dma source(%dma_start3A_240 : memref<100096xf32, #tpu.memory_space<hbm>>) target(%dma_start3A_238 : memref<128xf32, #tpu.memory_space<vmem>>) offsets(%arg21 : memref<128xi32, #tpu.memory_space<vmem>>) semaphore(%arg23 : memref<!tpu.dma_semaphore, #tpu.memory_space<semaphore_mem>>)
          %mul3A_241 = arith.constant 128 : i32
          %mul3A_242 = arith.muli %scan3A_175, %mul3A_241 : i32
          %add3A_243 = arith.constant 3584 : i32
          %add3A_244 = arith.addi %add3A_243, %mul3A_242 : i32
          %dma_start3A_245 = tpu.memref_slice %arg22[%add3A_244] : memref<8960xf32, #tpu.memory_space<vmem>> -> memref<128xf32, #tpu.memory_space<vmem>>
          %dma_start3A_246 = arith.constant 0 : i32
          %dma_start3A_247 = tpu.memref_slice %arg5[%dma_start3A_246] : memref<100096xf32, #tpu.memory_space<hbm>> -> memref<100096xf32, #tpu.memory_space<hbm>>
          tpu.enqueue_indirect_dma source(%dma_start3A_247 : memref<100096xf32, #tpu.memory_space<hbm>>) target(%dma_start3A_245 : memref<128xf32, #tpu.memory_space<vmem>>) offsets(%arg21 : memref<128xi32, #tpu.memory_space<vmem>>) semaphore(%arg23 : memref<!tpu.dma_semaphore, #tpu.memory_space<semaphore_mem>>)
          %mul3A_248 = arith.constant 128 : i32
          %mul3A_249 = arith.muli %scan3A_175, %mul3A_248 : i32
          %add3A_250 = arith.constant 5376 : i32
          %add3A_251 = arith.addi %add3A_250, %mul3A_249 : i32
          %dma_start3A_252 = tpu.memref_slice %arg22[%add3A_251] : memref<8960xf32, #tpu.memory_space<vmem>> -> memref<128xf32, #tpu.memory_space<vmem>>
          %dma_start3A_253 = arith.constant 0 : i32
          %dma_start3A_254 = tpu.memref_slice %arg6[%dma_start3A_253] : memref<100096xf32, #tpu.memory_space<hbm>> -> memref<100096xf32, #tpu.memory_space<hbm>>
          tpu.enqueue_indirect_dma source(%dma_start3A_254 : memref<100096xf32, #tpu.memory_space<hbm>>) target(%dma_start3A_252 : memref<128xf32, #tpu.memory_space<vmem>>) offsets(%arg21 : memref<128xi32, #tpu.memory_space<vmem>>) semaphore(%arg23 : memref<!tpu.dma_semaphore, #tpu.memory_space<semaphore_mem>>)
          %mul3A_255 = arith.constant 128 : i32
          %mul3A_256 = arith.muli %scan3A_175, %mul3A_255 : i32
          %add3A_257 = arith.constant 7168 : i32
          %add3A_258 = arith.addi %add3A_257, %mul3A_256 : i32
          %dma_start3A_259 = tpu.memref_slice %arg22[%add3A_258] : memref<8960xf32, #tpu.memory_space<vmem>> -> memref<128xf32, #tpu.memory_space<vmem>>
          %dma_start3A_260 = arith.constant 0 : i32
          %dma_start3A_261 = tpu.memref_slice %arg7[%dma_start3A_260] : memref<100096xf32, #tpu.memory_space<hbm>> -> memref<100096xf32, #tpu.memory_space<hbm>>
          tpu.enqueue_indirect_dma source(%dma_start3A_261 : memref<100096xf32, #tpu.memory_space<hbm>>) target(%dma_start3A_259 : memref<128xf32, #tpu.memory_space<vmem>>) offsets(%arg21 : memref<128xi32, #tpu.memory_space<vmem>>) semaphore(%arg23 : memref<!tpu.dma_semaphore, #tpu.memory_space<semaphore_mem>>)
          %dma_wait3A = tpu.memref_slice %arg22[%add3A_231] : memref<8960xf32, #tpu.memory_space<vmem>> -> memref<128xf32, #tpu.memory_space<vmem>>
          %dma_wait3A_262 = arith.constant 0 : i32
          %dma_wait3A_263 = tpu.memref_slice %arg3[%dma_wait3A_262] : memref<100096xf32, #tpu.memory_space<hbm>> -> memref<100096xf32, #tpu.memory_space<hbm>>
          tpu.wait_indirect_dma semaphore(%arg23 : memref<!tpu.dma_semaphore, #tpu.memory_space<semaphore_mem>>) src(%dma_wait3A_263 : memref<100096xf32, #tpu.memory_space<hbm>>) dst(%dma_wait3A : memref<128xf32, #tpu.memory_space<vmem>>)
          %dma_wait3A_264 = tpu.memref_slice %arg22[%add3A_237] : memref<8960xf32, #tpu.memory_space<vmem>> -> memref<128xf32, #tpu.memory_space<vmem>>
          %dma_wait3A_265 = arith.constant 0 : i32
          %dma_wait3A_266 = tpu.memref_slice %arg4[%dma_wait3A_265] : memref<100096xf32, #tpu.memory_space<hbm>> -> memref<100096xf32, #tpu.memory_space<hbm>>
          tpu.wait_indirect_dma semaphore(%arg23 : memref<!tpu.dma_semaphore, #tpu.memory_space<semaphore_mem>>) src(%dma_wait3A_266 : memref<100096xf32, #tpu.memory_space<hbm>>) dst(%dma_wait3A_264 : memref<128xf32, #tpu.memory_space<vmem>>)
          %dma_wait3A_267 = tpu.memref_slice %arg22[%add3A_244] : memref<8960xf32, #tpu.memory_space<vmem>> -> memref<128xf32, #tpu.memory_space<vmem>>
          %dma_wait3A_268 = arith.constant 0 : i32
          %dma_wait3A_269 = tpu.memref_slice %arg5[%dma_wait3A_268] : memref<100096xf32, #tpu.memory_space<hbm>> -> memref<100096xf32, #tpu.memory_space<hbm>>
          tpu.wait_indirect_dma semaphore(%arg23 : memref<!tpu.dma_semaphore, #tpu.memory_space<semaphore_mem>>) src(%dma_wait3A_269 : memref<100096xf32, #tpu.memory_space<hbm>>) dst(%dma_wait3A_267 : memref<128xf32, #tpu.memory_space<vmem>>)
          %dma_wait3A_270 = tpu.memref_slice %arg22[%add3A_251] : memref<8960xf32, #tpu.memory_space<vmem>> -> memref<128xf32, #tpu.memory_space<vmem>>
          %dma_wait3A_271 = arith.constant 0 : i32
          %dma_wait3A_272 = tpu.memref_slice %arg6[%dma_wait3A_271] : memref<100096xf32, #tpu.memory_space<hbm>> -> memref<100096xf32, #tpu.memory_space<hbm>>
          tpu.wait_indirect_dma semaphore(%arg23 : memref<!tpu.dma_semaphore, #tpu.memory_space<semaphore_mem>>) src(%dma_wait3A_272 : memref<100096xf32, #tpu.memory_space<hbm>>) dst(%dma_wait3A_270 : memref<128xf32, #tpu.memory_space<vmem>>)
          %dma_wait3A_273 = tpu.memref_slice %arg22[%add3A_258] : memref<8960xf32, #tpu.memory_space<vmem>> -> memref<128xf32, #tpu.memory_space<vmem>>
          %dma_wait3A_274 = arith.constant 0 : i32
          %dma_wait3A_275 = tpu.memref_slice %arg7[%dma_wait3A_274] : memref<100096xf32, #tpu.memory_space<hbm>> -> memref<100096xf32, #tpu.memory_space<hbm>>
          tpu.wait_indirect_dma semaphore(%arg23 : memref<!tpu.dma_semaphore, #tpu.memory_space<semaphore_mem>>) src(%dma_wait3A_275 : memref<100096xf32, #tpu.memory_space<hbm>>) dst(%dma_wait3A_273 : memref<128xf32, #tpu.memory_space<vmem>>)
          %scan3A_276 = arith.constant 0 : i32
          scf.yield %scan3A_276 : i32
        }
        %scan3A_163 = arith.constant 14 : i32
        %mul3A_164 = arith.constant 1792 : i32
        %mul3A_165 = arith.muli %scan3A_155, %mul3A_164 : i32
        "tpu.region"() ({
          %run_scoped3A = tpu.sem_alloc : memref<!tpu.dma_semaphore, #tpu.memory_space<semaphore_mem>>
          %dma_start3A = arith.constant 0 : i32
          %dma_start3A_175 = tpu.memref_slice %arg22[%dma_start3A] : memref<8960xf32, #tpu.memory_space<vmem>> -> memref<1792xf32, #tpu.memory_space<vmem>>
          %dma_start3A_176 = tpu.memref_slice %arg9[%add3A_16, %mul3A_165] : memref<64x12544xf32, #tpu.memory_space<hbm>> -> memref<1x1792xf32, #tpu.memory_space<hbm>>
          %dma_start3A_177 = tpu.memref_squeeze %dma_start3A_176 : memref<1x1792xf32, #tpu.memory_space<hbm>> -> memref<1792xf32, #tpu.memory_space<hbm>>
          %dma_start3A_178 = tpu.memref_slice %arg9[%add3A_16, %mul3A_165] : memref<64x12544xf32, #tpu.memory_space<hbm>> -> memref<1x1792xf32, #tpu.memory_space<hbm>>
          %dma_start3A_179 = tpu.memref_squeeze %dma_start3A_178 : memref<1x1792xf32, #tpu.memory_space<hbm>> -> memref<1792xf32, #tpu.memory_space<hbm>>
          %dma_start3A_180 = arith.constant 0 : i32
          %dma_start3A_181 = tpu.memref_slice %arg22[%dma_start3A_180] : memref<8960xf32, #tpu.memory_space<vmem>> -> memref<1792xf32, #tpu.memory_space<vmem>>
          tpu.enqueue_dma source(%dma_start3A_181 : memref<1792xf32, #tpu.memory_space<vmem>>) target(%dma_start3A_179 : memref<1792xf32, #tpu.memory_space<hbm>>) target_semaphore(%run_scoped3A : memref<!tpu.dma_semaphore, #tpu.memory_space<semaphore_mem>>)
          %dma_wait3A = arith.constant 0 : i32
          %dma_wait3A_182 = tpu.memref_slice %arg22[%dma_wait3A] : memref<8960xf32, #tpu.memory_space<vmem>> -> memref<1792xf32, #tpu.memory_space<vmem>>
          %dma_wait3A_183 = tpu.memref_slice %arg9[%add3A_16, %mul3A_165] : memref<64x12544xf32, #tpu.memory_space<hbm>> -> memref<1x1792xf32, #tpu.memory_space<hbm>>
          %dma_wait3A_184 = tpu.memref_squeeze %dma_wait3A_183 : memref<1x1792xf32, #tpu.memory_space<hbm>> -> memref<1792xf32, #tpu.memory_space<hbm>>
          %dma_wait3A_185 = tpu.memref_slice %arg9[%add3A_16, %mul3A_165] : memref<64x12544xf32, #tpu.memory_space<hbm>> -> memref<1x1792xf32, #tpu.memory_space<hbm>>
          %dma_wait3A_186 = tpu.memref_squeeze %dma_wait3A_185 : memref<1x1792xf32, #tpu.memory_space<hbm>> -> memref<1792xf32, #tpu.memory_space<hbm>>
          %dma_wait3A_187 = arith.constant 0 : i32
          %dma_wait3A_188 = tpu.memref_slice %arg22[%dma_wait3A_187] : memref<8960xf32, #tpu.memory_space<vmem>> -> memref<1792xf32, #tpu.memory_space<vmem>>
          tpu.wait_dma2 semaphore(%run_scoped3A : memref<!tpu.dma_semaphore, #tpu.memory_space<semaphore_mem>>) src(%dma_wait3A_188 : memref<1792xf32, #tpu.memory_space<vmem>>) dst(%dma_wait3A_186 : memref<1792xf32, #tpu.memory_space<hbm>>)
          tpu.yield
        }) : () -> ()
        %mul3A_166 = arith.constant 1792 : i32
        %mul3A_167 = arith.muli %scan3A_155, %mul3A_166 : i32
        "tpu.region"() ({
          %run_scoped3A = tpu.sem_alloc : memref<!tpu.dma_semaphore, #tpu.memory_space<semaphore_mem>>
          %dma_start3A = arith.constant 1792 : i32
          %dma_start3A_175 = tpu.memref_slice %arg22[%dma_start3A] : memref<8960xf32, #tpu.memory_space<vmem>> -> memref<1792xf32, #tpu.memory_space<vmem>>
          %dma_start3A_176 = tpu.memref_slice %arg10[%add3A_16, %mul3A_167] : memref<64x12544xf32, #tpu.memory_space<hbm>> -> memref<1x1792xf32, #tpu.memory_space<hbm>>
          %dma_start3A_177 = tpu.memref_squeeze %dma_start3A_176 : memref<1x1792xf32, #tpu.memory_space<hbm>> -> memref<1792xf32, #tpu.memory_space<hbm>>
          %dma_start3A_178 = tpu.memref_slice %arg10[%add3A_16, %mul3A_167] : memref<64x12544xf32, #tpu.memory_space<hbm>> -> memref<1x1792xf32, #tpu.memory_space<hbm>>
          %dma_start3A_179 = tpu.memref_squeeze %dma_start3A_178 : memref<1x1792xf32, #tpu.memory_space<hbm>> -> memref<1792xf32, #tpu.memory_space<hbm>>
          %dma_start3A_180 = arith.constant 1792 : i32
          %dma_start3A_181 = tpu.memref_slice %arg22[%dma_start3A_180] : memref<8960xf32, #tpu.memory_space<vmem>> -> memref<1792xf32, #tpu.memory_space<vmem>>
          tpu.enqueue_dma source(%dma_start3A_181 : memref<1792xf32, #tpu.memory_space<vmem>>) target(%dma_start3A_179 : memref<1792xf32, #tpu.memory_space<hbm>>) target_semaphore(%run_scoped3A : memref<!tpu.dma_semaphore, #tpu.memory_space<semaphore_mem>>)
          %dma_wait3A = arith.constant 1792 : i32
          %dma_wait3A_182 = tpu.memref_slice %arg22[%dma_wait3A] : memref<8960xf32, #tpu.memory_space<vmem>> -> memref<1792xf32, #tpu.memory_space<vmem>>
          %dma_wait3A_183 = tpu.memref_slice %arg10[%add3A_16, %mul3A_167] : memref<64x12544xf32, #tpu.memory_space<hbm>> -> memref<1x1792xf32, #tpu.memory_space<hbm>>
          %dma_wait3A_184 = tpu.memref_squeeze %dma_wait3A_183 : memref<1x1792xf32, #tpu.memory_space<hbm>> -> memref<1792xf32, #tpu.memory_space<hbm>>
          %dma_wait3A_185 = tpu.memref_slice %arg10[%add3A_16, %mul3A_167] : memref<64x12544xf32, #tpu.memory_space<hbm>> -> memref<1x1792xf32, #tpu.memory_space<hbm>>
          %dma_wait3A_186 = tpu.memref_squeeze %dma_wait3A_185 : memref<1x1792xf32, #tpu.memory_space<hbm>> -> memref<1792xf32, #tpu.memory_space<hbm>>
          %dma_wait3A_187 = arith.constant 1792 : i32
          %dma_wait3A_188 = tpu.memref_slice %arg22[%dma_wait3A_187] : memref<8960xf32, #tpu.memory_space<vmem>> -> memref<1792xf32, #tpu.memory_space<vmem>>
          tpu.wait_dma2 semaphore(%run_scoped3A : memref<!tpu.dma_semaphore, #tpu.memory_space<semaphore_mem>>) src(%dma_wait3A_188 : memref<1792xf32, #tpu.memory_space<vmem>>) dst(%dma_wait3A_186 : memref<1792xf32, #tpu.memory_space<hbm>>)
          tpu.yield
        }) : () -> ()
        %mul3A_168 = arith.constant 1792 : i32
        %mul3A_169 = arith.muli %scan3A_155, %mul3A_168 : i32
        "tpu.region"() ({
          %run_scoped3A = tpu.sem_alloc : memref<!tpu.dma_semaphore, #tpu.memory_space<semaphore_mem>>
          %dma_start3A = arith.constant 3584 : i32
          %dma_start3A_175 = tpu.memref_slice %arg22[%dma_start3A] : memref<8960xf32, #tpu.memory_space<vmem>> -> memref<1792xf32, #tpu.memory_space<vmem>>
          %dma_start3A_176 = tpu.memref_slice %arg11[%add3A_16, %mul3A_169] : memref<64x12544xf32, #tpu.memory_space<hbm>> -> memref<1x1792xf32, #tpu.memory_space<hbm>>
          %dma_start3A_177 = tpu.memref_squeeze %dma_start3A_176 : memref<1x1792xf32, #tpu.memory_space<hbm>> -> memref<1792xf32, #tpu.memory_space<hbm>>
          %dma_start3A_178 = tpu.memref_slice %arg11[%add3A_16, %mul3A_169] : memref<64x12544xf32, #tpu.memory_space<hbm>> -> memref<1x1792xf32, #tpu.memory_space<hbm>>
          %dma_start3A_179 = tpu.memref_squeeze %dma_start3A_178 : memref<1x1792xf32, #tpu.memory_space<hbm>> -> memref<1792xf32, #tpu.memory_space<hbm>>
          %dma_start3A_180 = arith.constant 3584 : i32
          %dma_start3A_181 = tpu.memref_slice %arg22[%dma_start3A_180] : memref<8960xf32, #tpu.memory_space<vmem>> -> memref<1792xf32, #tpu.memory_space<vmem>>
          tpu.enqueue_dma source(%dma_start3A_181 : memref<1792xf32, #tpu.memory_space<vmem>>) target(%dma_start3A_179 : memref<1792xf32, #tpu.memory_space<hbm>>) target_semaphore(%run_scoped3A : memref<!tpu.dma_semaphore, #tpu.memory_space<semaphore_mem>>)
          %dma_wait3A = arith.constant 3584 : i32
          %dma_wait3A_182 = tpu.memref_slice %arg22[%dma_wait3A] : memref<8960xf32, #tpu.memory_space<vmem>> -> memref<1792xf32, #tpu.memory_space<vmem>>
          %dma_wait3A_183 = tpu.memref_slice %arg11[%add3A_16, %mul3A_169] : memref<64x12544xf32, #tpu.memory_space<hbm>> -> memref<1x1792xf32, #tpu.memory_space<hbm>>
          %dma_wait3A_184 = tpu.memref_squeeze %dma_wait3A_183 : memref<1x1792xf32, #tpu.memory_space<hbm>> -> memref<1792xf32, #tpu.memory_space<hbm>>
          %dma_wait3A_185 = tpu.memref_slice %arg11[%add3A_16, %mul3A_169] : memref<64x12544xf32, #tpu.memory_space<hbm>> -> memref<1x1792xf32, #tpu.memory_space<hbm>>
          %dma_wait3A_186 = tpu.memref_squeeze %dma_wait3A_185 : memref<1x1792xf32, #tpu.memory_space<hbm>> -> memref<1792xf32, #tpu.memory_space<hbm>>
          %dma_wait3A_187 = arith.constant 3584 : i32
          %dma_wait3A_188 = tpu.memref_slice %arg22[%dma_wait3A_187] : memref<8960xf32, #tpu.memory_space<vmem>> -> memref<1792xf32, #tpu.memory_space<vmem>>
          tpu.wait_dma2 semaphore(%run_scoped3A : memref<!tpu.dma_semaphore, #tpu.memory_space<semaphore_mem>>) src(%dma_wait3A_188 : memref<1792xf32, #tpu.memory_space<vmem>>) dst(%dma_wait3A_186 : memref<1792xf32, #tpu.memory_space<hbm>>)
          tpu.yield
        }) : () -> ()
        %mul3A_170 = arith.constant 1792 : i32
        %mul3A_171 = arith.muli %scan3A_155, %mul3A_170 : i32
        "tpu.region"() ({
          %run_scoped3A = tpu.sem_alloc : memref<!tpu.dma_semaphore, #tpu.memory_space<semaphore_mem>>
          %dma_start3A = arith.constant 5376 : i32
          %dma_start3A_175 = tpu.memref_slice %arg22[%dma_start3A] : memref<8960xf32, #tpu.memory_space<vmem>> -> memref<1792xf32, #tpu.memory_space<vmem>>
          %dma_start3A_176 = tpu.memref_slice %arg12[%add3A_16, %mul3A_171] : memref<64x12544xf32, #tpu.memory_space<hbm>> -> memref<1x1792xf32, #tpu.memory_space<hbm>>
          %dma_start3A_177 = tpu.memref_squeeze %dma_start3A_176 : memref<1x1792xf32, #tpu.memory_space<hbm>> -> memref<1792xf32, #tpu.memory_space<hbm>>
          %dma_start3A_178 = tpu.memref_slice %arg12[%add3A_16, %mul3A_171] : memref<64x12544xf32, #tpu.memory_space<hbm>> -> memref<1x1792xf32, #tpu.memory_space<hbm>>
          %dma_start3A_179 = tpu.memref_squeeze %dma_start3A_178 : memref<1x1792xf32, #tpu.memory_space<hbm>> -> memref<1792xf32, #tpu.memory_space<hbm>>
          %dma_start3A_180 = arith.constant 5376 : i32
          %dma_start3A_181 = tpu.memref_slice %arg22[%dma_start3A_180] : memref<8960xf32, #tpu.memory_space<vmem>> -> memref<1792xf32, #tpu.memory_space<vmem>>
          tpu.enqueue_dma source(%dma_start3A_181 : memref<1792xf32, #tpu.memory_space<vmem>>) target(%dma_start3A_179 : memref<1792xf32, #tpu.memory_space<hbm>>) target_semaphore(%run_scoped3A : memref<!tpu.dma_semaphore, #tpu.memory_space<semaphore_mem>>)
          %dma_wait3A = arith.constant 5376 : i32
          %dma_wait3A_182 = tpu.memref_slice %arg22[%dma_wait3A] : memref<8960xf32, #tpu.memory_space<vmem>> -> memref<1792xf32, #tpu.memory_space<vmem>>
          %dma_wait3A_183 = tpu.memref_slice %arg12[%add3A_16, %mul3A_171] : memref<64x12544xf32, #tpu.memory_space<hbm>> -> memref<1x1792xf32, #tpu.memory_space<hbm>>
          %dma_wait3A_184 = tpu.memref_squeeze %dma_wait3A_183 : memref<1x1792xf32, #tpu.memory_space<hbm>> -> memref<1792xf32, #tpu.memory_space<hbm>>
          %dma_wait3A_185 = tpu.memref_slice %arg12[%add3A_16, %mul3A_171] : memref<64x12544xf32, #tpu.memory_space<hbm>> -> memref<1x1792xf32, #tpu.memory_space<hbm>>
          %dma_wait3A_186 = tpu.memref_squeeze %dma_wait3A_185 : memref<1x1792xf32, #tpu.memory_space<hbm>> -> memref<1792xf32, #tpu.memory_space<hbm>>
          %dma_wait3A_187 = arith.constant 5376 : i32
          %dma_wait3A_188 = tpu.memref_slice %arg22[%dma_wait3A_187] : memref<8960xf32, #tpu.memory_space<vmem>> -> memref<1792xf32, #tpu.memory_space<vmem>>
          tpu.wait_dma2 semaphore(%run_scoped3A : memref<!tpu.dma_semaphore, #tpu.memory_space<semaphore_mem>>) src(%dma_wait3A_188 : memref<1792xf32, #tpu.memory_space<vmem>>) dst(%dma_wait3A_186 : memref<1792xf32, #tpu.memory_space<hbm>>)
          tpu.yield
        }) : () -> ()
        %mul3A_172 = arith.constant 1792 : i32
        %mul3A_173 = arith.muli %scan3A_155, %mul3A_172 : i32
        "tpu.region"() ({
          %run_scoped3A = tpu.sem_alloc : memref<!tpu.dma_semaphore, #tpu.memory_space<semaphore_mem>>
          %dma_start3A = arith.constant 7168 : i32
          %dma_start3A_175 = tpu.memref_slice %arg22[%dma_start3A] : memref<8960xf32, #tpu.memory_space<vmem>> -> memref<1792xf32, #tpu.memory_space<vmem>>
          %dma_start3A_176 = tpu.memref_slice %arg13[%add3A_16, %mul3A_173] : memref<64x12544xf32, #tpu.memory_space<hbm>> -> memref<1x1792xf32, #tpu.memory_space<hbm>>
          %dma_start3A_177 = tpu.memref_squeeze %dma_start3A_176 : memref<1x1792xf32, #tpu.memory_space<hbm>> -> memref<1792xf32, #tpu.memory_space<hbm>>
          %dma_start3A_178 = tpu.memref_slice %arg13[%add3A_16, %mul3A_173] : memref<64x12544xf32, #tpu.memory_space<hbm>> -> memref<1x1792xf32, #tpu.memory_space<hbm>>
          %dma_start3A_179 = tpu.memref_squeeze %dma_start3A_178 : memref<1x1792xf32, #tpu.memory_space<hbm>> -> memref<1792xf32, #tpu.memory_space<hbm>>
          %dma_start3A_180 = arith.constant 7168 : i32
          %dma_start3A_181 = tpu.memref_slice %arg22[%dma_start3A_180] : memref<8960xf32, #tpu.memory_space<vmem>> -> memref<1792xf32, #tpu.memory_space<vmem>>
          tpu.enqueue_dma source(%dma_start3A_181 : memref<1792xf32, #tpu.memory_space<vmem>>) target(%dma_start3A_179 : memref<1792xf32, #tpu.memory_space<hbm>>) target_semaphore(%run_scoped3A : memref<!tpu.dma_semaphore, #tpu.memory_space<semaphore_mem>>)
          %dma_wait3A = arith.constant 7168 : i32
          %dma_wait3A_182 = tpu.memref_slice %arg22[%dma_wait3A] : memref<8960xf32, #tpu.memory_space<vmem>> -> memref<1792xf32, #tpu.memory_space<vmem>>
          %dma_wait3A_183 = tpu.memref_slice %arg13[%add3A_16, %mul3A_173] : memref<64x12544xf32, #tpu.memory_space<hbm>> -> memref<1x1792xf32, #tpu.memory_space<hbm>>
          %dma_wait3A_184 = tpu.memref_squeeze %dma_wait3A_183 : memref<1x1792xf32, #tpu.memory_space<hbm>> -> memref<1792xf32, #tpu.memory_space<hbm>>
          %dma_wait3A_185 = tpu.memref_slice %arg13[%add3A_16, %mul3A_173] : memref<64x12544xf32, #tpu.memory_space<hbm>> -> memref<1x1792xf32, #tpu.memory_space<hbm>>
          %dma_wait3A_186 = tpu.memref_squeeze %dma_wait3A_185 : memref<1x1792xf32, #tpu.memory_space<hbm>> -> memref<1792xf32, #tpu.memory_space<hbm>>
          %dma_wait3A_187 = arith.constant 7168 : i32
          %dma_wait3A_188 = tpu.memref_slice %arg22[%dma_wait3A_187] : memref<8960xf32, #tpu.memory_space<vmem>> -> memref<1792xf32, #tpu.memory_space<vmem>>
          tpu.wait_dma2 semaphore(%run_scoped3A : memref<!tpu.dma_semaphore, #tpu.memory_space<semaphore_mem>>) src(%dma_wait3A_188 : memref<1792xf32, #tpu.memory_space<vmem>>) dst(%dma_wait3A_186 : memref<1792xf32, #tpu.memory_space<hbm>>)
          tpu.yield
        }) : () -> ()
        %scan3A_174 = arith.constant 0 : i32
        scf.yield %scan3A_174 : i32
      }
      %scan3A_153 = arith.constant 7 : i32
      %scan3A_154 = arith.constant 0 : i32
      scf.yield %scan3A_154 : i32
    }
    %scan3A_11 = arith.constant 2 : i32
    return
  }
}

module attributes {stable_mosaic.version = 14 : i64} {
  func.func @_k1_body(%arg0: i32, %arg1: memref<64x8xf32, #tpu.memory_space<vmem>>, %arg2: memref<8x2944xf32, #tpu.memory_space<vmem>>, %arg3: memref<64x2944xf32, #tpu.memory_space<vmem>>) attributes {dimension_semantics = [#tpu.dimension_semantics<arbitrary>], iteration_bounds = array<i64: 34>, scalar_prefetch = 0 : i64, scratch_operands = 0 : i64, tpu.core_type = #tpu.core_type<tc>, window_params = [{pipeline_mode = #tpu.pipeline_mode<synchronous>, transform_indices = @transform_0, window_bounds = array<i64: 64, 8>}, {transform_indices = @transform_1, window_bounds = array<i64: 8, 2944>}, {transform_indices = @transform_2, window_bounds = array<i64: 64, 2944>}]} {
    %get3A = arith.constant 0 : index
    %get3A_0 = arith.constant 0 : index
    %get3A_1 = vector.load %arg2[%get3A, %get3A_0] : memref<8x2944xf32, #tpu.memory_space<vmem>>, vector<1x2944xf32>
    %mul3A = arith.constant 2.000000e-01 : f32
    %mul3A_2 = vector.broadcast %mul3A : f32 to vector<1x2944xf32>
    %mul3A_3 = arith.mulf %get3A_1, %mul3A_2 : vector<1x2944xf32>
    %get3A_4 = arith.constant 1 : index
    %get3A_5 = arith.constant 0 : index
    %get3A_6 = vector.load %arg2[%get3A_4, %get3A_5] : memref<8x2944xf32, #tpu.memory_space<vmem>>, vector<1x2944xf32>
    %mul3A_7 = arith.constant 2.000000e-01 : f32
    %mul3A_8 = vector.broadcast %mul3A_7 : f32 to vector<1x2944xf32>
    %mul3A_9 = arith.mulf %get3A_6, %mul3A_8 : vector<1x2944xf32>
    %get3A_10 = arith.constant 2 : index
    %get3A_11 = arith.constant 0 : index
    %get3A_12 = vector.load %arg2[%get3A_10, %get3A_11] : memref<8x2944xf32, #tpu.memory_space<vmem>>, vector<1x2944xf32>
    %mul3A_13 = arith.constant 2.000000e-01 : f32
    %mul3A_14 = vector.broadcast %mul3A_13 : f32 to vector<1x2944xf32>
    %mul3A_15 = arith.mulf %get3A_12, %mul3A_14 : vector<1x2944xf32>
    %get3A_16 = arith.constant 0 : index
    %get3A_17 = arith.constant 0 : index
    %get3A_18 = vector.load %arg1[%get3A_16, %get3A_17] : memref<64x8xf32, #tpu.memory_space<vmem>>, vector<64x1xf32>
    %mul3A_19 = arith.constant 2.000000e-01 : f32
    %mul3A_20 = vector.broadcast %mul3A_19 : f32 to vector<64x1xf32>
    %mul3A_21 = arith.mulf %get3A_18, %mul3A_20 : vector<64x1xf32>
    %get3A_22 = arith.constant 0 : index
    %get3A_23 = arith.constant 1 : index
    %get3A_24 = vector.load %arg1[%get3A_22, %get3A_23] : memref<64x8xf32, #tpu.memory_space<vmem>>, vector<64x1xf32>
    %mul3A_25 = arith.constant 2.000000e-01 : f32
    %mul3A_26 = vector.broadcast %mul3A_25 : f32 to vector<64x1xf32>
    %mul3A_27 = arith.mulf %get3A_24, %mul3A_26 : vector<64x1xf32>
    %get3A_28 = arith.constant 0 : index
    %get3A_29 = arith.constant 2 : index
    %get3A_30 = vector.load %arg1[%get3A_28, %get3A_29] : memref<64x8xf32, #tpu.memory_space<vmem>>, vector<64x1xf32>
    %mul3A_31 = arith.constant 2.000000e-01 : f32
    %mul3A_32 = vector.broadcast %mul3A_31 : f32 to vector<64x1xf32>
    %mul3A_33 = arith.mulf %get3A_30, %mul3A_32 : vector<64x1xf32>
    %sub3A = vector.broadcast %mul3A_21 : vector<64x1xf32> to vector<64x2944xf32>
    %sub3A_34 = vector.broadcast %mul3A_3 : vector<1x2944xf32> to vector<64x2944xf32>
    %sub3A_35 = arith.subf %sub3A, %sub3A_34 : vector<64x2944xf32>
    %sub3A_36 = vector.broadcast %mul3A_27 : vector<64x1xf32> to vector<64x2944xf32>
    %sub3A_37 = vector.broadcast %mul3A_9 : vector<1x2944xf32> to vector<64x2944xf32>
    %sub3A_38 = arith.subf %sub3A_36, %sub3A_37 : vector<64x2944xf32>
    %sub3A_39 = vector.broadcast %mul3A_33 : vector<64x1xf32> to vector<64x2944xf32>
    %sub3A_40 = vector.broadcast %mul3A_15 : vector<1x2944xf32> to vector<64x2944xf32>
    %sub3A_41 = arith.subf %sub3A_39, %sub3A_40 : vector<64x2944xf32>
    %mul3A_42 = arith.mulf %sub3A_35, %sub3A_35 : vector<64x2944xf32>
    %mul3A_43 = arith.mulf %sub3A_38, %sub3A_38 : vector<64x2944xf32>
    %add3A = arith.addf %mul3A_42, %mul3A_43 : vector<64x2944xf32>
    %mul3A_44 = arith.mulf %sub3A_41, %sub3A_41 : vector<64x2944xf32>
    %add3A_45 = arith.addf %add3A, %mul3A_44 : vector<64x2944xf32>
    %sqrt3A = math.sqrt %add3A_45 : vector<64x2944xf32>
    %swap3A = arith.constant 0 : index
    %swap3A_46 = arith.constant 0 : index
    %swap3A_47 = vector.load %arg3[%swap3A, %swap3A_46] : memref<64x2944xf32, #tpu.memory_space<vmem>>, vector<64x2944xf32>
    tpu.vector_store %arg3[%swap3A, %swap3A_46], %sqrt3A {strides = array<i32>} : memref<64x2944xf32, #tpu.memory_space<vmem>>, vector<64x2944xf32>,
    return
  }
  func.func @transform_0(%arg0: i32) -> (i32, i32) {
    %c0_i32 = arith.constant 0 : i32
    %c0_i32_0 = arith.constant 0 : i32
    %c0_i32_1 = arith.constant 0 : i32
    return %c0_i32, %c0_i32_0 : i32, i32
  }
  func.func @transform_1(%arg0: i32) -> (i32, i32) {
    %c0_i32 = arith.constant 0 : i32
    %c0_i32_0 = arith.constant 0 : i32
    return %c0_i32, %arg0 : i32, i32
  }
  func.func @transform_2(%arg0: i32) -> (i32, i32) {
    %c0_i32 = arith.constant 0 : i32
    %c0_i32_0 = arith.constant 0 : i32
    return %c0_i32, %arg0 : i32, i32
  }
}

module attributes {stable_mosaic.version = 14 : i64} {
  func.func @_k2a_body(%arg0: i32, %arg1: memref<64x12544xf32, #tpu.memory_space<vmem>>, %arg2: memref<64x1xf32, #tpu.memory_space<vmem>>, %arg3: memref<1x1xf32, #tpu.memory_space<smem>>, %arg4: memref<1x12544xf32, #tpu.memory_space<vmem>>) attributes {dimension_semantics = [#tpu.dimension_semantics<arbitrary>], iteration_bounds = array<i64: 1>, scalar_prefetch = 0 : i64, scratch_operands = 0 : i64, tpu.core_type = #tpu.core_type<tc>, window_params = [{pipeline_mode = #tpu.pipeline_mode<synchronous>, transform_indices = @transform_0, window_bounds = array<i64: 64, 12544>}, {pipeline_mode = #tpu.pipeline_mode<synchronous>, transform_indices = @transform_1, window_bounds = array<i64: 64, 1>}, {transform_indices = @transform_2, window_bounds = array<i64: 1, 1>}, {pipeline_mode = #tpu.pipeline_mode<synchronous>, transform_indices = @transform_3, window_bounds = array<i64: 1, 12544>}]} {
    %get3A = arith.constant 0 : index
    %get3A_0 = arith.constant 0 : index
    %get3A_1 = memref.load %arg3[%get3A, %get3A_0] : memref<1x1xf32, #tpu.memory_space<smem>>
    %get3A_2 = arith.constant 0 : index
    %get3A_3 = arith.constant 0 : index
    %get3A_4 = vector.load %arg1[%get3A_2, %get3A_3] : memref<64x12544xf32, #tpu.memory_space<vmem>>, vector<64x12544xf32>
    %mul3A = arith.constant -5.000000e-01 : f32
    %mul3A_5 = vector.broadcast %mul3A : f32 to vector<64x12544xf32>
    %mul3A_6 = arith.mulf %mul3A_5, %get3A_4 : vector<64x12544xf32>
    %mul3A_7 = arith.mulf %mul3A_6, %get3A_4 : vector<64x12544xf32>
    %mul3A_8 = arith.mulf %get3A_1, %get3A_1 : f32
    %div3A = vector.broadcast %mul3A_8 : f32 to vector<64x12544xf32>
    %div3A_9 = arith.divf %mul3A_7, %div3A : vector<64x12544xf32>
    %exp3A = math.exp %div3A_9 : vector<64x12544xf32>
    %get3A_10 = arith.constant 0 : index
    %get3A_11 = arith.constant 0 : index
    %get3A_12 = vector.load %arg2[%get3A_10, %get3A_11] : memref<64x1xf32, #tpu.memory_space<vmem>>, vector<64x1xf32>
    %mul3A_13 = vector.broadcast %get3A_12 : vector<64x1xf32> to vector<64x12544xf32>
    %mul3A_14 = arith.mulf %exp3A, %mul3A_13 : vector<64x12544xf32>
    %reduce_sum3A = arith.constant dense<0.000000e+00> : vector<12544xf32>
    %reduce_sum3A_15 = vector.multi_reduction <add>, %mul3A_14, %reduce_sum3A [0] : vector<64x12544xf32> to vector<12544xf32>
    %broadcast_in_dim3A = vector.shape_cast %reduce_sum3A_15 : vector<12544xf32> to vector<1x12544xf32>
    %swap3A = arith.constant 0 : index
    %swap3A_16 = arith.constant 0 : index
    %swap3A_17 = vector.load %arg4[%swap3A, %swap3A_16] : memref<1x12544xf32, #tpu.memory_space<vmem>>, vector<1x12544xf32>
    tpu.vector_store %arg4[%swap3A, %swap3A_16], %broadcast_in_dim3A {strides = array<i32>} : memref<1x12544xf32, #tpu.memory_space<vmem>>, vector<1x12544xf32>,
    return
  }
  func.func @transform_0(%arg0: i32) -> (i32, i32) {
    %c0_i32 = arith.constant 0 : i32
    %c0_i32_0 = arith.constant 0 : i32
    %c0_i32_1 = arith.constant 0 : i32
    return %c0_i32, %c0_i32_0 : i32, i32
  }
  func.func @transform_1(%arg0: i32) -> (i32, i32) {
    %c0_i32 = arith.constant 0 : i32
    %c0_i32_0 = arith.constant 0 : i32
    %c0_i32_1 = arith.constant 0 : i32
    return %c0_i32, %c0_i32_0 : i32, i32
  }
  func.func @transform_2(%arg0: i32) -> (i32, i32) {
    %c0_i32 = arith.constant 0 : i32
    %c0_i32_0 = arith.constant 0 : i32
    %c0_i32_1 = arith.constant 0 : i32
    return %c0_i32, %c0_i32_0 : i32, i32
  }
  func.func @transform_3(%arg0: i32) -> (i32, i32) {
    %c0_i32 = arith.constant 0 : i32
    %c0_i32_0 = arith.constant 0 : i32
    %c0_i32_1 = arith.constant 0 : i32
    return %c0_i32, %c0_i32_0 : i32, i32
  }
}

module attributes {stable_mosaic.version = 14 : i64} {
  func.func @_k2b_body(%arg0: i32, %arg1: memref<1x1x12544xf32, #tpu.memory_space<vmem>>, %arg2: memref<1x1x12544xf32, #tpu.memory_space<vmem>>, %arg3: memref<1x1x12544xf32, #tpu.memory_space<vmem>>, %arg4: memref<1x1x12544xf32, #tpu.memory_space<vmem>>, %arg5: memref<1x1x12544xf32, #tpu.memory_space<vmem>>, %arg6: memref<1x1x12544xf32, #tpu.memory_space<vmem>>, %arg7: memref<1x12544xf32, #tpu.memory_space<vmem>>, %arg8: memref<1x1x8xf32, #tpu.memory_space<vmem>>, %arg9: memref<1x1x1xf32, #tpu.memory_space<smem>>, %arg10: memref<1x1xf32, #tpu.memory_space<smem>>, %arg11: memref<1x33x9xf32, #tpu.memory_space<vmem>>) attributes {dimension_semantics = [#tpu.dimension_semantics<arbitrary>], iteration_bounds = array<i64: 64>, scalar_prefetch = 0 : i64, scratch_operands = 0 : i64, tpu.core_type = #tpu.core_type<tc>, window_params = [{transform_indices = @transform_0, window_bounds = array<i64: 1, 1, 12544>}, {transform_indices = @transform_1, window_bounds = array<i64: 1, 1, 12544>}, {transform_indices = @transform_2, window_bounds = array<i64: 1, 1, 12544>}, {transform_indices = @transform_3, window_bounds = array<i64: 1, 1, 12544>}, {transform_indices = @transform_4, window_bounds = array<i64: 1, 1, 12544>}, {transform_indices = @transform_5, window_bounds = array<i64: 1, 1, 12544>}, {pipeline_mode = #tpu.pipeline_mode<synchronous>, transform_indices = @transform_6, window_bounds = array<i64: 1, 12544>}, {transform_indices = @transform_7, window_bounds = array<i64: 1, 1, 8>}, {transform_indices = @transform_8, window_bounds = array<i64: 1, 1, 1>}, {transform_indices = @transform_9, window_bounds = array<i64: 1, 1>}, {transform_indices = @transform_10, window_bounds = array<i64: 1, 33, 9>}]} {
    %get3A = arith.constant 0 : index
    %get3A_0 = arith.constant 0 : index
    %get3A_1 = memref.load %arg10[%get3A, %get3A_0] : memref<1x1xf32, #tpu.memory_space<smem>>
    %get3A_2 = arith.constant 0 : index
    %get3A_3 = arith.constant 0 : index
    %get3A_4 = arith.constant 0 : index
    %get3A_5 = memref.load %arg9[%get3A_2, %get3A_3, %get3A_4] : memref<1x1x1xf32, #tpu.memory_space<smem>>
    %get3A_6 = arith.constant 0 : index
    %get3A_7 = arith.constant 0 : index
    %get3A_8 = arith.constant 0 : index
    %get3A_9 = vector.load %arg8[%get3A_6, %get3A_7, %get3A_8] : memref<1x1x8xf32, #tpu.memory_space<vmem>>, vector<1x1x8xf32>
    %get3A_10 = vector.shape_cast %get3A_9 : vector<1x1x8xf32> to vector<1x8xf32>
    %slice3A = vector.extract_strided_slice %get3A_10 {offsets = [0, 0], sizes = [1, 1], strides = [1, 1]} : vector<1x8xf32> to vector<1x1xf32>
    %mul3A = arith.constant 2.000000e-01 : f32
    %mul3A_11 = vector.broadcast %mul3A : f32 to vector<1x1xf32>
    %mul3A_12 = arith.mulf %slice3A, %mul3A_11 : vector<1x1xf32>
    %slice3A_13 = vector.extract_strided_slice %get3A_10 {offsets = [0, 1], sizes = [1, 1], strides = [1, 1]} : vector<1x8xf32> to vector<1x1xf32>
    %mul3A_14 = arith.constant 2.000000e-01 : f32
    %mul3A_15 = vector.broadcast %mul3A_14 : f32 to vector<1x1xf32>
    %mul3A_16 = arith.mulf %slice3A_13, %mul3A_15 : vector<1x1xf32>
    %slice3A_17 = vector.extract_strided_slice %get3A_10 {offsets = [0, 2], sizes = [1, 1], strides = [1, 1]} : vector<1x8xf32> to vector<1x1xf32>
    %mul3A_18 = arith.constant 2.000000e-01 : f32
    %mul3A_19 = vector.broadcast %mul3A_18 : f32 to vector<1x1xf32>
    %mul3A_20 = arith.mulf %slice3A_17, %mul3A_19 : vector<1x1xf32>
    %get3A_21 = arith.constant 0 : index
    %get3A_22 = arith.constant 0 : index
    %get3A_23 = arith.constant 0 : index
    %get3A_24 = vector.load %arg1[%get3A_21, %get3A_22, %get3A_23] : memref<1x1x12544xf32, #tpu.memory_space<vmem>>, vector<1x1x12544xf32>
    %get3A_25 = vector.shape_cast %get3A_24 : vector<1x1x12544xf32> to vector<1x12544xf32>
    %iota3A = tpu.iota {dimensions = array<i32: 1>} : vector<1x12544xi32>
    %lt3A = arith.constant 12500 : i32
    %lt3A_26 = vector.broadcast %lt3A : i32 to vector<1x12544xi32>
    %lt3A_27 = arith.cmpi slt, %iota3A, %lt3A_26 : vector<1x12544xi32>
    %get3A_28 = arith.constant 0 : index
    %get3A_29 = arith.constant 0 : index
    %get3A_30 = arith.constant 0 : index
    %get3A_31 = vector.load %arg2[%get3A_28, %get3A_29, %get3A_30] : memref<1x1x12544xf32, #tpu.memory_space<vmem>>, vector<1x1x12544xf32>
    %get3A_32 = vector.shape_cast %get3A_31 : vector<1x1x12544xf32> to vector<1x12544xf32>
    %mul3A_33 = arith.constant 2.000000e-01 : f32
    %mul3A_34 = vector.broadcast %mul3A_33 : f32 to vector<1x12544xf32>
    %mul3A_35 = arith.mulf %get3A_32, %mul3A_34 : vector<1x12544xf32>
    %sub3A = vector.broadcast %mul3A_12 : vector<1x1xf32> to vector<1x12544xf32>
    %sub3A_36 = arith.subf %sub3A, %mul3A_35 : vector<1x12544xf32>
    %get3A_37 = arith.constant 0 : index
    %get3A_38 = arith.constant 0 : index
    %get3A_39 = arith.constant 0 : index
    %get3A_40 = vector.load %arg3[%get3A_37, %get3A_38, %get3A_39] : memref<1x1x12544xf32, #tpu.memory_space<vmem>>, vector<1x1x12544xf32>
    %get3A_41 = vector.shape_cast %get3A_40 : vector<1x1x12544xf32> to vector<1x12544xf32>
    %mul3A_42 = arith.constant 2.000000e-01 : f32
    %mul3A_43 = vector.broadcast %mul3A_42 : f32 to vector<1x12544xf32>
    %mul3A_44 = arith.mulf %get3A_41, %mul3A_43 : vector<1x12544xf32>
    %sub3A_45 = vector.broadcast %mul3A_16 : vector<1x1xf32> to vector<1x12544xf32>
    %sub3A_46 = arith.subf %sub3A_45, %mul3A_44 : vector<1x12544xf32>
    %get3A_47 = arith.constant 0 : index
    %get3A_48 = arith.constant 0 : index
    %get3A_49 = arith.constant 0 : index
    %get3A_50 = vector.load %arg4[%get3A_47, %get3A_48, %get3A_49] : memref<1x1x12544xf32, #tpu.memory_space<vmem>>, vector<1x1x12544xf32>
    %get3A_51 = vector.shape_cast %get3A_50 : vector<1x1x12544xf32> to vector<1x12544xf32>
    %mul3A_52 = arith.constant 2.000000e-01 : f32
    %mul3A_53 = vector.broadcast %mul3A_52 : f32 to vector<1x12544xf32>
    %mul3A_54 = arith.mulf %get3A_51, %mul3A_53 : vector<1x12544xf32>
    %sub3A_55 = vector.broadcast %mul3A_20 : vector<1x1xf32> to vector<1x12544xf32>
    %sub3A_56 = arith.subf %sub3A_55, %mul3A_54 : vector<1x12544xf32>
    %mul3A_57 = arith.constant -5.000000e-01 : f32
    %mul3A_58 = vector.broadcast %mul3A_57 : f32 to vector<1x12544xf32>
    %mul3A_59 = arith.mulf %mul3A_58, %get3A_25 : vector<1x12544xf32>
    %mul3A_60 = arith.mulf %mul3A_59, %get3A_25 : vector<1x12544xf32>
    %mul3A_61 = arith.mulf %get3A_1, %get3A_1 : f32
    %div3A = vector.broadcast %mul3A_61 : f32 to vector<1x12544xf32>
    %div3A_62 = arith.divf %mul3A_60, %div3A : vector<1x12544xf32>
    %exp3A = math.exp %div3A_62 : vector<1x12544xf32>
    %mul3A_63 = vector.broadcast %get3A_5 : f32 to vector<1x12544xf32>
    %mul3A_64 = arith.mulf %exp3A, %mul3A_63 : vector<1x12544xf32>
    %get3A_65 = arith.constant 0 : index
    %get3A_66 = arith.constant 0 : index
    %get3A_67 = vector.load %arg7[%get3A_65, %get3A_66] : memref<1x12544xf32, #tpu.memory_space<vmem>>, vector<1x12544xf32>
    %add3A = arith.constant 1.000000e-15 : f32
    %add3A_68 = vector.broadcast %add3A : f32 to vector<1x12544xf32>
    %add3A_69 = arith.addf %get3A_67, %add3A_68 : vector<1x12544xf32>
    %div3A_70 = arith.divf %mul3A_64, %add3A_69 : vector<1x12544xf32>
    %mul3A_71 = arith.mulf %get3A_25, %get3A_25 : vector<1x12544xf32>
    %mul3A_72 = arith.mulf %mul3A_71, %mul3A_71 : vector<1x12544xf32>
    %mul3A_73 = arith.mulf %mul3A_72, %mul3A_71 : vector<1x12544xf32>
    %mul3A_74 = arith.mulf %mul3A_73, %get3A_25 : vector<1x12544xf32>
    %mul3A_75 = arith.mulf %mul3A_74, %get3A_25 : vector<1x12544xf32>
    %sub3A_76 = arith.constant 1.000000e+00 : f32
    %sub3A_77 = vector.broadcast %sub3A_76 : f32 to vector<1x12544xf32>
    %sub3A_78 = arith.subf %sub3A_77, %get3A_25 : vector<1x12544xf32>
    %mul3A_79 = arith.constant 2.800000e+01 : f32
    %mul3A_80 = vector.broadcast %mul3A_79 : f32 to vector<1x12544xf32>
    %mul3A_81 = arith.mulf %mul3A_80, %mul3A_73 : vector<1x12544xf32>
    %mul3A_82 = arith.mulf %mul3A_81, %sub3A_78 : vector<1x12544xf32>
    %mul3A_83 = arith.mulf %mul3A_82, %sub3A_78 : vector<1x12544xf32>
    %sub3A_84 = arith.constant 1.000000e+00 : f32
    %sub3A_85 = vector.broadcast %sub3A_84 : f32 to vector<1x12544xf32>
    %sub3A_86 = arith.subf %sub3A_85, %mul3A_83 : vector<1x12544xf32>
    %mul3A_87 = arith.constant 8.000000e+00 : f32
    %mul3A_88 = vector.broadcast %mul3A_87 : f32 to vector<1x12544xf32>
    %mul3A_89 = arith.mulf %mul3A_88, %mul3A_74 : vector<1x12544xf32>
    %mul3A_90 = arith.mulf %mul3A_89, %sub3A_78 : vector<1x12544xf32>
    %sub3A_91 = arith.subf %sub3A_86, %mul3A_90 : vector<1x12544xf32>
    %sub3A_92 = arith.subf %sub3A_91, %mul3A_75 : vector<1x12544xf32>
    %lt3A_93 = arith.constant 1.000000e+00 : f32
    %lt3A_94 = vector.broadcast %lt3A_93 : f32 to vector<1x12544xf32>
    %lt3A_95 = arith.cmpf olt, %get3A_25, %lt3A_94 : vector<1x12544xf32>
    %jit3A = arith.constant 0.000000e+00 : f32
    %broadcast_in_dim3A = vector.broadcast %jit3A : f32 to vector<1x12544xf32>
    %select_n3A = arith.select %lt3A_95, %sub3A_92, %broadcast_in_dim3A : vector<1x12544xi1>, vector<1x12544xf32>
    %get3A_96 = arith.constant 0 : index
    %get3A_97 = arith.constant 0 : index
    %get3A_98 = arith.constant 0 : index
    %get3A_99 = vector.load %arg5[%get3A_96, %get3A_97, %get3A_98] : memref<1x1x12544xf32, #tpu.memory_space<vmem>>, vector<1x1x12544xf32>
    %get3A_100 = vector.shape_cast %get3A_99 : vector<1x1x12544xf32> to vector<1x12544xf32>
    %get3A_101 = arith.constant 0 : index
    %get3A_102 = arith.constant 0 : index
    %get3A_103 = arith.constant 0 : index
    %get3A_104 = vector.load %arg6[%get3A_101, %get3A_102, %get3A_103] : memref<1x1x12544xf32, #tpu.memory_space<vmem>>, vector<1x1x12544xf32>
    %get3A_105 = vector.shape_cast %get3A_104 : vector<1x1x12544xf32> to vector<1x12544xf32>
    %mul3A_106 = arith.mulf %get3A_100, %get3A_105 : vector<1x12544xf32>
    %sqrt3A = arith.constant 2.000000e+00 : f32
    %sqrt3A_107 = math.sqrt %sqrt3A : f32
    %mul3A_108 = vector.broadcast %sqrt3A_107 : f32 to vector<1x12544xf32>
    %mul3A_109 = arith.mulf %mul3A_108, %select_n3A : vector<1x12544xf32>
    %mul3A_110 = arith.mulf %mul3A_109, %div3A_70 : vector<1x12544xf32>
    %mul3A_111 = arith.mulf %mul3A_110, %mul3A_106 : vector<1x12544xf32>
    %jit3A_112 = arith.constant 0.000000e+00 : f32
    %broadcast_in_dim3A_113 = vector.broadcast %jit3A_112 : f32 to vector<1x12544xf32>
    %select_n3A_114 = arith.select %lt3A_27, %mul3A_111, %broadcast_in_dim3A_113 : vector<1x12544xi1>, vector<1x12544xf32>
    %mul3A_115 = arith.constant 3.14159274 : f32
    %mul3A_116 = vector.broadcast %mul3A_115 : f32 to vector<1x12544xf32>
    %mul3A_117 = arith.mulf %mul3A_116, %get3A_25 : vector<1x12544xf32>
    %sin3A = math.sin %mul3A_117 : vector<1x12544xf32>
    %cos3A = math.cos %mul3A_117 : vector<1x12544xf32>
    %mul3A_118 = arith.constant 2.000000e+00 : f32
    %mul3A_119 = vector.broadcast %mul3A_118 : f32 to vector<1x12544xf32>
    %mul3A_120 = arith.mulf %mul3A_119, %cos3A : vector<1x12544xf32>
    %mul3A_121 = arith.mulf %mul3A_120, %sin3A : vector<1x12544xf32>
    %mul3A_122 = arith.mulf %mul3A_120, %cos3A : vector<1x12544xf32>
    %sub3A_123 = arith.constant 1.000000e+00 : f32
    %sub3A_124 = vector.broadcast %sub3A_123 : f32 to vector<1x12544xf32>
    %sub3A_125 = arith.subf %mul3A_122, %sub3A_124 : vector<1x12544xf32>
    %mul3A_126 = arith.mulf %mul3A_120, %mul3A_121 : vector<1x12544xf32>
    %sub3A_127 = arith.subf %mul3A_126, %sin3A : vector<1x12544xf32>
    %mul3A_128 = arith.mulf %mul3A_120, %sub3A_125 : vector<1x12544xf32>
    %sub3A_129 = arith.subf %mul3A_128, %cos3A : vector<1x12544xf32>
    %mul3A_130 = arith.mulf %mul3A_120, %sub3A_127 : vector<1x12544xf32>
    %sub3A_131 = arith.subf %mul3A_130, %mul3A_121 : vector<1x12544xf32>
    %mul3A_132 = arith.mulf %mul3A_120, %sub3A_129 : vector<1x12544xf32>
    %sub3A_133 = arith.subf %mul3A_132, %sub3A_125 : vector<1x12544xf32>
    %mul3A_134 = arith.mulf %mul3A_120, %sub3A_131 : vector<1x12544xf32>
    %sub3A_135 = arith.subf %mul3A_134, %sub3A_127 : vector<1x12544xf32>
    %mul3A_136 = arith.mulf %mul3A_120, %sub3A_133 : vector<1x12544xf32>
    %sub3A_137 = arith.subf %mul3A_136, %sub3A_129 : vector<1x12544xf32>
    %mul3A_138 = arith.mulf %mul3A_120, %sub3A_135 : vector<1x12544xf32>
    %sub3A_139 = arith.subf %mul3A_138, %sub3A_131 : vector<1x12544xf32>
    %mul3A_140 = arith.mulf %mul3A_120, %sub3A_137 : vector<1x12544xf32>
    %sub3A_141 = arith.subf %mul3A_140, %sub3A_133 : vector<1x12544xf32>
    %mul3A_142 = arith.mulf %mul3A_120, %sub3A_139 : vector<1x12544xf32>
    %sub3A_143 = arith.subf %mul3A_142, %sub3A_135 : vector<1x12544xf32>
    %mul3A_144 = arith.mulf %mul3A_120, %sub3A_141 : vector<1x12544xf32>
    %sub3A_145 = arith.subf %mul3A_144, %sub3A_137 : vector<1x12544xf32>
    %mul3A_146 = arith.mulf %mul3A_120, %sub3A_143 : vector<1x12544xf32>
    %sub3A_147 = arith.subf %mul3A_146, %sub3A_139 : vector<1x12544xf32>
    %mul3A_148 = arith.mulf %mul3A_120, %sub3A_145 : vector<1x12544xf32>
    %sub3A_149 = arith.subf %mul3A_148, %sub3A_141 : vector<1x12544xf32>
    %mul3A_150 = arith.mulf %mul3A_120, %sub3A_147 : vector<1x12544xf32>
    %sub3A_151 = arith.subf %mul3A_150, %sub3A_143 : vector<1x12544xf32>
    %mul3A_152 = arith.mulf %mul3A_120, %sub3A_149 : vector<1x12544xf32>
    %sub3A_153 = arith.subf %mul3A_152, %sub3A_145 : vector<1x12544xf32>
    %mul3A_154 = arith.mulf %mul3A_120, %sub3A_151 : vector<1x12544xf32>
    %sub3A_155 = arith.subf %mul3A_154, %sub3A_147 : vector<1x12544xf32>
    %mul3A_156 = arith.mulf %mul3A_120, %sub3A_153 : vector<1x12544xf32>
    %sub3A_157 = arith.subf %mul3A_156, %sub3A_149 : vector<1x12544xf32>
    %mul3A_158 = arith.mulf %mul3A_120, %sub3A_155 : vector<1x12544xf32>
    %sub3A_159 = arith.subf %mul3A_158, %sub3A_151 : vector<1x12544xf32>
    %mul3A_160 = arith.mulf %mul3A_120, %sub3A_157 : vector<1x12544xf32>
    %sub3A_161 = arith.subf %mul3A_160, %sub3A_153 : vector<1x12544xf32>
    %mul3A_162 = arith.mulf %mul3A_120, %sub3A_159 : vector<1x12544xf32>
    %sub3A_163 = arith.subf %mul3A_162, %sub3A_155 : vector<1x12544xf32>
    %mul3A_164 = arith.mulf %mul3A_120, %sub3A_161 : vector<1x12544xf32>
    %sub3A_165 = arith.subf %mul3A_164, %sub3A_157 : vector<1x12544xf32>
    %mul3A_166 = arith.mulf %mul3A_120, %sub3A_163 : vector<1x12544xf32>
    %sub3A_167 = arith.subf %mul3A_166, %sub3A_159 : vector<1x12544xf32>
    %mul3A_168 = arith.mulf %mul3A_120, %sub3A_165 : vector<1x12544xf32>
    %sub3A_169 = arith.subf %mul3A_168, %sub3A_161 : vector<1x12544xf32>
    %mul3A_170 = arith.mulf %mul3A_120, %sub3A_167 : vector<1x12544xf32>
    %sub3A_171 = arith.subf %mul3A_170, %sub3A_163 : vector<1x12544xf32>
    %mul3A_172 = arith.mulf %mul3A_120, %sub3A_169 : vector<1x12544xf32>
    %sub3A_173 = arith.subf %mul3A_172, %sub3A_165 : vector<1x12544xf32>
    %mul3A_174 = arith.mulf %mul3A_120, %sub3A_171 : vector<1x12544xf32>
    %sub3A_175 = arith.subf %mul3A_174, %sub3A_167 : vector<1x12544xf32>
    %mul3A_176 = arith.mulf %mul3A_120, %sub3A_173 : vector<1x12544xf32>
    %sub3A_177 = arith.subf %mul3A_176, %sub3A_169 : vector<1x12544xf32>
    %mul3A_178 = arith.mulf %mul3A_120, %sub3A_175 : vector<1x12544xf32>
    %sub3A_179 = arith.subf %mul3A_178, %sub3A_171 : vector<1x12544xf32>
    %mul3A_180 = arith.mulf %mul3A_120, %sub3A_177 : vector<1x12544xf32>
    %sub3A_181 = arith.subf %mul3A_180, %sub3A_173 : vector<1x12544xf32>
    %broadcast_in_dim3A_182 = arith.constant 1.000000e-01 : f32
    %broadcast_in_dim3A_183 = vector.broadcast %broadcast_in_dim3A_182 : f32 to vector<1x12544xf32>
    %mul3A_184 = arith.mulf %broadcast_in_dim3A_183, %select_n3A_114 : vector<1x12544xf32>
    %mul3A_185 = arith.mulf %sin3A, %select_n3A_114 : vector<1x12544xf32>
    %mul3A_186 = arith.mulf %mul3A_121, %select_n3A_114 : vector<1x12544xf32>
    %mul3A_187 = arith.mulf %sub3A_127, %select_n3A_114 : vector<1x12544xf32>
    %mul3A_188 = arith.mulf %sub3A_131, %select_n3A_114 : vector<1x12544xf32>
    %mul3A_189 = arith.mulf %sub3A_135, %select_n3A_114 : vector<1x12544xf32>
    %mul3A_190 = arith.mulf %sub3A_139, %select_n3A_114 : vector<1x12544xf32>
    %mul3A_191 = arith.mulf %sub3A_143, %select_n3A_114 : vector<1x12544xf32>
    %mul3A_192 = arith.mulf %sub3A_147, %select_n3A_114 : vector<1x12544xf32>
    %mul3A_193 = arith.mulf %sub3A_151, %select_n3A_114 : vector<1x12544xf32>
    %mul3A_194 = arith.mulf %sub3A_155, %select_n3A_114 : vector<1x12544xf32>
    %mul3A_195 = arith.mulf %sub3A_159, %select_n3A_114 : vector<1x12544xf32>
    %mul3A_196 = arith.mulf %sub3A_163, %select_n3A_114 : vector<1x12544xf32>
    %mul3A_197 = arith.mulf %sub3A_167, %select_n3A_114 : vector<1x12544xf32>
    %mul3A_198 = arith.mulf %sub3A_171, %select_n3A_114 : vector<1x12544xf32>
    %mul3A_199 = arith.mulf %sub3A_175, %select_n3A_114 : vector<1x12544xf32>
    %mul3A_200 = arith.mulf %sub3A_179, %select_n3A_114 : vector<1x12544xf32>
    %mul3A_201 = arith.mulf %cos3A, %select_n3A_114 : vector<1x12544xf32>
    %mul3A_202 = arith.mulf %sub3A_125, %select_n3A_114 : vector<1x12544xf32>
    %mul3A_203 = arith.mulf %sub3A_129, %select_n3A_114 : vector<1x12544xf32>
    %mul3A_204 = arith.mulf %sub3A_133, %select_n3A_114 : vector<1x12544xf32>
    %mul3A_205 = arith.mulf %sub3A_137, %select_n3A_114 : vector<1x12544xf32>
    %mul3A_206 = arith.mulf %sub3A_141, %select_n3A_114 : vector<1x12544xf32>
    %mul3A_207 = arith.mulf %sub3A_145, %select_n3A_114 : vector<1x12544xf32>
    %mul3A_208 = arith.mulf %sub3A_149, %select_n3A_114 : vector<1x12544xf32>
    %mul3A_209 = arith.mulf %sub3A_153, %select_n3A_114 : vector<1x12544xf32>
    %mul3A_210 = arith.mulf %sub3A_157, %select_n3A_114 : vector<1x12544xf32>
    %mul3A_211 = arith.mulf %sub3A_161, %select_n3A_114 : vector<1x12544xf32>
    %mul3A_212 = arith.mulf %sub3A_165, %select_n3A_114 : vector<1x12544xf32>
    %mul3A_213 = arith.mulf %sub3A_169, %select_n3A_114 : vector<1x12544xf32>
    %mul3A_214 = arith.mulf %sub3A_173, %select_n3A_114 : vector<1x12544xf32>
    %mul3A_215 = arith.mulf %sub3A_177, %select_n3A_114 : vector<1x12544xf32>
    %mul3A_216 = arith.mulf %sub3A_181, %select_n3A_114 : vector<1x12544xf32>
    %concatenate3A = tpu.concatenate %mul3A_184, %mul3A_185, %mul3A_186, %mul3A_187, %mul3A_188, %mul3A_189, %mul3A_190, %mul3A_191, %mul3A_192, %mul3A_193, %mul3A_194, %mul3A_195, %mul3A_196, %mul3A_197, %mul3A_198, %mul3A_199, %mul3A_200, %mul3A_201, %mul3A_202, %mul3A_203, %mul3A_204, %mul3A_205, %mul3A_206, %mul3A_207, %mul3A_208, %mul3A_209, %mul3A_210, %mul3A_211, %mul3A_212, %mul3A_213, %mul3A_214, %mul3A_215, %mul3A_216 in 0 : vector<1x12544xf32>, vector<1x12544xf32>, vector<1x12544xf32>, vector<1x12544xf32>, vector<1x12544xf32>, vector<1x12544xf32>, vector<1x12544xf32>, vector<1x12544xf32>, vector<1x12544xf32>, vector<1x12544xf32>, vector<1x12544xf32>, vector<1x12544xf32>, vector<1x12544xf32>, vector<1x12544xf32>, vector<1x12544xf32>, vector<1x12544xf32>, vector<1x12544xf32>, vector<1x12544xf32>, vector<1x12544xf32>, vector<1x12544xf32>, vector<1x12544xf32>, vector<1x12544xf32>, vector<1x12544xf32>, vector<1x12544xf32>, vector<1x12544xf32>, vector<1x12544xf32>, vector<1x12544xf32>, vector<1x12544xf32>, vector<1x12544xf32>, vector<1x12544xf32>, vector<1x12544xf32>, vector<1x12544xf32>, vector<1x12544xf32> -> vector<33x12544xf32>
    %add3A_217 = arith.constant 1.000000e-15 : f32
    %add3A_218 = vector.broadcast %add3A_217 : f32 to vector<1x12544xf32>
    %add3A_219 = arith.addf %get3A_25, %add3A_218 : vector<1x12544xf32>
    %div3A_220 = arith.divf %sub3A_36, %add3A_219 : vector<1x12544xf32>
    %div3A_221 = arith.divf %sub3A_46, %add3A_219 : vector<1x12544xf32>
    %div3A_222 = arith.divf %sub3A_56, %add3A_219 : vector<1x12544xf32>
    %mul3A_223 = arith.mulf %div3A_220, %div3A_220 : vector<1x12544xf32>
    %mul3A_224 = arith.mulf %div3A_221, %div3A_221 : vector<1x12544xf32>
    %add3A_225 = arith.addf %mul3A_223, %mul3A_224 : vector<1x12544xf32>
    %mul3A_226 = arith.mulf %div3A_222, %div3A_222 : vector<1x12544xf32>
    %add3A_227 = arith.addf %add3A_225, %mul3A_226 : vector<1x12544xf32>
    %sqrt3A_228 = math.sqrt %add3A_227 : vector<1x12544xf32>
    %eq3A = arith.constant 0.000000e+00 : f32
    %eq3A_229 = vector.broadcast %eq3A : f32 to vector<1x12544xf32>
    %eq3A_230 = arith.cmpf oeq, %sqrt3A_228, %eq3A_229 : vector<1x12544xf32>
    %jit3A_231 = arith.constant 1.000000e+00 : f32
    %broadcast_in_dim3A_232 = vector.broadcast %jit3A_231 : f32 to vector<1x12544xf32>
    %select_n3A_233 = arith.select %eq3A_230, %broadcast_in_dim3A_232, %sqrt3A_228 : vector<1x12544xi1>, vector<1x12544xf32>
    %div3A_234 = arith.divf %div3A_220, %select_n3A_233 : vector<1x12544xf32>
    %div3A_235 = arith.divf %div3A_221, %select_n3A_233 : vector<1x12544xf32>
    %div3A_236 = arith.divf %div3A_222, %select_n3A_233 : vector<1x12544xf32>
    %sqrt3A_237 = arith.constant 3.000000e+00 : f32
    %sqrt3A_238 = math.sqrt %sqrt3A_237 : f32
    %broadcast_in_dim3A_239 = arith.constant 1.000000e+00 : f32
    %broadcast_in_dim3A_240 = vector.broadcast %broadcast_in_dim3A_239 : f32 to vector<1x12544xf32>
    %mul3A_241 = vector.broadcast %sqrt3A_238 : f32 to vector<1x12544xf32>
    %mul3A_242 = arith.mulf %mul3A_241, %div3A_234 : vector<1x12544xf32>
    %mul3A_243 = arith.mulf %mul3A_242, %div3A_235 : vector<1x12544xf32>
    %mul3A_244 = vector.broadcast %sqrt3A_238 : f32 to vector<1x12544xf32>
    %mul3A_245 = arith.mulf %mul3A_244, %div3A_235 : vector<1x12544xf32>
    %mul3A_246 = arith.mulf %mul3A_245, %div3A_236 : vector<1x12544xf32>
    %mul3A_247 = arith.constant 3.000000e+00 : f32
    %mul3A_248 = vector.broadcast %mul3A_247 : f32 to vector<1x12544xf32>
    %mul3A_249 = arith.mulf %mul3A_248, %div3A_236 : vector<1x12544xf32>
    %mul3A_250 = arith.mulf %mul3A_249, %div3A_236 : vector<1x12544xf32>
    %sub3A_251 = arith.constant 1.000000e+00 : f32
    %sub3A_252 = vector.broadcast %sub3A_251 : f32 to vector<1x12544xf32>
    %sub3A_253 = arith.subf %mul3A_250, %sub3A_252 : vector<1x12544xf32>
    %mul3A_254 = arith.constant 5.000000e-01 : f32
    %mul3A_255 = vector.broadcast %mul3A_254 : f32 to vector<1x12544xf32>
    %mul3A_256 = arith.mulf %mul3A_255, %sub3A_253 : vector<1x12544xf32>
    %mul3A_257 = vector.broadcast %sqrt3A_238 : f32 to vector<1x12544xf32>
    %mul3A_258 = arith.mulf %mul3A_257, %div3A_236 : vector<1x12544xf32>
    %mul3A_259 = arith.mulf %mul3A_258, %div3A_234 : vector<1x12544xf32>
    %mul3A_260 = arith.constant 5.000000e-01 : f32
    %mul3A_261 = arith.mulf %mul3A_260, %sqrt3A_238 : f32
    %mul3A_262 = arith.mulf %div3A_234, %div3A_234 : vector<1x12544xf32>
    %mul3A_263 = arith.mulf %div3A_235, %div3A_235 : vector<1x12544xf32>
    %sub3A_264 = arith.subf %mul3A_262, %mul3A_263 : vector<1x12544xf32>
    %mul3A_265 = vector.broadcast %mul3A_261 : f32 to vector<1x12544xf32>
    %mul3A_266 = arith.mulf %mul3A_265, %sub3A_264 : vector<1x12544xf32>
    %concatenate3A_267 = tpu.concatenate %broadcast_in_dim3A_240, %div3A_235, %div3A_236, %div3A_234, %mul3A_243, %mul3A_246, %mul3A_256, %mul3A_259, %mul3A_266 in 0 : vector<1x12544xf32>, vector<1x12544xf32>, vector<1x12544xf32>, vector<1x12544xf32>, vector<1x12544xf32>, vector<1x12544xf32>, vector<1x12544xf32>, vector<1x12544xf32>, vector<1x12544xf32> -> vector<9x12544xf32>
    %dot_general3A = arith.constant dense<0.000000e+00> : vector<33x9xf32>
    %dot_general3A_268 = tpu.matmul %concatenate3A, %concatenate3A_267, %dot_general3A {dimension_numbers = #tpu.dot_dimension_numbers<[1], [1], [0], [0], [0, 0, 1, 0], [], []>, transpose_lhs_hint = false} : vector<33x12544xf32>, vector<9x12544xf32>, vector<33x9xf32> -> vector<33x9xf32>
    %broadcast_in_dim3A_269 = vector.shape_cast %dot_general3A_268 : vector<33x9xf32> to vector<1x33x9xf32>
    %swap3A = arith.constant 0 : index
    %swap3A_270 = arith.constant 0 : index
    %swap3A_271 = arith.constant 0 : index
    %swap3A_272 = vector.load %arg11[%swap3A, %swap3A_270, %swap3A_271] : memref<1x33x9xf32, #tpu.memory_space<vmem>>, vector<1x33x9xf32>
    tpu.vector_store %arg11[%swap3A, %swap3A_270, %swap3A_271], %broadcast_in_dim3A_269 {strides = array<i32>} : memref<1x33x9xf32, #tpu.memory_space<vmem>>, vector<1x33x9xf32>,
    return
  }
  func.func @transform_0(%arg0: i32) -> (i32, i32, i32) {
    %c0_i32 = arith.constant 0 : i32
    %c0_i32_0 = arith.constant 0 : i32
    %c0_i32_1 = arith.constant 0 : i32
    return %arg0, %c0_i32, %c0_i32_0 : i32, i32, i32
  }
  func.func @transform_1(%arg0: i32) -> (i32, i32, i32) {
    %c0_i32 = arith.constant 0 : i32
    %c0_i32_0 = arith.constant 0 : i32
    %c0_i32_1 = arith.constant 0 : i32
    return %arg0, %c0_i32, %c0_i32_0 : i32, i32, i32
  }
  func.func @transform_2(%arg0: i32) -> (i32, i32, i32) {
    %c0_i32 = arith.constant 0 : i32
    %c0_i32_0 = arith.constant 0 : i32
    %c0_i32_1 = arith.constant 0 : i32
    return %arg0, %c0_i32, %c0_i32_0 : i32, i32, i32
  }
  func.func @transform_3(%arg0: i32) -> (i32, i32, i32) {
    %c0_i32 = arith.constant 0 : i32
    %c0_i32_0 = arith.constant 0 : i32
    %c0_i32_1 = arith.constant 0 : i32
    return %arg0, %c0_i32, %c0_i32_0 : i32, i32, i32
  }
  func.func @transform_4(%arg0: i32) -> (i32, i32, i32) {
    %c0_i32 = arith.constant 0 : i32
    %c0_i32_0 = arith.constant 0 : i32
    %c0_i32_1 = arith.constant 0 : i32
    return %arg0, %c0_i32, %c0_i32_0 : i32, i32, i32
  }
  func.func @transform_5(%arg0: i32) -> (i32, i32, i32) {
    %c0_i32 = arith.constant 0 : i32
    %c0_i32_0 = arith.constant 0 : i32
    %c0_i32_1 = arith.constant 0 : i32
    return %arg0, %c0_i32, %c0_i32_0 : i32, i32, i32
  }
  func.func @transform_6(%arg0: i32) -> (i32, i32) {
    %c0_i32 = arith.constant 0 : i32
    %c0_i32_0 = arith.constant 0 : i32
    %c0_i32_1 = arith.constant 0 : i32
    return %c0_i32, %c0_i32_0 : i32, i32
  }
  func.func @transform_7(%arg0: i32) -> (i32, i32, i32) {
    %c0_i32 = arith.constant 0 : i32
    %c0_i32_0 = arith.constant 0 : i32
    %c0_i32_1 = arith.constant 0 : i32
    return %arg0, %c0_i32, %c0_i32_0 : i32, i32, i32
  }
  func.func @transform_8(%arg0: i32) -> (i32, i32, i32) {
    %c0_i32 = arith.constant 0 : i32
    %c0_i32_0 = arith.constant 0 : i32
    %c0_i32_1 = arith.constant 0 : i32
    return %arg0, %c0_i32, %c0_i32_0 : i32, i32, i32
  }
  func.func @transform_9(%arg0: i32) -> (i32, i32) {
    %c0_i32 = arith.constant 0 : i32
    %c0_i32_0 = arith.constant 0 : i32
    %c0_i32_1 = arith.constant 0 : i32
    return %c0_i32, %c0_i32_0 : i32, i32
  }
  func.func @transform_10(%arg0: i32) -> (i32, i32, i32) {
    %c0_i32 = arith.constant 0 : i32
    %c0_i32_0 = arith.constant 0 : i32
    %c0_i32_1 = arith.constant 0 : i32
    return %arg0, %c0_i32, %c0_i32_0 : i32, i32, i32
  }
}

</mosaic_0001>

<sc_bundles>
// kernel: kernel.6.cloned.1.call-start
scs
__scs_entry_jumppad:
0x0: {  	(pc) =	sbr.rel $0x88, $3  }
0x1: {  	(tag) =	ssettag $0x0;
	lr =	simm.s32 $0x1  }
0x2: {  	[smem:$0x3F9B] =	sst lr;
	_ =	strace $0xD0000000  }
0x3: {  	_ = 	snop  }
0x4: {  	_ = 	snop  }
0x5: {  	_ = 	snop  }
0x6: {  	_ = 	snop  }
0x7: {  	_ = 	snop  }
__scs_overlays_trampoline_lowered:
0x8: {  	[smem:$0x3FAA] =	sst s0  }
0x9: {  	[smem:$0x3FAB] =	sst s1  }
0xa: {  	[smem:$0x3FAC] =	sst s2  }
0xb: {  	[smem:$0x3FAD] =	sst s3  }
0xc: {  	[smem:$0x3FAE] =	sst s4  }
0xd: {  	[smem:$0x3FAF] =	sst s5  }
0xe: {  	[smem:$0x3FB0] =	sst s6  }
0xf: {  	[smem:$0x3FB1] =	sst s7  }
0x10: {  	[smem:$0x3FB2] =	sst s8  }
0x11: {  	[smem:$0x3FB3] =	sst s9;
	s0 =	simm.s32 @!p0 $0x0  }
0x12: {  	s1 =	sld [smem:$0x3F99];
	s0 =	simm.s32 @p0 $0x1  }
0x13: {  	[smem:$0x3FB4] =	sst s0;
	s0 =	simm.s32 @!p1 $0x0  }
0x14: {  	s2 =	sld [smem:$0x3F98];
	s0 =	simm.s32 @p1 $0x1  }
0x15: {  	[smem:$0x3FB5] =	sst s0;
	s0 =	simm.s32 @!p2 $0x0  }
0x16: {  	s3 =	sld [smem:$0x3FDB];
	s0 =	simm.s32 @p2 $0x1  }
0x17: {  	s4 =	simm.s32 $0x1BF5;
	[smem:$0x3FB7] =	sst s0  }
0x18: {  	s0 =	sld [smem:$0x3F9A];
	_ =	swait.ge [sflag:s4], $0x0  }
0x19: {  	s7 =	sld [smem:$0x3F9B]  }
0x1a: {  	s8 =	sadd.s32 $0xFFFFE003, lr  }
0x1b: {  	s9 =	sadd.s32 $0xFFFFFEF7, lr;
	s5 =	simm.s32 $0xFFFFFFFF;
	p2 =	slt.u32 s8, $0xFFFFF086  }
0x1c: {  	p1 =	slt.u32 s9, $0xF7A;
	s5 =	simm.s32 @!p2 $0x0  }
0x1d: {  	s5 =	simm.s32 @p1 $0x1;
	p0 =	seq.s32 s7, s2  }
0x1e: {  	s7 =	smul.u32 @!p0 $0xF7A, s2;
	p2 =	seq.s32 @!p0 s5, $0x0  }
0x1f: {  	s9 =	smul.u32 $0xF7A, s1;
	s8 =	simm.s32 @!p0 $0x1BF5;
	p2 =	por !p2, p0  }
0x20: {  	[sflag:s8] =	ssyncset.s32 @!p0 $0xFFFFF086;
	s6 =	sadd.s32 @!p0 s3, s7;
	s7 =	simm.s32 @!p0 $0x108  }
0x21: {  	s3 =	sadd.s32 s3, s9;
	s6 =	sadd.s32 @!p0 $0x88, s6;
	s7 =	simm.s32 @p2 $0x1082  }
0x22: {  	[simem:s7], [sflag:s8] =	dma.local @!p0 [hbm:s6], $0xF7A  }
0x23: {  	s9 =	sor.u32 $0xD0000000, s2;
	s6 =	simm.s32 $0x108;
	_ =	swait.ge @!p0 [sflag:s8], $0x0  }
0x24: {  	s3 =	sadd.s32 $0x88, s3;
	s6 =	simm.s32 @!p1 $0x1082;
	[sflag:s4] =	ssyncset.s32 $0xFFFFF086  }
0x25: {  	[simem:s6], [sflag:s4] =	dma.local [hbm:s3], $0xF7A  }
0x26: {  	[smem:$0x3F9B] =	sst s1;
	(tag) =	ssettag s2;
	_ =	strace s9  }
0x27: {  	s1 =	sld [smem:$0x3FAB]  }
0x28: {  	s2 =	sld [smem:$0x3FAC]  }
0x29: {  	s4 =	sld [smem:$0x3FAE]  }
0x2a: {  	p0 =	seq.s32 s5, $0x0;
	s5 =	sld [smem:$0x3FAF]  }
0x2b: {  	s6 =	sld [smem:$0x3FB0]  }
0x2c: {  	s7 =	sld [smem:$0x3FB1]  }
0x2d: {  	s3 =	simm.s32 $0x108;
	s8 =	sld [smem:$0x3FB2]  }
0x2e: {  	s3 =	simm.s32 @!p0 $0x1082;
	s9 =	sld [smem:$0x3FB3]  }
0x2f: {  	lr =	sadd.s32 s0, s3;
	s0 =	sld [smem:$0x3FAA]  }
0x30: {  	s3 =	sld [smem:$0x3FAD]  }
0x31: {  	[smem:$0x3FB6] =	sst s10  }
0x32: {  	s10 =	sld [smem:$0x3FB4];
	_ =	sdelay $0x3  }
0x33: {  	p0 =	seq.s32 s10, $0x1;
	s10 =	sld [smem:$0x3FB6];
	_ =	sdelay $0x3  }
0x34: {  	[smem:$0x3FB6] =	sst s10  }
0x35: {  	s10 =	sld [smem:$0x3FB5];
	_ =	sdelay $0x3  }
0x36: {  	p1 =	seq.s32 s10, $0x1;
	s10 =	sld [smem:$0x3FB6];
	_ =	sdelay $0x3  }
0x37: {  	[smem:$0x3FB6] =	sst s10  }
0x38: {  	s10 =	sld [smem:$0x3FB7]  }
0x39: {  	_ = 	snop;
	(pc) =	sbr.ind lr, $3  }
0x3a: {  	_ = 	snop  }
0x3b: {  	_ = 	snop  }
0x3c: {  	p2 =	seq.s32 s10, $0x1;
	s10 =	sld [smem:$0x3FB6]  }
0x3d: {  	_ =	shalt  }
0x3e: {  	_ =	shalt  }
0x3f: {  	_ =	shalt  }
0x40: {  	_ =	shalt  }
0x41: {  	_ =	shalt  }
0x42: {  	_ =	shalt  }
0x43: {  	_ =	shalt  }
0x44: {  	_ =	shalt  }
0x45: {  	_ =	shalt  }
0x46: {  	_ =	shalt  }
0x47: {  	_ =	shalt  }
0x48: {  	_ =	shalt  }
0x49: {  	_ =	shalt  }
0x4a: {  	_ =	shalt  }
0x4b: {  	_ =	shalt  }
0x4c: {  	_ =	shalt  }
0x4d: {  	_ =	shalt  }
0x4e: {  	_ =	shalt  }
0x4f: {  	_ =	shalt  }
0x50: {  	_ =	shalt  }
0x51: {  	_ =	shalt  }
0x52: {  	_ =	shalt  }
0x53: {  	_ =	shalt  }
0x54: {  	_ =	shalt  }
0x55: {  	_ =	shalt  }
0x56: {  	_ =	shalt  }
0x57: {  	_ =	shalt  }
0x58: {  	_ =	shalt  }
0x59: {  	_ =	shalt  }
0x5a: {  	_ =	shalt  }
0x5b: {  	_ =	shalt  }
0x5c: {  	_ =	shalt  }
0x5d: {  	_ =	shalt  }
0x5e: {  	_ =	shalt  }
0x5f: {  	_ =	shalt  }
0x60: {  	_ =	shalt  }
0x61: {  	_ =	shalt  }
0x62: {  	_ =	shalt  }
0x63: {  	_ =	shalt  }
0x64: {  	_ =	shalt  }
0x65: {  	_ =	shalt  }
0x66: {  	_ =	shalt  }
0x67: {  	_ =	shalt  }
0x68: {  	_ =	shalt  }
0x69: {  	_ =	shalt  }
0x6a: {  	_ =	shalt  }
0x6b: {  	_ =	shalt  }
0x6c: {  	_ =	shalt  }
0x6d: {  	_ =	shalt  }
0x6e: {  	_ =	shalt  }
0x6f: {  	_ =	shalt  }
0x70: {  	_ =	shalt  }
0x71: {  	_ =	shalt  }
0x72: {  	_ =	shalt  }
0x73: {  	_ =	shalt  }
0x74: {  	_ =	shalt  }
0x75: {  	_ =	shalt  }
0x76: {  	_ =	shalt  }
0x77: {  	_ =	shalt  }
0x78: {  	_ =	shalt  }
0x79: {  	_ =	shalt  }
0x7a: {  	_ =	shalt  }
0x7b: {  	_ =	shalt  }
0x7c: {  	_ =	shalt  }
0x7d: {  	_ =	shalt  }
0x7e: {  	_ =	shalt  }
0x7f: {  	_ =	shalt  }
0x80: {  	_ =	shalt  }
0x81: {  	_ =	shalt  }
0x82: {  	_ =	shalt  }
0x83: {  	_ =	shalt  }
0x84: {  	_ =	shalt  }
0x85: {  	_ =	shalt  }
0x86: {  	_ =	shalt  }
0x87: {  	_ =	shalt  }
.Lfunc_end0:
.L_simem_size_0:
called_computation_lowered:
.L_overlay_start_0:
0x88: {  	s2 =	sld [smem:$0x3FD9]  }
0x89: {  	s3 =	sld [smem:$0x3FFE];
	_ =	sdelay $0x1  }
0x8a: {  	s1 =	srdreg.scid  }
0x8b: {  	s0 =	sand.u32 $0x1, s1  }
0x8c: {  	s16 =	sshll.u32 s0, $0xA;
	s2 =	sadd.s32 s3, s2  }
0x8d: {  	s2 =	sadd.s32 s2, s16  }
0x8e: {  	[smem:$0x3FC2] =	sst s2  }
0x8f: {  	_ = 	snop  }
0x90: {  	(tm) =	ssettm $0x1  }
0x91: {  	s17 =	sld [smem:$0x3FFB];
	_ =	sdelay $0x3  }
0x92: {  	_ =	strace s17  }
0x93: {  	s2 =	sld [smem:$0x3FFC];
	_ =	sdelay $0x3  }
0x94: {  	_ =	strace s2  }
0x95: {  	s2 =	sld [smem:$0x3FFD];
	_ =	sdelay $0x3  }
0x96: {  	_ =	strace s2  }
0x97: {  	_ =	strace $0x8FFFFFFF  }
0x98: {  	s18 =	sld [smem:$0x3FDB];
	_ =	sdelay $0x1  }
0x99: {  	s19 =	simm.s32 $_scs_section_size  }
0x9a: {  	s4 =	simm.s32 $_size__tile_overlayer_lowered;
	s5 =	simm.s32 $_tile_overlayer_lowered  }
0x9b: {  	s22 =	simm.s32 $0x1BFF;
	s21 =	sshll.u32 s5, $0x1;
	s2 =	sadd.s32 s19, s18  }
0x9c: {  	s6 =	simm.s32 $0x0;
	s20 =	sshll.u32 s4, $0x1;
	s4 =	sadd.s32 s21, s2  }
0x9d: {  	[timem:s6], [sflag:s22] =	dma.local [hbm:s4], s20  }
0x9e: {  	_ =	swait.ge [sflag:s22], s20  }
0x9f: {  	s3 =	ssub.s32 $0x0, s20;
	[sflag:s22] =	ssyncset.done $0x0  }
0xa0: {  	[sflag:s22] =	ssyncadd.s32 s3;
	_ =	sdelay $0x1  }
0xa1: {  	s23 =	simm.s32 $0x1B8B  }
0xa2: {  	_ =	swait.ge [sflag:s23], $0x1  }
0xa3: {  	[sflag:s23] =	ssyncset.done $0x0  }
0xa4: {  	s25 =	simm.s32 $0x1B8E;
	s24 =	sld [smem:$0x3FFE];
	[sflag:s23] =	ssyncadd.s32 $0xFFFFFFFF  }
0xa5: {  	s26 =	simm.s32 $execute0_lowered;
	[smem:$0x3FD2] =	sst s25  }
0xa6: {  	s4 =	sshll.u32 s26, $0x1;
	_ =	strace $0x80000046;
	[dreg:$0x1] =	wrdreg $0xFFFFFFFF  }
0xa7: {  	s28 =	simm.s32 $_size_execute0_lowered;
	s2 =	sadd.s32 s2, s4;
	[dreg:$0x0] =	wrdreg $0x0  }
0xa8: {  	s4 =	sshll.u32 s28, $0x1;
	[dreg:$0x2] =	wrdreg s2  }
0xa9: {  	[dreg:$0x3] =	wrdreg s4  }
0xaa: {  	[dreg:$0x4] =	wrdreg $0xC0  }
0xab: {  	_ =	task [dreg:s6], $0x5FFFF  }
0xac: {  	[dreg:$0x1] =	wrdreg $0xFFFFFFFF  }
0xad: {  	[dreg:$0x0] =	wrdreg $0x60  }
0xae: {  	[dreg:$0x2] =	wrdreg s24  }
0xaf: {  	[dreg:$0x3] =	wrdreg $0x9  }
0xb0: {  	_ =	task.clear_ibuf [dreg:s6], $0x4FFFF;
	_ =	strace $0x90000046  }
0xb1: {  	s29 =	simm.s32 $0x9;
	_ =	strace $0x80000048  }
0xb2: {  	_ =	swait.ge [sflag:s29], $0x1  }
0xb3: {  	[sflag:s29] =	ssyncadd.s32 $0xFFFFFFFF  }
0xb4: {  	_ =	strace $0x90000048  }
0xb5: {  	_ =	sfence  }
0xb6: {  	s30 =	sld [smem:$0x0];
	_ =	sdelay $0x2  }
0xb7: {  	s31 =	sshll.u32 s1, $0xD;
	s1 =	sshrl.u32 s1, $0x2  }
0xb8: {  	s3 =	sand.u32 $0x4000, s31;
	s1 =	sadd.s32 s1, s30  }
0xb9: {  	s0 =	sor.u32 s3, s0;
	s1 =	sshll.u32 s1, $0x11  }
0xba: {  	s0 =	sor.u32 s1, s0  }
0xbb: {  	s0 =	sadd.s32 $0x8F2B, s0  }
0xbc: {  	[sflag:s0] =	ssyncadd.remote.s32 $0x1  }
0xbd: {  	_ =	sfence.sel $0xFFFF  }
0xbe: {  	[dreg:$0x0] =	wrdreg $0xFFFFFFFF;
	(pc) =	sbr.abs _section_cstart, $3  }
0xbf: {  	[dreg:$0x1] =	wrdreg $0xFFFFFFFF  }
0xc0: {  	_ =	task.clear_ibuf [dreg:s6], $0x2FFFF;
	_ =	strace $0x9FFFFFFF  }
0xc1: {  	(tm) =	ssettm $0x7FFFFFFF  }
tec
execute0_lowered:
.L_overlay_start_1:
0x0: {  	(tag) =	ssettag $0x1  }
0x1: {  	s11 =	simm.s32 $0x0  }
0x2: {  	[smem:$0x7FF] =	sst s11  }
0x3: {  	s0 =	rddreg [dreg:$0x0];
	v0 =	vimm.s32 $0x0;
	_ =	strace $0x80000047  }
0x4: {  	(xrf1) =	vunique.msk.u32 $0xffff, v0;
	_ =	sdelay $0x1  }
0x5: {  	s24 =	srdreg.scid;
	s7 =	stileid.u32  }
0x6: {  	s18 =	simm.s32 $0x80;
	s19 =	simm.s32 $0x400;
	s20 =	simm.s32 $0x2  }
0x7: {  	s21 =	simm.s32 $0x1700;
	s22 =	simm.s32 $0x5F00;
	s23 =	simm.s32 $0x9F00  }
0x8: {  	s28 =	simm.s32 $0x15F00;
	s29 =	simm.s32 $0x1;
	s2 =	sadd.s32 $0x10A00, s0  }
0x9: {  	s3 =	sadd.s32 $0x4200, s0;
	s4 =	sadd.s32 $0x7400, s0;
	s5 =	sadd.s32 $0x1000, s0  }
0xa: {  	s6 =	sadd.s32 $0xA600, s0;
	s8 =	sadd.s32 $0xD800, s0;
	s1 =	sadd.s32 $0xD4200, s0  }
0xb: {  	s10 =	sadd.s32 $0xECA00, s0;
	s17 =	sadd.s32 $0x105200, s0;
	s9 =	sshll.u32 s7, $0x1  }
0xc: {  	s13 =	sadd.s32 $0x11DA00, s0;
	s14 =	sadd.s32 $0x136200, s0;
	[dreg:$0x2] =	wrdreg s1  }
0xd: {  	s15 =	sadd.s32 $0x14EA00, s0;
	s1 =	sand.u32 $0x1, s24;
	[dreg:$0x5] =	wrdreg s9  }
0xe: {  	s24 =	simm.s32 $0x5700;
	s25 =	ssub.s32 $0x2, s1;
	s1 =	sor.u32 s1, s9  }
0xf: {  	v1 =	vlaneseq.u32;
	[dreg:$0x3] =	wrdreg s10;
	s26 =	sshrl.u32 s25, $0x1;
	s1 =	sshll.u32 s1, $0x7  }
0x10: {  	v2 =	vmul.u32 $0xFFFFFFFF, v1;
	[dreg:$0x4] =	wrdreg s17;
	s30 =	ssub.s32 s25, s26;
	s31 =	sand.u32 $0x380, s1  }
0x11: {  	v4 =	vadd.s32 $0x1, v1;
	s25 =	simm.s32 $0xDF00;
	s0 =	smax.u32 s30, $0x1;
	[dreg:$0x6] =	wrdreg s31;
	_, v3, _ =	vpop (xrf1)  }
0x12: {  	s26 =	simm.s32 $0x11F00;
	s1 =	simm.s32 $0x0;
	[dreg:$0x7] =	wrdreg s0;
	v2 =	vadd.s32 v2, v3;
	v3 =	vsub.s32 v4, v3;
	v4 =	vimm.s32 $0x7149F2CA  }
.LBB2_1:
0x13: {  	[dreg:$0x8] =	wrdreg s1;
	p1 =	por $0x1, $0x1;
	s0 =	simm.s32 $0x0  }
.LBB2_2:
0x14: {  	s1 =	simm.s32 $0x1740  }
0x15: {  	[tilespmem:s1+$0xFFFFFFC0] =	vst v0  }
0x16: {  	[tilespmem:s1+$0x30] =	vst v0  }
0x17: {  	[tilespmem:s1+$0x20] =	vst v0  }
0x18: {  	[tilespmem:s1+$0x10] =	vst v0  }
0x19: {  	[tilespmem:s1+$0x0] =	vst v0  }
0x1a: {  	[tilespmem:s1+$0xFFFFFFF0] =	vst v0  }
0x1b: {  	p0 =	por p1, p1;
	s7 =	simm.s32 $0x0;
	[tilespmem:s1+$0xFFFFFFE0] =	vst v0  }
.LBB2_3:
0x1c: {  	s7 =	sadd.s32 $0x8, s7;
	[tilespmem:s1+$0xFFFFFFD0] =	vst v0;
	s1 =	sadd.s32 $0x80, s1  }
0x1d: {  	[tilespmem:s1+$0xFFFFFFC0] =	vst v0;
	p1 =	slt.u32 s7, $0x3F8  }
0x1e: {  	[tilespmem:s1+$0x30] =	vst v0  }
.Ltmp0:
0x1f: {  	[tilespmem:s1+$0x20] =	vst v0;
	(pc) =	sbr.rel @p1 .LBB2_3-.Ltmp0, $4  }
0x20: {  	[tilespmem:s1+$0x10] =	vst v0  }
0x21: {  	[tilespmem:s1+$0x0] =	vst v0  }
0x22: {  	[tilespmem:s1+$0xFFFFFFF0] =	vst v0  }
0x23: {  	[tilespmem:s1+$0xFFFFFFE0] =	vst v0  }
0x24: {  	s30 =	rddreg [dreg:$0x5]  }
0x25: {  	s0 =	sor.u32 s30, s0  }
0x26: {  	s0 =	sshrl.u32 s0, $0x3  }
0x27: {  	[dreg:$0x9] =	wrdreg s0;
	s0 =	smul.u32 $0xC3800, s0  }
0x28: {  	_ = 	snop  }
0x29: {  	[tilespmem:s1+$0xFFFFFFD0] =	vst v0;
	s12 =	sor.u32 s31, s0;
	s0 =	simm.s32 $0x0  }
.LBB2_5:
0x2a: {  	s1 =	smul.u32 $0xB800, s0;
	_ =	sdelay $0x1  }
0x2b: {  	s1 =	sadd.s32 s12, s1  }
0x2c: {  	s1 =	sshrl.u32 s1, $0x3  }
0x2d: {  	s1 =	sadd.s32 s2, s1  }
0x2e: {  	[tilespmem:s11], [sflag:$0x2] =	stream.strided.gather [hbm4b:s1+s18], $0x1700, s19, s18, $0x38;
	[tilespmem:$0x18280] =	vst v63  }
0x2f: {  	_ =	swait.ge [sflag:s20], $0x1700  }
0x30: {  	[sflag:s20] =	ssyncset.done $0x0  }
0x31: {  	s7 =	simm.s32 $0xFFFFFFF8;
	s9 =	simm.s32 $0x40;
	[sflag:s20] =	ssyncadd.s32 $0xFFFFE900  }
.LBB2_6:
0x32: {  	v5 =	vld [tilespmem:s9+$0xFFFFFFC0];
	_ =	sdelay $0x4  }
0x33: {  	v5 =	vshrl.u32 v5, $0x12  }
0x34: {  	(xrf1) =	vunique.msk.u32 $0xffff, v5;
	_ =	sdelay $0xd  }
0x35: {  	_, v6, vm0 =	vpop (xrf1);
	_ =	sdelay $0x4  }
0x36: {  	v6 =	vadd.s32 v3, v6  }
0x37: {  	[tilespmem:v5+s21+$0x0] =	vst.idx.add.s32.msk vm0, v6  }
0x38: {  	v5 =	vld [tilespmem:s9+$0xFFFFFFD0];
	_ =	sdelay $0x4  }
0x39: {  	v5 =	vshrl.u32 v5, $0x12  }
0x3a: {  	(xrf1) =	vunique.msk.u32 $0xffff, v5;
	_ =	sdelay $0xd  }
0x3b: {  	_, v6, vm0 =	vpop (xrf1);
	_ =	sdelay $0x4  }
0x3c: {  	v6 =	vadd.s32 v3, v6  }
0x3d: {  	[tilespmem:v5+s21+$0x0] =	vst.idx.add.s32.msk vm0, v6  }
0x3e: {  	v5 =	vld [tilespmem:s9+$0xFFFFFFE0];
	_ =	sdelay $0x4  }
0x3f: {  	v5 =	vshrl.u32 v5, $0x12  }
0x40: {  	(xrf1) =	vunique.msk.u32 $0xffff, v5;
	_ =	sdelay $0xd  }
0x41: {  	_, v6, vm0 =	vpop (xrf1);
	_ =	sdelay $0x4  }
0x42: {  	v6 =	vadd.s32 v3, v6  }
0x43: {  	[tilespmem:v5+s21+$0x0] =	vst.idx.add.s32.msk vm0, v6  }
0x44: {  	v5 =	vld [tilespmem:s9+$0xFFFFFFF0];
	_ =	sdelay $0x4  }
0x45: {  	v5 =	vshrl.u32 v5, $0x12  }
0x46: {  	(xrf1) =	vunique.msk.u32 $0xffff, v5;
	_ =	sdelay $0xd  }
0x47: {  	_, v6, vm0 =	vpop (xrf1);
	_ =	sdelay $0x4  }
0x48: {  	v6 =	vadd.s32 v3, v6  }
0x49: {  	[tilespmem:v5+s21+$0x0] =	vst.idx.add.s32.msk vm0, v6  }
0x4a: {  	v5 =	vld [tilespmem:s9+$0x0];
	_ =	sdelay $0x4  }
0x4b: {  	v5 =	vshrl.u32 v5, $0x12  }
0x4c: {  	(xrf1) =	vunique.msk.u32 $0xffff, v5;
	_ =	sdelay $0xd  }
0x4d: {  	_, v6, vm0 =	vpop (xrf1);
	_ =	sdelay $0x4  }
0x4e: {  	v6 =	vadd.s32 v3, v6  }
0x4f: {  	[tilespmem:v5+s21+$0x0] =	vst.idx.add.s32.msk vm0, v6  }
0x50: {  	v5 =	vld [tilespmem:s9+$0x10];
	_ =	sdelay $0x4  }
0x51: {  	v5 =	vshrl.u32 v5, $0x12  }
0x52: {  	(xrf1) =	vunique.msk.u32 $0xffff, v5;
	_ =	sdelay $0xd  }
0x53: {  	_, v6, vm0 =	vpop (xrf1);
	_ =	sdelay $0x4  }
0x54: {  	v6 =	vadd.s32 v3, v6  }
0x55: {  	[tilespmem:v5+s21+$0x0] =	vst.idx.add.s32.msk vm0, v6  }
0x56: {  	v5 =	vld [tilespmem:s9+$0x20];
	_ =	sdelay $0x4  }
0x57: {  	v5 =	vshrl.u32 v5, $0x12  }
0x58: {  	(xrf1) =	vunique.msk.u32 $0xffff, v5;
	_ =	sdelay $0xd  }
0x59: {  	_, v6, vm0 =	vpop (xrf1);
	_ =	sdelay $0x4  }
0x5a: {  	v6 =	vadd.s32 v3, v6  }
0x5b: {  	[tilespmem:v5+s21+$0x0] =	vst.idx.add.s32.msk vm0, v6  }
0x5c: {  	v5 =	vld [tilespmem:s9+$0x30];
	_ =	sdelay $0x4  }
0x5d: {  	v5 =	vshrl.u32 v5, $0x12  }
0x5e: {  	(xrf1) =	vunique.msk.u32 $0xffff, v5;
	_ =	sdelay $0xd  }
0x5f: {  	s7 =	sadd.s32 $0x8, s7;
	_, v6, vm0 =	vpop (xrf1)  }
0x60: {  	p1 =	slt.u32 s7, $0x168  }
.Ltmp1:
0x61: {  	_ = 	snop;
	(pc) =	sbr.rel @p1 .LBB2_6-.Ltmp1, $3  }
0x62: {  	_ =	sdelay $0x1  }
0x63: {  	v6 =	vadd.s32 v3, v6  }
0x64: {  	s9 =	sadd.s32 $0x80, s9;
	[tilespmem:v5+s21+$0x0] =	vst.idx.add.s32.msk vm0, v6  }
0x65: {  	s0 =	sadd.s32 $0x1, s0  }
0x66: {  	p1 =	sne.s32 s0, $0x11  }
.Ltmp2:
0x67: {  	_ = 	snop;
	(pc) =	sbr.rel @p1 .LBB2_5-.Ltmp2, $1  }
0x68: {  	_ =	sdelay $0x3  }
0x69: {  	s0 =	simm.s32 $0x1720  }
0x6a: {  	v5 =	vld [tilespmem:s0+$0xFFFFFFE0];
	_ =	sdelay $0x3  }
0x6b: {  	v6 =	vld [tilespmem:s0+$0xFFFFFFF0]  }
0x6c: {  	(xrf0) =	vadd.scan.msk.s32 $0xffff, v5  }
0x6d: {  	v7 =	vld [tilespmem:s0+$0x0]  }
0x6e: {  	v8 =	vld [tilespmem:s0+$0x10];
	_ =	sdelay $0x1  }
0x6f: {  	(xrf0) =	vadd.scan.msk.s32 $0xffff, v6;
	_ =	sdelay $0x1  }
0x70: {  	(xrf0) =	vadd.scan.msk.s32 $0xffff, v7;
	v5, _, _ =	vpop (xrf0)  }
0x71: {  	(xrf0) =	vadd.scan.msk.s32 $0xffff, v8;
	v6 =	vxor.u32 $0x80000000, v5;
	_ =	sdelay $0x2  }
0x72: {  	s7 =	simm.s32 $0x1760;
	(xrf0) =	vmax.scan.msk.u32 $0xffff, v6;
	v6, _, _ =	vpop (xrf0)  }
0x73: {  	v7 =	vld [tilespmem:s7+$0xFFFFFFE0];
	v8 =	vxor.u32 $0x80000000, v6  }
0x74: {  	v10 =	vld [tilespmem:s7+$0xFFFFFFF0];
	v9, _, _ =	vpop (xrf0);
	(xrf0) =	vmax.scan.msk.u32 $0xffff, v8  }
0x75: {  	v11 =	vxor.u32 $0x80000000, v9;
	v12, _, _ =	vpop (xrf0);
	v8 =	vld [tilespmem:s7+$0x0]  }
0x76: {  	v13 =	vld [tilespmem:s7+$0x10];
	(xrf0) =	vmax.scan.msk.u32 $0xffff, v11;
	v11 =	vxor.u32 $0x80000000, v12  }
0x77: {  	(xrf0) =	vmax.scan.msk.u32 $0xffff, v11  }
0x78: {  	(xrf0) =	vadd.scan.msk.s32 $0xffff, v7;
	v7, _, _ =	vpop (xrf0)  }
0x79: {  	(xrf0) =	vadd.scan.msk.s32 $0xffff, v10;
	(v2sf) =	vpush v7, $0xF  }
0x7a: {  	(xrf0) =	vadd.scan.msk.s32 $0xffff, v8;
	v7, _, _ =	vpop (xrf0)  }
0x7b: {  	(xrf0) =	vadd.scan.msk.s32 $0xffff, v13;
	(v2sf) =	vpush v7, $0xF  }
0x7c: {  	v7, _, _ =	vpop (xrf0)  }
0x7d: {  	v8, _, _ =	vpop (xrf0)  }
0x7e: {  	s9 =	simm.s32 $0x17A0;
	v10, _, _ =	vpop (xrf0)  }
0x7f: {  	v13 =	vld [tilespmem:s9+$0xFFFFFFE0];
	(v2sf) =	vpush v7, $0xF;
	v7 =	vxor.u32 $0x80000000, v10;
	v11, _, _ =	vpop (xrf0)  }
0x80: {  	(xrf0) =	vmax.scan.msk.u32 $0xffff, v7;
	v7 =	vxor.u32 $0x80000000, v11;
	v14, _, _ =	vpop (xrf0)  }
0x81: {  	v15 =	vxor.u32 $0x80000000, v14;
	(xrf0) =	vmax.scan.msk.u32 $0xffff, v7;
	v7 =	vld [tilespmem:s9+$0xFFFFFFF0];
	v16, _, _ =	vpop (xrf0)  }
0x82: {  	(v2sf) =	vpush v8, $0xF;
	(xrf0) =	vmax.scan.msk.u32 $0xffff, v15;
	v15 =	vld [tilespmem:s9+$0x0];
	v17 =	vxor.u32 $0x80000000, v16  }
0x83: {  	s1 =	simm.s32 $0x0;
	(xrf0) =	vmax.scan.msk.u32 $0xffff, v17  }
0x84: {  	v5 =	vadd.s32 s1, v5;
	(xrf0) =	vadd.scan.msk.s32 $0xffff, v13  }
0x85: {  	vm0 =	vgt.s32 v5, $0x30D3;
	v8 =	vld [tilespmem:s9+$0x10]  }
0x86: {  	v13, _, _ =	vpop (xrf0);
	(xrf0) =	vadd.scan.msk.s32 $0xffff, v7;
	v7 =	vsel vm0, $0x1, v0  }
0x87: {  	v5, _, _ =	vpop (xrf0);
	(xrf0) =	vadd.scan.msk.s32 $0xffff, v15  }
0x88: {  	v15, _, _ =	vpop (xrf0);
	(xrf0) =	vadd.scan.msk.s32 $0xffff, v7;
	s10 =	spop (v2sf)  }
0x89: {  	v7, _, _ =	vpop (xrf0);
	s0 =	sadd.s32 $0x0, s10  }
0x8a: {  	(v2sf) =	vpush v13, $0xF;
	(xrf0) =	vadd.scan.msk.s32 $0xffff, v8;
	v13, _, _ =	vpop (xrf0);
	s0 =	sadd.s32 $0x80000000, s0;
	s11 =	spop (v2sf)  }
0x8b: {  	(v2sf) =	vpush v5, $0xF;
	v5 =	vxor.u32 $0x80000000, v13;
	v6 =	vadd.s32 s0, v6;
	s0 =	sadd.s32 s11, s0  }
0x8c: {  	(xrf0) =	vmax.scan.msk.u32 $0xffff, v5;
	v61, _, _ =	vpop (xrf0);
	s0 =	sadd.s32 $0x80000000, s0  }
0x8d: {  	s16 =	simm.s32 $0x17E0;
	vm0 =	vgt.s32 v6, $0x30D3;
	v5 =	vxor.u32 $0x80000000, v61;
	v8, _, _ =	vpop (xrf0);
	v6 =	vadd.s32 s0, v9  }
0x8e: {  	(v2sf) =	vpush v15, $0xF;
	v15 =	vld [tilespmem:s16+$0xFFFFFFE0];
	s7 =	spop (v2sf);
	(xrf0) =	vmax.scan.msk.u32 $0xffff, v5;
	v5 =	vsel vm0, $0x1, v0;
	v9, _, _ =	vpop (xrf0)  }
0x8f: {  	v18 =	vxor.u32 $0x80000000, v8;
	s0 =	sadd.s32 s7, s0;
	vm0 =	vgt.s32 v6, $0x30D3;
	(v2sf) =	vpush v9, $0xF;
	(xrf0) =	vadd.scan.msk.s32 $0xffff, v5  }
0x90: {  	s0 =	sadd.s32 $0x80000000, s0;
	(xrf0) =	vmax.scan.msk.u32 $0xffff, v18;
	(v2sf) =	vpush v7, $0xF;
	v7 =	vsel vm0, $0x1, v0;
	v6, _, _ =	vpop (xrf0)  }
0x91: {  	s17 =	spop (v2sf);
	v5 =	vld [tilespmem:s16+$0xFFFFFFF0];
	v12 =	vadd.s32 s0, v12;
	(xrf0) =	vadd.scan.msk.s32 $0xffff, v7;
	v9 =	vxor.u32 $0x80000000, v6  }
0x92: {  	s0 =	sadd.s32 s17, s0;
	vm0 =	vgt.s32 v12, $0x30D3;
	v62, _, _ =	vpop (xrf0);
	(xrf0) =	vmax.scan.msk.u32 $0xffff, v9  }
0x93: {  	v7 =	vld [tilespmem:s16+$0x0];
	s0 =	sadd.s32 $0x80000000, s0;
	v9 =	vsel vm0, $0x1, v0;
	(xrf0) =	vadd.scan.msk.s32 $0xffff, v15  }
0x94: {  	(xrf0) =	vadd.scan.msk.s32 $0xffff, v9;
	v9 =	vadd.s32 s0, v10  }
0x95: {  	v15, _, _ =	vpop (xrf0)  }
0x96: {  	v12 =	vld [tilespmem:s16+$0x10];
	(xrf0) =	vadd.scan.msk.s32 $0xffff, v5;
	v5, _, _ =	vpop (xrf0)  }
0x97: {  	(v2sf) =	vpush v62, $0xF;
	vm0 =	vgt.s32 v9, $0x30D3;
	v9, _, _ =	vpop (xrf0)  }
0x98: {  	(v2sf) =	vpush v15, $0xF;
	(xrf0) =	vadd.scan.msk.s32 $0xffff, v7;
	v15, _, _ =	vpop (xrf0)  }
0x99: {  	s7 =	spop (v2sf);
	(v2sf) =	vpush v5, $0xF;
	v5 =	vsel vm0, $0x1, v0;
	v63, _, _ =	vpop (xrf0)  }
0x9a: {  	s0 =	sadd.s32 s7, s0;
	(xrf0) =	vadd.scan.msk.s32 $0xffff, v5;
	v10, _, _ =	vpop (xrf0)  }
0x9b: {  	s0 =	sadd.s32 $0x80000000, s0;
	(xrf0) =	vadd.scan.msk.s32 $0xffff, v12;
	v12, _, _ =	vpop (xrf0);
	v7 =	vxor.u32 $0x80000000, v10  }
0x9c: {  	s9 =	spop (v2sf);
	(v2sf) =	vpush v9, $0xF;
	v5 =	vadd.s32 s0, v11;
	v9, _, _ =	vpop (xrf0)  }
0x9d: {  	s0 =	sadd.s32 s9, s0;
	vm0 =	vgt.s32 v5, $0x30D3;
	(xrf0) =	vmax.scan.msk.u32 $0xffff, v7;
	v5 =	vxor.u32 $0x80000000, v9  }
0x9e: {  	s0 =	sadd.s32 $0x80000000, s0;
	(v2sf) =	vpush v15, $0xF;
	v7, _, _ =	vpop (xrf0);
	(xrf0) =	vmax.scan.msk.u32 $0xffff, v5;
	v5 =	vsel vm0, $0x1, v0  }
0x9f: {  	s7 =	simm.s32 $0x1820;
	v14 =	vadd.s32 s0, v14  }
0xa0: {  	v11 =	vld [tilespmem:s7+$0xFFFFFFE0];
	s10 =	spop (v2sf);
	vm0 =	vgt.s32 v14, $0x30D3;
	v19 =	vxor.u32 $0x80000000, v7;
	(xrf0) =	vadd.scan.msk.s32 $0xffff, v5;
	v20, _, _ =	vpop (xrf0)  }
0xa1: {  	s0 =	sadd.s32 s10, s0;
	(v2sf) =	vpush v12, $0xF;
	v15 =	vsel vm0, $0x1, v0;
	(xrf0) =	vmax.scan.msk.u32 $0xffff, v19;
	v5, _, _ =	vpop (xrf0)  }
0xa2: {  	s9 =	sadd.s32 $0x80000000, s0;
	(xrf0) =	vadd.scan.msk.s32 $0xffff, v15;
	v15 =	vxor.u32 $0x80000000, v5  }
0xa3: {  	v16 =	vadd.s32 s9, v16  }
0xa4: {  	s30 =	simm.s32 $0x10;
	s31 =	simm.s32 $0x1860;
	s11 =	spop (v2sf);
	v14 =	vld [tilespmem:s7+$0xFFFFFFF0];
	vm0 =	vgt.s32 v16, $0x30D3;
	(v2sf) =	vpush v20, $0xF;
	(xrf0) =	vmax.scan.msk.u32 $0xffff, v15  }
0xa5: {  	s16 =	simm.s32 $0xFFFFFFFF;
	s0 =	simm.s32 $0x40;
	v12 =	vld [tilespmem:s7+$0x0];
	s10 =	spop (v2sf);
	(v2sf) =	vpush v63, $0xF;
	v15, _, _ =	vpop (xrf0);
	(xrf0) =	vadd.scan.msk.s32 $0xffff, v11;
	v11 =	vsel vm0, $0x1, v0  }
0xa6: {  	s17 =	ssub.s32 $0x40, s11;
	p1 =	sgt.s32 s11, $0x0;
	s9 =	sadd.s32 s10, s9  }
0xa7: {  	s10 =	sadd.s32 $0xFFFFFFD0, s17;
	s9 =	sadd.s32 $0x80000000, s9;
	s11 =	spop (v2sf);
	(v2sf) =	vpush v15, $0xF;
	v15, _, _ =	vpop (xrf0)  }
0xa8: {  	s10 =	simm.s32 @!p1 $0xFFFFFFFF;
	p1 =	por $0x1, $0x1;
	v13 =	vadd.s32 s9, v13;
	s1 =	sadd.s32 s11, s9;
	(xrf0) =	vadd.scan.msk.s32 $0xffff, v11;
	(v2sf) =	vpush v15, $0xF;
	v11, _, _ =	vpop (xrf0)  }
0xa9: {  	s16 =	smov.u32 @p1 s10;
	s1 =	sadd.s32 $0x80000000, s1;
	s17 =	spop (v2sf);
	vm0 =	vgt.s32 v13, $0x30D3;
	(xrf0) =	vadd.scan.msk.s32 $0xffff, v14;
	(v2sf) =	vpush v11, $0xF;
	v11 =	vld [tilespmem:s7+$0x10]  }
0xaa: {  	s9 =	simm.s32 $0x80;
	s10 =	sadd.s32 s17, s1;
	v13 =	vsel vm0, $0x1, v0;
	v14 =	vadd.s32 s1, v61;
	s1 =	spop (v2sf);
	(xrf0) =	vadd.scan.msk.s32 $0xffff, v12;
	v12, _, _ =	vpop (xrf0)  }
0xab: {  	vm0 =	vgt.s32 v14, $0x30D3;
	s17 =	spop (v2sf);
	s7 =	sadd.s32 $0x80000000, s10;
	(xrf0) =	vadd.scan.msk.s32 $0xffff, v13;
	s10 =	ssub.s32 $0x40, s1;
	(v2sf) =	vpush v12, $0xF;
	v12, _, _ =	vpop (xrf0)  }
.LBB2_9:
0xac: {  	s10 =	sadd.s32 $0xFFFFFFE0, s10  }
0xad: {  	v13, _, _ =	vpop (xrf0);
	(v2sf) =	vpush v12, $0xF;
	p1 =	sgt.s32 s1, $0x0;
	s1 =	spop (v2sf);
	s30 =	sadd.s32 $0x4, s30  }
0xae: {  	v12, _, _ =	vpop (xrf0);
	(xrf0) =	vadd.scan.msk.s32 $0xffff, v11;
	s10 =	simm.s32 @!p1 $0xFFFFFFFF;
	p1 =	slt.s32 s16, $0x0;
	s11 =	ssub.s32 s0, s1  }
0xaf: {  	v11 =	vxor.u32 $0x80000000, v12;
	v14, _, _ =	vpop (xrf0);
	s16 =	smov.u32 @p1 s10;
	s10 =	sadd.s32 $0xFFFFFFF0, s11;
	p1 =	sgt.s32 s1, $0x0  }
0xb0: {  	(xrf0) =	vmax.scan.msk.u32 $0xffff, v11;
	v15, _, _ =	vpop (xrf0);
	(v2sf) =	vpush v14, $0xF;
	s10 =	simm.s32 @!p1 $0xFFFFFFFF;
	p1 =	slt.s32 s16, $0x0;
	s1 =	spop (v2sf)  }
0xb1: {  	v11 =	vld [tilespmem:s31+$0xFFFFFFE0];
	v14 =	vxor.u32 $0x80000000, v15;
	v16, _, _ =	vpop (xrf0);
	s16 =	smov.u32 @p1 s10;
	s0 =	ssub.s32 s0, s1;
	p1 =	sgt.s32 s1, $0x0  }
0xb2: {  	v21 =	vsel vm0, $0x1, v0;
	v20 =	vadd.s32 s7, v8;
	s1 =	sadd.s32 s17, s7;
	v17 =	vxor.u32 $0x80000000, v16;
	(xrf0) =	vmax.scan.msk.u32 $0xffff, v14;
	v18, _, _ =	vpop (xrf0);
	s0 =	simm.s32 @!p1 $0xFFFFFFFF;
	p1 =	slt.s32 s16, $0x0  }
0xb3: {  	v8 =	vmovc v7;
	vm0 =	vgt.s32 v20, $0x30D3;
	v7 =	vmov v16;
	v19 =	vld [tilespmem:s31+$0xFFFFFFF0];
	(v2sf) =	vpush v18, $0xF;
	(xrf0) =	vadd.scan.msk.s32 $0xffff, v21;
	s7 =	spop (v2sf);
	s16 =	smov.u32 @p1 s0;
	s0 =	sadd.s32 $0x80000000, s1  }
0xb4: {  	v20 =	vsel vm0, $0x1, v0;
	(xrf0) =	vmax.scan.msk.u32 $0xffff, v17;
	v14, _, _ =	vpop (xrf0);
	(v2sf) =	vpush v13, $0xF;
	s1 =	spop (v2sf);
	s10 =	ssub.s32 s9, s7;
	p1 =	sgt.s32 s7, $0x0  }
0xb5: {  	v18 =	vadd.s32 s0, v6;
	v6 =	vmovc v5;
	p2 =	slt.s32 s16, $0x0;
	v16 =	vld [tilespmem:s31+$0x0];
	v17 =	vxor.u32 $0x80000000, v14;
	s0 =	sadd.s32 s1, s0;
	(xrf0) =	vadd.scan.msk.s32 $0xffff, v20;
	s1 =	sadd.s32 $0xFFFFFFD0, s10;
	v5 =	vmov v14  }
0xb6: {  	vm0 =	vgt.s32 v18, $0x30D3;
	v13, _, _ =	vpop (xrf0);
	(xrf0) =	vmax.scan.msk.u32 $0xffff, v17;
	s0 =	sadd.s32 $0x80000000, s0;
	s1 =	simm.s32 @!p1 $0xFFFFFFFF;
	p1 =	slt.u32 s30, $0x3FC  }
.Ltmp3:
0xb7: {  	v18 =	vsel vm0, $0x1, v0;
	(xrf0) =	vadd.scan.msk.s32 $0xffff, v11;
	(v2sf) =	vpush v13, $0xF;
	v17 =	vadd.s32 s0, v10;
	s7 =	spop (v2sf);
	s16 =	smov.u32 @p2 s1;
	(pc) =	sbr.rel @p1 .LBB2_9-.Ltmp3, $4  }
0xb8: {  	v10 =	vmov v12;
	v11 =	vld [tilespmem:s31+$0x10];
	v14, _, _ =	vpop (xrf0);
	vm0 =	vgt.s32 v17, $0x30D3;
	s1 =	sadd.s32 s7, s0;
	(xrf0) =	vadd.scan.msk.s32 $0xffff, v18;
	s0 =	smov.u32 s9  }
0xb9: {  	s9 =	sadd.s32 $0x40, s9;
	(xrf0) =	vadd.scan.msk.s32 $0xffff, v19;
	(v2sf) =	vpush v14, $0xF;
	v17 =	vsel vm0, $0x1, v0;
	s1 =	sadd.s32 $0x80000000, s1;
	s7 =	spop (v2sf);
	v13, _, _ =	vpop (xrf0)  }
0xba: {  	s31 =	sadd.s32 $0x40, s31;
	(xrf0) =	vadd.scan.msk.s32 $0xffff, v16;
	v14, _, _ =	vpop (xrf0);
	v16 =	vadd.s32 s1, v9;
	s7 =	sadd.s32 s7, s1;
	(v2sf) =	vpush v13, $0xF;
	s1 =	spop (v2sf);
	v9 =	vmov v15  }
0xbb: {  	(v2sf) =	vpush v14, $0xF;
	vm0 =	vgt.s32 v16, $0x30D3;
	s7 =	sadd.s32 $0x80000000, s7;
	(xrf0) =	vadd.scan.msk.s32 $0xffff, v17;
	s17 =	spop (v2sf);
	v12, _, _ =	vpop (xrf0);
	s10 =	ssub.s32 s0, s1  }
0xbc: {  	v13, _, _ =	vpop (xrf0)  }
0xbd: {  	v14, _, _ =	vpop (xrf0)  }
0xbe: {  	(xrf0) =	vadd.scan.msk.s32 $0xffff, v11;
	v48 =	vxor.u32 $0x80000000, v14;
	v15, _, _ =	vpop (xrf0)  }
0xbf: {  	(xrf0) =	vmax.scan.msk.u32 $0xffff, v48;
	v16, _, _ =	vpop (xrf0)  }
0xc0: {  	(v2sf) =	vpush v12, $0xF;
	v49 =	vxor.u32 $0x80000000, v16;
	v50, _, _ =	vpop (xrf0)  }
0xc1: {  	(v2sf) =	vpush v15, $0xF;
	(xrf0) =	vmax.scan.msk.u32 $0xffff, v49;
	v51, _, _ =	vpop (xrf0)  }
0xc2: {  	(v2sf) =	vpush v51, $0xF  }
0xc3: {  	v52 =	vsel vm0, $0x1, v0;
	s10 =	sadd.s32 $0xFFFFFFE0, s10;
	p1 =	sgt.s32 s1, $0x0;
	(v2sf) =	vpush v13, $0xF  }
0xc4: {  	s31 =	spop (v2sf);
	s10 =	simm.s32 @!p1 $0xFFFFFFFF;
	p1 =	slt.s32 s16, $0x0;
	v53 =	vxor.u32 $0x80000000, v50;
	(xrf0) =	vadd.scan.msk.s32 $0xffff, v52;
	v54, _, _ =	vpop (xrf0)  }
0xc5: {  	s30 =	ssub.s32 s0, s31;
	s16 =	smov.u32 @p1 s10;
	(xrf0) =	vmax.scan.msk.u32 $0xffff, v53;
	v55, _, _ =	vpop (xrf0)  }
0xc6: {  	p1 =	sgt.s32 s31, $0x0;
	s31 =	sadd.s32 s17, s7;
	s11 =	spop (v2sf);
	(v2sf) =	vpush v55, $0xF  }
0xc7: {  	v8 =	vadd.s32 s7, v8;
	s10 =	sadd.s32 $0xFFFFFFF0, s30;
	s7 =	sadd.s32 $0x80000000, s31;
	s1 =	spop (v2sf);
	v56, _, _ =	vpop (xrf0)  }
0xc8: {  	vm6 =	vgt.s32 v8, $0x30D3;
	s10 =	simm.s32 @!p1 $0xFFFFFFFF;
	p1 =	slt.s32 s16, $0x0;
	v6 =	vadd.s32 s7, v6;
	s17 =	spop (v2sf);
	(v2sf) =	vpush v56, $0xF  }
0xc9: {  	v57 =	vsel vm6, $0x1, v0;
	s16 =	smov.u32 @p1 s10;
	s7 =	sadd.s32 s17, s7  }
0xca: {  	s0 =	ssub.s32 s0, s11;
	p1 =	sgt.s32 s11, $0x0;
	(xrf0) =	vadd.scan.msk.s32 $0xffff, v57;
	s7 =	sadd.s32 $0x80000000, s7;
	v58, _, _ =	vpop (xrf0)  }
0xcb: {  	vm7 =	vgt.s32 v6, $0x30D3;
	s0 =	simm.s32 @!p1 $0xFFFFFFFF;
	p1 =	slt.s32 s16, $0x0;
	s30 =	spop (v2sf);
	v60 =	vadd.s32 s7, v10;
	v6, _, _ =	vpop (xrf0);
	(v2sf) =	vpush v58, $0xF  }
0xcc: {  	s16 =	smov.u32 @p1 s0;
	v59 =	vxor.u32 $0x80000000, v54;
	vm8 =	vgt.s32 v60, $0x30D3;
	s10 =	spop (v2sf);
	(v2sf) =	vpush v6, $0xF  }
0xcd: {  	v61 =	vsel vm7, $0x1, v0;
	s31 =	ssub.s32 s9, s1;
	(xrf0) =	vmax.scan.msk.u32 $0xffff, v59;
	s7 =	sadd.s32 s30, s7;
	s11 =	spop (v2sf);
	v6 =	vsel vm8, $0x1, v0  }
0xce: {  	s0 =	sadd.s32 $0xFFFFFFD0, s31;
	(xrf0) =	vadd.scan.msk.s32 $0xffff, v61;
	s30 =	sadd.s32 $0x80000000, s7;
	s31 =	spop (v2sf)  }
0xcf: {  	p1 =	sgt.s32 s1, $0x0;
	v62 =	vadd.s32 s30, v9;
	s1 =	sadd.s32 s10, s30;
	(xrf0) =	vadd.scan.msk.s32 $0xffff, v6;
	s10 =	spop (v2sf)  }
0xd0: {  	s0 =	simm.s32 @!p1 $0xFFFFFFFF;
	vm9 =	vgt.s32 v62, $0x30D3;
	s1 =	sadd.s32 $0x80000000, s1;
	v6, _, _ =	vpop (xrf0);
	s17 =	spop (v2sf)  }
0xd1: {  	p1 =	slt.s32 s16, $0x0;
	v7 =	vadd.s32 s1, v7;
	s1 =	sadd.s32 s31, s1;
	(v2sf) =	vpush v6, $0xF;
	v6 =	vsel vm9, $0x1, v0;
	s7 =	spop (v2sf)  }
0xd2: {  	s16 =	smov.u32 @p1 s0;
	vm10 =	vgt.s32 v7, $0x30D3;
	s1 =	sadd.s32 $0x80000000, s1;
	s31 =	spop (v2sf)  }
0xd3: {  	s30 =	ssub.s32 s9, s11;
	p1 =	sgt.s32 s11, $0x0;
	v7 =	vsel vm10, $0x1, v0;
	v63, _, _ =	vpop (xrf0);
	(xrf0) =	vadd.scan.msk.s32 $0xffff, v6;
	s11 =	sadd.s32 s31, s1  }
0xd4: {  	s0 =	sadd.s32 $0xFFFFFFE0, s30;
	s30 =	ssub.s32 s9, s10;
	v5 =	vadd.s32 s1, v5;
	(xrf0) =	vadd.scan.msk.s32 $0xffff, v7;
	v6, _, _ =	vpop (xrf0);
	s31 =	sadd.s32 $0x80000000, s11  }
0xd5: {  	vm11 =	vgt.s32 v5, $0x30D3;
	(v2sf) =	vpush v6, $0xF;
	v6, _, _ =	vpop (xrf0);
	s11 =	sadd.s32 $0xFFFFFFF0, s30;
	v5 =	vadd.s32 s31, v14;
	s30 =	spop (v2sf)  }
0xd6: {  	s0 =	simm.s32 @!p1 $0xFFFFFFFF;
	(v2sf) =	vpush v6, $0xF;
	v6 =	vsel vm11, $0x1, v0;
	vm12 =	vgt.s32 v5, $0x30D3;
	s1 =	sadd.s32 s30, s31  }
0xd7: {  	p1 =	slt.s32 s16, $0x0;
	v5 =	vsel vm12, $0x1, v0;
	s1 =	sadd.s32 $0x80000000, s1;
	s31 =	spop (v2sf)  }
0xd8: {  	s16 =	smov.u32 @p1 s0;
	p1 =	sgt.s32 s10, $0x0;
	(xrf0) =	vadd.scan.msk.s32 $0xffff, v6;
	v7 =	vadd.s32 s1, v16;
	s1 =	sadd.s32 s31, s1  }
0xd9: {  	s0 =	sadd.s32 $0x40, s9;
	s9 =	ssub.s32 s9, s17;
	(v2sf) =	vpush v63, $0xF;
	v6, _, _ =	vpop (xrf0);
	(xrf0) =	vadd.scan.msk.s32 $0xffff, v5;
	s1 =	sadd.s32 $0x80000000, s1  }
0xda: {  	s11 =	simm.s32 @!p1 $0xFFFFFFFF;
	p1 =	slt.s32 s16, $0x0;
	(v2sf) =	vpush v6, $0xF;
	s10 =	spop (v2sf);
	vm13 =	vgt.s32 v7, $0x30D3;
	v5, _, _ =	vpop (xrf0);
	v6 =	vadd.s32 s1, v50  }
0xdb: {  	s16 =	smov.u32 @p1 s11;
	p1 =	sgt.s32 s17, $0x0;
	s30 =	spop (v2sf);
	(v2sf) =	vpush v5, $0xF;
	v5 =	vsel vm13, $0x1, v0;
	vm14 =	vgt.s32 v6, $0x30D3  }
0xdc: {  	s9 =	simm.s32 @!p1 $0xFFFFFFFF;
	s1 =	sadd.s32 s30, s1;
	(xrf0) =	vadd.scan.msk.s32 $0xffff, v5;
	v5 =	vsel vm14, $0x1, v0  }
0xdd: {  	p1 =	slt.s32 s16, $0x0;
	s31 =	ssub.s32 s0, s7;
	s1 =	sadd.s32 $0x80000000, s1  }
0xde: {  	s16 =	smov.u32 @p1 s9;
	p1 =	sgt.s32 s7, $0x0;
	s9 =	sadd.s32 $0xFFFFFFD0, s31;
	v7 =	vadd.s32 s1, v54;
	v6, _, _ =	vpop (xrf0)  }
0xdf: {  	s17 =	ssub.s32 s0, s10;
	s9 =	simm.s32 @!p1 $0xFFFFFFFF;
	(xrf0) =	vadd.scan.msk.s32 $0xffff, v5;
	vm15 =	vgt.s32 v7, $0x30D3;
	(v2sf) =	vpush v6, $0xF;
	v5, _, _ =	vpop (xrf0)  }
0xe0: {  	p1 =	slt.s32 s16, $0x0;
	s7 =	sadd.s32 $0xFFFFFFE0, s17;
	s30 =	spop (v2sf);
	(v2sf) =	vpush v5, $0xF;
	v5 =	vsel vm15, $0x1, v0  }
0xe1: {  	s16 =	smov.u32 @p1 s9;
	p1 =	sgt.s32 s10, $0x0;
	s1 =	sadd.s32 $0x40, s0  }
0xe2: {  	s7 =	simm.s32 @!p1 $0xFFFFFFFF;
	p1 =	slt.s32 s16, $0x0;
	s31 =	ssub.s32 s0, s30;
	(xrf0) =	vadd.scan.msk.s32 $0xffff, v5  }
0xe3: {  	s16 =	smov.u32 @p1 s7;
	p1 =	sgt.s32 s30, $0x0;
	s7 =	sadd.s32 $0xFFFFFFF0, s31;
	v5, _, _ =	vpop (xrf0)  }
0xe4: {  	s7 =	simm.s32 @!p1 $0xFFFFFFFF;
	p1 =	slt.s32 s16, $0x0;
	s11 =	spop (v2sf);
	(v2sf) =	vpush v5, $0xF  }
0xe5: {  	s16 =	smov.u32 @p1 s7;
	s0 =	ssub.s32 s0, s11;
	p1 =	sgt.s32 s11, $0x0;
	v5, _, _ =	vpop (xrf0)  }
0xe6: {  	s17 =	spop (v2sf);
	s0 =	simm.s32 @!p1 $0xFFFFFFFF;
	p1 =	slt.s32 s16, $0x0;
	(v2sf) =	vpush v5, $0xF  }
0xe7: {  	s30 =	ssub.s32 s1, s17;
	s16 =	smov.u32 @p1 s0  }
0xe8: {  	s31 =	spop (v2sf);
	s0 =	sadd.s32 $0xFFFFFFD0, s30;
	p1 =	sgt.s32 s17, $0x0;
	v5, _, _ =	vpop (xrf0)  }
0xe9: {  	s0 =	simm.s32 @!p1 $0xFFFFFFFF;
	p1 =	slt.s32 s16, $0x0;
	s9 =	spop (v2sf);
	(v2sf) =	vpush v5, $0xF  }
0xea: {  	s16 =	smov.u32 @p1 s0;
	s10 =	ssub.s32 s1, s9  }
0xeb: {  	p1 =	sgt.s32 s9, $0x0;
	s0 =	sadd.s32 $0xFFFFFFE0, s10;
	s11 =	spop (v2sf)  }
0xec: {  	s0 =	simm.s32 @!p1 $0xFFFFFFFF;
	p1 =	slt.s32 s16, $0x0;
	s9 =	ssub.s32 s1, s11  }
0xed: {  	s16 =	smov.u32 @p1 s0;
	p1 =	sgt.s32 s11, $0x0;
	s0 =	sadd.s32 $0xFFFFFFF0, s9  }
0xee: {  	s0 =	simm.s32 @!p1 $0xFFFFFFFF;
	p1 =	slt.s32 s16, $0x0  }
0xef: {  	s7 =	sadd.s32 $0x40, s1;
	s17 =	spop (v2sf);
	s16 =	smov.u32 @p1 s0  }
0xf0: {  	s0 =	ssub.s32 s1, s17;
	p1 =	sgt.s32 s17, $0x0;
	s30 =	spop (v2sf)  }
0xf1: {  	s0 =	simm.s32 @!p1 $0xFFFFFFFF;
	p1 =	slt.s32 s16, $0x0;
	s31 =	ssub.s32 s7, s30  }
0xf2: {  	s16 =	smov.u32 @p1 s0;
	p1 =	sgt.s32 s30, $0x0;
	s0 =	sadd.s32 $0xFFFFFFD0, s31  }
0xf3: {  	s0 =	simm.s32 @!p1 $0xFFFFFFFF;
	p1 =	slt.s32 s16, $0x0;
	s10 =	spop (v2sf)  }
0xf4: {  	s16 =	smov.u32 @p1 s0;
	s11 =	ssub.s32 s7, s10  }
0xf5: {  	p1 =	sgt.s32 s10, $0x0;
	s17 =	spop (v2sf);
	s0 =	sadd.s32 $0xFFFFFFE0, s11  }
0xf6: {  	s30 =	ssub.s32 s7, s17;
	s0 =	simm.s32 @!p1 $0xFFFFFFFF;
	p1 =	slt.s32 s16, $0x0  }
0xf7: {  	s16 =	smov.u32 @p1 s0;
	s0 =	sadd.s32 $0xFFFFFFF0, s30;
	p1 =	sgt.s32 s17, $0x0  }
0xf8: {  	s31 =	spop (v2sf);
	s0 =	simm.s32 @!p1 $0xFFFFFFFF;
	p1 =	slt.s32 s16, $0x0  }
0xf9: {  	s16 =	smov.u32 @p1 s0;
	s0 =	ssub.s32 s7, s31;
	p1 =	sgt.s32 s31, $0x0  }
0xfa: {  	s0 =	simm.s32 @!p1 $0xFFFFFFFF;
	p1 =	slt.s32 s16, $0x0  }
0xfb: {  	s16 =	smov.u32 @p1 s0  }
0xfc: {  	s0 =	sshll.u32 s16, $0x12  }
0xfd: {  	s11 =	simm.s32 $0x0;
	s0 =	sadd.s32 $0x40000, s0  }
0xfe: {  	s7 =	simm.s32 $0x0;
	s16 =	simm.s32 $0x0;
	v5 =	vmov s0;
	s0 =	simm.s32 $0x70  }
.LBB2_11:
0xff: {  	s1 =	smul.u32 $0xB800, s16;
	_ =	sdelay $0x1  }
0x100: {  	s1 =	sadd.s32 s12, s1  }
0x101: {  	s1 =	sshrl.u32 s1, $0x3  }
0x102: {  	s1 =	sadd.s32 s2, s1  }
0x103: {  	[tilespmem:s11], [sflag:$0x2] =	stream.strided.gather [hbm4b:s1+s18], $0x1700, s19, s18, $0x38;
	[tilespmem:$0x18280] =	vst v63  }
0x104: {  	_ =	swait.ge [sflag:s20], $0x1700  }
0x105: {  	s30 =	simm.s32 $0xFFFFFFF8;
	[sflag:s20] =	ssyncset.done $0x0  }
0x106: {  	s31 =	simm.s32 $0x40;
	s9 =	smov.u32 s0;
	[sflag:s20] =	ssyncadd.s32 $0xFFFFE900  }
.LBB2_12:
0x107: {  	v6 =	vld [tilespmem:s31+$0xFFFFFFC0];
	_ =	sdelay $0x4  }
0x108: {  	vm0 =	vlt.u32 v6, v5  }
0x109: {  	v7 =	vsel vm0, $0x1, v0  }
0x10a: {  	(xrf0) =	vadd.scan.msk.s32 $0xffff, v7;
	_ =	sdelay $0x2  }
0x10b: {  	v7 =	vmov s7  }
0x10c: {  	v7 =	vadd.s32 $0xFFFFFFFF, v7  }
0x10d: {  	v7 =	vbroadcast v7, $0x0  }
0x10e: {  	v8, _, _ =	vpop (xrf0)  }
0x10f: {  	v7 =	vadd.s32 v8, v7;
	v8 =	vxor.u32 $0x80000000, v8  }
0x110: {  	vm1 =	vlt.s32 v7, $0x4000;
	(xrf0) =	vmax.scan.msk.u32 $0xffff, v8  }
0x111: {  	vm0 =	vmand vm0, vm1;
	_ =	sdelay $0x4  }
0x112: {  	s1 =	sadd.s32 $0xFFFFFF90, s9;
	v8, _, _ =	vpop (xrf0)  }
0x113: {  	[tilespmem:v7+s22+$0x0] =	vst.idx.msk vm0, v6;
	v6 =	vor.u32 s1, v1;
	(v2sf) =	vpush v8, $0xF  }
0x114: {  	[tilespmem:v7+s23+$0x0] =	vst.idx.msk vm0, v6  }
0x115: {  	v6 =	vld [tilespmem:s31+$0xFFFFFFD0];
	_ =	sdelay $0x4  }
0x116: {  	vm14 =	vlt.u32 v6, v5  }
0x117: {  	v7 =	vsel vm14, $0x1, v0  }
0x118: {  	(xrf0) =	vadd.scan.msk.s32 $0xffff, v7;
	_ =	sdelay $0x5  }
0x119: {  	s10 =	spop (v2sf);
	v7, _, _ =	vpop (xrf0)  }
0x11a: {  	s1 =	sadd.s32 s10, s7;
	v49 =	vxor.u32 $0x80000000, v7  }
0x11b: {  	s1 =	sadd.s32 $0x80000000, s1;
	(xrf0) =	vmax.scan.msk.u32 $0xffff, v49  }
0x11c: {  	v50 =	vmov s1  }
0x11d: {  	v8 =	vadd.s32 $0xFFFFFFFF, v50  }
0x11e: {  	v8 =	vbroadcast v8, $0x0;
	_ =	sdelay $0x1  }
0x11f: {  	v7 =	vadd.s32 v7, v8  }
0x120: {  	vm15 =	vlt.s32 v7, $0x4000;
	v51, _, _ =	vpop (xrf0)  }
0x121: {  	vm0 =	vmand vm14, vm15;
	(v2sf) =	vpush v51, $0xF;
	_ =	sdelay $0x4  }
0x122: {  	s17 =	sadd.s32 $0xFFFFFFA0, s9  }
0x123: {  	[tilespmem:v7+s22+$0x0] =	vst.idx.msk vm0, v6;
	v6 =	vor.u32 s17, v1  }
0x124: {  	[tilespmem:v7+s23+$0x0] =	vst.idx.msk vm0, v6  }
0x125: {  	v6 =	vld [tilespmem:s31+$0xFFFFFFE0];
	_ =	sdelay $0x4  }
0x126: {  	vm4 =	vlt.u32 v6, v5  }
0x127: {  	v7 =	vsel vm4, $0x1, v0  }
0x128: {  	s10 =	spop (v2sf);
	(xrf0) =	vadd.scan.msk.s32 $0xffff, v7  }
0x129: {  	s1 =	sadd.s32 s10, s1  }
0x12a: {  	s1 =	sadd.s32 $0x80000000, s1  }
0x12b: {  	v7 =	vmov s1  }
0x12c: {  	v7 =	vadd.s32 $0xFFFFFFFF, v7  }
0x12d: {  	v7 =	vbroadcast v7, $0x0  }
0x12e: {  	v52, _, _ =	vpop (xrf0)  }
0x12f: {  	v7 =	vadd.s32 v52, v7;
	v8 =	vxor.u32 $0x80000000, v52  }
0x130: {  	vm5 =	vlt.s32 v7, $0x4000;
	(xrf0) =	vmax.scan.msk.u32 $0xffff, v8  }
0x131: {  	vm0 =	vmand vm4, vm5;
	_ =	sdelay $0x4  }
0x132: {  	s17 =	sadd.s32 $0xFFFFFFB0, s9;
	v8, _, _ =	vpop (xrf0)  }
0x133: {  	[tilespmem:v7+s22+$0x0] =	vst.idx.msk vm0, v6;
	v6 =	vor.u32 s17, v1;
	(v2sf) =	vpush v8, $0xF  }
0x134: {  	[tilespmem:v7+s23+$0x0] =	vst.idx.msk vm0, v6  }
0x135: {  	v6 =	vld [tilespmem:s31+$0xFFFFFFF0];
	_ =	sdelay $0x4  }
0x136: {  	vm6 =	vlt.u32 v6, v5  }
0x137: {  	v7 =	vsel vm6, $0x1, v0  }
0x138: {  	(xrf0) =	vadd.scan.msk.s32 $0xffff, v7;
	_ =	sdelay $0x5  }
0x139: {  	s10 =	spop (v2sf);
	v7, _, _ =	vpop (xrf0)  }
0x13a: {  	s1 =	sadd.s32 s10, s1;
	v53 =	vxor.u32 $0x80000000, v7  }
0x13b: {  	s1 =	sadd.s32 $0x80000000, s1;
	(xrf0) =	vmax.scan.msk.u32 $0xffff, v53  }
0x13c: {  	v54 =	vmov s1  }
0x13d: {  	v8 =	vadd.s32 $0xFFFFFFFF, v54  }
0x13e: {  	v8 =	vbroadcast v8, $0x0;
	_ =	sdelay $0x1  }
0x13f: {  	v7 =	vadd.s32 v7, v8  }
0x140: {  	vm7 =	vlt.s32 v7, $0x4000;
	v55, _, _ =	vpop (xrf0)  }
0x141: {  	vm0 =	vmand vm6, vm7;
	(v2sf) =	vpush v55, $0xF;
	_ =	sdelay $0x4  }
0x142: {  	s17 =	sadd.s32 $0xFFFFFFC0, s9  }
0x143: {  	[tilespmem:v7+s22+$0x0] =	vst.idx.msk vm0, v6;
	v6 =	vor.u32 s17, v1  }
0x144: {  	[tilespmem:v7+s23+$0x0] =	vst.idx.msk vm0, v6  }
0x145: {  	v6 =	vld [tilespmem:s31+$0x0];
	_ =	sdelay $0x4  }
0x146: {  	vm8 =	vlt.u32 v6, v5  }
0x147: {  	v7 =	vsel vm8, $0x1, v0  }
0x148: {  	s10 =	spop (v2sf);
	(xrf0) =	vadd.scan.msk.s32 $0xffff, v7  }
0x149: {  	s1 =	sadd.s32 s10, s1  }
0x14a: {  	s1 =	sadd.s32 $0x80000000, s1  }
0x14b: {  	v7 =	vmov s1  }
0x14c: {  	v7 =	vadd.s32 $0xFFFFFFFF, v7  }
0x14d: {  	v7 =	vbroadcast v7, $0x0  }
0x14e: {  	v56, _, _ =	vpop (xrf0)  }
0x14f: {  	v7 =	vadd.s32 v56, v7;
	v8 =	vxor.u32 $0x80000000, v56  }
0x150: {  	vm9 =	vlt.s32 v7, $0x4000;
	(xrf0) =	vmax.scan.msk.u32 $0xffff, v8  }
0x151: {  	vm0 =	vmand vm8, vm9;
	_ =	sdelay $0x4  }
0x152: {  	s17 =	sadd.s32 $0xFFFFFFD0, s9;
	v8, _, _ =	vpop (xrf0)  }
0x153: {  	[tilespmem:v7+s22+$0x0] =	vst.idx.msk vm0, v6;
	v6 =	vor.u32 s17, v1;
	(v2sf) =	vpush v8, $0xF  }
0x154: {  	[tilespmem:v7+s23+$0x0] =	vst.idx.msk vm0, v6  }
0x155: {  	v6 =	vld [tilespmem:s31+$0x10];
	_ =	sdelay $0x4  }
0x156: {  	vm10 =	vlt.u32 v6, v5  }
0x157: {  	v7 =	vsel vm10, $0x1, v0  }
0x158: {  	(xrf0) =	vadd.scan.msk.s32 $0xffff, v7;
	_ =	sdelay $0x5  }
0x159: {  	s10 =	spop (v2sf);
	v7, _, _ =	vpop (xrf0)  }
0x15a: {  	s1 =	sadd.s32 s10, s1;
	v57 =	vxor.u32 $0x80000000, v7  }
0x15b: {  	s1 =	sadd.s32 $0x80000000, s1;
	(xrf0) =	vmax.scan.msk.u32 $0xffff, v57  }
0x15c: {  	v58 =	vmov s1  }
0x15d: {  	v8 =	vadd.s32 $0xFFFFFFFF, v58  }
0x15e: {  	v8 =	vbroadcast v8, $0x0;
	_ =	sdelay $0x1  }
0x15f: {  	v7 =	vadd.s32 v7, v8  }
0x160: {  	vm11 =	vlt.s32 v7, $0x4000;
	v59, _, _ =	vpop (xrf0)  }
0x161: {  	vm0 =	vmand vm10, vm11;
	(v2sf) =	vpush v59, $0xF;
	_ =	sdelay $0x4  }
0x162: {  	s17 =	sadd.s32 $0xFFFFFFE0, s9  }
0x163: {  	[tilespmem:v7+s22+$0x0] =	vst.idx.msk vm0, v6;
	v6 =	vor.u32 s17, v1  }
0x164: {  	[tilespmem:v7+s23+$0x0] =	vst.idx.msk vm0, v6  }
0x165: {  	v6 =	vld [tilespmem:s31+$0x20];
	_ =	sdelay $0x4  }
0x166: {  	vm12 =	vlt.u32 v6, v5  }
0x167: {  	v7 =	vsel vm12, $0x1, v0  }
0x168: {  	s10 =	spop (v2sf);
	(xrf0) =	vadd.scan.msk.s32 $0xffff, v7  }
0x169: {  	s1 =	sadd.s32 s10, s1  }
0x16a: {  	s1 =	sadd.s32 $0x80000000, s1  }
0x16b: {  	v7 =	vmov s1  }
0x16c: {  	v7 =	vadd.s32 $0xFFFFFFFF, v7  }
0x16d: {  	v7 =	vbroadcast v7, $0x0  }
0x16e: {  	v60, _, _ =	vpop (xrf0)  }
0x16f: {  	v7 =	vadd.s32 v60, v7  }
0x170: {  	vm13 =	vlt.s32 v7, $0x4000  }
0x171: {  	vm0 =	vmand vm12, vm13;
	_ =	sdelay $0x4  }
0x172: {  	s17 =	sadd.s32 $0xFFFFFFF0, s9  }
0x173: {  	[tilespmem:v7+s22+$0x0] =	vst.idx.msk vm0, v6;
	v6 =	vor.u32 s17, v1  }
0x174: {  	[tilespmem:v7+s23+$0x0] =	vst.idx.msk vm0, v6  }
0x175: {  	v6 =	vxor.u32 $0x80000000, v60;
	v7 =	vld [tilespmem:s31+$0x30]  }
0x176: {  	(xrf0) =	vmax.scan.msk.u32 $0xffff, v6;
	_ =	sdelay $0x3  }
0x177: {  	vm14 =	vlt.u32 v7, v5  }
0x178: {  	v6 =	vsel vm14, $0x1, v0  }
0x179: {  	v61, _, _ =	vpop (xrf0);
	(xrf0) =	vadd.scan.msk.s32 $0xffff, v6  }
0x17a: {  	(v2sf) =	vpush v61, $0xF;
	_ =	sdelay $0x4  }
0x17b: {  	v6, _, _ =	vpop (xrf0)  }
0x17c: {  	v62 =	vxor.u32 $0x80000000, v6  }
0x17d: {  	(xrf0) =	vmax.scan.msk.u32 $0xffff, v62;
	_ =	sdelay $0x5  }
0x17e: {  	v8, _, _ =	vpop (xrf0)  }
0x17f: {  	(v2sf) =	vpush v8, $0xF  }
0x180: {  	s10 =	spop (v2sf)  }
0x181: {  	s1 =	sadd.s32 s10, s1  }
0x182: {  	s1 =	sadd.s32 $0x80000000, s1  }
0x183: {  	v63 =	vmov s1  }
0x184: {  	v8 =	vadd.s32 $0xFFFFFFFF, v63  }
0x185: {  	v8 =	vbroadcast v8, $0x0;
	_ =	sdelay $0x1  }
0x186: {  	v6 =	vadd.s32 v6, v8  }
0x187: {  	vm15 =	vlt.s32 v6, $0x4000  }
0x188: {  	vm0 =	vmand vm14, vm15  }
0x189: {  	s30 =	sadd.s32 $0x8, s30  }
0x18a: {  	p1 =	slt.u32 s30, $0x168  }
.Ltmp4:
0x18b: {  	_ = 	snop;
	(pc) =	sbr.rel @p1 .LBB2_12-.Ltmp4, $4  }
0x18c: {  	_ = 	snop  }
0x18d: {  	s17 =	spop (v2sf)  }
0x18e: {  	[tilespmem:v6+s22+$0x0] =	vst.idx.msk vm0, v7;
	v7 =	vor.u32 s9, v1;
	s1 =	sadd.s32 s17, s1  }
0x18f: {  	s31 =	sadd.s32 $0x80, s31;
	s9 =	sadd.s32 $0x80, s9;
	[tilespmem:v6+s23+$0x0] =	vst.idx.msk vm0, v7;
	s7 =	sadd.s32 $0x80000000, s1  }
0x190: {  	s16 =	sadd.s32 $0x1, s16  }
0x191: {  	p1 =	seq.s32 s16, $0x11  }
.Ltmp5:
0x192: {  	_ = 	snop;
	(pc) =	sbr.rel @!p1 .LBB2_11-.Ltmp5, $2  }
0x193: {  	_ =	sdelay $0x2  }
0x194: {  	s0 =	sadd.s32 $0x1700, s0  }
0x195: {  	s0 =	simm.s32 $0x5740  }
0x196: {  	[tilespmem:s0+$0xFFFFFFC0] =	vst v0  }
0x197: {  	[tilespmem:s0+$0x30] =	vst v0  }
0x198: {  	[tilespmem:s0+$0x20] =	vst v0  }
0x199: {  	[tilespmem:s0+$0x10] =	vst v0  }
0x19a: {  	[tilespmem:s0+$0x0] =	vst v0  }
0x19b: {  	[tilespmem:s0+$0xFFFFFFF0] =	vst v0  }
0x19c: {  	s1 =	simm.s32 $0x0;
	s31 =	rddreg [dreg:$0x6];
	[tilespmem:s0+$0xFFFFFFE0] =	vst v0  }
.LBB2_15:
0x19d: {  	s1 =	sadd.s32 $0x8, s1;
	[tilespmem:s0+$0xFFFFFFD0] =	vst v0;
	s0 =	sadd.s32 $0x80, s0  }
0x19e: {  	[tilespmem:s0+$0xFFFFFFC0] =	vst v0;
	p1 =	slt.u32 s1, $0x78  }
0x19f: {  	[tilespmem:s0+$0x30] =	vst v0  }
.Ltmp6:
0x1a0: {  	[tilespmem:s0+$0x20] =	vst v0;
	(pc) =	sbr.rel @p1 .LBB2_15-.Ltmp6, $4  }
0x1a1: {  	[tilespmem:s0+$0x10] =	vst v0  }
0x1a2: {  	[tilespmem:s0+$0x0] =	vst v0  }
0x1a3: {  	[tilespmem:s0+$0xFFFFFFF0] =	vst v0  }
0x1a4: {  	[tilespmem:s0+$0xFFFFFFE0] =	vst v0  }
0x1a5: {  	p1 =	slt.s32 s7, $0x4000  }
0x1a6: {  	s7 =	simm.s32 @!p1 $0x4000  }
0x1a7: {  	[tilespmem:s0+$0xFFFFFFD0] =	vst v0;
	s0 =	simm.s32 $0xFFFFFFF8;
	s16 =	simm.s32 $0x5F40;
	v5 =	vmov s7;
	s7 =	simm.s32 $0x70  }
.LBB2_17:
0x1a8: {  	v6 =	vld [tilespmem:s16+$0xFFFFFFC0];
	_ =	sdelay $0x2  }
0x1a9: {  	s1 =	sadd.s32 $0xFFFFFF90, s7  }
0x1aa: {  	v7 =	vor.u32 s1, v1  }
0x1ab: {  	vm0 =	vlt.s32 v7, v5;
	v6 =	vand.u32 $0x7FF, v6  }
0x1ac: {  	(xrf1) =	vunique.msk.u32 vm0, v6;
	_ =	sdelay $0xd  }
0x1ad: {  	_, v7, vm0 =	vpop (xrf1);
	_ =	sdelay $0x4  }
0x1ae: {  	v7 =	vadd.s32 v3, v7  }
0x1af: {  	[tilespmem:v6+s24+$0x0] =	vst.idx.add.s32.msk vm0, v7  }
0x1b0: {  	v6 =	vld [tilespmem:s16+$0xFFFFFFD0];
	_ =	sdelay $0x2  }
0x1b1: {  	s30 =	sadd.s32 $0xFFFFFFA0, s7  }
0x1b2: {  	v7 =	vor.u32 s30, v1  }
0x1b3: {  	vm9 =	vlt.s32 v7, v5;
	v6 =	vand.u32 $0x7FF, v6  }
0x1b4: {  	(xrf1) =	vunique.msk.u32 vm9, v6;
	_ =	sdelay $0xd  }
0x1b5: {  	_, v7, vm0 =	vpop (xrf1);
	_ =	sdelay $0x4  }
0x1b6: {  	v7 =	vadd.s32 v3, v7  }
0x1b7: {  	[tilespmem:v6+s24+$0x0] =	vst.idx.add.s32.msk vm0, v7  }
0x1b8: {  	v6 =	vld [tilespmem:s16+$0xFFFFFFE0];
	_ =	sdelay $0x2  }
0x1b9: {  	s9 =	sadd.s32 $0xFFFFFFB0, s7  }
0x1ba: {  	v7 =	vor.u32 s9, v1  }
0x1bb: {  	vm10 =	vlt.s32 v7, v5;
	v6 =	vand.u32 $0x7FF, v6  }
0x1bc: {  	(xrf1) =	vunique.msk.u32 vm10, v6;
	_ =	sdelay $0xd  }
0x1bd: {  	_, v7, vm0 =	vpop (xrf1);
	_ =	sdelay $0x4  }
0x1be: {  	v7 =	vadd.s32 v3, v7  }
0x1bf: {  	[tilespmem:v6+s24+$0x0] =	vst.idx.add.s32.msk vm0, v7  }
0x1c0: {  	v6 =	vld [tilespmem:s16+$0xFFFFFFF0];
	_ =	sdelay $0x2  }
0x1c1: {  	s10 =	sadd.s32 $0xFFFFFFC0, s7  }
0x1c2: {  	v7 =	vor.u32 s10, v1  }
0x1c3: {  	vm11 =	vlt.s32 v7, v5;
	v6 =	vand.u32 $0x7FF, v6  }
0x1c4: {  	(xrf1) =	vunique.msk.u32 vm11, v6;
	_ =	sdelay $0xd  }
0x1c5: {  	_, v7, vm0 =	vpop (xrf1);
	_ =	sdelay $0x4  }
0x1c6: {  	v7 =	vadd.s32 v3, v7  }
0x1c7: {  	[tilespmem:v6+s24+$0x0] =	vst.idx.add.s32.msk vm0, v7  }
0x1c8: {  	v6 =	vld [tilespmem:s16+$0x0];
	_ =	sdelay $0x2  }
0x1c9: {  	s12 =	sadd.s32 $0xFFFFFFD0, s7  }
0x1ca: {  	v7 =	vor.u32 s12, v1  }
0x1cb: {  	vm12 =	vlt.s32 v7, v5;
	v6 =	vand.u32 $0x7FF, v6  }
0x1cc: {  	(xrf1) =	vunique.msk.u32 vm12, v6;
	_ =	sdelay $0xd  }
0x1cd: {  	_, v7, vm0 =	vpop (xrf1);
	_ =	sdelay $0x4  }
0x1ce: {  	v7 =	vadd.s32 v3, v7  }
0x1cf: {  	[tilespmem:v6+s24+$0x0] =	vst.idx.add.s32.msk vm0, v7  }
0x1d0: {  	v6 =	vld [tilespmem:s16+$0x10];
	_ =	sdelay $0x2  }
0x1d1: {  	s17 =	sadd.s32 $0xFFFFFFE0, s7  }
0x1d2: {  	v7 =	vor.u32 s17, v1  }
0x1d3: {  	vm13 =	vlt.s32 v7, v5;
	v6 =	vand.u32 $0x7FF, v6  }
0x1d4: {  	(xrf1) =	vunique.msk.u32 vm13, v6;
	_ =	sdelay $0xd  }
0x1d5: {  	_, v7, vm0 =	vpop (xrf1);
	_ =	sdelay $0x4  }
0x1d6: {  	v7 =	vadd.s32 v3, v7  }
0x1d7: {  	[tilespmem:v6+s24+$0x0] =	vst.idx.add.s32.msk vm0, v7  }
0x1d8: {  	v6 =	vld [tilespmem:s16+$0x20];
	_ =	sdelay $0x2  }
0x1d9: {  	s30 =	sadd.s32 $0xFFFFFFF0, s7  }
0x1da: {  	v7 =	vor.u32 s30, v1  }
0x1db: {  	vm14 =	vlt.s32 v7, v5;
	v6 =	vand.u32 $0x7FF, v6  }
0x1dc: {  	(xrf1) =	vunique.msk.u32 vm14, v6;
	_ =	sdelay $0xd  }
0x1dd: {  	_, v7, vm0 =	vpop (xrf1);
	_ =	sdelay $0x4  }
0x1de: {  	v7 =	vadd.s32 v3, v7  }
0x1df: {  	[tilespmem:v6+s24+$0x0] =	vst.idx.add.s32.msk vm0, v7  }
0x1e0: {  	v6 =	vld [tilespmem:s16+$0x30];
	_ =	sdelay $0x3  }
0x1e1: {  	v7 =	vor.u32 s7, v1  }
0x1e2: {  	vm15 =	vlt.s32 v7, v5;
	v6 =	vand.u32 $0x7FF, v6  }
0x1e3: {  	(xrf1) =	vunique.msk.u32 vm15, v6;
	_ =	sdelay $0xd  }
0x1e4: {  	s0 =	sadd.s32 $0x8, s0;
	_, v7, vm0 =	vpop (xrf1)  }
0x1e5: {  	p1 =	slt.u32 s0, $0x3F8  }
.Ltmp7:
0x1e6: {  	_ = 	snop;
	(pc) =	sbr.rel @p1 .LBB2_17-.Ltmp7, $3  }
0x1e7: {  	_ =	sdelay $0x1  }
0x1e8: {  	s9 =	simm.s32 $0x0;
	s12 =	simm.s32 $0xFFFFFFFC;
	v7 =	vadd.s32 v3, v7  }
0x1e9: {  	s17 =	simm.s32 $0x5720;
	s7 =	sadd.s32 $0x80, s7;
	s16 =	sadd.s32 $0x80, s16;
	[tilespmem:v6+s24+$0x0] =	vst.idx.add.s32.msk vm0, v7  }
0x1ea: {  	v6 =	vld [tilespmem:s17+$0xFFFFFFE0];
	_ =	sdelay $0x3  }
0x1eb: {  	v7 =	vld [tilespmem:s17+$0xFFFFFFF0]  }
0x1ec: {  	(xrf0) =	vadd.scan.msk.s32 $0xffff, v6;
	_ =	sdelay $0x3  }
0x1ed: {  	(xrf0) =	vadd.scan.msk.s32 $0xffff, v7;
	_ =	sdelay $0x1  }
0x1ee: {  	v9, _, _ =	vpop (xrf0)  }
0x1ef: {  	v10 =	vxor.u32 $0x80000000, v9  }
0x1f0: {  	v8 =	vld [tilespmem:s17+$0x0];
	_ =	sdelay $0x1  }
0x1f1: {  	(xrf0) =	vmax.scan.msk.u32 $0xffff, v10;
	v10, _, _ =	vpop (xrf0)  }
0x1f2: {  	v11 =	vxor.u32 $0x80000000, v10  }
0x1f3: {  	(xrf0) =	vmax.scan.msk.u32 $0xffff, v11  }
0x1f4: {  	(xrf0) =	vadd.scan.msk.s32 $0xffff, v8;
	_ =	sdelay $0x3  }
0x1f5: {  	v12 =	vld [tilespmem:s17+$0x10];
	v11, _, _ =	vpop (xrf0)  }
0x1f6: {  	(v2sf) =	vpush v11, $0xF;
	v11, _, _ =	vpop (xrf0)  }
0x1f7: {  	(v2sf) =	vpush v11, $0xF;
	v11, _, _ =	vpop (xrf0)  }
0x1f8: {  	v13 =	vxor.u32 $0x80000000, v11  }
0x1f9: {  	(xrf0) =	vmax.scan.msk.u32 $0xffff, v13  }
0x1fa: {  	(xrf0) =	vadd.scan.msk.s32 $0xffff, v12;
	_ =	sdelay $0x3  }
0x1fb: {  	v6 =	vsub.s32 s9, v6  }
0x1fc: {  	v6 =	vadd.s32 v9, v6;
	v9, _, _ =	vpop (xrf0)  }
0x1fd: {  	(v2sf) =	vpush v9, $0xF;
	v9, _, _ =	vpop (xrf0)  }
0x1fe: {  	s0 =	simm.s32 $0x5760;
	[tilespmem:s17+$0xFFFFFFE0] =	vst v6;
	v61 =	vxor.u32 $0x80000000, v9  }
0x1ff: {  	v6 =	vld [tilespmem:s0+$0xFFFFFFE0];
	(xrf0) =	vmax.scan.msk.u32 $0xffff, v61;
	_ =	sdelay $0x1  }
0x200: {  	v14 =	vld [tilespmem:s0+$0xFFFFFFF0];
	_ =	sdelay $0x1  }
0x201: {  	s1 =	spop (v2sf)  }
0x202: {  	s1 =	sadd.s32 $0x0, s1;
	(xrf0) =	vadd.scan.msk.s32 $0xffff, v6  }
0x203: {  	v7 =	vsub.s32 v10, v7;
	s1 =	sadd.s32 $0x80000000, s1;
	s7 =	spop (v2sf);
	v10, _, _ =	vpop (xrf0)  }
0x204: {  	(xrf0) =	vadd.scan.msk.s32 $0xffff, v14;
	s7 =	sadd.s32 s7, s1;
	(v2sf) =	vpush v10, $0xF  }
0x205: {  	v8 =	vsub.s32 v11, v8;
	v7 =	vadd.s32 s1, v7;
	s10 =	sadd.s32 $0x80000000, s7  }
0x206: {  	[tilespmem:s17+$0xFFFFFFF0] =	vst v7;
	v7 =	vadd.s32 s10, v8  }
0x207: {  	[tilespmem:s17+$0x0] =	vst v7  }
0x208: {  	v8, _, _ =	vpop (xrf0);
	v11 =	vld [tilespmem:s0+$0x0]  }
0x209: {  	v7 =	vxor.u32 $0x80000000, v8  }
0x20a: {  	v62, _, _ =	vpop (xrf0);
	(xrf0) =	vmax.scan.msk.u32 $0xffff, v7;
	s16 =	spop (v2sf)  }
0x20b: {  	v7 =	vxor.u32 $0x80000000, v62;
	s1 =	sadd.s32 s16, s10  }
0x20c: {  	(xrf0) =	vmax.scan.msk.u32 $0xffff, v7;
	v7 =	vsub.s32 v9, v12;
	s1 =	sadd.s32 $0x80000000, s1  }
0x20d: {  	(xrf0) =	vadd.scan.msk.s32 $0xffff, v11;
	v7 =	vadd.s32 s1, v7;
	_ =	sdelay $0x2  }
0x20e: {  	[tilespmem:s17+$0x10] =	vst v7;
	v7, _, _ =	vpop (xrf0)  }
0x20f: {  	v10 =	vld [tilespmem:s0+$0x10];
	(v2sf) =	vpush v7, $0xF  }
0x210: {  	v9, _, _ =	vpop (xrf0)  }
0x211: {  	v63, _, _ =	vpop (xrf0);
	s10 =	spop (v2sf);
	(v2sf) =	vpush v9, $0xF  }
0x212: {  	v15 =	vxor.u32 $0x80000000, v63  }
0x213: {  	(xrf0) =	vmax.scan.msk.u32 $0xffff, v15  }
0x214: {  	s30 =	simm.s32 $0x5760;
	s7 =	simm.s32 $0x4;
	v7 =	vsub.s32 v62, v14;
	v9 =	vsub.s32 v63, v11;
	s1 =	sadd.s32 s10, s1;
	(xrf0) =	vadd.scan.msk.s32 $0xffff, v10  }
.LBB2_19:
0x215: {  	s7 =	sadd.s32 $0x4, s7;
	s1 =	sadd.s32 $0x80000000, s1;
	s16 =	simm.s32 $0x5F20  }
0x216: {  	p1 =	slt.u32 s7, $0x7C;
	v6 =	vsub.s32 s1, v6  }
0x217: {  	v6 =	vadd.s32 v8, v6  }
0x218: {  	[tilespmem:s0+$0xFFFFFFE0] =	vst v6  }
0x219: {  	s0 =	sadd.s32 $0x40, s0;
	v8, _, _ =	vpop (xrf0)  }
0x21a: {  	v6 =	vld [tilespmem:s0+$0xFFFFFFE0];
	(v2sf) =	vpush v8, $0xF;
	v8, _, _ =	vpop (xrf0)  }
0x21b: {  	v10 =	vsub.s32 v8, v10;
	v8 =	vxor.u32 $0x80000000, v8  }
0x21c: {  	v11 =	vld [tilespmem:s0+$0xFFFFFFF0];
	(xrf0) =	vmax.scan.msk.u32 $0xffff, v8;
	_ =	sdelay $0x1  }
0x21d: {  	s10 =	spop (v2sf)  }
0x21e: {  	(xrf0) =	vadd.scan.msk.s32 $0xffff, v6;
	s1 =	sadd.s32 s10, s1  }
0x21f: {  	s1 =	sadd.s32 $0x80000000, s1;
	s10 =	spop (v2sf)  }
0x220: {  	(xrf0) =	vadd.scan.msk.s32 $0xffff, v11;
	v8 =	vadd.s32 s1, v7;
	s1 =	sadd.s32 s10, s1  }
0x221: {  	[tilespmem:s30+$0xFFFFFFF0] =	vst v8;
	s1 =	sadd.s32 $0x80000000, s1;
	v7, _, _ =	vpop (xrf0)  }
0x222: {  	v12 =	vadd.s32 s1, v9;
	(v2sf) =	vpush v7, $0xF  }
0x223: {  	[tilespmem:s30+$0x0] =	vst v12  }
0x224: {  	v9 =	vld [tilespmem:s0+$0x0];
	v8, _, _ =	vpop (xrf0)  }
0x225: {  	v7 =	vxor.u32 $0x80000000, v8  }
0x226: {  	(xrf0) =	vmax.scan.msk.u32 $0xffff, v7;
	v12, _, _ =	vpop (xrf0)  }
0x227: {  	v7 =	vsub.s32 v12, v11;
	v11 =	vxor.u32 $0x80000000, v12  }
0x228: {  	(xrf0) =	vmax.scan.msk.u32 $0xffff, v11;
	s10 =	spop (v2sf)  }
0x229: {  	(xrf0) =	vadd.scan.msk.s32 $0xffff, v9;
	s1 =	sadd.s32 s10, s1  }
0x22a: {  	s1 =	sadd.s32 $0x80000000, s1  }
0x22b: {  	v10 =	vadd.s32 s1, v10  }
0x22c: {  	v11, _, _ =	vpop (xrf0);
	[tilespmem:s30+$0x10] =	vst v10;
	s30 =	smov.u32 s0  }
0x22d: {  	v10 =	vld [tilespmem:s0+$0x10];
	(v2sf) =	vpush v11, $0xF  }
.Ltmp8:
0x22e: {  	v11, _, _ =	vpop (xrf0);
	(pc) =	sbr.rel @p1 .LBB2_19-.Ltmp8, $4  }
0x22f: {  	(v2sf) =	vpush v11, $0xF;
	v11, _, _ =	vpop (xrf0)  }
0x230: {  	v9 =	vsub.s32 v11, v9;
	v11 =	vxor.u32 $0x80000000, v11  }
0x231: {  	(xrf0) =	vmax.scan.msk.u32 $0xffff, v11;
	s10 =	spop (v2sf)  }
0x232: {  	(xrf0) =	vadd.scan.msk.s32 $0xffff, v10;
	s1 =	sadd.s32 s10, s1  }
0x233: {  	_ =	sdelay $0x3  }
0x234: {  	v11, _, _ =	vpop (xrf0)  }
0x235: {  	v12, _, _ =	vpop (xrf0)  }
0x236: {  	v13 =	vxor.u32 $0x80000000, v12  }
0x237: {  	(xrf0) =	vmax.scan.msk.u32 $0xffff, v13;
	_ =	sdelay $0x2  }
0x238: {  	(v2sf) =	vpush v11, $0xF;
	_ =	sdelay $0x2  }
0x239: {  	v63, _, _ =	vpop (xrf0)  }
0x23a: {  	(v2sf) =	vpush v63, $0xF;
	_ =	sdelay $0x6  }
0x23b: {  	s1 =	sadd.s32 $0x80000000, s1;
	s7 =	spop (v2sf)  }
0x23c: {  	s7 =	sadd.s32 s7, s1  }
0x23d: {  	s7 =	sadd.s32 $0x80000000, s7;
	s10 =	spop (v2sf)  }
0x23e: {  	v6 =	vsub.s32 s1, v6;
	s10 =	sadd.s32 s10, s7  }
0x23f: {  	v6 =	vadd.s32 v8, v6;
	s1 =	sadd.s32 $0x80000000, s10;
	s17 =	spop (v2sf)  }
0x240: {  	[tilespmem:s0+$0xFFFFFFE0] =	vst v6;
	v6 =	vadd.s32 s7, v7;
	s17 =	sadd.s32 s17, s1  }
0x241: {  	v7 =	vsub.s32 v12, v10;
	[tilespmem:s30+$0xFFFFFFF0] =	vst v6;
	v6 =	vadd.s32 s1, v9;
	s0 =	sadd.s32 $0x80000000, s17  }
0x242: {  	[tilespmem:s30+$0x0] =	vst v6;
	v6 =	vadd.s32 s0, v7  }
0x243: {  	s7 =	simm.s32 $0x9F20;
	[tilespmem:s30+$0x10] =	vst v6;
	s30 =	spop (v2sf)  }
.LBB2_21:
0x244: {  	v6 =	vld [tilespmem:s16+$0xFFFFFFE0];
	_ =	sdelay $0x3  }
0x245: {  	v7 =	vor.u32 s9, v1  }
0x246: {  	vm0 =	vlt.s32 v7, v5;
	v7 =	vand.u32 $0x7FF, v6  }
0x247: {  	(xrf1) =	vunique.msk.u32 vm0, v7;
	_ =	sdelay $0xa  }
0x248: {  	v8 =	vld.idx.msk [tilespmem:v7+s24+$0x0], $0xffff;
	_ =	sdelay $0x2  }
0x249: {  	_, v9, vm1 =	vpop (xrf1)  }
0x24a: {  	v9 =	vsub.s32 v9, v2  }
0x24b: {  	v8 =	vadd.s32 v8, v9  }
0x24c: {  	v10 =	vld [tilespmem:s7+$0xFFFFFFE0];
	_ =	sdelay $0x3  }
0x24d: {  	[tilespmem:v8+s25+$0x0] =	vst.idx.msk vm0, v6  }
0x24e: {  	v6 =	vadd.s32 $0x1, v9;
	[tilespmem:v8+s26+$0x0] =	vst.idx.msk vm0, v10  }
0x24f: {  	[tilespmem:v7+s24+$0x0] =	vst.idx.add.s32.msk vm1, v6  }
0x250: {  	v6 =	vld [tilespmem:s16+$0xFFFFFFF0];
	_ =	sdelay $0x2  }
0x251: {  	s0 =	sadd.s32 $0x10, s9  }
0x252: {  	v7 =	vor.u32 s0, v1  }
0x253: {  	vm10 =	vlt.s32 v7, v5;
	v7 =	vand.u32 $0x7FF, v6  }
0x254: {  	(xrf1) =	vunique.msk.u32 vm10, v7;
	_ =	sdelay $0xa  }
0x255: {  	v8 =	vld.idx.msk [tilespmem:v7+s24+$0x0], $0xffff;
	_ =	sdelay $0x2  }
0x256: {  	_, v61, vm11 =	vpop (xrf1)  }
0x257: {  	v9 =	vsub.s32 v61, v2  }
0x258: {  	v8 =	vadd.s32 v8, v9  }
0x259: {  	v10 =	vld [tilespmem:s7+$0xFFFFFFF0];
	_ =	sdelay $0x3  }
0x25a: {  	[tilespmem:v8+s25+$0x0] =	vst.idx.msk vm10, v6  }
0x25b: {  	v6 =	vadd.s32 $0x1, v9;
	[tilespmem:v8+s26+$0x0] =	vst.idx.msk vm10, v10  }
0x25c: {  	[tilespmem:v7+s24+$0x0] =	vst.idx.add.s32.msk vm11, v6  }
0x25d: {  	v6 =	vld [tilespmem:s16+$0x0];
	_ =	sdelay $0x2  }
0x25e: {  	s17 =	sadd.s32 $0x20, s9  }
0x25f: {  	v7 =	vor.u32 s17, v1  }
0x260: {  	vm12 =	vlt.s32 v7, v5;
	v7 =	vand.u32 $0x7FF, v6  }
0x261: {  	(xrf1) =	vunique.msk.u32 vm12, v7;
	_ =	sdelay $0xa  }
0x262: {  	v8 =	vld.idx.msk [tilespmem:v7+s24+$0x0], $0xffff;
	_ =	sdelay $0x2  }
0x263: {  	_, v62, vm13 =	vpop (xrf1)  }
0x264: {  	v9 =	vsub.s32 v62, v2  }
0x265: {  	v8 =	vadd.s32 v8, v9  }
0x266: {  	v10 =	vld [tilespmem:s7+$0x0];
	_ =	sdelay $0x3  }
0x267: {  	[tilespmem:v8+s25+$0x0] =	vst.idx.msk vm12, v6  }
0x268: {  	v6 =	vadd.s32 $0x1, v9;
	[tilespmem:v8+s26+$0x0] =	vst.idx.msk vm12, v10  }
0x269: {  	[tilespmem:v7+s24+$0x0] =	vst.idx.add.s32.msk vm13, v6  }
0x26a: {  	v6 =	vld [tilespmem:s16+$0x10];
	_ =	sdelay $0x2  }
0x26b: {  	s30 =	sadd.s32 $0x30, s9  }
0x26c: {  	v7 =	vor.u32 s30, v1  }
0x26d: {  	vm14 =	vlt.s32 v7, v5;
	v7 =	vand.u32 $0x7FF, v6  }
0x26e: {  	(xrf1) =	vunique.msk.u32 vm14, v7;
	_ =	sdelay $0xa  }
0x26f: {  	v8 =	vld.idx.msk [tilespmem:v7+s24+$0x0], $0xffff;
	_ =	sdelay $0x2  }
0x270: {  	_, v63, vm15 =	vpop (xrf1)  }
0x271: {  	v9 =	vsub.s32 v63, v2  }
0x272: {  	v8 =	vadd.s32 v8, v9  }
0x273: {  	s12 =	sadd.s32 $0x4, s12;
	v10 =	vld [tilespmem:s7+$0x10]  }
0x274: {  	p1 =	slt.u32 s12, $0x3FC  }
.Ltmp9:
0x275: {  	_ = 	snop;
	(pc) =	sbr.rel @p1 .LBB2_21-.Ltmp9, $4  }
0x276: {  	_ = 	snop  }
0x277: {  	[tilespmem:v8+s25+$0x0] =	vst.idx.msk vm14, v6  }
0x278: {  	s9 =	sadd.s32 $0x40, s9;
	s1 =	simm.s32 $0x5740;
	v6 =	vadd.s32 $0x1, v9;
	[tilespmem:v8+s26+$0x0] =	vst.idx.msk vm14, v10  }
0x279: {  	s0 =	simm.s32 $0xFFFFFFF8;
	s16 =	sadd.s32 $0x40, s16;
	s7 =	sadd.s32 $0x40, s7;
	[tilespmem:v7+s24+$0x0] =	vst.idx.add.s32.msk vm15, v6  }
0x27a: {  	[tilespmem:s1+$0xFFFFFFC0] =	vst v0  }
0x27b: {  	[tilespmem:s1+$0x30] =	vst v0  }
0x27c: {  	[tilespmem:s1+$0x20] =	vst v0  }
0x27d: {  	[tilespmem:s1+$0x10] =	vst v0  }
0x27e: {  	[tilespmem:s1+$0x0] =	vst v0  }
0x27f: {  	[tilespmem:s1+$0xFFFFFFF0] =	vst v0  }
0x280: {  	s7 =	sadd.s32 $0x8, s0;
	[tilespmem:s1+$0xFFFFFFE0] =	vst v0;
	s9 =	simm.s32 $0xDF40  }
.LBB2_23:
0x281: {  	s7 =	sadd.s32 $0x8, s7;
	[tilespmem:s1+$0xFFFFFFD0] =	vst v0;
	s1 =	sadd.s32 $0x80, s1  }
0x282: {  	[tilespmem:s1+$0xFFFFFFC0] =	vst v0;
	p1 =	slt.u32 s7, $0x78  }
0x283: {  	[tilespmem:s1+$0x30] =	vst v0  }
.Ltmp10:
0x284: {  	[tilespmem:s1+$0x20] =	vst v0;
	(pc) =	sbr.rel @p1 .LBB2_23-.Ltmp10, $4  }
0x285: {  	[tilespmem:s1+$0x10] =	vst v0  }
0x286: {  	[tilespmem:s1+$0x0] =	vst v0  }
0x287: {  	[tilespmem:s1+$0xFFFFFFF0] =	vst v0  }
0x288: {  	[tilespmem:s1+$0xFFFFFFE0] =	vst v0  }
0x289: {  	[tilespmem:s1+$0xFFFFFFD0] =	vst v0;
	s7 =	simm.s32 $0x70  }
.LBB2_25:
0x28a: {  	v6 =	vld [tilespmem:s9+$0xFFFFFFC0];
	_ =	sdelay $0x3  }
0x28b: {  	s1 =	sadd.s32 $0xFFFFFF90, s7  }
0x28c: {  	v7 =	vor.u32 s1, v1;
	v6 =	vshrl.u32 v6, $0xB  }
0x28d: {  	vm0 =	vlt.s32 v7, v5;
	v6 =	vand.u32 $0x7FF, v6  }
0x28e: {  	(xrf1) =	vunique.msk.u32 vm0, v6;
	_ =	sdelay $0xd  }
0x28f: {  	_, v7, vm0 =	vpop (xrf1);
	_ =	sdelay $0x4  }
0x290: {  	v7 =	vadd.s32 v3, v7  }
0x291: {  	[tilespmem:v6+s24+$0x0] =	vst.idx.add.s32.msk vm0, v7  }
0x292: {  	v6 =	vld [tilespmem:s9+$0xFFFFFFD0];
	_ =	sdelay $0x3  }
0x293: {  	s30 =	sadd.s32 $0xFFFFFFA0, s7  }
0x294: {  	v7 =	vor.u32 s30, v1;
	v6 =	vshrl.u32 v6, $0xB  }
0x295: {  	vm9 =	vlt.s32 v7, v5;
	v6 =	vand.u32 $0x7FF, v6  }
0x296: {  	(xrf1) =	vunique.msk.u32 vm9, v6;
	_ =	sdelay $0xd  }
0x297: {  	_, v7, vm0 =	vpop (xrf1);
	_ =	sdelay $0x4  }
0x298: {  	v7 =	vadd.s32 v3, v7  }
0x299: {  	[tilespmem:v6+s24+$0x0] =	vst.idx.add.s32.msk vm0, v7  }
0x29a: {  	v6 =	vld [tilespmem:s9+$0xFFFFFFE0];
	_ =	sdelay $0x3  }
0x29b: {  	s10 =	sadd.s32 $0xFFFFFFB0, s7  }
0x29c: {  	v7 =	vor.u32 s10, v1;
	v6 =	vshrl.u32 v6, $0xB  }
0x29d: {  	vm10 =	vlt.s32 v7, v5;
	v6 =	vand.u32 $0x7FF, v6  }
0x29e: {  	(xrf1) =	vunique.msk.u32 vm10, v6;
	_ =	sdelay $0xd  }
0x29f: {  	_, v7, vm0 =	vpop (xrf1);
	_ =	sdelay $0x4  }
0x2a0: {  	v7 =	vadd.s32 v3, v7  }
0x2a1: {  	[tilespmem:v6+s24+$0x0] =	vst.idx.add.s32.msk vm0, v7  }
0x2a2: {  	v6 =	vld [tilespmem:s9+$0xFFFFFFF0];
	_ =	sdelay $0x3  }
0x2a3: {  	s12 =	sadd.s32 $0xFFFFFFC0, s7  }
0x2a4: {  	v7 =	vor.u32 s12, v1;
	v6 =	vshrl.u32 v6, $0xB  }
0x2a5: {  	vm11 =	vlt.s32 v7, v5;
	v6 =	vand.u32 $0x7FF, v6  }
0x2a6: {  	(xrf1) =	vunique.msk.u32 vm11, v6;
	_ =	sdelay $0xd  }
0x2a7: {  	_, v7, vm0 =	vpop (xrf1);
	_ =	sdelay $0x4  }
0x2a8: {  	v7 =	vadd.s32 v3, v7  }
0x2a9: {  	[tilespmem:v6+s24+$0x0] =	vst.idx.add.s32.msk vm0, v7  }
0x2aa: {  	v6 =	vld [tilespmem:s9+$0x0];
	_ =	sdelay $0x3  }
0x2ab: {  	s16 =	sadd.s32 $0xFFFFFFD0, s7  }
0x2ac: {  	v7 =	vor.u32 s16, v1;
	v6 =	vshrl.u32 v6, $0xB  }
0x2ad: {  	vm12 =	vlt.s32 v7, v5;
	v6 =	vand.u32 $0x7FF, v6  }
0x2ae: {  	(xrf1) =	vunique.msk.u32 vm12, v6;
	_ =	sdelay $0xd  }
0x2af: {  	_, v7, vm0 =	vpop (xrf1);
	_ =	sdelay $0x4  }
0x2b0: {  	v7 =	vadd.s32 v3, v7  }
0x2b1: {  	[tilespmem:v6+s24+$0x0] =	vst.idx.add.s32.msk vm0, v7  }
0x2b2: {  	v6 =	vld [tilespmem:s9+$0x10];
	_ =	sdelay $0x3  }
0x2b3: {  	s17 =	sadd.s32 $0xFFFFFFE0, s7  }
0x2b4: {  	v7 =	vor.u32 s17, v1;
	v6 =	vshrl.u32 v6, $0xB  }
0x2b5: {  	vm13 =	vlt.s32 v7, v5;
	v6 =	vand.u32 $0x7FF, v6  }
0x2b6: {  	(xrf1) =	vunique.msk.u32 vm13, v6;
	_ =	sdelay $0xd  }
0x2b7: {  	_, v7, vm0 =	vpop (xrf1);
	_ =	sdelay $0x4  }
0x2b8: {  	v7 =	vadd.s32 v3, v7  }
0x2b9: {  	[tilespmem:v6+s24+$0x0] =	vst.idx.add.s32.msk vm0, v7  }
0x2ba: {  	v6 =	vld [tilespmem:s9+$0x20];
	_ =	sdelay $0x3  }
0x2bb: {  	s30 =	sadd.s32 $0xFFFFFFF0, s7  }
0x2bc: {  	v7 =	vor.u32 s30, v1;
	v6 =	vshrl.u32 v6, $0xB  }
0x2bd: {  	vm14 =	vlt.s32 v7, v5;
	v6 =	vand.u32 $0x7FF, v6  }
0x2be: {  	(xrf1) =	vunique.msk.u32 vm14, v6;
	_ =	sdelay $0xd  }
0x2bf: {  	_, v7, vm0 =	vpop (xrf1);
	_ =	sdelay $0x4  }
0x2c0: {  	v7 =	vadd.s32 v3, v7  }
0x2c1: {  	[tilespmem:v6+s24+$0x0] =	vst.idx.add.s32.msk vm0, v7  }
0x2c2: {  	v6 =	vld [tilespmem:s9+$0x30];
	_ =	sdelay $0x4  }
0x2c3: {  	v7 =	vor.u32 s7, v1;
	v6 =	vshrl.u32 v6, $0xB  }
0x2c4: {  	vm15 =	vlt.s32 v7, v5;
	v6 =	vand.u32 $0x7FF, v6  }
0x2c5: {  	(xrf1) =	vunique.msk.u32 vm15, v6;
	_ =	sdelay $0xd  }
0x2c6: {  	s0 =	sadd.s32 $0x8, s0;
	_, v7, vm0 =	vpop (xrf1)  }
0x2c7: {  	p1 =	slt.u32 s0, $0x3F8  }
.Ltmp11:
0x2c8: {  	_ = 	snop;
	(pc) =	sbr.rel @p1 .LBB2_25-.Ltmp11, $3  }
0x2c9: {  	_ =	sdelay $0x1  }
0x2ca: {  	s12 =	simm.s32 $0x0;
	s16 =	simm.s32 $0xFFFFFFFC;
	v7 =	vadd.s32 v3, v7  }
0x2cb: {  	s17 =	simm.s32 $0x5720;
	s7 =	sadd.s32 $0x80, s7;
	s9 =	sadd.s32 $0x80, s9;
	[tilespmem:v6+s24+$0x0] =	vst.idx.add.s32.msk vm0, v7  }
0x2cc: {  	v6 =	vld [tilespmem:s17+$0xFFFFFFE0];
	_ =	sdelay $0x3  }
0x2cd: {  	v7 =	vld [tilespmem:s17+$0xFFFFFFF0]  }
0x2ce: {  	(xrf0) =	vadd.scan.msk.s32 $0xffff, v6;
	_ =	sdelay $0x3  }
0x2cf: {  	(xrf0) =	vadd.scan.msk.s32 $0xffff, v7;
	_ =	sdelay $0x1  }
0x2d0: {  	v9, _, _ =	vpop (xrf0)  }
0x2d1: {  	v10 =	vxor.u32 $0x80000000, v9  }
0x2d2: {  	v8 =	vld [tilespmem:s17+$0x0];
	_ =	sdelay $0x1  }
0x2d3: {  	(xrf0) =	vmax.scan.msk.u32 $0xffff, v10;
	v10, _, _ =	vpop (xrf0)  }
0x2d4: {  	v11 =	vxor.u32 $0x80000000, v10  }
0x2d5: {  	(xrf0) =	vmax.scan.msk.u32 $0xffff, v11  }
0x2d6: {  	(xrf0) =	vadd.scan.msk.s32 $0xffff, v8;
	_ =	sdelay $0x3  }
0x2d7: {  	v12 =	vld [tilespmem:s17+$0x10];
	v11, _, _ =	vpop (xrf0)  }
0x2d8: {  	(v2sf) =	vpush v11, $0xF;
	v11, _, _ =	vpop (xrf0)  }
0x2d9: {  	(v2sf) =	vpush v11, $0xF;
	v11, _, _ =	vpop (xrf0)  }
0x2da: {  	v13 =	vxor.u32 $0x80000000, v11  }
0x2db: {  	(xrf0) =	vmax.scan.msk.u32 $0xffff, v13  }
0x2dc: {  	(xrf0) =	vadd.scan.msk.s32 $0xffff, v12;
	_ =	sdelay $0x3  }
0x2dd: {  	v6 =	vsub.s32 s12, v6  }
0x2de: {  	v6 =	vadd.s32 v9, v6;
	v9, _, _ =	vpop (xrf0)  }
0x2df: {  	(v2sf) =	vpush v9, $0xF;
	v9, _, _ =	vpop (xrf0)  }
0x2e0: {  	s0 =	simm.s32 $0x5760;
	[tilespmem:s17+$0xFFFFFFE0] =	vst v6;
	v61 =	vxor.u32 $0x80000000, v9  }
0x2e1: {  	v6 =	vld [tilespmem:s0+$0xFFFFFFE0];
	(xrf0) =	vmax.scan.msk.u32 $0xffff, v61;
	_ =	sdelay $0x1  }
0x2e2: {  	v14 =	vld [tilespmem:s0+$0xFFFFFFF0];
	_ =	sdelay $0x1  }
0x2e3: {  	s1 =	spop (v2sf)  }
0x2e4: {  	s1 =	sadd.s32 $0x0, s1;
	(xrf0) =	vadd.scan.msk.s32 $0xffff, v6  }
0x2e5: {  	v7 =	vsub.s32 v10, v7;
	s1 =	sadd.s32 $0x80000000, s1;
	s7 =	spop (v2sf);
	v10, _, _ =	vpop (xrf0)  }
0x2e6: {  	(xrf0) =	vadd.scan.msk.s32 $0xffff, v14;
	s7 =	sadd.s32 s7, s1;
	(v2sf) =	vpush v10, $0xF  }
0x2e7: {  	v8 =	vsub.s32 v11, v8;
	v7 =	vadd.s32 s1, v7;
	s9 =	sadd.s32 $0x80000000, s7  }
0x2e8: {  	[tilespmem:s17+$0xFFFFFFF0] =	vst v7;
	v7 =	vadd.s32 s9, v8  }
0x2e9: {  	[tilespmem:s17+$0x0] =	vst v7  }
0x2ea: {  	v8, _, _ =	vpop (xrf0);
	v11 =	vld [tilespmem:s0+$0x0]  }
0x2eb: {  	v7 =	vxor.u32 $0x80000000, v8  }
0x2ec: {  	v62, _, _ =	vpop (xrf0);
	(xrf0) =	vmax.scan.msk.u32 $0xffff, v7;
	s10 =	spop (v2sf)  }
0x2ed: {  	v7 =	vxor.u32 $0x80000000, v62;
	s1 =	sadd.s32 s10, s9  }
0x2ee: {  	(xrf0) =	vmax.scan.msk.u32 $0xffff, v7;
	v7 =	vsub.s32 v9, v12;
	s1 =	sadd.s32 $0x80000000, s1  }
0x2ef: {  	(xrf0) =	vadd.scan.msk.s32 $0xffff, v11;
	v7 =	vadd.s32 s1, v7;
	_ =	sdelay $0x2  }
0x2f0: {  	[tilespmem:s17+$0x10] =	vst v7;
	v7, _, _ =	vpop (xrf0)  }
0x2f1: {  	v10 =	vld [tilespmem:s0+$0x10];
	(v2sf) =	vpush v7, $0xF  }
0x2f2: {  	v9, _, _ =	vpop (xrf0)  }
0x2f3: {  	v63, _, _ =	vpop (xrf0);
	s9 =	spop (v2sf);
	(v2sf) =	vpush v9, $0xF  }
0x2f4: {  	v15 =	vxor.u32 $0x80000000, v63  }
0x2f5: {  	(xrf0) =	vmax.scan.msk.u32 $0xffff, v15  }
0x2f6: {  	s30 =	simm.s32 $0x5760;
	s7 =	simm.s32 $0x4;
	v7 =	vsub.s32 v62, v14;
	v9 =	vsub.s32 v63, v11;
	s1 =	sadd.s32 s9, s1;
	(xrf0) =	vadd.scan.msk.s32 $0xffff, v10  }
.LBB2_27:
0x2f7: {  	s7 =	sadd.s32 $0x4, s7;
	s1 =	sadd.s32 $0x80000000, s1;
	s9 =	simm.s32 $0xDF20  }
0x2f8: {  	p1 =	slt.u32 s7, $0x7C;
	v6 =	vsub.s32 s1, v6  }
0x2f9: {  	v6 =	vadd.s32 v8, v6  }
0x2fa: {  	[tilespmem:s0+$0xFFFFFFE0] =	vst v6  }
0x2fb: {  	s0 =	sadd.s32 $0x40, s0;
	v8, _, _ =	vpop (xrf0)  }
0x2fc: {  	v6 =	vld [tilespmem:s0+$0xFFFFFFE0];
	(v2sf) =	vpush v8, $0xF;
	v8, _, _ =	vpop (xrf0)  }
0x2fd: {  	v10 =	vsub.s32 v8, v10;
	v8 =	vxor.u32 $0x80000000, v8  }
0x2fe: {  	v11 =	vld [tilespmem:s0+$0xFFFFFFF0];
	(xrf0) =	vmax.scan.msk.u32 $0xffff, v8;
	_ =	sdelay $0x1  }
0x2ff: {  	s10 =	spop (v2sf)  }
0x300: {  	(xrf0) =	vadd.scan.msk.s32 $0xffff, v6;
	s1 =	sadd.s32 s10, s1  }
0x301: {  	s1 =	sadd.s32 $0x80000000, s1;
	s10 =	spop (v2sf)  }
0x302: {  	(xrf0) =	vadd.scan.msk.s32 $0xffff, v11;
	v8 =	vadd.s32 s1, v7;
	s1 =	sadd.s32 s10, s1  }
0x303: {  	[tilespmem:s30+$0xFFFFFFF0] =	vst v8;
	s1 =	sadd.s32 $0x80000000, s1;
	v7, _, _ =	vpop (xrf0)  }
0x304: {  	v12 =	vadd.s32 s1, v9;
	(v2sf) =	vpush v7, $0xF  }
0x305: {  	[tilespmem:s30+$0x0] =	vst v12  }
0x306: {  	v9 =	vld [tilespmem:s0+$0x0];
	v8, _, _ =	vpop (xrf0)  }
0x307: {  	v7 =	vxor.u32 $0x80000000, v8  }
0x308: {  	(xrf0) =	vmax.scan.msk.u32 $0xffff, v7;
	v12, _, _ =	vpop (xrf0)  }
0x309: {  	v7 =	vsub.s32 v12, v11;
	v11 =	vxor.u32 $0x80000000, v12  }
0x30a: {  	(xrf0) =	vmax.scan.msk.u32 $0xffff, v11;
	s10 =	spop (v2sf)  }
0x30b: {  	(xrf0) =	vadd.scan.msk.s32 $0xffff, v9;
	s1 =	sadd.s32 s10, s1  }
0x30c: {  	s1 =	sadd.s32 $0x80000000, s1  }
0x30d: {  	v10 =	vadd.s32 s1, v10  }
0x30e: {  	v11, _, _ =	vpop (xrf0);
	[tilespmem:s30+$0x10] =	vst v10;
	s30 =	smov.u32 s0  }
0x30f: {  	v10 =	vld [tilespmem:s0+$0x10];
	(v2sf) =	vpush v11, $0xF  }
.Ltmp12:
0x310: {  	v11, _, _ =	vpop (xrf0);
	(pc) =	sbr.rel @p1 .LBB2_27-.Ltmp12, $4  }
0x311: {  	(v2sf) =	vpush v11, $0xF;
	v11, _, _ =	vpop (xrf0)  }
0x312: {  	v9 =	vsub.s32 v11, v9;
	v11 =	vxor.u32 $0x80000000, v11  }
0x313: {  	(xrf0) =	vmax.scan.msk.u32 $0xffff, v11;
	s10 =	spop (v2sf)  }
0x314: {  	(xrf0) =	vadd.scan.msk.s32 $0xffff, v10;
	s1 =	sadd.s32 s10, s1  }
0x315: {  	_ =	sdelay $0x3  }
0x316: {  	v11, _, _ =	vpop (xrf0)  }
0x317: {  	v12, _, _ =	vpop (xrf0)  }
0x318: {  	v13 =	vxor.u32 $0x80000000, v12  }
0x319: {  	(xrf0) =	vmax.scan.msk.u32 $0xffff, v13;
	_ =	sdelay $0x2  }
0x31a: {  	(v2sf) =	vpush v11, $0xF;
	_ =	sdelay $0x2  }
0x31b: {  	v63, _, _ =	vpop (xrf0)  }
0x31c: {  	(v2sf) =	vpush v63, $0xF;
	_ =	sdelay $0x6  }
0x31d: {  	s1 =	sadd.s32 $0x80000000, s1;
	s7 =	spop (v2sf)  }
0x31e: {  	s7 =	sadd.s32 s7, s1  }
0x31f: {  	s7 =	sadd.s32 $0x80000000, s7;
	s10 =	spop (v2sf)  }
0x320: {  	v6 =	vsub.s32 s1, v6;
	s10 =	sadd.s32 s10, s7  }
0x321: {  	v6 =	vadd.s32 v8, v6;
	s1 =	sadd.s32 $0x80000000, s10;
	s17 =	spop (v2sf)  }
0x322: {  	[tilespmem:s0+$0xFFFFFFE0] =	vst v6;
	v6 =	vadd.s32 s7, v7;
	s17 =	sadd.s32 s17, s1  }
0x323: {  	v7 =	vsub.s32 v12, v10;
	[tilespmem:s30+$0xFFFFFFF0] =	vst v6;
	v6 =	vadd.s32 s1, v9;
	s0 =	sadd.s32 $0x80000000, s17  }
0x324: {  	[tilespmem:s30+$0x0] =	vst v6;
	v6 =	vadd.s32 s0, v7  }
0x325: {  	s7 =	simm.s32 $0x11F20;
	[tilespmem:s30+$0x10] =	vst v6;
	s30 =	spop (v2sf)  }
.LBB2_29:
0x326: {  	v6 =	vld [tilespmem:s9+$0xFFFFFFE0];
	_ =	sdelay $0x4  }
0x327: {  	v7 =	vor.u32 s12, v1;
	v8 =	vshrl.u32 v6, $0xB  }
0x328: {  	vm0 =	vlt.s32 v7, v5;
	v7 =	vand.u32 $0x7FF, v8  }
0x329: {  	(xrf1) =	vunique.msk.u32 vm0, v7;
	_ =	sdelay $0xa  }
0x32a: {  	v8 =	vld.idx.msk [tilespmem:v7+s24+$0x0], $0xffff;
	_ =	sdelay $0x2  }
0x32b: {  	_, v9, vm1 =	vpop (xrf1)  }
0x32c: {  	v9 =	vsub.s32 v9, v2  }
0x32d: {  	v8 =	vadd.s32 v8, v9  }
0x32e: {  	v10 =	vld [tilespmem:s7+$0xFFFFFFE0];
	_ =	sdelay $0x3  }
0x32f: {  	[tilespmem:v8+s22+$0x0] =	vst.idx.msk vm0, v6  }
0x330: {  	v6 =	vadd.s32 $0x1, v9;
	[tilespmem:v8+s23+$0x0] =	vst.idx.msk vm0, v10  }
0x331: {  	[tilespmem:v7+s24+$0x0] =	vst.idx.add.s32.msk vm1, v6  }
0x332: {  	v6 =	vld [tilespmem:s9+$0xFFFFFFF0];
	_ =	sdelay $0x3  }
0x333: {  	s0 =	sadd.s32 $0x10, s12  }
0x334: {  	v7 =	vor.u32 s0, v1;
	v58 =	vshrl.u32 v6, $0xB  }
0x335: {  	vm10 =	vlt.s32 v7, v5;
	v7 =	vand.u32 $0x7FF, v58  }
0x336: {  	(xrf1) =	vunique.msk.u32 vm10, v7;
	_ =	sdelay $0xa  }
0x337: {  	v8 =	vld.idx.msk [tilespmem:v7+s24+$0x0], $0xffff;
	_ =	sdelay $0x2  }
0x338: {  	_, v59, vm11 =	vpop (xrf1)  }
0x339: {  	v9 =	vsub.s32 v59, v2  }
0x33a: {  	v8 =	vadd.s32 v8, v9  }
0x33b: {  	v10 =	vld [tilespmem:s7+$0xFFFFFFF0];
	_ =	sdelay $0x3  }
0x33c: {  	[tilespmem:v8+s22+$0x0] =	vst.idx.msk vm10, v6  }
0x33d: {  	v6 =	vadd.s32 $0x1, v9;
	[tilespmem:v8+s23+$0x0] =	vst.idx.msk vm10, v10  }
0x33e: {  	[tilespmem:v7+s24+$0x0] =	vst.idx.add.s32.msk vm11, v6  }
0x33f: {  	v6 =	vld [tilespmem:s9+$0x0];
	_ =	sdelay $0x3  }
0x340: {  	s17 =	sadd.s32 $0x20, s12  }
0x341: {  	v7 =	vor.u32 s17, v1;
	v60 =	vshrl.u32 v6, $0xB  }
0x342: {  	vm12 =	vlt.s32 v7, v5;
	v7 =	vand.u32 $0x7FF, v60  }
0x343: {  	(xrf1) =	vunique.msk.u32 vm12, v7;
	_ =	sdelay $0xa  }
0x344: {  	v8 =	vld.idx.msk [tilespmem:v7+s24+$0x0], $0xffff;
	_ =	sdelay $0x2  }
0x345: {  	_, v61, vm13 =	vpop (xrf1)  }
0x346: {  	v9 =	vsub.s32 v61, v2  }
0x347: {  	v8 =	vadd.s32 v8, v9  }
0x348: {  	v10 =	vld [tilespmem:s7+$0x0];
	_ =	sdelay $0x3  }
0x349: {  	[tilespmem:v8+s22+$0x0] =	vst.idx.msk vm12, v6  }
0x34a: {  	v6 =	vadd.s32 $0x1, v9;
	[tilespmem:v8+s23+$0x0] =	vst.idx.msk vm12, v10  }
0x34b: {  	[tilespmem:v7+s24+$0x0] =	vst.idx.add.s32.msk vm13, v6  }
0x34c: {  	v6 =	vld [tilespmem:s9+$0x10];
	_ =	sdelay $0x3  }
0x34d: {  	s30 =	sadd.s32 $0x30, s12  }
0x34e: {  	v7 =	vor.u32 s30, v1;
	v62 =	vshrl.u32 v6, $0xB  }
0x34f: {  	vm14 =	vlt.s32 v7, v5;
	v7 =	vand.u32 $0x7FF, v62  }
0x350: {  	(xrf1) =	vunique.msk.u32 vm14, v7;
	_ =	sdelay $0xa  }
0x351: {  	v8 =	vld.idx.msk [tilespmem:v7+s24+$0x0], $0xffff;
	_ =	sdelay $0x2  }
0x352: {  	_, v63, vm15 =	vpop (xrf1)  }
0x353: {  	v9 =	vsub.s32 v63, v2  }
0x354: {  	v8 =	vadd.s32 v8, v9  }
0x355: {  	s16 =	sadd.s32 $0x4, s16;
	v10 =	vld [tilespmem:s7+$0x10]  }
0x356: {  	p1 =	slt.u32 s16, $0x3FC  }
.Ltmp13:
0x357: {  	_ = 	snop;
	(pc) =	sbr.rel @p1 .LBB2_29-.Ltmp13, $4  }
0x358: {  	_ = 	snop  }
0x359: {  	[tilespmem:v8+s22+$0x0] =	vst.idx.msk vm14, v6  }
0x35a: {  	s12 =	sadd.s32 $0x40, s12;
	s1 =	simm.s32 $0x5740;
	v6 =	vadd.s32 $0x1, v9;
	[tilespmem:v8+s23+$0x0] =	vst.idx.msk vm14, v10  }
0x35b: {  	s0 =	simm.s32 $0xFFFFFFF8;
	s9 =	sadd.s32 $0x40, s9;
	s7 =	sadd.s32 $0x40, s7;
	[tilespmem:v7+s24+$0x0] =	vst.idx.add.s32.msk vm15, v6  }
0x35c: {  	[tilespmem:s1+$0xFFFFFFC0] =	vst v0  }
0x35d: {  	[tilespmem:s1+$0x30] =	vst v0  }
0x35e: {  	[tilespmem:s1+$0x20] =	vst v0  }
0x35f: {  	[tilespmem:s1+$0x10] =	vst v0  }
0x360: {  	[tilespmem:s1+$0x0] =	vst v0  }
0x361: {  	[tilespmem:s1+$0xFFFFFFF0] =	vst v0  }
0x362: {  	s9 =	sadd.s32 $0x8, s0;
	[tilespmem:s1+$0xFFFFFFE0] =	vst v0  }
.LBB2_31:
0x363: {  	s9 =	sadd.s32 $0x8, s9;
	[tilespmem:s1+$0xFFFFFFD0] =	vst v0;
	s1 =	sadd.s32 $0x80, s1  }
0x364: {  	[tilespmem:s1+$0xFFFFFFC0] =	vst v0;
	p1 =	slt.u32 s9, $0x78  }
0x365: {  	[tilespmem:s1+$0x30] =	vst v0  }
.Ltmp14:
0x366: {  	[tilespmem:s1+$0x20] =	vst v0;
	(pc) =	sbr.rel @p1 .LBB2_31-.Ltmp14, $4  }
0x367: {  	[tilespmem:s1+$0x10] =	vst v0  }
0x368: {  	[tilespmem:s1+$0x0] =	vst v0  }
0x369: {  	[tilespmem:s1+$0xFFFFFFF0] =	vst v0  }
0x36a: {  	s7 =	simm.s32 $0x5F40;
	[tilespmem:s1+$0xFFFFFFE0] =	vst v0  }
0x36b: {  	[tilespmem:s1+$0xFFFFFFD0] =	vst v0;
	s16 =	simm.s32 $0x70  }
.LBB2_33:
0x36c: {  	v6 =	vld [tilespmem:s7+$0xFFFFFFC0];
	_ =	sdelay $0x2  }
0x36d: {  	s1 =	sadd.s32 $0xFFFFFF90, s16  }
0x36e: {  	v7 =	vor.u32 s1, v1  }
0x36f: {  	vm0 =	vlt.s32 v7, v5;
	v6 =	vshrl.u32 v6, $0x16  }
0x370: {  	(xrf1) =	vunique.msk.u32 vm0, v6;
	_ =	sdelay $0xd  }
0x371: {  	_, v7, vm0 =	vpop (xrf1);
	_ =	sdelay $0x4  }
0x372: {  	v7 =	vadd.s32 v3, v7  }
0x373: {  	[tilespmem:v6+s24+$0x0] =	vst.idx.add.s32.msk vm0, v7  }
0x374: {  	v6 =	vld [tilespmem:s7+$0xFFFFFFD0];
	_ =	sdelay $0x2  }
0x375: {  	s30 =	sadd.s32 $0xFFFFFFA0, s16  }
0x376: {  	v7 =	vor.u32 s30, v1  }
0x377: {  	vm9 =	vlt.s32 v7, v5;
	v6 =	vshrl.u32 v6, $0x16  }
0x378: {  	(xrf1) =	vunique.msk.u32 vm9, v6;
	_ =	sdelay $0xd  }
0x379: {  	_, v7, vm0 =	vpop (xrf1);
	_ =	sdelay $0x4  }
0x37a: {  	v7 =	vadd.s32 v3, v7  }
0x37b: {  	[tilespmem:v6+s24+$0x0] =	vst.idx.add.s32.msk vm0, v7  }
0x37c: {  	v6 =	vld [tilespmem:s7+$0xFFFFFFE0];
	_ =	sdelay $0x2  }
0x37d: {  	s9 =	sadd.s32 $0xFFFFFFB0, s16  }
0x37e: {  	v7 =	vor.u32 s9, v1  }
0x37f: {  	vm10 =	vlt.s32 v7, v5;
	v6 =	vshrl.u32 v6, $0x16  }
0x380: {  	(xrf1) =	vunique.msk.u32 vm10, v6;
	_ =	sdelay $0xd  }
0x381: {  	_, v7, vm0 =	vpop (xrf1);
	_ =	sdelay $0x4  }
0x382: {  	v7 =	vadd.s32 v3, v7  }
0x383: {  	[tilespmem:v6+s24+$0x0] =	vst.idx.add.s32.msk vm0, v7  }
0x384: {  	v6 =	vld [tilespmem:s7+$0xFFFFFFF0];
	_ =	sdelay $0x2  }
0x385: {  	s10 =	sadd.s32 $0xFFFFFFC0, s16  }
0x386: {  	v7 =	vor.u32 s10, v1  }
0x387: {  	vm11 =	vlt.s32 v7, v5;
	v6 =	vshrl.u32 v6, $0x16  }
0x388: {  	(xrf1) =	vunique.msk.u32 vm11, v6;
	_ =	sdelay $0xd  }
0x389: {  	_, v7, vm0 =	vpop (xrf1);
	_ =	sdelay $0x4  }
0x38a: {  	v7 =	vadd.s32 v3, v7  }
0x38b: {  	[tilespmem:v6+s24+$0x0] =	vst.idx.add.s32.msk vm0, v7  }
0x38c: {  	v6 =	vld [tilespmem:s7+$0x0];
	_ =	sdelay $0x2  }
0x38d: {  	s12 =	sadd.s32 $0xFFFFFFD0, s16  }
0x38e: {  	v7 =	vor.u32 s12, v1  }
0x38f: {  	vm12 =	vlt.s32 v7, v5;
	v6 =	vshrl.u32 v6, $0x16  }
0x390: {  	(xrf1) =	vunique.msk.u32 vm12, v6;
	_ =	sdelay $0xd  }
0x391: {  	_, v7, vm0 =	vpop (xrf1);
	_ =	sdelay $0x4  }
0x392: {  	v7 =	vadd.s32 v3, v7  }
0x393: {  	[tilespmem:v6+s24+$0x0] =	vst.idx.add.s32.msk vm0, v7  }
0x394: {  	v6 =	vld [tilespmem:s7+$0x10];
	_ =	sdelay $0x2  }
0x395: {  	s17 =	sadd.s32 $0xFFFFFFE0, s16  }
0x396: {  	v7 =	vor.u32 s17, v1  }
0x397: {  	vm13 =	vlt.s32 v7, v5;
	v6 =	vshrl.u32 v6, $0x16  }
0x398: {  	(xrf1) =	vunique.msk.u32 vm13, v6;
	_ =	sdelay $0xd  }
0x399: {  	_, v7, vm0 =	vpop (xrf1);
	_ =	sdelay $0x4  }
0x39a: {  	v7 =	vadd.s32 v3, v7  }
0x39b: {  	[tilespmem:v6+s24+$0x0] =	vst.idx.add.s32.msk vm0, v7  }
0x39c: {  	v6 =	vld [tilespmem:s7+$0x20];
	_ =	sdelay $0x2  }
0x39d: {  	s30 =	sadd.s32 $0xFFFFFFF0, s16  }
0x39e: {  	v7 =	vor.u32 s30, v1  }
0x39f: {  	vm14 =	vlt.s32 v7, v5;
	v6 =	vshrl.u32 v6, $0x16  }
0x3a0: {  	(xrf1) =	vunique.msk.u32 vm14, v6;
	_ =	sdelay $0xd  }
0x3a1: {  	_, v7, vm0 =	vpop (xrf1);
	_ =	sdelay $0x4  }
0x3a2: {  	v7 =	vadd.s32 v3, v7  }
0x3a3: {  	[tilespmem:v6+s24+$0x0] =	vst.idx.add.s32.msk vm0, v7  }
0x3a4: {  	v6 =	vld [tilespmem:s7+$0x30];
	_ =	sdelay $0x3  }
0x3a5: {  	v7 =	vor.u32 s16, v1  }
0x3a6: {  	vm15 =	vlt.s32 v7, v5;
	v6 =	vshrl.u32 v6, $0x16  }
0x3a7: {  	(xrf1) =	vunique.msk.u32 vm15, v6;
	_ =	sdelay $0xd  }
0x3a8: {  	s0 =	sadd.s32 $0x8, s0;
	_, v7, vm0 =	vpop (xrf1)  }
0x3a9: {  	p1 =	slt.u32 s0, $0x3F8  }
.Ltmp15:
0x3aa: {  	_ = 	snop;
	(pc) =	sbr.rel @p1 .LBB2_33-.Ltmp15, $3  }
0x3ab: {  	_ =	sdelay $0x1  }
0x3ac: {  	s9 =	simm.s32 $0x0;
	s12 =	simm.s32 $0xFFFFFFFC;
	v7 =	vadd.s32 v3, v7  }
0x3ad: {  	s17 =	simm.s32 $0x5720;
	s16 =	sadd.s32 $0x80, s16;
	s7 =	sadd.s32 $0x80, s7;
	[tilespmem:v6+s24+$0x0] =	vst.idx.add.s32.msk vm0, v7  }
0x3ae: {  	v6 =	vld [tilespmem:s17+$0xFFFFFFE0];
	_ =	sdelay $0x3  }
0x3af: {  	v7 =	vld [tilespmem:s17+$0xFFFFFFF0]  }
0x3b0: {  	(xrf0) =	vadd.scan.msk.s32 $0xffff, v6;
	_ =	sdelay $0x3  }
0x3b1: {  	(xrf0) =	vadd.scan.msk.s32 $0xffff, v7;
	_ =	sdelay $0x1  }
0x3b2: {  	v9, _, _ =	vpop (xrf0)  }
0x3b3: {  	v10 =	vxor.u32 $0x80000000, v9  }
0x3b4: {  	v8 =	vld [tilespmem:s17+$0x0];
	_ =	sdelay $0x1  }
0x3b5: {  	(xrf0) =	vmax.scan.msk.u32 $0xffff, v10;
	v10, _, _ =	vpop (xrf0)  }
0x3b6: {  	v11 =	vxor.u32 $0x80000000, v10  }
0x3b7: {  	(xrf0) =	vmax.scan.msk.u32 $0xffff, v11  }
0x3b8: {  	(xrf0) =	vadd.scan.msk.s32 $0xffff, v8;
	_ =	sdelay $0x3  }
0x3b9: {  	v12 =	vld [tilespmem:s17+$0x10];
	v11, _, _ =	vpop (xrf0)  }
0x3ba: {  	(v2sf) =	vpush v11, $0xF;
	v11, _, _ =	vpop (xrf0)  }
0x3bb: {  	(v2sf) =	vpush v11, $0xF;
	v11, _, _ =	vpop (xrf0)  }
0x3bc: {  	v13 =	vxor.u32 $0x80000000, v11  }
0x3bd: {  	(xrf0) =	vmax.scan.msk.u32 $0xffff, v13  }
0x3be: {  	(xrf0) =	vadd.scan.msk.s32 $0xffff, v12;
	_ =	sdelay $0x3  }
0x3bf: {  	v6 =	vsub.s32 s9, v6  }
0x3c0: {  	v6 =	vadd.s32 v9, v6;
	v9, _, _ =	vpop (xrf0)  }
0x3c1: {  	(v2sf) =	vpush v9, $0xF;
	v9, _, _ =	vpop (xrf0)  }
0x3c2: {  	s0 =	simm.s32 $0x5760;
	[tilespmem:s17+$0xFFFFFFE0] =	vst v6;
	v61 =	vxor.u32 $0x80000000, v9  }
0x3c3: {  	v6 =	vld [tilespmem:s0+$0xFFFFFFE0];
	(xrf0) =	vmax.scan.msk.u32 $0xffff, v61;
	_ =	sdelay $0x1  }
0x3c4: {  	v14 =	vld [tilespmem:s0+$0xFFFFFFF0];
	_ =	sdelay $0x1  }
0x3c5: {  	s1 =	spop (v2sf)  }
0x3c6: {  	s1 =	sadd.s32 $0x0, s1;
	(xrf0) =	vadd.scan.msk.s32 $0xffff, v6  }
0x3c7: {  	v7 =	vsub.s32 v10, v7;
	s1 =	sadd.s32 $0x80000000, s1;
	s7 =	spop (v2sf);
	v10, _, _ =	vpop (xrf0)  }
0x3c8: {  	(xrf0) =	vadd.scan.msk.s32 $0xffff, v14;
	s7 =	sadd.s32 s7, s1;
	(v2sf) =	vpush v10, $0xF  }
0x3c9: {  	v8 =	vsub.s32 v11, v8;
	v7 =	vadd.s32 s1, v7;
	s16 =	sadd.s32 $0x80000000, s7  }
0x3ca: {  	[tilespmem:s17+$0xFFFFFFF0] =	vst v7;
	v7 =	vadd.s32 s16, v8  }
0x3cb: {  	[tilespmem:s17+$0x0] =	vst v7  }
0x3cc: {  	v8, _, _ =	vpop (xrf0);
	v11 =	vld [tilespmem:s0+$0x0]  }
0x3cd: {  	v7 =	vxor.u32 $0x80000000, v8  }
0x3ce: {  	v62, _, _ =	vpop (xrf0);
	(xrf0) =	vmax.scan.msk.u32 $0xffff, v7;
	s30 =	spop (v2sf)  }
0x3cf: {  	v7 =	vxor.u32 $0x80000000, v62;
	s1 =	sadd.s32 s30, s16  }
0x3d0: {  	(xrf0) =	vmax.scan.msk.u32 $0xffff, v7;
	v7 =	vsub.s32 v9, v12;
	s1 =	sadd.s32 $0x80000000, s1  }
0x3d1: {  	(xrf0) =	vadd.scan.msk.s32 $0xffff, v11;
	v7 =	vadd.s32 s1, v7;
	_ =	sdelay $0x2  }
0x3d2: {  	[tilespmem:s17+$0x10] =	vst v7;
	v7, _, _ =	vpop (xrf0)  }
0x3d3: {  	v10 =	vld [tilespmem:s0+$0x10];
	(v2sf) =	vpush v7, $0xF  }
0x3d4: {  	v9, _, _ =	vpop (xrf0)  }
0x3d5: {  	v63, _, _ =	vpop (xrf0);
	s10 =	spop (v2sf);
	(v2sf) =	vpush v9, $0xF  }
0x3d6: {  	v15 =	vxor.u32 $0x80000000, v63  }
0x3d7: {  	(xrf0) =	vmax.scan.msk.u32 $0xffff, v15  }
0x3d8: {  	s7 =	simm.s32 $0x4;
	s16 =	simm.s32 $0x5760;
	v7 =	vsub.s32 v62, v14;
	v9 =	vsub.s32 v63, v11;
	s1 =	sadd.s32 s10, s1;
	(xrf0) =	vadd.scan.msk.s32 $0xffff, v10  }
.LBB2_35:
0x3d9: {  	s7 =	sadd.s32 $0x4, s7;
	s1 =	sadd.s32 $0x80000000, s1  }
0x3da: {  	p1 =	slt.u32 s7, $0x7C;
	v6 =	vsub.s32 s1, v6  }
0x3db: {  	v6 =	vadd.s32 v8, v6  }
0x3dc: {  	[tilespmem:s0+$0xFFFFFFE0] =	vst v6  }
0x3dd: {  	s0 =	sadd.s32 $0x40, s0;
	v8, _, _ =	vpop (xrf0)  }
0x3de: {  	v6 =	vld [tilespmem:s0+$0xFFFFFFE0];
	(v2sf) =	vpush v8, $0xF;
	v8, _, _ =	vpop (xrf0)  }
0x3df: {  	v10 =	vsub.s32 v8, v10;
	v8 =	vxor.u32 $0x80000000, v8  }
0x3e0: {  	v11 =	vld [tilespmem:s0+$0xFFFFFFF0];
	(xrf0) =	vmax.scan.msk.u32 $0xffff, v8;
	_ =	sdelay $0x1  }
0x3e1: {  	s10 =	spop (v2sf)  }
0x3e2: {  	(xrf0) =	vadd.scan.msk.s32 $0xffff, v6;
	s1 =	sadd.s32 s10, s1  }
0x3e3: {  	s1 =	sadd.s32 $0x80000000, s1;
	s10 =	spop (v2sf)  }
0x3e4: {  	(xrf0) =	vadd.scan.msk.s32 $0xffff, v11;
	v8 =	vadd.s32 s1, v7;
	s1 =	sadd.s32 s10, s1  }
0x3e5: {  	[tilespmem:s16+$0xFFFFFFF0] =	vst v8;
	s1 =	sadd.s32 $0x80000000, s1;
	v7, _, _ =	vpop (xrf0)  }
0x3e6: {  	v12 =	vadd.s32 s1, v9;
	(v2sf) =	vpush v7, $0xF  }
0x3e7: {  	[tilespmem:s16+$0x0] =	vst v12  }
0x3e8: {  	v9 =	vld [tilespmem:s0+$0x0];
	v8, _, _ =	vpop (xrf0)  }
0x3e9: {  	v7 =	vxor.u32 $0x80000000, v8  }
0x3ea: {  	(xrf0) =	vmax.scan.msk.u32 $0xffff, v7;
	v12, _, _ =	vpop (xrf0)  }
0x3eb: {  	v7 =	vsub.s32 v12, v11;
	v11 =	vxor.u32 $0x80000000, v12  }
0x3ec: {  	(xrf0) =	vmax.scan.msk.u32 $0xffff, v11;
	s10 =	spop (v2sf)  }
0x3ed: {  	(xrf0) =	vadd.scan.msk.s32 $0xffff, v9;
	s1 =	sadd.s32 s10, s1  }
0x3ee: {  	s1 =	sadd.s32 $0x80000000, s1  }
0x3ef: {  	v10 =	vadd.s32 s1, v10  }
0x3f0: {  	v11, _, _ =	vpop (xrf0);
	[tilespmem:s16+$0x10] =	vst v10;
	s16 =	smov.u32 s0  }
0x3f1: {  	v10 =	vld [tilespmem:s0+$0x10];
	(v2sf) =	vpush v11, $0xF  }
.Ltmp16:
0x3f2: {  	v11, _, _ =	vpop (xrf0);
	(pc) =	sbr.rel @p1 .LBB2_35-.Ltmp16, $4  }
0x3f3: {  	(v2sf) =	vpush v11, $0xF;
	v11, _, _ =	vpop (xrf0)  }
0x3f4: {  	v9 =	vsub.s32 v11, v9;
	v11 =	vxor.u32 $0x80000000, v11  }
0x3f5: {  	(xrf0) =	vmax.scan.msk.u32 $0xffff, v11;
	s10 =	spop (v2sf)  }
0x3f6: {  	(xrf0) =	vadd.scan.msk.s32 $0xffff, v10;
	s1 =	sadd.s32 s10, s1  }
0x3f7: {  	_ =	sdelay $0x3  }
0x3f8: {  	v11, _, _ =	vpop (xrf0)  }
0x3f9: {  	v12, _, _ =	vpop (xrf0)  }
0x3fa: {  	v13 =	vxor.u32 $0x80000000, v12  }
0x3fb: {  	(xrf0) =	vmax.scan.msk.u32 $0xffff, v13;
	_ =	sdelay $0x2  }
0x3fc: {  	(v2sf) =	vpush v11, $0xF;
	_ =	sdelay $0x2  }
0x3fd: {  	v63, _, _ =	vpop (xrf0)  }
0x3fe: {  	(v2sf) =	vpush v63, $0xF;
	_ =	sdelay $0x6  }
0x3ff: {  	s1 =	sadd.s32 $0x80000000, s1;
	s7 =	spop (v2sf)  }
0x400: {  	s7 =	sadd.s32 s7, s1  }
0x401: {  	s7 =	sadd.s32 $0x80000000, s7;
	s10 =	spop (v2sf)  }
0x402: {  	v6 =	vsub.s32 s1, v6;
	s17 =	sadd.s32 s10, s7  }
0x403: {  	v6 =	vadd.s32 v8, v6;
	s1 =	sadd.s32 $0x80000000, s17;
	s30 =	spop (v2sf)  }
0x404: {  	[tilespmem:s0+$0xFFFFFFE0] =	vst v6;
	v6 =	vadd.s32 s7, v7;
	s17 =	sadd.s32 s30, s1  }
0x405: {  	v7 =	vsub.s32 v12, v10;
	[tilespmem:s16+$0xFFFFFFF0] =	vst v6;
	v6 =	vadd.s32 s1, v9;
	s0 =	sadd.s32 $0x80000000, s17  }
0x406: {  	s7 =	simm.s32 $0x5F20;
	[tilespmem:s16+$0x0] =	vst v6;
	v6 =	vadd.s32 s0, v7  }
0x407: {  	s17 =	rddreg [dreg:$0x4];
	s0 =	simm.s32 $0x9F20;
	[tilespmem:s16+$0x10] =	vst v6;
	s30 =	spop (v2sf)  }
.LBB2_37:
0x408: {  	v6 =	vld [tilespmem:s7+$0xFFFFFFE0];
	_ =	sdelay $0x3  }
0x409: {  	v7 =	vor.u32 s9, v1  }
0x40a: {  	vm0 =	vlt.s32 v7, v5;
	v7 =	vshrl.u32 v6, $0x16  }
0x40b: {  	(xrf1) =	vunique.msk.u32 vm0, v7;
	_ =	sdelay $0xa  }
0x40c: {  	v8 =	vld.idx.msk [tilespmem:v7+s24+$0x0], $0xffff;
	_ =	sdelay $0x2  }
0x40d: {  	_, v9, vm1 =	vpop (xrf1)  }
0x40e: {  	v9 =	vsub.s32 v9, v2  }
0x40f: {  	v8 =	vadd.s32 v8, v9  }
0x410: {  	v10 =	vld [tilespmem:s0+$0xFFFFFFE0];
	_ =	sdelay $0x3  }
0x411: {  	[tilespmem:v8+s25+$0x0] =	vst.idx.msk vm0, v6  }
0x412: {  	v6 =	vadd.s32 $0x1, v9;
	[tilespmem:v8+s26+$0x0] =	vst.idx.msk vm0, v10  }
0x413: {  	[tilespmem:v7+s24+$0x0] =	vst.idx.add.s32.msk vm1, v6  }
0x414: {  	v6 =	vld [tilespmem:s7+$0xFFFFFFF0];
	_ =	sdelay $0x2  }
0x415: {  	s1 =	sadd.s32 $0x10, s9  }
0x416: {  	v7 =	vor.u32 s1, v1  }
0x417: {  	vm10 =	vlt.s32 v7, v5;
	v7 =	vshrl.u32 v6, $0x16  }
0x418: {  	(xrf1) =	vunique.msk.u32 vm10, v7;
	_ =	sdelay $0xa  }
0x419: {  	v8 =	vld.idx.msk [tilespmem:v7+s24+$0x0], $0xffff;
	_ =	sdelay $0x2  }
0x41a: {  	_, v61, vm11 =	vpop (xrf1)  }
0x41b: {  	v9 =	vsub.s32 v61, v2  }
0x41c: {  	v8 =	vadd.s32 v8, v9  }
0x41d: {  	v10 =	vld [tilespmem:s0+$0xFFFFFFF0];
	_ =	sdelay $0x3  }
0x41e: {  	[tilespmem:v8+s25+$0x0] =	vst.idx.msk vm10, v6  }
0x41f: {  	v6 =	vadd.s32 $0x1, v9;
	[tilespmem:v8+s26+$0x0] =	vst.idx.msk vm10, v10  }
0x420: {  	[tilespmem:v7+s24+$0x0] =	vst.idx.add.s32.msk vm11, v6  }
0x421: {  	v6 =	vld [tilespmem:s7+$0x0];
	_ =	sdelay $0x2  }
0x422: {  	s16 =	sadd.s32 $0x20, s9  }
0x423: {  	v7 =	vor.u32 s16, v1  }
0x424: {  	vm12 =	vlt.s32 v7, v5;
	v7 =	vshrl.u32 v6, $0x16  }
0x425: {  	(xrf1) =	vunique.msk.u32 vm12, v7;
	_ =	sdelay $0xa  }
0x426: {  	v8 =	vld.idx.msk [tilespmem:v7+s24+$0x0], $0xffff;
	_ =	sdelay $0x2  }
0x427: {  	_, v62, vm13 =	vpop (xrf1)  }
0x428: {  	v9 =	vsub.s32 v62, v2  }
0x429: {  	v8 =	vadd.s32 v8, v9  }
0x42a: {  	v10 =	vld [tilespmem:s0+$0x0];
	_ =	sdelay $0x3  }
0x42b: {  	[tilespmem:v8+s25+$0x0] =	vst.idx.msk vm12, v6  }
0x42c: {  	v6 =	vadd.s32 $0x1, v9;
	[tilespmem:v8+s26+$0x0] =	vst.idx.msk vm12, v10  }
0x42d: {  	[tilespmem:v7+s24+$0x0] =	vst.idx.add.s32.msk vm13, v6  }
0x42e: {  	v6 =	vld [tilespmem:s7+$0x10];
	_ =	sdelay $0x2  }
0x42f: {  	s30 =	sadd.s32 $0x30, s9  }
0x430: {  	v7 =	vor.u32 s30, v1  }
0x431: {  	vm14 =	vlt.s32 v7, v5;
	v7 =	vshrl.u32 v6, $0x16  }
0x432: {  	(xrf1) =	vunique.msk.u32 vm14, v7;
	_ =	sdelay $0xa  }
0x433: {  	v8 =	vld.idx.msk [tilespmem:v7+s24+$0x0], $0xffff;
	_ =	sdelay $0x2  }
0x434: {  	_, v63, vm15 =	vpop (xrf1)  }
0x435: {  	v9 =	vsub.s32 v63, v2  }
0x436: {  	v8 =	vadd.s32 v8, v9  }
0x437: {  	s12 =	sadd.s32 $0x4, s12;
	v10 =	vld [tilespmem:s0+$0x10]  }
0x438: {  	p1 =	slt.u32 s12, $0x3FC  }
.Ltmp17:
0x439: {  	_ = 	snop;
	(pc) =	sbr.rel @p1 .LBB2_37-.Ltmp17, $4  }
0x43a: {  	_ = 	snop  }
0x43b: {  	[tilespmem:v8+s25+$0x0] =	vst.idx.msk vm14, v6  }
0x43c: {  	v6 =	vadd.s32 $0x1, v9;
	[tilespmem:v8+s26+$0x0] =	vst.idx.msk vm14, v10  }
0x43d: {  	s9 =	sadd.s32 $0x40, s9;
	s7 =	sadd.s32 $0x40, s7;
	s0 =	sadd.s32 $0x40, s0;
	[tilespmem:v7+s24+$0x0] =	vst.idx.add.s32.msk vm15, v6  }
0x43e: {  	v5 =	vld [tilespmem:$0x10FD0]  }
0x43f: {  	v6 =	vld [tilespmem:$0x14FD0]  }
0x440: {  	s0 =	rddreg [dreg:$0x9];
	[tilespmem:$0x10FE0] =	vst v4  }
0x441: {  	[tilespmem:$0x14FE0] =	vst v0;
	s0 =	smul.u32 $0x18800, s0  }
0x442: {  	vm0 =	vmmov $0xf;
	[tilespmem:$0x10FF0] =	vst v4  }
0x443: {  	[tilespmem:$0x14FF0] =	vst v0;
	s9 =	sor.u32 s31, s0;
	v5 =	vnsel vm0, $0x7149F2CA, v5  }
0x444: {  	s1 =	rddreg [dreg:$0x2];
	s0 =	sshrl.u32 s9, $0x3;
	[tilespmem:$0x10FD0] =	vst v5;
	v5 =	vnsel vm0, $0x0, v6  }
0x445: {  	s0 =	sadd.s32 s1, s0;
	[tilespmem:$0x14FD0] =	vst v5  }
0x446: {  	[hbm4b:s0+s18] =	stream.strided.scatter [tilespmem:s25], [sflag:$0x2], $0x3100, s19, s18, $0x38;
	[tilespmem:$0x18280] =	vst v63  }
0x447: {  	_ =	swait.ge [sflag:s20], $0x3100  }
0x448: {  	s12 =	simm.s32 $0x0;
	[sflag:s20] =	ssyncset.done $0x0  }
0x449: {  	s16 =	simm.s32 $0x11F70;
	s10 =	rddreg [dreg:$0x3];
	[sflag:s20] =	ssyncadd.s32 $0xFFFFCF00  }
.LBB2_39:
0x44a: {  	v5 =	vmov s16;
	_ =	sdelay $0x3  }
0x44b: {  	s0 =	simm.s32 $0x0  }
0x44c: {  	v6 =	vld.idx.msk [tilespmem:v5+s0+$0xFFFFFF90 ss:$0x1], $0xffff;
	_ =	sdelay $0x4  }
0x44d: {  	[tilespmem:$0x15F00] =	vst v6  }
0x44e: {  	v6 =	vld.idx.msk [tilespmem:v5+s0+$0xFFFFFFA0 ss:$0x1], $0xffff;
	_ =	sdelay $0x4  }
0x44f: {  	[tilespmem:$0x15F10] =	vst v6  }
0x450: {  	v6 =	vld.idx.msk [tilespmem:v5+s0+$0xFFFFFFB0 ss:$0x1], $0xffff;
	_ =	sdelay $0x4  }
0x451: {  	[tilespmem:$0x15F20] =	vst v6  }
0x452: {  	v6 =	vld.idx.msk [tilespmem:v5+s0+$0xFFFFFFC0 ss:$0x1], $0xffff;
	_ =	sdelay $0x4  }
0x453: {  	[tilespmem:$0x15F30] =	vst v6  }
0x454: {  	v6 =	vld.idx.msk [tilespmem:v5+s0+$0xFFFFFFD0 ss:$0x1], $0xffff;
	_ =	sdelay $0x4  }
0x455: {  	[tilespmem:$0x15F40] =	vst v6  }
0x456: {  	v6 =	vld.idx.msk [tilespmem:v5+s0+$0xFFFFFFE0 ss:$0x1], $0xffff;
	_ =	sdelay $0x4  }
0x457: {  	[tilespmem:$0x15F50] =	vst v6  }
0x458: {  	v6 =	vld.idx.msk [tilespmem:v5+s0+$0xFFFFFFF0 ss:$0x1], $0xffff;
	_ =	sdelay $0x4  }
0x459: {  	[tilespmem:$0x15F60] =	vst v6  }
0x45a: {  	v6 =	vld.idx.msk [tilespmem:v5+s0+$0x0 ss:$0x1], $0xffff;
	_ =	sdelay $0x4  }
0x45b: {  	s7 =	simm.s32 $0x15F80;
	[tilespmem:$0x15F70] =	vst v6  }
0x45c: {  	[tilespmem:s7], [sflag:$0x1] =	stream.indirect.gather [hbm4b:s3+s18], $0x1, s28, s18, $0xb8;
	[tilespmem:$0x18280] =	vst v63  }
0x45d: {  	s30 =	simm.s32 $0x16680  }
0x45e: {  	[tilespmem:s30], [sflag:$0x1] =	stream.indirect.gather [hbm4b:s4+s18], $0x1, s28, s18, $0xb8;
	[tilespmem:$0x18280] =	vst v63  }
0x45f: {  	s1 =	simm.s32 $0x16D80  }
0x460: {  	[tilespmem:s1], [sflag:$0x1] =	stream.indirect.gather [hbm4b:s5+s18], $0x1, s28, s18, $0xb8;
	[tilespmem:$0x18280] =	vst v63  }
0x461: {  	s7 =	simm.s32 $0x17480  }
0x462: {  	[tilespmem:s7], [sflag:$0x1] =	stream.indirect.gather [hbm4b:s6+s18], $0x1, s28, s18, $0xb8;
	[tilespmem:$0x18280] =	vst v63  }
0x463: {  	s30 =	simm.s32 $0x17B80  }
0x464: {  	[tilespmem:s30], [sflag:$0x1] =	stream.indirect.gather [hbm4b:s8+s18], $0x1, s28, s18, $0xb8;
	[tilespmem:$0x18280] =	vst v63  }
0x465: {  	_ =	swait.ge [sflag:s29], $0x80  }
0x466: {  	[sflag:s29] =	ssyncset.done $0x0  }
0x467: {  	[sflag:s29] =	ssyncadd.s32 $0xFFFFFF80  }
0x468: {  	_ =	swait.ge [sflag:s29], $0x80  }
0x469: {  	[sflag:s29] =	ssyncset.done $0x0  }
0x46a: {  	[sflag:s29] =	ssyncadd.s32 $0xFFFFFF80  }
0x46b: {  	_ =	swait.ge [sflag:s29], $0x80  }
0x46c: {  	[sflag:s29] =	ssyncset.done $0x0  }
0x46d: {  	[sflag:s29] =	ssyncadd.s32 $0xFFFFFF80  }
0x46e: {  	_ =	swait.ge [sflag:s29], $0x80  }
0x46f: {  	[sflag:s29] =	ssyncset.done $0x0  }
0x470: {  	[sflag:s29] =	ssyncadd.s32 $0xFFFFFF80  }
0x471: {  	_ =	swait.ge [sflag:s29], $0x80  }
0x472: {  	s0 =	simm.s32 $0x200;
	s1 =	simm.s32 $0x400;
	[sflag:s29] =	ssyncset.done $0x0  }
.LBB2_40:
0x473: {  	s7 =	sshra.s32 s0, $0x2  }
0x474: {  	[sflag:s29] =	ssyncadd.s32 $0xFFFFFF80;
	s0 =	smov.u32 s1;
	s30 =	sadd.s32 $0x200, s1  }
0x475: {  	p1 =	sne.s32 s1, $0x1A00;
	v6 =	vld.idx.msk [tilespmem:v5+s7+$0xFFFFFF90 ss:$0x1], $0xffff;
	_ =	sdelay $0x5  }
0x476: {  	[tilespmem:$0x15F00] =	vst v6  }
0x477: {  	v6 =	vld.idx.msk [tilespmem:v5+s7+$0xFFFFFFA0 ss:$0x1], $0xffff;
	_ =	sdelay $0x5  }
0x478: {  	[tilespmem:$0x15F10] =	vst v6  }
0x479: {  	v6 =	vld.idx.msk [tilespmem:v5+s7+$0xFFFFFFB0 ss:$0x1], $0xffff;
	_ =	sdelay $0x5  }
0x47a: {  	[tilespmem:$0x15F20] =	vst v6  }
0x47b: {  	v6 =	vld.idx.msk [tilespmem:v5+s7+$0xFFFFFFC0 ss:$0x1], $0xffff;
	_ =	sdelay $0x5  }
0x47c: {  	[tilespmem:$0x15F30] =	vst v6  }
0x47d: {  	v6 =	vld.idx.msk [tilespmem:v5+s7+$0xFFFFFFD0 ss:$0x1], $0xffff;
	_ =	sdelay $0x5  }
0x47e: {  	[tilespmem:$0x15F40] =	vst v6  }
0x47f: {  	v6 =	vld.idx.msk [tilespmem:v5+s7+$0xFFFFFFE0 ss:$0x1], $0xffff;
	_ =	sdelay $0x5  }
0x480: {  	[tilespmem:$0x15F50] =	vst v6  }
0x481: {  	v6 =	vld.idx.msk [tilespmem:v5+s7+$0xFFFFFFF0 ss:$0x1], $0xffff;
	_ =	sdelay $0x5  }
0x482: {  	[tilespmem:$0x15F60] =	vst v6  }
0x483: {  	v6 =	vld.idx.msk [tilespmem:v5+s7+$0x0 ss:$0x1], $0xffff;
	_ =	sdelay $0x5  }
0x484: {  	s1 =	sadd.s32 $0x15F80, s7;
	[tilespmem:$0x15F70] =	vst v6  }
0x485: {  	[tilespmem:s1], [sflag:$0x1] =	stream.indirect.gather [hbm4b:s3+s18], $0x1, s28, s18, $0xb8;
	[tilespmem:$0x18280] =	vst v63  }
0x486: {  	s1 =	sadd.s32 $0x16680, s7  }
0x487: {  	[tilespmem:s1], [sflag:$0x1] =	stream.indirect.gather [hbm4b:s4+s18], $0x1, s28, s18, $0xb8;
	[tilespmem:$0x18280] =	vst v63  }
0x488: {  	s1 =	sadd.s32 $0x16D80, s7  }
0x489: {  	[tilespmem:s1], [sflag:$0x1] =	stream.indirect.gather [hbm4b:s5+s18], $0x1, s28, s18, $0xb8;
	[tilespmem:$0x18280] =	vst v63  }
0x48a: {  	s1 =	sadd.s32 $0x17480, s7  }
0x48b: {  	[tilespmem:s1], [sflag:$0x1] =	stream.indirect.gather [hbm4b:s6+s18], $0x1, s28, s18, $0xb8;
	[tilespmem:$0x18280] =	vst v63  }
0x48c: {  	s1 =	sadd.s32 $0x17B80, s7  }
0x48d: {  	[tilespmem:s1], [sflag:$0x1] =	stream.indirect.gather [hbm4b:s8+s18], $0x1, s28, s18, $0xb8;
	[tilespmem:$0x18280] =	vst v63  }
0x48e: {  	_ =	swait.ge [sflag:s29], $0x80  }
0x48f: {  	[sflag:s29] =	ssyncset.done $0x0  }
0x490: {  	[sflag:s29] =	ssyncadd.s32 $0xFFFFFF80  }
0x491: {  	_ =	swait.ge [sflag:s29], $0x80  }
0x492: {  	[sflag:s29] =	ssyncset.done $0x0  }
0x493: {  	[sflag:s29] =	ssyncadd.s32 $0xFFFFFF80  }
0x494: {  	_ =	swait.ge [sflag:s29], $0x80  }
0x495: {  	[sflag:s29] =	ssyncset.done $0x0  }
0x496: {  	[sflag:s29] =	ssyncadd.s32 $0xFFFFFF80  }
.Ltmp18:
0x497: {  	_ =	swait.ge [sflag:s29], $0x80;
	(pc) =	sbr.rel @p1 .LBB2_40-.Ltmp18, $4  }
0x498: {  	[sflag:s29] =	ssyncset.done $0x0  }
0x499: {  	[sflag:s29] =	ssyncadd.s32 $0xFFFFFF80  }
0x49a: {  	_ =	swait.ge [sflag:s29], $0x80  }
0x49b: {  	s1 =	smov.u32 s30;
	[sflag:s29] =	ssyncset.done $0x0  }
0x49c: {  	_ =	sdelay $0x2  }
0x49d: {  	s0 =	sshra.s32 s0, $0x2;
	[sflag:s29] =	ssyncadd.s32 $0xFFFFFF80  }
0x49e: {  	v6 =	vld.idx.msk [tilespmem:v5+s0+$0xFFFFFF90 ss:$0x1], $0xffff;
	_ =	sdelay $0x4  }
0x49f: {  	[tilespmem:$0x15F00] =	vst v6  }
0x4a0: {  	v6 =	vld.idx.msk [tilespmem:v5+s0+$0xFFFFFFA0 ss:$0x1], $0xffff;
	_ =	sdelay $0x4  }
0x4a1: {  	[tilespmem:$0x15F10] =	vst v6  }
0x4a2: {  	v6 =	vld.idx.msk [tilespmem:v5+s0+$0xFFFFFFB0 ss:$0x1], $0xffff;
	_ =	sdelay $0x4  }
0x4a3: {  	[tilespmem:$0x15F20] =	vst v6  }
0x4a4: {  	v6 =	vld.idx.msk [tilespmem:v5+s0+$0xFFFFFFC0 ss:$0x1], $0xffff;
	_ =	sdelay $0x4  }
0x4a5: {  	[tilespmem:$0x15F30] =	vst v6  }
0x4a6: {  	v6 =	vld.idx.msk [tilespmem:v5+s0+$0xFFFFFFD0 ss:$0x1], $0xffff;
	_ =	sdelay $0x4  }
0x4a7: {  	[tilespmem:$0x15F40] =	vst v6  }
0x4a8: {  	v6 =	vld.idx.msk [tilespmem:v5+s0+$0xFFFFFFE0 ss:$0x1], $0xffff;
	_ =	sdelay $0x4  }
0x4a9: {  	[tilespmem:$0x15F50] =	vst v6  }
0x4aa: {  	v6 =	vld.idx.msk [tilespmem:v5+s0+$0xFFFFFFF0 ss:$0x1], $0xffff;
	_ =	sdelay $0x4  }
0x4ab: {  	[tilespmem:$0x15F60] =	vst v6  }
0x4ac: {  	v5 =	vld.idx.msk [tilespmem:v5+s0+$0x0 ss:$0x1], $0xffff;
	_ =	sdelay $0x4  }
0x4ad: {  	s1 =	sadd.s32 $0x15F80, s0;
	[tilespmem:$0x15F70] =	vst v5  }
0x4ae: {  	[tilespmem:s1], [sflag:$0x1] =	stream.indirect.gather [hbm4b:s3+s18], $0x1, s28, s18, $0xb8;
	[tilespmem:$0x18280] =	vst v63  }
0x4af: {  	s30 =	sadd.s32 $0x16680, s0  }
0x4b0: {  	[tilespmem:s30], [sflag:$0x1] =	stream.indirect.gather [hbm4b:s4+s18], $0x1, s28, s18, $0xb8;
	[tilespmem:$0x18280] =	vst v63  }
0x4b1: {  	s7 =	sadd.s32 $0x16D80, s0  }
0x4b2: {  	[tilespmem:s7], [sflag:$0x1] =	stream.indirect.gather [hbm4b:s5+s18], $0x1, s28, s18, $0xb8;
	[tilespmem:$0x18280] =	vst v63  }
0x4b3: {  	s30 =	sadd.s32 $0x17480, s0  }
0x4b4: {  	[tilespmem:s30], [sflag:$0x1] =	stream.indirect.gather [hbm4b:s6+s18], $0x1, s28, s18, $0xb8;
	[tilespmem:$0x18280] =	vst v63  }
0x4b5: {  	s0 =	sadd.s32 $0x17B80, s0  }
0x4b6: {  	[tilespmem:s0], [sflag:$0x1] =	stream.indirect.gather [hbm4b:s8+s18], $0x1, s28, s18, $0xb8;
	[tilespmem:$0x18280] =	vst v63  }
0x4b7: {  	_ =	swait.ge [sflag:s29], $0x80  }
0x4b8: {  	[sflag:s29] =	ssyncset.done $0x0  }
0x4b9: {  	[sflag:s29] =	ssyncadd.s32 $0xFFFFFF80  }
0x4ba: {  	_ =	swait.ge [sflag:s29], $0x80  }
0x4bb: {  	[sflag:s29] =	ssyncset.done $0x0  }
0x4bc: {  	[sflag:s29] =	ssyncadd.s32 $0xFFFFFF80  }
0x4bd: {  	_ =	swait.ge [sflag:s29], $0x80  }
0x4be: {  	[sflag:s29] =	ssyncset.done $0x0  }
0x4bf: {  	[sflag:s29] =	ssyncadd.s32 $0xFFFFFF80  }
0x4c0: {  	_ =	swait.ge [sflag:s29], $0x80  }
0x4c1: {  	s7 =	smul.u32 $0x3800, s12;
	[sflag:s29] =	ssyncset.done $0x0  }
0x4c2: {  	[sflag:s29] =	ssyncadd.s32 $0xFFFFFF80  }
0x4c3: {  	s0 =	sadd.s32 s9, s7;
	_ =	swait.ge [sflag:s29], $0x80  }
0x4c4: {  	s0 =	sshrl.u32 s0, $0x3;
	[sflag:s29] =	ssyncset.done $0x0  }
0x4c5: {  	s7 =	simm.s32 $0x15F80;
	s30 =	sadd.s32 s10, s0;
	[sflag:s29] =	ssyncadd.s32 $0xFFFFFF80  }
0x4c6: {  	[hbm4b:s30+s18] =	stream.strided.scatter [tilespmem:s7], [sflag:$0x2], $0x700, s19, s18, $0x38;
	[tilespmem:$0x18280] =	vst v63  }
0x4c7: {  	_ =	swait.ge [sflag:s20], $0x700  }
0x4c8: {  	[sflag:s20] =	ssyncset.done $0x0  }
0x4c9: {  	s7 =	sadd.s32 s17, s0;
	s30 =	simm.s32 $0x16680;
	[sflag:s20] =	ssyncadd.s32 $0xFFFFF900  }
0x4ca: {  	[hbm4b:s7+s18] =	stream.strided.scatter [tilespmem:s30], [sflag:$0x2], $0x700, s19, s18, $0x38;
	[tilespmem:$0x18280] =	vst v63  }
0x4cb: {  	_ =	swait.ge [sflag:s20], $0x700  }
0x4cc: {  	[sflag:s20] =	ssyncset.done $0x0  }
0x4cd: {  	s7 =	sadd.s32 s13, s0;
	s30 =	simm.s32 $0x16D80;
	[sflag:s20] =	ssyncadd.s32 $0xFFFFF900  }
0x4ce: {  	[hbm4b:s7+s18] =	stream.strided.scatter [tilespmem:s30], [sflag:$0x2], $0x700, s19, s18, $0x38;
	[tilespmem:$0x18280] =	vst v63  }
0x4cf: {  	_ =	swait.ge [sflag:s20], $0x700  }
0x4d0: {  	[sflag:s20] =	ssyncset.done $0x0  }
0x4d1: {  	s7 =	sadd.s32 s14, s0;
	s30 =	simm.s32 $0x17480;
	[sflag:s20] =	ssyncadd.s32 $0xFFFFF900  }
0x4d2: {  	[hbm4b:s7+s18] =	stream.strided.scatter [tilespmem:s30], [sflag:$0x2], $0x700, s19, s18, $0x38;
	[tilespmem:$0x18280] =	vst v63  }
0x4d3: {  	s12 =	sadd.s32 $0x1, s12;
	_ =	swait.ge [sflag:s20], $0x700  }
0x4d4: {  	p1 =	sne.s32 s12, $0x7;
	s0 =	sadd.s32 s15, s0;
	[sflag:s20] =	ssyncset.done $0x0  }
.Ltmp19:
0x4d5: {  	s30 =	simm.s32 $0x17B80;
	[sflag:s20] =	ssyncadd.s32 $0xFFFFF900;
	(pc) =	sbr.rel @p1 .LBB2_39-.Ltmp19, $4  }
0x4d6: {  	[hbm4b:s0+s18] =	stream.strided.scatter [tilespmem:s30], [sflag:$0x2], $0x700, s19, s18, $0x38;
	[tilespmem:$0x18280] =	vst v63  }
0x4d7: {  	_ =	swait.ge [sflag:s20], $0x700  }
0x4d8: {  	[sflag:s20] =	ssyncset.done $0x0  }
0x4d9: {  	s16 =	sadd.s32 $0x700, s16;
	[sflag:s20] =	ssyncadd.s32 $0xFFFFF900  }
.Ltmp20:
0x4da: {  	(pc) =	sbr.rel @p0 .LBB2_2-.Ltmp20, $2  }
0x4db: {  	_ =	sdelay $0x2  }
0x4dc: {  	s0 =	simm.s32 $0x20;
	p1 =	por $0x0, $0x0  }
0x4dd: {  	s1 =	rddreg [dreg:$0x8]  }
0x4de: {  	s0 =	rddreg [dreg:$0x7];
	s1 =	sadd.s32 $0x1, s1  }
0x4df: {  	p0 =	sne.s32 s1, s0  }
.Ltmp21:
0x4e0: {  	_ = 	snop;
	(pc) =	sbr.rel @p0 .LBB2_1-.Ltmp21, $1  }
0x4e1: {  	_ =	sdelay $0x3  }
0x4e2: {  	_ =	sfence.sel $0x180000  }
0x4e3: {  	[bflag:$0x0] =	sbarrier.arrive $0xFFFF  }
0x4e4: {  	_ =	strace $0x90000047  }
0x4e5: {  	s0 =	stileid.u32;
	[bflag:$0x2] =	sbarrier.arrive $0xFFFF  }
0x4e6: {  	p0 =	sne.s32 s0, $0x0;
	s0 =	rddreg [dreg:$0x1]  }
0x4e7: {  	s0 =	sadd.s32 @!p0 $0x100000, s0  }
0x4e8: {  	[sflag:s0] =	ssyncadd.tile.s32 @!p0 $0x1;
	_ =	shalt  }
.Lfunc_end2:
_tile_overlayer_lowered:
.L_overlay_start_2:
0x4e9: {  	(tag) =	ssettag $0x2  }
0x4ea: {  	s0 =	rddreg [dreg:$0x0];
	s2 =	stileid.u32  }
0x4eb: {  	s1 =	rddreg [dreg:$0x1];
	p0 =	sne.s32 s2, $0x0  }
0x4ec: {  	s3 =	rddreg [dreg:$0x2];
	[bflag:$0x3] =	sbarrier.arrive $0xFFFF;
	s2 =	simm.s32 @!p0 $0x1C02  }
0x4ed: {  	[timem:s3], [sflag:s2] =	dma.local @!p0 [hbm:s0], s1  }
0x4ee: {  	s0 =	simm.s32 @!p0 $0x2  }
0x4ef: {  	_ =	swait.ge @!p0 [sflag:s0], s1  }
0x4f0: {  	s1 =	ssub.s32 @!p0 $0x0, s1;
	[sflag:s0] =	ssyncset.done @!p0 $0x0  }
0x4f1: {  	[sflag:s0] =	ssyncadd.s32 @!p0 s1  }
0x4f2: {  	[bflag:$0x3] =	sbarrier.arrive $0xFFFF  }
0x4f3: {  	_ =	shalt  }

</sc_bundles>
